<compile_context>
chip_gen: v7x
topology: tpu7x:2x2x1
jax: 0.10.2.dev20260603
libtpu: 0.0.44.dev20260713+nightly
codegen_flags: <defaults>
</compile_context>

<pallas_src>
import jax
import jax.numpy as jnp
from jax import lax
from jax.experimental import pallas as pl
from jax.experimental.pallas import tpu as pltpu
from jax.experimental.pallas import tpu_sc as plsc

N = 10000
E = 320000
D_IN = 128
HID = 128
H = 4
DH = 32
OUT = 64

ROW = 144
_BN = 1000

_NC = 2
_NS = 16
_NW = _NC * _NS
_EPW = E // _NW
_C = 80
_NCH = _EPW // _C
_NPAD = 10240
_RPT = _NPAD // _NS



def _proj_body(x_ref, w_ref, b_ref, p_ref, h_ref, t_ref):
    h = jnp.dot(x_ref[...], w_ref[...], preferred_element_type=jnp.float32)
    h = h + b_ref[...][None, :]
    h_ref[...] = h
    t_ref[...] = jnp.dot(h, p_ref[...], preferred_element_type=jnp.float32)


def _proj(x, w, b, p16):
    return pl.pallas_call(
        _proj_body,
        grid=(N // _BN,),
        in_specs=[
            pl.BlockSpec((_BN, D_IN), lambda i: (i, 0)),
            pl.BlockSpec((D_IN, HID), lambda i: (0, 0)),
            pl.BlockSpec((HID,), lambda i: (0,)),
            pl.BlockSpec((HID, 32), lambda i: (0, 0)),
        ],
        out_specs=[
            pl.BlockSpec((_BN, HID), lambda i: (i, 0)),
            pl.BlockSpec((_BN, 32), lambda i: (i, 0)),
        ],
        out_shape=[
            jax.ShapeDtypeStruct((N, HID), jnp.float32),
            jax.ShapeDtypeStruct((N, 32), jnp.float32),
        ],
    )(x, w, b, p16)



def _sc_edge_body(hx_ap, ad_ap, hx_pa, ad_pa,
                  pk_ap, pk_pa, zrows,
                  out_ap, out_pa,
                  pkv, srcc0, dstc0, srcc1, dstc1,
                  hbuf0, dbuf0, hbuf1, dbuf1, acc,
                  semh0, semd0, semh1, semd1):
    cid = lax.axis_index("c")
    sid = lax.axis_index("s")
    wid = sid * _NC + cid

    lane_lt4 = lax.iota(jnp.int32, 16) < 4

    def unpack(ch, srcc, dstc):
        for k in range(_C // 16):
            v = pkv[ch, pl.ds(k * 16, 16)]
            srcc[pl.ds(k * 16, 16)] = lax.shift_right_logical(v, 14)
            dstc[pl.ds(k * 16, 16)] = lax.bitwise_and(v, 16383)

    for hx_hbm, ad_hbm, pk_hbm, out_hbm in (
            (hx_ap, ad_ap, pk_ap, out_ap),
            (hx_pa, ad_pa, pk_pa, out_pa)):
        pltpu.sync_copy(zrows.at[pl.ds(sid * _RPT, _RPT)],
                        acc.at[pl.ds(sid * _RPT, _RPT)])
        pltpu.sync_copy(pk_hbm.at[wid], pkv)
        plsc.subcore_barrier()

        def process(ch, srcc, dstc, hbuf, dbuf, semh, semd,
                    srccn, dstcn, hbufn, dbufn, semhn, semdn):
            pltpu.make_async_copy(hx_hbm.at[srcc], hbuf, semh).wait()
            pltpu.make_async_copy(ad_hbm.at[dstc], dbuf, semd).wait()
            chn = jnp.minimum(ch + 1, _NCH - 1)
            unpack(chn, srccn, dstcn)
            pltpu.async_copy(hx_hbm.at[srccn], hbufn, semhn)
            pltpu.async_copy(ad_hbm.at[dstcn], dbufn, semdn)

            @plsc.parallel_loop(0, _C, unroll=4)
            def edge_body(e):
                sv = hbuf[e, pl.ds(128, 16)]
                dv = dbuf[e, pl.ds(0, 16)]
                al = sv + dv
                al = jnp.where(al >= 0.0, al, 0.2 * al)
                w = jnp.exp(al)
                w = jnp.where(lane_lt4, w, 0.0)
                hbuf[e, pl.ds(128, 16)] = w
                ws = (w[0], w[0], w[1], w[1], w[2], w[2], w[3], w[3])
                for v in range(8):
                    hbuf[e, pl.ds(v * 16, 16)] = hbuf[e, pl.ds(v * 16, 16)] * ws[v]
            pltpu.sync_copy(hbuf, acc.at[dstc], add=True)

        unpack(0, srcc0, dstc0)
        pltpu.async_copy(hx_hbm.at[srcc0], hbuf0, semh0)
        pltpu.async_copy(ad_hbm.at[dstc0], dbuf0, semd0)

        def pair_body(p, carry):
            ch = p * 2
            process(ch, srcc0, dstc0, hbuf0, dbuf0, semh0, semd0,
                    srcc1, dstc1, hbuf1, dbuf1, semh1, semd1)
            process(ch + 1, srcc1, dstc1, hbuf1, dbuf1, semh1, semd1,
                    srcc0, dstc0, hbuf0, dbuf0, semh0, semd0)
            return carry

        lax.fori_loop(0, _NCH // 2, pair_body, 0)
        process(_NCH - 1, srcc0, dstc0, hbuf0, dbuf0, semh0, semd0,
                srcc1, dstc1, hbuf1, dbuf1, semh1, semd1)
        pltpu.make_async_copy(hx_hbm.at[srcc1], hbuf1, semh1).wait()
        pltpu.make_async_copy(ad_hbm.at[dstc1], dbuf1, semd1).wait()
        plsc.subcore_barrier()
        pltpu.sync_copy(acc.at[pl.ds(sid * _RPT, _RPT)],
                        out_hbm.at[cid * _NS + sid])
        plsc.subcore_barrier()


def _sc_edge(hx_ap, ad_ap, hx_pa, ad_pa, src_ap, dst_ap, src_pa, dst_pa):
    mesh = plsc.VectorSubcoreMesh(core_axis_name="c", subcore_axis_name="s")
    zrows = jnp.zeros((_NPAD, ROW), jnp.float32)
    fn = pl.kernel(
        _sc_edge_body,
        out_type=[jax.ShapeDtypeStruct((_NW, _RPT, ROW), jnp.float32),
                  jax.ShapeDtypeStruct((_NW, _RPT, ROW), jnp.float32)],
        mesh=mesh,
        compiler_params=pltpu.CompilerParams(use_tc_tiling_on_sc=False),
        scratch_types=[
            pltpu.VMEM((_NCH, _C), jnp.int32),
            pltpu.VMEM((_C,), jnp.int32),
            pltpu.VMEM((_C,), jnp.int32),
            pltpu.VMEM((_C,), jnp.int32),
            pltpu.VMEM((_C,), jnp.int32),
            pltpu.VMEM((_C, ROW), jnp.float32),
            pltpu.VMEM((_C, 16), jnp.float32),
            pltpu.VMEM((_C, ROW), jnp.float32),
            pltpu.VMEM((_C, 16), jnp.float32),
            pltpu.VMEM_SHARED((_NPAD, ROW), jnp.float32),
            pltpu.SemaphoreType.DMA,
            pltpu.SemaphoreType.DMA,
            pltpu.SemaphoreType.DMA,
            pltpu.SemaphoreType.DMA,
        ],
    )
    pk_ap = (src_ap * 16384 + dst_ap).reshape(_NW, _NCH, _C)
    pk_pa = (src_pa * 16384 + dst_pa).reshape(_NW, _NCH, _C)
    acc_ap, acc_pa = fn(hx_ap, ad_ap, hx_pa, ad_pa, pk_ap, pk_pa, zrows)
    acc_ap = acc_ap.reshape(_NC, _NPAD, ROW)[:, :N, :]
    acc_pa = acc_pa.reshape(_NC, _NPAD, ROW)[:, :N, :]
    return acc_ap, acc_pa



def _final_body(acc_a_ref, acc_b_ref, wl_ref, bl_ref, o_ref):
    acc = acc_a_ref[...] + acc_b_ref[...]
    num = acc[:, :HID].reshape(_BN, H, DH)
    s = acc[:, HID:HID + H]
    t = num * (1.0 / (s + 1e-16))[:, :, None]
    t = jnp.maximum(t.reshape(_BN, HID), 0.0)
    o_ref[...] = jnp.dot(t, wl_ref[...], preferred_element_type=jnp.float32) \
        + bl_ref[...][None, :]


def _final(acc2, wl, bl):
    return pl.pallas_call(
        _final_body,
        grid=(N // _BN,),
        in_specs=[
            pl.BlockSpec((_BN, ROW), lambda i: (i, 0)),
            pl.BlockSpec((_BN, ROW), lambda i: (i, 0)),
            pl.BlockSpec((HID, OUT), lambda i: (0, 0)),
            pl.BlockSpec((OUT,), lambda i: (0,)),
        ],
        out_specs=pl.BlockSpec((_BN, OUT), lambda i: (i, 0)),
        out_shape=jax.ShapeDtypeStruct((N, OUT), jnp.float32),
    )(acc2[0], acc2[1], wl, bl)


def _pack_att(att):
    eye = jnp.eye(H, dtype=att.dtype)
    return (att[:, :, None] * eye[:, None, :]).reshape(HID, H)


def kernel(x_author, x_paper, ei_author_paper, ei_paper_author,
           W_a, b_a, W_p, b_p,
           att_src_ap, att_dst_ap, att_src_pa, att_dst_pa,
           Wk, bk, q, Wl, bl):
    p16_a = jnp.concatenate(
        [_pack_att(att_src_ap), jnp.zeros((HID, 12), jnp.float32),
         _pack_att(att_dst_pa), jnp.zeros((HID, 12), jnp.float32)], axis=1)
    p16_p = jnp.concatenate(
        [_pack_att(att_src_pa), jnp.zeros((HID, 12), jnp.float32),
         _pack_att(att_dst_ap), jnp.zeros((HID, 12), jnp.float32)], axis=1)

    h_a, t_a = _proj(x_author, W_a, b_a, p16_a)
    h_p, t_p = _proj(x_paper, W_p, b_p, p16_p)

    hx_a = jnp.concatenate([h_a, t_a[:, :16]], axis=1)
    hx_p = jnp.concatenate([h_p, t_p[:, :16]], axis=1)
    ad_ap = t_p[:, 16:]
    ad_pa = t_a[:, 16:]

    acc_ap, acc_pa = _sc_edge(
        hx_a, ad_ap, hx_p, ad_pa,
        ei_author_paper[0], ei_author_paper[1],
        ei_paper_author[0], ei_paper_author[1])

    out_p = _final(acc_ap, Wl, bl)
    out_a = _final(acc_pa, Wl, bl)
    return out_a, out_p

# --- scband reference (transcript-rebuilt; emitter-appended) ---
"""Pipeline reference for scband-hanmodel-6588479832224 (READ-ONLY COPY).

The authoritative reference and input builder live on the scoring server;
editing this copy changes nothing except your own understanding.
"""

import jax, jax.numpy as jnp
import numpy as np

N = 10000
E = 320000
D_IN = 128
HID = 128
H = 4
DH = 32
OUT = 64


def setup_inputs(seed: int = 0):
    key = jax.random.key(seed)
    ks = jax.random.split(key, 17)
    s_in = 1.0 / np.sqrt(D_IN)
    s_h = 1.0 / np.sqrt(HID)
    s_d = 1.0 / np.sqrt(DH)
    return {
        "x_author": jax.random.normal(ks[0], (N, D_IN), dtype=jnp.float32),
        "x_paper": jax.random.normal(ks[1], (N, D_IN), dtype=jnp.float32),
        "ei_author_paper": jax.random.randint(ks[2], (2, E), 0, N),
        "ei_paper_author": jax.random.randint(ks[3], (2, E), 0, N),
        "W_a": jax.random.normal(ks[4], (D_IN, HID), dtype=jnp.float32) * s_in,
        "b_a": jnp.zeros((HID,), dtype=jnp.float32),
        "W_p": jax.random.normal(ks[5], (D_IN, HID), dtype=jnp.float32) * s_in,
        "b_p": jnp.zeros((HID,), dtype=jnp.float32),
        "att_src_ap": jax.random.normal(ks[6], (H, DH), dtype=jnp.float32) * s_d,
        "att_dst_ap": jax.random.normal(ks[7], (H, DH), dtype=jnp.float32) * s_d,
        "att_src_pa": jax.random.normal(ks[8], (H, DH), dtype=jnp.float32) * s_d,
        "att_dst_pa": jax.random.normal(ks[9], (H, DH), dtype=jnp.float32) * s_d,
        "Wk": jax.random.normal(ks[10], (HID, HID), dtype=jnp.float32) * s_h,
        "bk": jnp.zeros((HID,), dtype=jnp.float32),
        "q": jax.random.normal(ks[11], (HID,), dtype=jnp.float32) * s_h,
        "Wl": jax.random.normal(ks[12], (HID, OUT), dtype=jnp.float32) * s_h,
        "bl": jnp.zeros((OUT,), dtype=jnp.float32),
    }


def _edge_softmax(alpha, dst, n):
    amax = jax.ops.segment_max(alpha, dst, num_segments=n)
    amax = jnp.where(jnp.isfinite(amax), amax, 0.0)
    e = jnp.exp(alpha - amax[dst])
    s = jax.ops.segment_sum(e, dst, num_segments=n)
    return e / (s[dst] + 1e-16)


def _edge_conv(h_src, h_dst, ei, att_src, att_dst, n_dst):
    # GAT-style attention per edge type (HANConv message passing)
    a_src = (h_src * att_src).sum(-1)  # [N, H]
    a_dst = (h_dst * att_dst).sum(-1)  # [N, H]
    src, dst = ei[0], ei[1]
    alpha = a_src[src] + a_dst[dst]  # [E, H]
    alpha = jax.nn.leaky_relu(alpha, 0.2)
    alpha = _edge_softmax(alpha, dst, n_dst)  # softmax over incoming edges per dst
    msg = h_src[src] * alpha[..., None]  # [E, H, DH]
    out = jax.ops.segment_sum(msg, dst, num_segments=n_dst)
    return jax.nn.relu(out.reshape(n_dst, HID))


def _group(outs, q, Wk, bk):
    # semantic-level attention across metapaths
    stacked = jnp.stack(outs)  # [T, N, HID]
    score = (q * jnp.tanh(stacked @ Wk + bk).mean(axis=1)).sum(-1)  # [T]
    attn = jax.nn.softmax(score, axis=0)
    return (attn[:, None, None] * stacked).sum(0)


def _forward(x_author, x_paper, W_a, b_a, W_p, b_p,
             att_src_ap, att_dst_ap, att_src_pa, att_dst_pa,
             Wk, bk, q, Wl, bl, ei_ap, ei_pa):
    h_a = (x_author @ W_a + b_a).reshape(N, H, DH)
    h_p = (x_paper @ W_p + b_p).reshape(N, H, DH)
    out_paper = _edge_conv(h_a, h_p, ei_ap, att_src_ap, att_dst_ap, N)
    out_author = _edge_conv(h_p, h_a, ei_pa, att_src_pa, att_dst_pa, N)
    sem_a = _group([out_author], q, Wk, bk)
    sem_p = _group([out_paper], q, Wk, bk)
    return sem_a @ Wl + bl, sem_p @ Wl + bl


def reference(x_author, x_paper, ei_author_paper, ei_paper_author,
              W_a, b_a, W_p, b_p,
              att_src_ap, att_dst_ap, att_src_pa, att_dst_pa,
              Wk, bk, q, Wl, bl):
    out_a, out_p = _forward(x_author, x_paper, W_a, b_a, W_p, b_p,
                            att_src_ap, att_dst_ap, att_src_pa, att_dst_pa,
                            Wk, bk, q, Wl, bl,
                            ei_author_paper, ei_paper_author)
    return out_a, out_p

if __name__ == "__main__":
    import jax
    _d = setup_inputs()
    print(jax.jit(kernel)(*tuple(_d.values())))

</pallas_src>

<mosaic_0001>
#map = affine_map<(d0, d1) -> (0, 0)>
#map1 = affine_map<(d0, d1) -> (0, 0, 0)>
module attributes {stable_mosaic.version = 14 : i64} {
  func.func @_sc_edge_body(%arg0: i32, %arg1: i32, %arg2: memref<10000x144xf32, #tpu.memory_space<hbm>>, %arg3: memref<10000x16xf32, #tpu.memory_space<hbm>>, %arg4: memref<10000x144xf32, #tpu.memory_space<hbm>>, %arg5: memref<10000x16xf32, #tpu.memory_space<hbm>>, %arg6: memref<32x125x80xi32, #tpu.memory_space<hbm>>, %arg7: memref<32x125x80xi32, #tpu.memory_space<hbm>>, %arg8: memref<10240x144xf32, #tpu.memory_space<hbm>>, %arg9: memref<32x640x144xf32, #tpu.memory_space<hbm>>, %arg10: memref<32x640x144xf32, #tpu.memory_space<hbm>>, %arg11: memref<125x80xi32, #tpu.memory_space<vmem>>, %arg12: memref<80xi32, #tpu.memory_space<vmem>>, %arg13: memref<80xi32, #tpu.memory_space<vmem>>, %arg14: memref<80xi32, #tpu.memory_space<vmem>>, %arg15: memref<80xi32, #tpu.memory_space<vmem>>, %arg16: memref<80x144xf32, #tpu.memory_space<vmem>>, %arg17: memref<80x16xf32, #tpu.memory_space<vmem>>, %arg18: memref<80x144xf32, #tpu.memory_space<vmem>>, %arg19: memref<80x16xf32, #tpu.memory_space<vmem>>, %arg20: memref<10240x144xf32, #tpu.memory_space<vmem_shared>>, %arg21: memref<!tpu.dma_semaphore, #tpu.memory_space<semaphore_mem>>, %arg22: memref<!tpu.dma_semaphore, #tpu.memory_space<semaphore_mem>>, %arg23: memref<!tpu.dma_semaphore, #tpu.memory_space<semaphore_mem>>, %arg24: memref<!tpu.dma_semaphore, #tpu.memory_space<semaphore_mem>>) attributes {dimension_semantics = [#tpu.dimension_semantics<core_parallel>, #tpu.dimension_semantics<subcore_parallel>], iteration_bounds = array<i64: 2, 16>, scalar_prefetch = 0 : i64, scratch_operands = 14 : i64, tpu.core_type = #tpu.core_type<sc_vector_subcore>, window_params = [{transform_indices = #map}, {transform_indices = #map}, {transform_indices = #map}, {transform_indices = #map}, {transform_indices = #map1}, {transform_indices = #map1}, {transform_indices = #map}, {transform_indices = #map1}, {transform_indices = #map1}]} {
    %mul3A = arith.constant 2 : i32
    %mul3A_0 = arith.muli %arg1, %mul3A : i32
    %add3A = arith.addi %mul3A_0, %arg0 : i32
    %iota3A = tpu.iota {dimensions = array<i32: 0>} : vector<16xi32>
    %lt3A = arith.constant 4 : i32
    %lt3A_1 = vector.broadcast %lt3A : i32 to vector<16xi32>
    %lt3A_2 = arith.cmpi slt, %iota3A, %lt3A_1 : vector<16xi32>
    %mul3A_3 = arith.constant 640 : i32
    %mul3A_4 = arith.muli %arg1, %mul3A_3 : i32
    %mul3A_5 = arith.constant 640 : i32
    %mul3A_6 = arith.muli %arg1, %mul3A_5 : i32
    "tpu.region"() ({
      %run_scoped3A = tpu.sem_alloc : memref<!tpu.dma_semaphore, #tpu.memory_space<semaphore_mem>>
      %dma_start3A_459 = arith.constant 0 : i32
      %dma_start3A_460 = tpu.memref_slice %arg20[%mul3A_6, %dma_start3A_459] : memref<10240x144xf32, #tpu.memory_space<vmem_shared>> -> memref<640x144xf32, #tpu.memory_space<vmem_shared>>
      %dma_start3A_461 = arith.constant 0 : i32
      %dma_start3A_462 = tpu.memref_slice %arg8[%mul3A_4, %dma_start3A_461] : memref<10240x144xf32, #tpu.memory_space<hbm>> -> memref<640x144xf32, #tpu.memory_space<hbm>>
      tpu.enqueue_dma source(%dma_start3A_462 : memref<640x144xf32, #tpu.memory_space<hbm>>) target(%dma_start3A_460 : memref<640x144xf32, #tpu.memory_space<vmem_shared>>) target_semaphore(%run_scoped3A : memref<!tpu.dma_semaphore, #tpu.memory_space<semaphore_mem>>)
      %dma_wait3A_463 = arith.constant 0 : i32
      %dma_wait3A_464 = tpu.memref_slice %arg20[%mul3A_6, %dma_wait3A_463] : memref<10240x144xf32, #tpu.memory_space<vmem_shared>> -> memref<640x144xf32, #tpu.memory_space<vmem_shared>>
      %dma_wait3A_465 = arith.constant 0 : i32
      %dma_wait3A_466 = tpu.memref_slice %arg8[%mul3A_4, %dma_wait3A_465] : memref<10240x144xf32, #tpu.memory_space<hbm>> -> memref<640x144xf32, #tpu.memory_space<hbm>>
      tpu.wait_dma2 semaphore(%run_scoped3A : memref<!tpu.dma_semaphore, #tpu.memory_space<semaphore_mem>>) src(%dma_wait3A_466 : memref<640x144xf32, #tpu.memory_space<hbm>>) dst(%dma_wait3A_464 : memref<640x144xf32, #tpu.memory_space<vmem_shared>>)
      tpu.yield
    }) : () -> ()
    "tpu.region"() ({
      %run_scoped3A = tpu.sem_alloc : memref<!tpu.dma_semaphore, #tpu.memory_space<semaphore_mem>>
      %dma_start3A_459 = arith.constant 0 : i32
      %dma_start3A_460 = arith.constant 0 : i32
      %dma_start3A_461 = tpu.memref_slice %arg6[%add3A, %dma_start3A_459, %dma_start3A_460] : memref<32x125x80xi32, #tpu.memory_space<hbm>> -> memref<1x125x80xi32, #tpu.memory_space<hbm>>
      %dma_start3A_462 = tpu.memref_squeeze %dma_start3A_461 : memref<1x125x80xi32, #tpu.memory_space<hbm>> -> memref<125x80xi32, #tpu.memory_space<hbm>>
      %dma_start3A_463 = arith.constant 0 : i32
      %dma_start3A_464 = arith.constant 0 : i32
      %dma_start3A_465 = tpu.memref_slice %arg6[%add3A, %dma_start3A_463, %dma_start3A_464] : memref<32x125x80xi32, #tpu.memory_space<hbm>> -> memref<1x125x80xi32, #tpu.memory_space<hbm>>
      %dma_start3A_466 = tpu.memref_squeeze %dma_start3A_465 : memref<1x125x80xi32, #tpu.memory_space<hbm>> -> memref<125x80xi32, #tpu.memory_space<hbm>>
      tpu.enqueue_dma source(%dma_start3A_466 : memref<125x80xi32, #tpu.memory_space<hbm>>) target(%arg11 : memref<125x80xi32, #tpu.memory_space<vmem>>) target_semaphore(%run_scoped3A : memref<!tpu.dma_semaphore, #tpu.memory_space<semaphore_mem>>)
      %dma_wait3A_467 = arith.constant 0 : i32
      %dma_wait3A_468 = arith.constant 0 : i32
      %dma_wait3A_469 = tpu.memref_slice %arg6[%add3A, %dma_wait3A_467, %dma_wait3A_468] : memref<32x125x80xi32, #tpu.memory_space<hbm>> -> memref<1x125x80xi32, #tpu.memory_space<hbm>>
      %dma_wait3A_470 = tpu.memref_squeeze %dma_wait3A_469 : memref<1x125x80xi32, #tpu.memory_space<hbm>> -> memref<125x80xi32, #tpu.memory_space<hbm>>
      %dma_wait3A_471 = arith.constant 0 : i32
      %dma_wait3A_472 = arith.constant 0 : i32
      %dma_wait3A_473 = tpu.memref_slice %arg6[%add3A, %dma_wait3A_471, %dma_wait3A_472] : memref<32x125x80xi32, #tpu.memory_space<hbm>> -> memref<1x125x80xi32, #tpu.memory_space<hbm>>
      %dma_wait3A_474 = tpu.memref_squeeze %dma_wait3A_473 : memref<1x125x80xi32, #tpu.memory_space<hbm>> -> memref<125x80xi32, #tpu.memory_space<hbm>>
      tpu.wait_dma2 semaphore(%run_scoped3A : memref<!tpu.dma_semaphore, #tpu.memory_space<semaphore_mem>>) src(%dma_wait3A_474 : memref<125x80xi32, #tpu.memory_space<hbm>>) dst(%arg11 : memref<125x80xi32, #tpu.memory_space<vmem>>)
      tpu.yield
    }) : () -> ()
    %barrier3A = arith.constant 0 : index
    tpu.barrier barrier_id(%barrier3A)
    %get3A = arith.constant 0 : i32
    %get3A_7 = arith.index_cast %get3A : i32 to index
    %get3A_8 = arith.constant 0 : index
    %get3A_9 = tpu.vector_load %arg11[%get3A_7, %get3A_8] {strides = array<i32>} : memref<125x80xi32, #tpu.memory_space<vmem>>, vector<1x16xi32>,
    %get3A_10 = vector.shape_cast %get3A_9 : vector<1x16xi32> to vector<16xi32>
    %shift_right_logical3A = arith.constant 14 : i32
    %shift_right_logical3A_11 = vector.broadcast %shift_right_logical3A : i32 to vector<16xi32>
    %shift_right_logical3A_12 = arith.shrui %get3A_10, %shift_right_logical3A_11 : vector<16xi32>
    %swap3A = arith.constant 0 : index
    %swap3A_13 = tpu.vector_load %arg12[%swap3A] {strides = array<i32>} : memref<80xi32, #tpu.memory_space<vmem>>, vector<16xi32>,
    %swap3A_14 = vector.shape_cast %swap3A_13 : vector<16xi32> to vector<16xi32>
    %swap3A_15 = vector.shape_cast %shift_right_logical3A_12 : vector<16xi32> to vector<16xi32>
    tpu.vector_store %arg12[%swap3A], %swap3A_15 {strides = array<i32>} : memref<80xi32, #tpu.memory_space<vmem>>, vector<16xi32>,
    %and3A = arith.constant 16383 : i32
    %and3A_16 = vector.broadcast %and3A : i32 to vector<16xi32>
    %and3A_17 = arith.andi %get3A_10, %and3A_16 : vector<16xi32>
    %swap3A_18 = arith.constant 0 : index
    %swap3A_19 = tpu.vector_load %arg13[%swap3A_18] {strides = array<i32>} : memref<80xi32, #tpu.memory_space<vmem>>, vector<16xi32>,
    %swap3A_20 = vector.shape_cast %swap3A_19 : vector<16xi32> to vector<16xi32>
    %swap3A_21 = vector.shape_cast %and3A_17 : vector<16xi32> to vector<16xi32>
    tpu.vector_store %arg13[%swap3A_18], %swap3A_21 {strides = array<i32>} : memref<80xi32, #tpu.memory_space<vmem>>, vector<16xi32>,
    %get3A_22 = arith.constant 0 : i32
    %get3A_23 = arith.index_cast %get3A_22 : i32 to index
    %get3A_24 = arith.constant 16 : index
    %get3A_25 = tpu.vector_load %arg11[%get3A_23, %get3A_24] {strides = array<i32>} : memref<125x80xi32, #tpu.memory_space<vmem>>, vector<1x16xi32>,
    %get3A_26 = vector.shape_cast %get3A_25 : vector<1x16xi32> to vector<16xi32>
    %shift_right_logical3A_27 = arith.constant 14 : i32
    %shift_right_logical3A_28 = vector.broadcast %shift_right_logical3A_27 : i32 to vector<16xi32>
    %shift_right_logical3A_29 = arith.shrui %get3A_26, %shift_right_logical3A_28 : vector<16xi32>
    %swap3A_30 = arith.constant 16 : index
    %swap3A_31 = tpu.vector_load %arg12[%swap3A_30] {strides = array<i32>} : memref<80xi32, #tpu.memory_space<vmem>>, vector<16xi32>,
    %swap3A_32 = vector.shape_cast %swap3A_31 : vector<16xi32> to vector<16xi32>
    %swap3A_33 = vector.shape_cast %shift_right_logical3A_29 : vector<16xi32> to vector<16xi32>
    tpu.vector_store %arg12[%swap3A_30], %swap3A_33 {strides = array<i32>} : memref<80xi32, #tpu.memory_space<vmem>>, vector<16xi32>,
    %and3A_34 = arith.constant 16383 : i32
    %and3A_35 = vector.broadcast %and3A_34 : i32 to vector<16xi32>
    %and3A_36 = arith.andi %get3A_26, %and3A_35 : vector<16xi32>
    %swap3A_37 = arith.constant 16 : index
    %swap3A_38 = tpu.vector_load %arg13[%swap3A_37] {strides = array<i32>} : memref<80xi32, #tpu.memory_space<vmem>>, vector<16xi32>,
    %swap3A_39 = vector.shape_cast %swap3A_38 : vector<16xi32> to vector<16xi32>
    %swap3A_40 = vector.shape_cast %and3A_36 : vector<16xi32> to vector<16xi32>
    tpu.vector_store %arg13[%swap3A_37], %swap3A_40 {strides = array<i32>} : memref<80xi32, #tpu.memory_space<vmem>>, vector<16xi32>,
    %get3A_41 = arith.constant 0 : i32
    %get3A_42 = arith.index_cast %get3A_41 : i32 to index
    %get3A_43 = arith.constant 32 : index
    %get3A_44 = tpu.vector_load %arg11[%get3A_42, %get3A_43] {strides = array<i32>} : memref<125x80xi32, #tpu.memory_space<vmem>>, vector<1x16xi32>,
    %get3A_45 = vector.shape_cast %get3A_44 : vector<1x16xi32> to vector<16xi32>
    %shift_right_logical3A_46 = arith.constant 14 : i32
    %shift_right_logical3A_47 = vector.broadcast %shift_right_logical3A_46 : i32 to vector<16xi32>
    %shift_right_logical3A_48 = arith.shrui %get3A_45, %shift_right_logical3A_47 : vector<16xi32>
    %swap3A_49 = arith.constant 32 : index
    %swap3A_50 = tpu.vector_load %arg12[%swap3A_49] {strides = array<i32>} : memref<80xi32, #tpu.memory_space<vmem>>, vector<16xi32>,
    %swap3A_51 = vector.shape_cast %swap3A_50 : vector<16xi32> to vector<16xi32>
    %swap3A_52 = vector.shape_cast %shift_right_logical3A_48 : vector<16xi32> to vector<16xi32>
    tpu.vector_store %arg12[%swap3A_49], %swap3A_52 {strides = array<i32>} : memref<80xi32, #tpu.memory_space<vmem>>, vector<16xi32>,
    %and3A_53 = arith.constant 16383 : i32
    %and3A_54 = vector.broadcast %and3A_53 : i32 to vector<16xi32>
    %and3A_55 = arith.andi %get3A_45, %and3A_54 : vector<16xi32>
    %swap3A_56 = arith.constant 32 : index
    %swap3A_57 = tpu.vector_load %arg13[%swap3A_56] {strides = array<i32>} : memref<80xi32, #tpu.memory_space<vmem>>, vector<16xi32>,
    %swap3A_58 = vector.shape_cast %swap3A_57 : vector<16xi32> to vector<16xi32>
    %swap3A_59 = vector.shape_cast %and3A_55 : vector<16xi32> to vector<16xi32>
    tpu.vector_store %arg13[%swap3A_56], %swap3A_59 {strides = array<i32>} : memref<80xi32, #tpu.memory_space<vmem>>, vector<16xi32>,
    %get3A_60 = arith.constant 0 : i32
    %get3A_61 = arith.index_cast %get3A_60 : i32 to index
    %get3A_62 = arith.constant 48 : index
    %get3A_63 = tpu.vector_load %arg11[%get3A_61, %get3A_62] {strides = array<i32>} : memref<125x80xi32, #tpu.memory_space<vmem>>, vector<1x16xi32>,
    %get3A_64 = vector.shape_cast %get3A_63 : vector<1x16xi32> to vector<16xi32>
    %shift_right_logical3A_65 = arith.constant 14 : i32
    %shift_right_logical3A_66 = vector.broadcast %shift_right_logical3A_65 : i32 to vector<16xi32>
    %shift_right_logical3A_67 = arith.shrui %get3A_64, %shift_right_logical3A_66 : vector<16xi32>
    %swap3A_68 = arith.constant 48 : index
    %swap3A_69 = tpu.vector_load %arg12[%swap3A_68] {strides = array<i32>} : memref<80xi32, #tpu.memory_space<vmem>>, vector<16xi32>,
    %swap3A_70 = vector.shape_cast %swap3A_69 : vector<16xi32> to vector<16xi32>
    %swap3A_71 = vector.shape_cast %shift_right_logical3A_67 : vector<16xi32> to vector<16xi32>
    tpu.vector_store %arg12[%swap3A_68], %swap3A_71 {strides = array<i32>} : memref<80xi32, #tpu.memory_space<vmem>>, vector<16xi32>,
    %and3A_72 = arith.constant 16383 : i32
    %and3A_73 = vector.broadcast %and3A_72 : i32 to vector<16xi32>
    %and3A_74 = arith.andi %get3A_64, %and3A_73 : vector<16xi32>
    %swap3A_75 = arith.constant 48 : index
    %swap3A_76 = tpu.vector_load %arg13[%swap3A_75] {strides = array<i32>} : memref<80xi32, #tpu.memory_space<vmem>>, vector<16xi32>,
    %swap3A_77 = vector.shape_cast %swap3A_76 : vector<16xi32> to vector<16xi32>
    %swap3A_78 = vector.shape_cast %and3A_74 : vector<16xi32> to vector<16xi32>
    tpu.vector_store %arg13[%swap3A_75], %swap3A_78 {strides = array<i32>} : memref<80xi32, #tpu.memory_space<vmem>>, vector<16xi32>,
    %get3A_79 = arith.constant 0 : i32
    %get3A_80 = arith.index_cast %get3A_79 : i32 to index
    %get3A_81 = arith.constant 64 : index
    %get3A_82 = tpu.vector_load %arg11[%get3A_80, %get3A_81] {strides = array<i32>} : memref<125x80xi32, #tpu.memory_space<vmem>>, vector<1x16xi32>,
    %get3A_83 = vector.shape_cast %get3A_82 : vector<1x16xi32> to vector<16xi32>
    %shift_right_logical3A_84 = arith.constant 14 : i32
    %shift_right_logical3A_85 = vector.broadcast %shift_right_logical3A_84 : i32 to vector<16xi32>
    %shift_right_logical3A_86 = arith.shrui %get3A_83, %shift_right_logical3A_85 : vector<16xi32>
    %swap3A_87 = arith.constant 64 : index
    %swap3A_88 = tpu.vector_load %arg12[%swap3A_87] {strides = array<i32>} : memref<80xi32, #tpu.memory_space<vmem>>, vector<16xi32>,
    %swap3A_89 = vector.shape_cast %swap3A_88 : vector<16xi32> to vector<16xi32>
    %swap3A_90 = vector.shape_cast %shift_right_logical3A_86 : vector<16xi32> to vector<16xi32>
    tpu.vector_store %arg12[%swap3A_87], %swap3A_90 {strides = array<i32>} : memref<80xi32, #tpu.memory_space<vmem>>, vector<16xi32>,
    %and3A_91 = arith.constant 16383 : i32
    %and3A_92 = vector.broadcast %and3A_91 : i32 to vector<16xi32>
    %and3A_93 = arith.andi %get3A_83, %and3A_92 : vector<16xi32>
    %swap3A_94 = arith.constant 64 : index
    %swap3A_95 = tpu.vector_load %arg13[%swap3A_94] {strides = array<i32>} : memref<80xi32, #tpu.memory_space<vmem>>, vector<16xi32>,
    %swap3A_96 = vector.shape_cast %swap3A_95 : vector<16xi32> to vector<16xi32>
    %swap3A_97 = vector.shape_cast %and3A_93 : vector<16xi32> to vector<16xi32>
    tpu.vector_store %arg13[%swap3A_94], %swap3A_97 {strides = array<i32>} : memref<80xi32, #tpu.memory_space<vmem>>, vector<16xi32>,
    %dma_start3A = arith.constant 0 : i32
    %dma_start3A_98 = arith.constant 0 : i32
    %dma_start3A_99 = tpu.memref_slice %arg2[%dma_start3A, %dma_start3A_98] : memref<10000x144xf32, #tpu.memory_space<hbm>> -> memref<10000x144xf32, #tpu.memory_space<hbm>>
    tpu.enqueue_indirect_dma source(%dma_start3A_99 : memref<10000x144xf32, #tpu.memory_space<hbm>>) target(%arg16 : memref<80x144xf32, #tpu.memory_space<vmem>>) offsets(%arg12 : memref<80xi32, #tpu.memory_space<vmem>>) semaphore(%arg21 : memref<!tpu.dma_semaphore, #tpu.memory_space<semaphore_mem>>)
    %dma_start3A_100 = arith.constant 0 : i32
    %dma_start3A_101 = arith.constant 0 : i32
    %dma_start3A_102 = tpu.memref_slice %arg3[%dma_start3A_100, %dma_start3A_101] : memref<10000x16xf32, #tpu.memory_space<hbm>> -> memref<10000x16xf32, #tpu.memory_space<hbm>>
    tpu.enqueue_indirect_dma source(%dma_start3A_102 : memref<10000x16xf32, #tpu.memory_space<hbm>>) target(%arg17 : memref<80x16xf32, #tpu.memory_space<vmem>>) offsets(%arg13 : memref<80xi32, #tpu.memory_space<vmem>>) semaphore(%arg22 : memref<!tpu.dma_semaphore, #tpu.memory_space<semaphore_mem>>)
    %scan3A = arith.constant 0 : i32
    %scan3A_103 = arith.constant 0 : i32
    %scan3A_104 = arith.constant 62 : i32
    %scan3A_105 = arith.addi %scan3A_103, %scan3A_104 : i32
    %scan3A_106 = arith.constant 1 : i32
    scf.for %scan3A_459 = %scan3A_103 to %scan3A_105 step %scan3A_106  : i32 {
      %mul3A_460 = arith.constant 2 : i32
      %mul3A_461 = arith.muli %scan3A_459, %mul3A_460 : i32
      %dma_wait3A_462 = arith.constant 0 : i32
      %dma_wait3A_463 = arith.constant 0 : i32
      %dma_wait3A_464 = tpu.memref_slice %arg2[%dma_wait3A_462, %dma_wait3A_463] : memref<10000x144xf32, #tpu.memory_space<hbm>> -> memref<10000x144xf32, #tpu.memory_space<hbm>>
      tpu.wait_indirect_dma semaphore(%arg21 : memref<!tpu.dma_semaphore, #tpu.memory_space<semaphore_mem>>) src(%dma_wait3A_464 : memref<10000x144xf32, #tpu.memory_space<hbm>>) dst(%arg16 : memref<80x144xf32, #tpu.memory_space<vmem>>)
      %dma_wait3A_465 = arith.constant 0 : i32
      %dma_wait3A_466 = arith.constant 0 : i32
      %dma_wait3A_467 = tpu.memref_slice %arg3[%dma_wait3A_465, %dma_wait3A_466] : memref<10000x16xf32, #tpu.memory_space<hbm>> -> memref<10000x16xf32, #tpu.memory_space<hbm>>
      tpu.wait_indirect_dma semaphore(%arg22 : memref<!tpu.dma_semaphore, #tpu.memory_space<semaphore_mem>>) src(%dma_wait3A_467 : memref<10000x16xf32, #tpu.memory_space<hbm>>) dst(%arg17 : memref<80x16xf32, #tpu.memory_space<vmem>>)
      %add3A_468 = arith.constant 1 : i32
      %add3A_469 = arith.addi %mul3A_461, %add3A_468 : i32
      %min3A_470 = arith.constant 124 : i32
      %min3A_471 = arith.minsi %add3A_469, %min3A_470 : i32
      %get3A_472 = arith.index_cast %min3A_471 : i32 to index
      %get3A_473 = arith.constant 0 : index
      %get3A_474 = tpu.vector_load %arg11[%get3A_472, %get3A_473] {strides = array<i32>} : memref<125x80xi32, #tpu.memory_space<vmem>>, vector<1x16xi32>,
      %get3A_475 = vector.shape_cast %get3A_474 : vector<1x16xi32> to vector<16xi32>
      %shift_right_logical3A_476 = arith.constant 14 : i32
      %shift_right_logical3A_477 = vector.broadcast %shift_right_logical3A_476 : i32 to vector<16xi32>
      %shift_right_logical3A_478 = arith.shrui %get3A_475, %shift_right_logical3A_477 : vector<16xi32>
      %swap3A_479 = arith.constant 0 : index
      %swap3A_480 = tpu.vector_load %arg14[%swap3A_479] {strides = array<i32>} : memref<80xi32, #tpu.memory_space<vmem>>, vector<16xi32>,
      %swap3A_481 = vector.shape_cast %swap3A_480 : vector<16xi32> to vector<16xi32>
      %swap3A_482 = vector.shape_cast %shift_right_logical3A_478 : vector<16xi32> to vector<16xi32>
      tpu.vector_store %arg14[%swap3A_479], %swap3A_482 {strides = array<i32>} : memref<80xi32, #tpu.memory_space<vmem>>, vector<16xi32>,
      %and3A_483 = arith.constant 16383 : i32
      %and3A_484 = vector.broadcast %and3A_483 : i32 to vector<16xi32>
      %and3A_485 = arith.andi %get3A_475, %and3A_484 : vector<16xi32>
      %swap3A_486 = arith.constant 0 : index
      %swap3A_487 = tpu.vector_load %arg15[%swap3A_486] {strides = array<i32>} : memref<80xi32, #tpu.memory_space<vmem>>, vector<16xi32>,
      %swap3A_488 = vector.shape_cast %swap3A_487 : vector<16xi32> to vector<16xi32>
      %swap3A_489 = vector.shape_cast %and3A_485 : vector<16xi32> to vector<16xi32>
      tpu.vector_store %arg15[%swap3A_486], %swap3A_489 {strides = array<i32>} : memref<80xi32, #tpu.memory_space<vmem>>, vector<16xi32>,
      %get3A_490 = arith.index_cast %min3A_471 : i32 to index
      %get3A_491 = arith.constant 16 : index
      %get3A_492 = tpu.vector_load %arg11[%get3A_490, %get3A_491] {strides = array<i32>} : memref<125x80xi32, #tpu.memory_space<vmem>>, vector<1x16xi32>,
      %get3A_493 = vector.shape_cast %get3A_492 : vector<1x16xi32> to vector<16xi32>
      %shift_right_logical3A_494 = arith.constant 14 : i32
      %shift_right_logical3A_495 = vector.broadcast %shift_right_logical3A_494 : i32 to vector<16xi32>
      %shift_right_logical3A_496 = arith.shrui %get3A_493, %shift_right_logical3A_495 : vector<16xi32>
      %swap3A_497 = arith.constant 16 : index
      %swap3A_498 = tpu.vector_load %arg14[%swap3A_497] {strides = array<i32>} : memref<80xi32, #tpu.memory_space<vmem>>, vector<16xi32>,
      %swap3A_499 = vector.shape_cast %swap3A_498 : vector<16xi32> to vector<16xi32>
      %swap3A_500 = vector.shape_cast %shift_right_logical3A_496 : vector<16xi32> to vector<16xi32>
      tpu.vector_store %arg14[%swap3A_497], %swap3A_500 {strides = array<i32>} : memref<80xi32, #tpu.memory_space<vmem>>, vector<16xi32>,
      %and3A_501 = arith.constant 16383 : i32
      %and3A_502 = vector.broadcast %and3A_501 : i32 to vector<16xi32>
      %and3A_503 = arith.andi %get3A_493, %and3A_502 : vector<16xi32>
      %swap3A_504 = arith.constant 16 : index
      %swap3A_505 = tpu.vector_load %arg15[%swap3A_504] {strides = array<i32>} : memref<80xi32, #tpu.memory_space<vmem>>, vector<16xi32>,
      %swap3A_506 = vector.shape_cast %swap3A_505 : vector<16xi32> to vector<16xi32>
      %swap3A_507 = vector.shape_cast %and3A_503 : vector<16xi32> to vector<16xi32>
      tpu.vector_store %arg15[%swap3A_504], %swap3A_507 {strides = array<i32>} : memref<80xi32, #tpu.memory_space<vmem>>, vector<16xi32>,
      %get3A_508 = arith.index_cast %min3A_471 : i32 to index
      %get3A_509 = arith.constant 32 : index
      %get3A_510 = tpu.vector_load %arg11[%get3A_508, %get3A_509] {strides = array<i32>} : memref<125x80xi32, #tpu.memory_space<vmem>>, vector<1x16xi32>,
      %get3A_511 = vector.shape_cast %get3A_510 : vector<1x16xi32> to vector<16xi32>
      %shift_right_logical3A_512 = arith.constant 14 : i32
      %shift_right_logical3A_513 = vector.broadcast %shift_right_logical3A_512 : i32 to vector<16xi32>
      %shift_right_logical3A_514 = arith.shrui %get3A_511, %shift_right_logical3A_513 : vector<16xi32>
      %swap3A_515 = arith.constant 32 : index
      %swap3A_516 = tpu.vector_load %arg14[%swap3A_515] {strides = array<i32>} : memref<80xi32, #tpu.memory_space<vmem>>, vector<16xi32>,
      %swap3A_517 = vector.shape_cast %swap3A_516 : vector<16xi32> to vector<16xi32>
      %swap3A_518 = vector.shape_cast %shift_right_logical3A_514 : vector<16xi32> to vector<16xi32>
      tpu.vector_store %arg14[%swap3A_515], %swap3A_518 {strides = array<i32>} : memref<80xi32, #tpu.memory_space<vmem>>, vector<16xi32>,
      %and3A_519 = arith.constant 16383 : i32
      %and3A_520 = vector.broadcast %and3A_519 : i32 to vector<16xi32>
      %and3A_521 = arith.andi %get3A_511, %and3A_520 : vector<16xi32>
      %swap3A_522 = arith.constant 32 : index
      %swap3A_523 = tpu.vector_load %arg15[%swap3A_522] {strides = array<i32>} : memref<80xi32, #tpu.memory_space<vmem>>, vector<16xi32>,
      %swap3A_524 = vector.shape_cast %swap3A_523 : vector<16xi32> to vector<16xi32>
      %swap3A_525 = vector.shape_cast %and3A_521 : vector<16xi32> to vector<16xi32>
      tpu.vector_store %arg15[%swap3A_522], %swap3A_525 {strides = array<i32>} : memref<80xi32, #tpu.memory_space<vmem>>, vector<16xi32>,
      %get3A_526 = arith.index_cast %min3A_471 : i32 to index
      %get3A_527 = arith.constant 48 : index
      %get3A_528 = tpu.vector_load %arg11[%get3A_526, %get3A_527] {strides = array<i32>} : memref<125x80xi32, #tpu.memory_space<vmem>>, vector<1x16xi32>,
      %get3A_529 = vector.shape_cast %get3A_528 : vector<1x16xi32> to vector<16xi32>
      %shift_right_logical3A_530 = arith.constant 14 : i32
      %shift_right_logical3A_531 = vector.broadcast %shift_right_logical3A_530 : i32 to vector<16xi32>
      %shift_right_logical3A_532 = arith.shrui %get3A_529, %shift_right_logical3A_531 : vector<16xi32>
      %swap3A_533 = arith.constant 48 : index
      %swap3A_534 = tpu.vector_load %arg14[%swap3A_533] {strides = array<i32>} : memref<80xi32, #tpu.memory_space<vmem>>, vector<16xi32>,
      %swap3A_535 = vector.shape_cast %swap3A_534 : vector<16xi32> to vector<16xi32>
      %swap3A_536 = vector.shape_cast %shift_right_logical3A_532 : vector<16xi32> to vector<16xi32>
      tpu.vector_store %arg14[%swap3A_533], %swap3A_536 {strides = array<i32>} : memref<80xi32, #tpu.memory_space<vmem>>, vector<16xi32>,
      %and3A_537 = arith.constant 16383 : i32
      %and3A_538 = vector.broadcast %and3A_537 : i32 to vector<16xi32>
      %and3A_539 = arith.andi %get3A_529, %and3A_538 : vector<16xi32>
      %swap3A_540 = arith.constant 48 : index
      %swap3A_541 = tpu.vector_load %arg15[%swap3A_540] {strides = array<i32>} : memref<80xi32, #tpu.memory_space<vmem>>, vector<16xi32>,
      %swap3A_542 = vector.shape_cast %swap3A_541 : vector<16xi32> to vector<16xi32>
      %swap3A_543 = vector.shape_cast %and3A_539 : vector<16xi32> to vector<16xi32>
      tpu.vector_store %arg15[%swap3A_540], %swap3A_543 {strides = array<i32>} : memref<80xi32, #tpu.memory_space<vmem>>, vector<16xi32>,
      %get3A_544 = arith.index_cast %min3A_471 : i32 to index
      %get3A_545 = arith.constant 64 : index
      %get3A_546 = tpu.vector_load %arg11[%get3A_544, %get3A_545] {strides = array<i32>} : memref<125x80xi32, #tpu.memory_space<vmem>>, vector<1x16xi32>,
      %get3A_547 = vector.shape_cast %get3A_546 : vector<1x16xi32> to vector<16xi32>
      %shift_right_logical3A_548 = arith.constant 14 : i32
      %shift_right_logical3A_549 = vector.broadcast %shift_right_logical3A_548 : i32 to vector<16xi32>
      %shift_right_logical3A_550 = arith.shrui %get3A_547, %shift_right_logical3A_549 : vector<16xi32>
      %swap3A_551 = arith.constant 64 : index
      %swap3A_552 = tpu.vector_load %arg14[%swap3A_551] {strides = array<i32>} : memref<80xi32, #tpu.memory_space<vmem>>, vector<16xi32>,
      %swap3A_553 = vector.shape_cast %swap3A_552 : vector<16xi32> to vector<16xi32>
      %swap3A_554 = vector.shape_cast %shift_right_logical3A_550 : vector<16xi32> to vector<16xi32>
      tpu.vector_store %arg14[%swap3A_551], %swap3A_554 {strides = array<i32>} : memref<80xi32, #tpu.memory_space<vmem>>, vector<16xi32>,
      %and3A_555 = arith.constant 16383 : i32
      %and3A_556 = vector.broadcast %and3A_555 : i32 to vector<16xi32>
      %and3A_557 = arith.andi %get3A_547, %and3A_556 : vector<16xi32>
      %swap3A_558 = arith.constant 64 : index
      %swap3A_559 = tpu.vector_load %arg15[%swap3A_558] {strides = array<i32>} : memref<80xi32, #tpu.memory_space<vmem>>, vector<16xi32>,
      %swap3A_560 = vector.shape_cast %swap3A_559 : vector<16xi32> to vector<16xi32>
      %swap3A_561 = vector.shape_cast %and3A_557 : vector<16xi32> to vector<16xi32>
      tpu.vector_store %arg15[%swap3A_558], %swap3A_561 {strides = array<i32>} : memref<80xi32, #tpu.memory_space<vmem>>, vector<16xi32>,
      %dma_start3A_562 = arith.constant 0 : i32
      %dma_start3A_563 = arith.constant 0 : i32
      %dma_start3A_564 = tpu.memref_slice %arg2[%dma_start3A_562, %dma_start3A_563] : memref<10000x144xf32, #tpu.memory_space<hbm>> -> memref<10000x144xf32, #tpu.memory_space<hbm>>
      tpu.enqueue_indirect_dma source(%dma_start3A_564 : memref<10000x144xf32, #tpu.memory_space<hbm>>) target(%arg18 : memref<80x144xf32, #tpu.memory_space<vmem>>) offsets(%arg14 : memref<80xi32, #tpu.memory_space<vmem>>) semaphore(%arg23 : memref<!tpu.dma_semaphore, #tpu.memory_space<semaphore_mem>>)
      %dma_start3A_565 = arith.constant 0 : i32
      %dma_start3A_566 = arith.constant 0 : i32
      %dma_start3A_567 = tpu.memref_slice %arg3[%dma_start3A_565, %dma_start3A_566] : memref<10000x16xf32, #tpu.memory_space<hbm>> -> memref<10000x16xf32, #tpu.memory_space<hbm>>
      tpu.enqueue_indirect_dma source(%dma_start3A_567 : memref<10000x16xf32, #tpu.memory_space<hbm>>) target(%arg19 : memref<80x16xf32, #tpu.memory_space<vmem>>) offsets(%arg15 : memref<80xi32, #tpu.memory_space<vmem>>) semaphore(%arg24 : memref<!tpu.dma_semaphore, #tpu.memory_space<semaphore_mem>>)
      %parallel_loop3A_568 = arith.constant 0 : i32
      %parallel_loop3A_569 = arith.constant 80 : i32
      %parallel_loop3A_570 = arith.constant 1 : i32
      scf.for %parallel_loop3A_682 = %parallel_loop3A_568 to %parallel_loop3A_569 step %parallel_loop3A_570  : i32 {
        %parallel_loop3A_683 = arith.index_cast %parallel_loop3A_682 : i32 to index
        %parallel_loop3A_684 = arith.constant 128 : index
        %parallel_loop3A_685 = tpu.vector_load %arg16[%parallel_loop3A_683, %parallel_loop3A_684] {strides = array<i32>} : memref<80x144xf32, #tpu.memory_space<vmem>>, vector<1x16xf32>,
        %parallel_loop3A_686 = vector.shape_cast %parallel_loop3A_685 : vector<1x16xf32> to vector<16xf32>
        %parallel_loop3A_687 = arith.index_cast %parallel_loop3A_682 : i32 to index
        %parallel_loop3A_688 = arith.constant 0 : index
        %parallel_loop3A_689 = tpu.vector_load %arg17[%parallel_loop3A_687, %parallel_loop3A_688] {strides = array<i32>} : memref<80x16xf32, #tpu.memory_space<vmem>>, vector<1x16xf32>,
        %parallel_loop3A_690 = vector.shape_cast %parallel_loop3A_689 : vector<1x16xf32> to vector<16xf32>
        %parallel_loop3A_691 = arith.addf %parallel_loop3A_686, %parallel_loop3A_690 : vector<16xf32>
        %parallel_loop3A_692 = arith.constant 0.000000e+00 : f32
        %parallel_loop3A_693 = vector.broadcast %parallel_loop3A_692 : f32 to vector<16xf32>
        %parallel_loop3A_694 = arith.cmpf oge, %parallel_loop3A_691, %parallel_loop3A_693 : vector<16xf32>
        %parallel_loop3A_695 = arith.constant 2.000000e-01 : f32
        %parallel_loop3A_696 = vector.broadcast %parallel_loop3A_695 : f32 to vector<16xf32>
        %parallel_loop3A_697 = arith.mulf %parallel_loop3A_696, %parallel_loop3A_691 : vector<16xf32>
        %parallel_loop3A_698 = arith.select %parallel_loop3A_694, %parallel_loop3A_691, %parallel_loop3A_697 : vector<16xi1>, vector<16xf32>
        %parallel_loop3A_699 = math.exp %parallel_loop3A_698 : vector<16xf32>
        %parallel_loop3A_700 = arith.constant 0.000000e+00 : f32
        %parallel_loop3A_701 = vector.broadcast %parallel_loop3A_700 : f32 to vector<16xf32>
        %parallel_loop3A_702 = arith.select %lt3A_2, %parallel_loop3A_699, %parallel_loop3A_701 : vector<16xi1>, vector<16xf32>
        %parallel_loop3A_703 = arith.index_cast %parallel_loop3A_682 : i32 to index
        %parallel_loop3A_704 = arith.constant 128 : index
        %parallel_loop3A_705 = tpu.vector_load %arg16[%parallel_loop3A_703, %parallel_loop3A_704] {strides = array<i32>} : memref<80x144xf32, #tpu.memory_space<vmem>>, vector<1x16xf32>,
        %parallel_loop3A_706 = vector.shape_cast %parallel_loop3A_705 : vector<1x16xf32> to vector<16xf32>
        %parallel_loop3A_707 = vector.shape_cast %parallel_loop3A_702 : vector<16xf32> to vector<1x16xf32>
        tpu.vector_store %arg16[%parallel_loop3A_703, %parallel_loop3A_704], %parallel_loop3A_707 {strides = array<i32>} : memref<80x144xf32, #tpu.memory_space<vmem>>, vector<1x16xf32>,
        %parallel_loop3A_708 = vector.extract_strided_slice %parallel_loop3A_702 {offsets = [0], sizes = [1], strides = [1]} : vector<16xf32> to vector<1xf32>
        %parallel_loop3A_709 = vector.extract %parallel_loop3A_708[0] : f32 from vector<1xf32>
        %parallel_loop3A_710 = vector.extract_strided_slice %parallel_loop3A_702 {offsets = [0], sizes = [1], strides = [1]} : vector<16xf32> to vector<1xf32>
        %parallel_loop3A_711 = vector.extract %parallel_loop3A_710[0] : f32 from vector<1xf32>
        %parallel_loop3A_712 = vector.extract_strided_slice %parallel_loop3A_702 {offsets = [1], sizes = [1], strides = [1]} : vector<16xf32> to vector<1xf32>
        %parallel_loop3A_713 = vector.extract %parallel_loop3A_712[0] : f32 from vector<1xf32>
        %parallel_loop3A_714 = vector.extract_strided_slice %parallel_loop3A_702 {offsets = [1], sizes = [1], strides = [1]} : vector<16xf32> to vector<1xf32>
        %parallel_loop3A_715 = vector.extract %parallel_loop3A_714[0] : f32 from vector<1xf32>
        %parallel_loop3A_716 = vector.extract_strided_slice %parallel_loop3A_702 {offsets = [2], sizes = [1], strides = [1]} : vector<16xf32> to vector<1xf32>
        %parallel_loop3A_717 = vector.extract %parallel_loop3A_716[0] : f32 from vector<1xf32>
        %parallel_loop3A_718 = vector.extract_strided_slice %parallel_loop3A_702 {offsets = [2], sizes = [1], strides = [1]} : vector<16xf32> to vector<1xf32>
        %parallel_loop3A_719 = vector.extract %parallel_loop3A_718[0] : f32 from vector<1xf32>
        %parallel_loop3A_720 = vector.extract_strided_slice %parallel_loop3A_702 {offsets = [3], sizes = [1], strides = [1]} : vector<16xf32> to vector<1xf32>
        %parallel_loop3A_721 = vector.extract %parallel_loop3A_720[0] : f32 from vector<1xf32>
        %parallel_loop3A_722 = vector.extract_strided_slice %parallel_loop3A_702 {offsets = [3], sizes = [1], strides = [1]} : vector<16xf32> to vector<1xf32>
        %parallel_loop3A_723 = vector.extract %parallel_loop3A_722[0] : f32 from vector<1xf32>
        %parallel_loop3A_724 = arith.index_cast %parallel_loop3A_682 : i32 to index
        %parallel_loop3A_725 = arith.constant 0 : index
        %parallel_loop3A_726 = tpu.vector_load %arg16[%parallel_loop3A_724, %parallel_loop3A_725] {strides = array<i32>} : memref<80x144xf32, #tpu.memory_space<vmem>>, vector<1x16xf32>,
        %parallel_loop3A_727 = vector.shape_cast %parallel_loop3A_726 : vector<1x16xf32> to vector<16xf32>
        %parallel_loop3A_728 = vector.broadcast %parallel_loop3A_709 : f32 to vector<16xf32>
        %parallel_loop3A_729 = arith.mulf %parallel_loop3A_727, %parallel_loop3A_728 : vector<16xf32>
        %parallel_loop3A_730 = arith.index_cast %parallel_loop3A_682 : i32 to index
        %parallel_loop3A_731 = arith.constant 0 : index
        %parallel_loop3A_732 = tpu.vector_load %arg16[%parallel_loop3A_730, %parallel_loop3A_731] {strides = array<i32>} : memref<80x144xf32, #tpu.memory_space<vmem>>, vector<1x16xf32>,
        %parallel_loop3A_733 = vector.shape_cast %parallel_loop3A_732 : vector<1x16xf32> to vector<16xf32>
        %parallel_loop3A_734 = vector.shape_cast %parallel_loop3A_729 : vector<16xf32> to vector<1x16xf32>
        tpu.vector_store %arg16[%parallel_loop3A_730, %parallel_loop3A_731], %parallel_loop3A_734 {strides = array<i32>} : memref<80x144xf32, #tpu.memory_space<vmem>>, vector<1x16xf32>,
        %parallel_loop3A_735 = arith.index_cast %parallel_loop3A_682 : i32 to index
        %parallel_loop3A_736 = arith.constant 16 : index
        %parallel_loop3A_737 = tpu.vector_load %arg16[%parallel_loop3A_735, %parallel_loop3A_736] {strides = array<i32>} : memref<80x144xf32, #tpu.memory_space<vmem>>, vector<1x16xf32>,
        %parallel_loop3A_738 = vector.shape_cast %parallel_loop3A_737 : vector<1x16xf32> to vector<16xf32>
        %parallel_loop3A_739 = vector.broadcast %parallel_loop3A_711 : f32 to vector<16xf32>
        %parallel_loop3A_740 = arith.mulf %parallel_loop3A_738, %parallel_loop3A_739 : vector<16xf32>
        %parallel_loop3A_741 = arith.index_cast %parallel_loop3A_682 : i32 to index
        %parallel_loop3A_742 = arith.constant 16 : index
        %parallel_loop3A_743 = tpu.vector_load %arg16[%parallel_loop3A_741, %parallel_loop3A_742] {strides = array<i32>} : memref<80x144xf32, #tpu.memory_space<vmem>>, vector<1x16xf32>,
        %parallel_loop3A_744 = vector.shape_cast %parallel_loop3A_743 : vector<1x16xf32> to vector<16xf32>
        %parallel_loop3A_745 = vector.shape_cast %parallel_loop3A_740 : vector<16xf32> to vector<1x16xf32>
        tpu.vector_store %arg16[%parallel_loop3A_741, %parallel_loop3A_742], %parallel_loop3A_745 {strides = array<i32>} : memref<80x144xf32, #tpu.memory_space<vmem>>, vector<1x16xf32>,
        %parallel_loop3A_746 = arith.index_cast %parallel_loop3A_682 : i32 to index
        %parallel_loop3A_747 = arith.constant 32 : index
        %parallel_loop3A_748 = tpu.vector_load %arg16[%parallel_loop3A_746, %parallel_loop3A_747] {strides = array<i32>} : memref<80x144xf32, #tpu.memory_space<vmem>>, vector<1x16xf32>,
        %parallel_loop3A_749 = vector.shape_cast %parallel_loop3A_748 : vector<1x16xf32> to vector<16xf32>
        %parallel_loop3A_750 = vector.broadcast %parallel_loop3A_713 : f32 to vector<16xf32>
        %parallel_loop3A_751 = arith.mulf %parallel_loop3A_749, %parallel_loop3A_750 : vector<16xf32>
        %parallel_loop3A_752 = arith.index_cast %parallel_loop3A_682 : i32 to index
        %parallel_loop3A_753 = arith.constant 32 : index
        %parallel_loop3A_754 = tpu.vector_load %arg16[%parallel_loop3A_752, %parallel_loop3A_753] {strides = array<i32>} : memref<80x144xf32, #tpu.memory_space<vmem>>, vector<1x16xf32>,
        %parallel_loop3A_755 = vector.shape_cast %parallel_loop3A_754 : vector<1x16xf32> to vector<16xf32>
        %parallel_loop3A_756 = vector.shape_cast %parallel_loop3A_751 : vector<16xf32> to vector<1x16xf32>
        tpu.vector_store %arg16[%parallel_loop3A_752, %parallel_loop3A_753], %parallel_loop3A_756 {strides = array<i32>} : memref<80x144xf32, #tpu.memory_space<vmem>>, vector<1x16xf32>,
        %parallel_loop3A_757 = arith.index_cast %parallel_loop3A_682 : i32 to index
        %parallel_loop3A_758 = arith.constant 48 : index
        %parallel_loop3A_759 = tpu.vector_load %arg16[%parallel_loop3A_757, %parallel_loop3A_758] {strides = array<i32>} : memref<80x144xf32, #tpu.memory_space<vmem>>, vector<1x16xf32>,
        %parallel_loop3A_760 = vector.shape_cast %parallel_loop3A_759 : vector<1x16xf32> to vector<16xf32>
        %parallel_loop3A_761 = vector.broadcast %parallel_loop3A_715 : f32 to vector<16xf32>
        %parallel_loop3A_762 = arith.mulf %parallel_loop3A_760, %parallel_loop3A_761 : vector<16xf32>
        %parallel_loop3A_763 = arith.index_cast %parallel_loop3A_682 : i32 to index
        %parallel_loop3A_764 = arith.constant 48 : index
        %parallel_loop3A_765 = tpu.vector_load %arg16[%parallel_loop3A_763, %parallel_loop3A_764] {strides = array<i32>} : memref<80x144xf32, #tpu.memory_space<vmem>>, vector<1x16xf32>,
        %parallel_loop3A_766 = vector.shape_cast %parallel_loop3A_765 : vector<1x16xf32> to vector<16xf32>
        %parallel_loop3A_767 = vector.shape_cast %parallel_loop3A_762 : vector<16xf32> to vector<1x16xf32>
        tpu.vector_store %arg16[%parallel_loop3A_763, %parallel_loop3A_764], %parallel_loop3A_767 {strides = array<i32>} : memref<80x144xf32, #tpu.memory_space<vmem>>, vector<1x16xf32>,
        %parallel_loop3A_768 = arith.index_cast %parallel_loop3A_682 : i32 to index
        %parallel_loop3A_769 = arith.constant 64 : index
        %parallel_loop3A_770 = tpu.vector_load %arg16[%parallel_loop3A_768, %parallel_loop3A_769] {strides = array<i32>} : memref<80x144xf32, #tpu.memory_space<vmem>>, vector<1x16xf32>,
        %parallel_loop3A_771 = vector.shape_cast %parallel_loop3A_770 : vector<1x16xf32> to vector<16xf32>
        %parallel_loop3A_772 = vector.broadcast %parallel_loop3A_717 : f32 to vector<16xf32>
        %parallel_loop3A_773 = arith.mulf %parallel_loop3A_771, %parallel_loop3A_772 : vector<16xf32>
        %parallel_loop3A_774 = arith.index_cast %parallel_loop3A_682 : i32 to index
        %parallel_loop3A_775 = arith.constant 64 : index
        %parallel_loop3A_776 = tpu.vector_load %arg16[%parallel_loop3A_774, %parallel_loop3A_775] {strides = array<i32>} : memref<80x144xf32, #tpu.memory_space<vmem>>, vector<1x16xf32>,
        %parallel_loop3A_777 = vector.shape_cast %parallel_loop3A_776 : vector<1x16xf32> to vector<16xf32>
        %parallel_loop3A_778 = vector.shape_cast %parallel_loop3A_773 : vector<16xf32> to vector<1x16xf32>
        tpu.vector_store %arg16[%parallel_loop3A_774, %parallel_loop3A_775], %parallel_loop3A_778 {strides = array<i32>} : memref<80x144xf32, #tpu.memory_space<vmem>>, vector<1x16xf32>,
        %parallel_loop3A_779 = arith.index_cast %parallel_loop3A_682 : i32 to index
        %parallel_loop3A_780 = arith.constant 80 : index
        %parallel_loop3A_781 = tpu.vector_load %arg16[%parallel_loop3A_779, %parallel_loop3A_780] {strides = array<i32>} : memref<80x144xf32, #tpu.memory_space<vmem>>, vector<1x16xf32>,
        %parallel_loop3A_782 = vector.shape_cast %parallel_loop3A_781 : vector<1x16xf32> to vector<16xf32>
        %parallel_loop3A_783 = vector.broadcast %parallel_loop3A_719 : f32 to vector<16xf32>
        %parallel_loop3A_784 = arith.mulf %parallel_loop3A_782, %parallel_loop3A_783 : vector<16xf32>
        %parallel_loop3A_785 = arith.index_cast %parallel_loop3A_682 : i32 to index
        %parallel_loop3A_786 = arith.constant 80 : index
        %parallel_loop3A_787 = tpu.vector_load %arg16[%parallel_loop3A_785, %parallel_loop3A_786] {strides = array<i32>} : memref<80x144xf32, #tpu.memory_space<vmem>>, vector<1x16xf32>,
        %parallel_loop3A_788 = vector.shape_cast %parallel_loop3A_787 : vector<1x16xf32> to vector<16xf32>
        %parallel_loop3A_789 = vector.shape_cast %parallel_loop3A_784 : vector<16xf32> to vector<1x16xf32>
        tpu.vector_store %arg16[%parallel_loop3A_785, %parallel_loop3A_786], %parallel_loop3A_789 {strides = array<i32>} : memref<80x144xf32, #tpu.memory_space<vmem>>, vector<1x16xf32>,
        %parallel_loop3A_790 = arith.index_cast %parallel_loop3A_682 : i32 to index
        %parallel_loop3A_791 = arith.constant 96 : index
        %parallel_loop3A_792 = tpu.vector_load %arg16[%parallel_loop3A_790, %parallel_loop3A_791] {strides = array<i32>} : memref<80x144xf32, #tpu.memory_space<vmem>>, vector<1x16xf32>,
        %parallel_loop3A_793 = vector.shape_cast %parallel_loop3A_792 : vector<1x16xf32> to vector<16xf32>
        %parallel_loop3A_794 = vector.broadcast %parallel_loop3A_721 : f32 to vector<16xf32>
        %parallel_loop3A_795 = arith.mulf %parallel_loop3A_793, %parallel_loop3A_794 : vector<16xf32>
        %parallel_loop3A_796 = arith.index_cast %parallel_loop3A_682 : i32 to index
        %parallel_loop3A_797 = arith.constant 96 : index
        %parallel_loop3A_798 = tpu.vector_load %arg16[%parallel_loop3A_796, %parallel_loop3A_797] {strides = array<i32>} : memref<80x144xf32, #tpu.memory_space<vmem>>, vector<1x16xf32>,
        %parallel_loop3A_799 = vector.shape_cast %parallel_loop3A_798 : vector<1x16xf32> to vector<16xf32>
        %parallel_loop3A_800 = vector.shape_cast %parallel_loop3A_795 : vector<16xf32> to vector<1x16xf32>
        tpu.vector_store %arg16[%parallel_loop3A_796, %parallel_loop3A_797], %parallel_loop3A_800 {strides = array<i32>} : memref<80x144xf32, #tpu.memory_space<vmem>>, vector<1x16xf32>,
        %parallel_loop3A_801 = arith.index_cast %parallel_loop3A_682 : i32 to index
        %parallel_loop3A_802 = arith.constant 112 : index
        %parallel_loop3A_803 = tpu.vector_load %arg16[%parallel_loop3A_801, %parallel_loop3A_802] {strides = array<i32>} : memref<80x144xf32, #tpu.memory_space<vmem>>, vector<1x16xf32>,
        %parallel_loop3A_804 = vector.shape_cast %parallel_loop3A_803 : vector<1x16xf32> to vector<16xf32>
        %parallel_loop3A_805 = vector.broadcast %parallel_loop3A_723 : f32 to vector<16xf32>
        %parallel_loop3A_806 = arith.mulf %parallel_loop3A_804, %parallel_loop3A_805 : vector<16xf32>
        %parallel_loop3A_807 = arith.index_cast %parallel_loop3A_682 : i32 to index
        %parallel_loop3A_808 = arith.constant 112 : index
        %parallel_loop3A_809 = tpu.vector_load %arg16[%parallel_loop3A_807, %parallel_loop3A_808] {strides = array<i32>} : memref<80x144xf32, #tpu.memory_space<vmem>>, vector<1x16xf32>,
        %parallel_loop3A_810 = vector.shape_cast %parallel_loop3A_809 : vector<1x16xf32> to vector<16xf32>
        %parallel_loop3A_811 = vector.shape_cast %parallel_loop3A_806 : vector<16xf32> to vector<1x16xf32>
        tpu.vector_store %arg16[%parallel_loop3A_807, %parallel_loop3A_808], %parallel_loop3A_811 {strides = array<i32>} : memref<80x144xf32, #tpu.memory_space<vmem>>, vector<1x16xf32>,
      } {sc.loop_unroll_factor = 4 : i64, sc.parallel_access}
      "tpu.region"() ({
        %run_scoped3A = tpu.sem_alloc : memref<!tpu.dma_semaphore, #tpu.memory_space<semaphore_mem>>
        %dma_start3A_682 = arith.constant 0 : i32
        %dma_start3A_683 = arith.constant 0 : i32
        %dma_start3A_684 = tpu.memref_slice %arg20[%dma_start3A_682, %dma_start3A_683] : memref<10240x144xf32, #tpu.memory_space<vmem_shared>> -> memref<10240x144xf32, #tpu.memory_space<vmem_shared>>
        tpu.enqueue_indirect_dma source(%arg16 : memref<80x144xf32, #tpu.memory_space<vmem>>) target(%dma_start3A_684 : memref<10240x144xf32, #tpu.memory_space<vmem_shared>>) offsets(%arg13 : memref<80xi32, #tpu.memory_space<vmem>>) semaphore(%run_scoped3A : memref<!tpu.dma_semaphore, #tpu.memory_space<semaphore_mem>>) {add = true}
        %dma_wait3A_685 = arith.constant 0 : i32
        %dma_wait3A_686 = arith.constant 0 : i32
        %dma_wait3A_687 = tpu.memref_slice %arg20[%dma_wait3A_685, %dma_wait3A_686] : memref<10240x144xf32, #tpu.memory_space<vmem_shared>> -> memref<10240x144xf32, #tpu.memory_space<vmem_shared>>
        tpu.wait_indirect_dma semaphore(%run_scoped3A : memref<!tpu.dma_semaphore, #tpu.memory_space<semaphore_mem>>) src(%arg16 : memref<80x144xf32, #tpu.memory_space<vmem>>) dst(%dma_wait3A_687 : memref<10240x144xf32, #tpu.memory_space<vmem_shared>>)
        tpu.yield
      }) : () -> ()
      %add3A_571 = arith.constant 1 : i32
      %add3A_572 = arith.addi %mul3A_461, %add3A_571 : i32
      %dma_wait3A_573 = arith.constant 0 : i32
      %dma_wait3A_574 = arith.constant 0 : i32
      %dma_wait3A_575 = tpu.memref_slice %arg2[%dma_wait3A_573, %dma_wait3A_574] : memref<10000x144xf32, #tpu.memory_space<hbm>> -> memref<10000x144xf32, #tpu.memory_space<hbm>>
      tpu.wait_indirect_dma semaphore(%arg23 : memref<!tpu.dma_semaphore, #tpu.memory_space<semaphore_mem>>) src(%dma_wait3A_575 : memref<10000x144xf32, #tpu.memory_space<hbm>>) dst(%arg18 : memref<80x144xf32, #tpu.memory_space<vmem>>)
      %dma_wait3A_576 = arith.constant 0 : i32
      %dma_wait3A_577 = arith.constant 0 : i32
      %dma_wait3A_578 = tpu.memref_slice %arg3[%dma_wait3A_576, %dma_wait3A_577] : memref<10000x16xf32, #tpu.memory_space<hbm>> -> memref<10000x16xf32, #tpu.memory_space<hbm>>
      tpu.wait_indirect_dma semaphore(%arg24 : memref<!tpu.dma_semaphore, #tpu.memory_space<semaphore_mem>>) src(%dma_wait3A_578 : memref<10000x16xf32, #tpu.memory_space<hbm>>) dst(%arg19 : memref<80x16xf32, #tpu.memory_space<vmem>>)
      %add3A_579 = arith.constant 1 : i32
      %add3A_580 = arith.addi %add3A_572, %add3A_579 : i32
      %min3A_581 = arith.constant 124 : i32
      %min3A_582 = arith.minsi %add3A_580, %min3A_581 : i32
      %get3A_583 = arith.index_cast %min3A_582 : i32 to index
      %get3A_584 = arith.constant 0 : index
      %get3A_585 = tpu.vector_load %arg11[%get3A_583, %get3A_584] {strides = array<i32>} : memref<125x80xi32, #tpu.memory_space<vmem>>, vector<1x16xi32>,
      %get3A_586 = vector.shape_cast %get3A_585 : vector<1x16xi32> to vector<16xi32>
      %shift_right_logical3A_587 = arith.constant 14 : i32
      %shift_right_logical3A_588 = vector.broadcast %shift_right_logical3A_587 : i32 to vector<16xi32>
      %shift_right_logical3A_589 = arith.shrui %get3A_586, %shift_right_logical3A_588 : vector<16xi32>
      %swap3A_590 = arith.constant 0 : index
      %swap3A_591 = tpu.vector_load %arg12[%swap3A_590] {strides = array<i32>} : memref<80xi32, #tpu.memory_space<vmem>>, vector<16xi32>,
      %swap3A_592 = vector.shape_cast %swap3A_591 : vector<16xi32> to vector<16xi32>
      %swap3A_593 = vector.shape_cast %shift_right_logical3A_589 : vector<16xi32> to vector<16xi32>
      tpu.vector_store %arg12[%swap3A_590], %swap3A_593 {strides = array<i32>} : memref<80xi32, #tpu.memory_space<vmem>>, vector<16xi32>,
      %and3A_594 = arith.constant 16383 : i32
      %and3A_595 = vector.broadcast %and3A_594 : i32 to vector<16xi32>
      %and3A_596 = arith.andi %get3A_586, %and3A_595 : vector<16xi32>
      %swap3A_597 = arith.constant 0 : index
      %swap3A_598 = tpu.vector_load %arg13[%swap3A_597] {strides = array<i32>} : memref<80xi32, #tpu.memory_space<vmem>>, vector<16xi32>,
      %swap3A_599 = vector.shape_cast %swap3A_598 : vector<16xi32> to vector<16xi32>
      %swap3A_600 = vector.shape_cast %and3A_596 : vector<16xi32> to vector<16xi32>
      tpu.vector_store %arg13[%swap3A_597], %swap3A_600 {strides = array<i32>} : memref<80xi32, #tpu.memory_space<vmem>>, vector<16xi32>,
      %get3A_601 = arith.index_cast %min3A_582 : i32 to index
      %get3A_602 = arith.constant 16 : index
      %get3A_603 = tpu.vector_load %arg11[%get3A_601, %get3A_602] {strides = array<i32>} : memref<125x80xi32, #tpu.memory_space<vmem>>, vector<1x16xi32>,
      %get3A_604 = vector.shape_cast %get3A_603 : vector<1x16xi32> to vector<16xi32>
      %shift_right_logical3A_605 = arith.constant 14 : i32
      %shift_right_logical3A_606 = vector.broadcast %shift_right_logical3A_605 : i32 to vector<16xi32>
      %shift_right_logical3A_607 = arith.shrui %get3A_604, %shift_right_logical3A_606 : vector<16xi32>
      %swap3A_608 = arith.constant 16 : index
      %swap3A_609 = tpu.vector_load %arg12[%swap3A_608] {strides = array<i32>} : memref<80xi32, #tpu.memory_space<vmem>>, vector<16xi32>,
      %swap3A_610 = vector.shape_cast %swap3A_609 : vector<16xi32> to vector<16xi32>
      %swap3A_611 = vector.shape_cast %shift_right_logical3A_607 : vector<16xi32> to vector<16xi32>
      tpu.vector_store %arg12[%swap3A_608], %swap3A_611 {strides = array<i32>} : memref<80xi32, #tpu.memory_space<vmem>>, vector<16xi32>,
      %and3A_612 = arith.constant 16383 : i32
      %and3A_613 = vector.broadcast %and3A_612 : i32 to vector<16xi32>
      %and3A_614 = arith.andi %get3A_604, %and3A_613 : vector<16xi32>
      %swap3A_615 = arith.constant 16 : index
      %swap3A_616 = tpu.vector_load %arg13[%swap3A_615] {strides = array<i32>} : memref<80xi32, #tpu.memory_space<vmem>>, vector<16xi32>,
      %swap3A_617 = vector.shape_cast %swap3A_616 : vector<16xi32> to vector<16xi32>
      %swap3A_618 = vector.shape_cast %and3A_614 : vector<16xi32> to vector<16xi32>
      tpu.vector_store %arg13[%swap3A_615], %swap3A_618 {strides = array<i32>} : memref<80xi32, #tpu.memory_space<vmem>>, vector<16xi32>,
      %get3A_619 = arith.index_cast %min3A_582 : i32 to index
      %get3A_620 = arith.constant 32 : index
      %get3A_621 = tpu.vector_load %arg11[%get3A_619, %get3A_620] {strides = array<i32>} : memref<125x80xi32, #tpu.memory_space<vmem>>, vector<1x16xi32>,
      %get3A_622 = vector.shape_cast %get3A_621 : vector<1x16xi32> to vector<16xi32>
      %shift_right_logical3A_623 = arith.constant 14 : i32
      %shift_right_logical3A_624 = vector.broadcast %shift_right_logical3A_623 : i32 to vector<16xi32>
      %shift_right_logical3A_625 = arith.shrui %get3A_622, %shift_right_logical3A_624 : vector<16xi32>
      %swap3A_626 = arith.constant 32 : index
      %swap3A_627 = tpu.vector_load %arg12[%swap3A_626] {strides = array<i32>} : memref<80xi32, #tpu.memory_space<vmem>>, vector<16xi32>,
      %swap3A_628 = vector.shape_cast %swap3A_627 : vector<16xi32> to vector<16xi32>
      %swap3A_629 = vector.shape_cast %shift_right_logical3A_625 : vector<16xi32> to vector<16xi32>
      tpu.vector_store %arg12[%swap3A_626], %swap3A_629 {strides = array<i32>} : memref<80xi32, #tpu.memory_space<vmem>>, vector<16xi32>,
      %and3A_630 = arith.constant 16383 : i32
      %and3A_631 = vector.broadcast %and3A_630 : i32 to vector<16xi32>
      %and3A_632 = arith.andi %get3A_622, %and3A_631 : vector<16xi32>
      %swap3A_633 = arith.constant 32 : index
      %swap3A_634 = tpu.vector_load %arg13[%swap3A_633] {strides = array<i32>} : memref<80xi32, #tpu.memory_space<vmem>>, vector<16xi32>,
      %swap3A_635 = vector.shape_cast %swap3A_634 : vector<16xi32> to vector<16xi32>
      %swap3A_636 = vector.shape_cast %and3A_632 : vector<16xi32> to vector<16xi32>
      tpu.vector_store %arg13[%swap3A_633], %swap3A_636 {strides = array<i32>} : memref<80xi32, #tpu.memory_space<vmem>>, vector<16xi32>,
      %get3A_637 = arith.index_cast %min3A_582 : i32 to index
      %get3A_638 = arith.constant 48 : index
      %get3A_639 = tpu.vector_load %arg11[%get3A_637, %get3A_638] {strides = array<i32>} : memref<125x80xi32, #tpu.memory_space<vmem>>, vector<1x16xi32>,
      %get3A_640 = vector.shape_cast %get3A_639 : vector<1x16xi32> to vector<16xi32>
      %shift_right_logical3A_641 = arith.constant 14 : i32
      %shift_right_logical3A_642 = vector.broadcast %shift_right_logical3A_641 : i32 to vector<16xi32>
      %shift_right_logical3A_643 = arith.shrui %get3A_640, %shift_right_logical3A_642 : vector<16xi32>
      %swap3A_644 = arith.constant 48 : index
      %swap3A_645 = tpu.vector_load %arg12[%swap3A_644] {strides = array<i32>} : memref<80xi32, #tpu.memory_space<vmem>>, vector<16xi32>,
      %swap3A_646 = vector.shape_cast %swap3A_645 : vector<16xi32> to vector<16xi32>
      %swap3A_647 = vector.shape_cast %shift_right_logical3A_643 : vector<16xi32> to vector<16xi32>
      tpu.vector_store %arg12[%swap3A_644], %swap3A_647 {strides = array<i32>} : memref<80xi32, #tpu.memory_space<vmem>>, vector<16xi32>,
      %and3A_648 = arith.constant 16383 : i32
      %and3A_649 = vector.broadcast %and3A_648 : i32 to vector<16xi32>
      %and3A_650 = arith.andi %get3A_640, %and3A_649 : vector<16xi32>
      %swap3A_651 = arith.constant 48 : index
      %swap3A_652 = tpu.vector_load %arg13[%swap3A_651] {strides = array<i32>} : memref<80xi32, #tpu.memory_space<vmem>>, vector<16xi32>,
      %swap3A_653 = vector.shape_cast %swap3A_652 : vector<16xi32> to vector<16xi32>
      %swap3A_654 = vector.shape_cast %and3A_650 : vector<16xi32> to vector<16xi32>
      tpu.vector_store %arg13[%swap3A_651], %swap3A_654 {strides = array<i32>} : memref<80xi32, #tpu.memory_space<vmem>>, vector<16xi32>,
      %get3A_655 = arith.index_cast %min3A_582 : i32 to index
      %get3A_656 = arith.constant 64 : index
      %get3A_657 = tpu.vector_load %arg11[%get3A_655, %get3A_656] {strides = array<i32>} : memref<125x80xi32, #tpu.memory_space<vmem>>, vector<1x16xi32>,
      %get3A_658 = vector.shape_cast %get3A_657 : vector<1x16xi32> to vector<16xi32>
      %shift_right_logical3A_659 = arith.constant 14 : i32
      %shift_right_logical3A_660 = vector.broadcast %shift_right_logical3A_659 : i32 to vector<16xi32>
      %shift_right_logical3A_661 = arith.shrui %get3A_658, %shift_right_logical3A_660 : vector<16xi32>
      %swap3A_662 = arith.constant 64 : index
      %swap3A_663 = tpu.vector_load %arg12[%swap3A_662] {strides = array<i32>} : memref<80xi32, #tpu.memory_space<vmem>>, vector<16xi32>,
      %swap3A_664 = vector.shape_cast %swap3A_663 : vector<16xi32> to vector<16xi32>
      %swap3A_665 = vector.shape_cast %shift_right_logical3A_661 : vector<16xi32> to vector<16xi32>
      tpu.vector_store %arg12[%swap3A_662], %swap3A_665 {strides = array<i32>} : memref<80xi32, #tpu.memory_space<vmem>>, vector<16xi32>,
      %and3A_666 = arith.constant 16383 : i32
      %and3A_667 = vector.broadcast %and3A_666 : i32 to vector<16xi32>
      %and3A_668 = arith.andi %get3A_658, %and3A_667 : vector<16xi32>
      %swap3A_669 = arith.constant 64 : index
      %swap3A_670 = tpu.vector_load %arg13[%swap3A_669] {strides = array<i32>} : memref<80xi32, #tpu.memory_space<vmem>>, vector<16xi32>,
      %swap3A_671 = vector.shape_cast %swap3A_670 : vector<16xi32> to vector<16xi32>
      %swap3A_672 = vector.shape_cast %and3A_668 : vector<16xi32> to vector<16xi32>
      tpu.vector_store %arg13[%swap3A_669], %swap3A_672 {strides = array<i32>} : memref<80xi32, #tpu.memory_space<vmem>>, vector<16xi32>,
      %dma_start3A_673 = arith.constant 0 : i32
      %dma_start3A_674 = arith.constant 0 : i32
      %dma_start3A_675 = tpu.memref_slice %arg2[%dma_start3A_673, %dma_start3A_674] : memref<10000x144xf32, #tpu.memory_space<hbm>> -> memref<10000x144xf32, #tpu.memory_space<hbm>>
      tpu.enqueue_indirect_dma source(%dma_start3A_675 : memref<10000x144xf32, #tpu.memory_space<hbm>>) target(%arg16 : memref<80x144xf32, #tpu.memory_space<vmem>>) offsets(%arg12 : memref<80xi32, #tpu.memory_space<vmem>>) semaphore(%arg21 : memref<!tpu.dma_semaphore, #tpu.memory_space<semaphore_mem>>)
      %dma_start3A_676 = arith.constant 0 : i32
      %dma_start3A_677 = arith.constant 0 : i32
      %dma_start3A_678 = tpu.memref_slice %arg3[%dma_start3A_676, %dma_start3A_677] : memref<10000x16xf32, #tpu.memory_space<hbm>> -> memref<10000x16xf32, #tpu.memory_space<hbm>>
      tpu.enqueue_indirect_dma source(%dma_start3A_678 : memref<10000x16xf32, #tpu.memory_space<hbm>>) target(%arg17 : memref<80x16xf32, #tpu.memory_space<vmem>>) offsets(%arg13 : memref<80xi32, #tpu.memory_space<vmem>>) semaphore(%arg22 : memref<!tpu.dma_semaphore, #tpu.memory_space<semaphore_mem>>)
      %parallel_loop3A_679 = arith.constant 0 : i32
      %parallel_loop3A_680 = arith.constant 80 : i32
      %parallel_loop3A_681 = arith.constant 1 : i32
      scf.for %parallel_loop3A_682 = %parallel_loop3A_679 to %parallel_loop3A_680 step %parallel_loop3A_681  : i32 {
        %parallel_loop3A_683 = arith.index_cast %parallel_loop3A_682 : i32 to index
        %parallel_loop3A_684 = arith.constant 128 : index
        %parallel_loop3A_685 = tpu.vector_load %arg18[%parallel_loop3A_683, %parallel_loop3A_684] {strides = array<i32>} : memref<80x144xf32, #tpu.memory_space<vmem>>, vector<1x16xf32>,
        %parallel_loop3A_686 = vector.shape_cast %parallel_loop3A_685 : vector<1x16xf32> to vector<16xf32>
        %parallel_loop3A_687 = arith.index_cast %parallel_loop3A_682 : i32 to index
        %parallel_loop3A_688 = arith.constant 0 : index
        %parallel_loop3A_689 = tpu.vector_load %arg19[%parallel_loop3A_687, %parallel_loop3A_688] {strides = array<i32>} : memref<80x16xf32, #tpu.memory_space<vmem>>, vector<1x16xf32>,
        %parallel_loop3A_690 = vector.shape_cast %parallel_loop3A_689 : vector<1x16xf32> to vector<16xf32>
        %parallel_loop3A_691 = arith.addf %parallel_loop3A_686, %parallel_loop3A_690 : vector<16xf32>
        %parallel_loop3A_692 = arith.constant 0.000000e+00 : f32
        %parallel_loop3A_693 = vector.broadcast %parallel_loop3A_692 : f32 to vector<16xf32>
        %parallel_loop3A_694 = arith.cmpf oge, %parallel_loop3A_691, %parallel_loop3A_693 : vector<16xf32>
        %parallel_loop3A_695 = arith.constant 2.000000e-01 : f32
        %parallel_loop3A_696 = vector.broadcast %parallel_loop3A_695 : f32 to vector<16xf32>
        %parallel_loop3A_697 = arith.mulf %parallel_loop3A_696, %parallel_loop3A_691 : vector<16xf32>
        %parallel_loop3A_698 = arith.select %parallel_loop3A_694, %parallel_loop3A_691, %parallel_loop3A_697 : vector<16xi1>, vector<16xf32>
        %parallel_loop3A_699 = math.exp %parallel_loop3A_698 : vector<16xf32>
        %parallel_loop3A_700 = arith.constant 0.000000e+00 : f32
        %parallel_loop3A_701 = vector.broadcast %parallel_loop3A_700 : f32 to vector<16xf32>
        %parallel_loop3A_702 = arith.select %lt3A_2, %parallel_loop3A_699, %parallel_loop3A_701 : vector<16xi1>, vector<16xf32>
        %parallel_loop3A_703 = arith.index_cast %parallel_loop3A_682 : i32 to index
        %parallel_loop3A_704 = arith.constant 128 : index
        %parallel_loop3A_705 = tpu.vector_load %arg18[%parallel_loop3A_703, %parallel_loop3A_704] {strides = array<i32>} : memref<80x144xf32, #tpu.memory_space<vmem>>, vector<1x16xf32>,
        %parallel_loop3A_706 = vector.shape_cast %parallel_loop3A_705 : vector<1x16xf32> to vector<16xf32>
        %parallel_loop3A_707 = vector.shape_cast %parallel_loop3A_702 : vector<16xf32> to vector<1x16xf32>
        tpu.vector_store %arg18[%parallel_loop3A_703, %parallel_loop3A_704], %parallel_loop3A_707 {strides = array<i32>} : memref<80x144xf32, #tpu.memory_space<vmem>>, vector<1x16xf32>,
        %parallel_loop3A_708 = vector.extract_strided_slice %parallel_loop3A_702 {offsets = [0], sizes = [1], strides = [1]} : vector<16xf32> to vector<1xf32>
        %parallel_loop3A_709 = vector.extract %parallel_loop3A_708[0] : f32 from vector<1xf32>
        %parallel_loop3A_710 = vector.extract_strided_slice %parallel_loop3A_702 {offsets = [0], sizes = [1], strides = [1]} : vector<16xf32> to vector<1xf32>
        %parallel_loop3A_711 = vector.extract %parallel_loop3A_710[0] : f32 from vector<1xf32>
        %parallel_loop3A_712 = vector.extract_strided_slice %parallel_loop3A_702 {offsets = [1], sizes = [1], strides = [1]} : vector<16xf32> to vector<1xf32>
        %parallel_loop3A_713 = vector.extract %parallel_loop3A_712[0] : f32 from vector<1xf32>
        %parallel_loop3A_714 = vector.extract_strided_slice %parallel_loop3A_702 {offsets = [1], sizes = [1], strides = [1]} : vector<16xf32> to vector<1xf32>
        %parallel_loop3A_715 = vector.extract %parallel_loop3A_714[0] : f32 from vector<1xf32>
        %parallel_loop3A_716 = vector.extract_strided_slice %parallel_loop3A_702 {offsets = [2], sizes = [1], strides = [1]} : vector<16xf32> to vector<1xf32>
        %parallel_loop3A_717 = vector.extract %parallel_loop3A_716[0] : f32 from vector<1xf32>
        %parallel_loop3A_718 = vector.extract_strided_slice %parallel_loop3A_702 {offsets = [2], sizes = [1], strides = [1]} : vector<16xf32> to vector<1xf32>
        %parallel_loop3A_719 = vector.extract %parallel_loop3A_718[0] : f32 from vector<1xf32>
        %parallel_loop3A_720 = vector.extract_strided_slice %parallel_loop3A_702 {offsets = [3], sizes = [1], strides = [1]} : vector<16xf32> to vector<1xf32>
        %parallel_loop3A_721 = vector.extract %parallel_loop3A_720[0] : f32 from vector<1xf32>
        %parallel_loop3A_722 = vector.extract_strided_slice %parallel_loop3A_702 {offsets = [3], sizes = [1], strides = [1]} : vector<16xf32> to vector<1xf32>
        %parallel_loop3A_723 = vector.extract %parallel_loop3A_722[0] : f32 from vector<1xf32>
        %parallel_loop3A_724 = arith.index_cast %parallel_loop3A_682 : i32 to index
        %parallel_loop3A_725 = arith.constant 0 : index
        %parallel_loop3A_726 = tpu.vector_load %arg18[%parallel_loop3A_724, %parallel_loop3A_725] {strides = array<i32>} : memref<80x144xf32, #tpu.memory_space<vmem>>, vector<1x16xf32>,
        %parallel_loop3A_727 = vector.shape_cast %parallel_loop3A_726 : vector<1x16xf32> to vector<16xf32>
        %parallel_loop3A_728 = vector.broadcast %parallel_loop3A_709 : f32 to vector<16xf32>
        %parallel_loop3A_729 = arith.mulf %parallel_loop3A_727, %parallel_loop3A_728 : vector<16xf32>
        %parallel_loop3A_730 = arith.index_cast %parallel_loop3A_682 : i32 to index
        %parallel_loop3A_731 = arith.constant 0 : index
        %parallel_loop3A_732 = tpu.vector_load %arg18[%parallel_loop3A_730, %parallel_loop3A_731] {strides = array<i32>} : memref<80x144xf32, #tpu.memory_space<vmem>>, vector<1x16xf32>,
        %parallel_loop3A_733 = vector.shape_cast %parallel_loop3A_732 : vector<1x16xf32> to vector<16xf32>
        %parallel_loop3A_734 = vector.shape_cast %parallel_loop3A_729 : vector<16xf32> to vector<1x16xf32>
        tpu.vector_store %arg18[%parallel_loop3A_730, %parallel_loop3A_731], %parallel_loop3A_734 {strides = array<i32>} : memref<80x144xf32, #tpu.memory_space<vmem>>, vector<1x16xf32>,
        %parallel_loop3A_735 = arith.index_cast %parallel_loop3A_682 : i32 to index
        %parallel_loop3A_736 = arith.constant 16 : index
        %parallel_loop3A_737 = tpu.vector_load %arg18[%parallel_loop3A_735, %parallel_loop3A_736] {strides = array<i32>} : memref<80x144xf32, #tpu.memory_space<vmem>>, vector<1x16xf32>,
        %parallel_loop3A_738 = vector.shape_cast %parallel_loop3A_737 : vector<1x16xf32> to vector<16xf32>
        %parallel_loop3A_739 = vector.broadcast %parallel_loop3A_711 : f32 to vector<16xf32>
        %parallel_loop3A_740 = arith.mulf %parallel_loop3A_738, %parallel_loop3A_739 : vector<16xf32>
        %parallel_loop3A_741 = arith.index_cast %parallel_loop3A_682 : i32 to index
        %parallel_loop3A_742 = arith.constant 16 : index
        %parallel_loop3A_743 = tpu.vector_load %arg18[%parallel_loop3A_741, %parallel_loop3A_742] {strides = array<i32>} : memref<80x144xf32, #tpu.memory_space<vmem>>, vector<1x16xf32>,
        %parallel_loop3A_744 = vector.shape_cast %parallel_loop3A_743 : vector<1x16xf32> to vector<16xf32>
        %parallel_loop3A_745 = vector.shape_cast %parallel_loop3A_740 : vector<16xf32> to vector<1x16xf32>
        tpu.vector_store %arg18[%parallel_loop3A_741, %parallel_loop3A_742], %parallel_loop3A_745 {strides = array<i32>} : memref<80x144xf32, #tpu.memory_space<vmem>>, vector<1x16xf32>,
        %parallel_loop3A_746 = arith.index_cast %parallel_loop3A_682 : i32 to index
        %parallel_loop3A_747 = arith.constant 32 : index
        %parallel_loop3A_748 = tpu.vector_load %arg18[%parallel_loop3A_746, %parallel_loop3A_747] {strides = array<i32>} : memref<80x144xf32, #tpu.memory_space<vmem>>, vector<1x16xf32>,
        %parallel_loop3A_749 = vector.shape_cast %parallel_loop3A_748 : vector<1x16xf32> to vector<16xf32>
        %parallel_loop3A_750 = vector.broadcast %parallel_loop3A_713 : f32 to vector<16xf32>
        %parallel_loop3A_751 = arith.mulf %parallel_loop3A_749, %parallel_loop3A_750 : vector<16xf32>
        %parallel_loop3A_752 = arith.index_cast %parallel_loop3A_682 : i32 to index
        %parallel_loop3A_753 = arith.constant 32 : index
        %parallel_loop3A_754 = tpu.vector_load %arg18[%parallel_loop3A_752, %parallel_loop3A_753] {strides = array<i32>} : memref<80x144xf32, #tpu.memory_space<vmem>>, vector<1x16xf32>,
        %parallel_loop3A_755 = vector.shape_cast %parallel_loop3A_754 : vector<1x16xf32> to vector<16xf32>
        %parallel_loop3A_756 = vector.shape_cast %parallel_loop3A_751 : vector<16xf32> to vector<1x16xf32>
        tpu.vector_store %arg18[%parallel_loop3A_752, %parallel_loop3A_753], %parallel_loop3A_756 {strides = array<i32>} : memref<80x144xf32, #tpu.memory_space<vmem>>, vector<1x16xf32>,
        %parallel_loop3A_757 = arith.index_cast %parallel_loop3A_682 : i32 to index
        %parallel_loop3A_758 = arith.constant 48 : index
        %parallel_loop3A_759 = tpu.vector_load %arg18[%parallel_loop3A_757, %parallel_loop3A_758] {strides = array<i32>} : memref<80x144xf32, #tpu.memory_space<vmem>>, vector<1x16xf32>,
        %parallel_loop3A_760 = vector.shape_cast %parallel_loop3A_759 : vector<1x16xf32> to vector<16xf32>
        %parallel_loop3A_761 = vector.broadcast %parallel_loop3A_715 : f32 to vector<16xf32>
        %parallel_loop3A_762 = arith.mulf %parallel_loop3A_760, %parallel_loop3A_761 : vector<16xf32>
        %parallel_loop3A_763 = arith.index_cast %parallel_loop3A_682 : i32 to index
        %parallel_loop3A_764 = arith.constant 48 : index
        %parallel_loop3A_765 = tpu.vector_load %arg18[%parallel_loop3A_763, %parallel_loop3A_764] {strides = array<i32>} : memref<80x144xf32, #tpu.memory_space<vmem>>, vector<1x16xf32>,
        %parallel_loop3A_766 = vector.shape_cast %parallel_loop3A_765 : vector<1x16xf32> to vector<16xf32>
        %parallel_loop3A_767 = vector.shape_cast %parallel_loop3A_762 : vector<16xf32> to vector<1x16xf32>
        tpu.vector_store %arg18[%parallel_loop3A_763, %parallel_loop3A_764], %parallel_loop3A_767 {strides = array<i32>} : memref<80x144xf32, #tpu.memory_space<vmem>>, vector<1x16xf32>,
        %parallel_loop3A_768 = arith.index_cast %parallel_loop3A_682 : i32 to index
        %parallel_loop3A_769 = arith.constant 64 : index
        %parallel_loop3A_770 = tpu.vector_load %arg18[%parallel_loop3A_768, %parallel_loop3A_769] {strides = array<i32>} : memref<80x144xf32, #tpu.memory_space<vmem>>, vector<1x16xf32>,
        %parallel_loop3A_771 = vector.shape_cast %parallel_loop3A_770 : vector<1x16xf32> to vector<16xf32>
        %parallel_loop3A_772 = vector.broadcast %parallel_loop3A_717 : f32 to vector<16xf32>
        %parallel_loop3A_773 = arith.mulf %parallel_loop3A_771, %parallel_loop3A_772 : vector<16xf32>
        %parallel_loop3A_774 = arith.index_cast %parallel_loop3A_682 : i32 to index
        %parallel_loop3A_775 = arith.constant 64 : index
        %parallel_loop3A_776 = tpu.vector_load %arg18[%parallel_loop3A_774, %parallel_loop3A_775] {strides = array<i32>} : memref<80x144xf32, #tpu.memory_space<vmem>>, vector<1x16xf32>,
        %parallel_loop3A_777 = vector.shape_cast %parallel_loop3A_776 : vector<1x16xf32> to vector<16xf32>
        %parallel_loop3A_778 = vector.shape_cast %parallel_loop3A_773 : vector<16xf32> to vector<1x16xf32>
        tpu.vector_store %arg18[%parallel_loop3A_774, %parallel_loop3A_775], %parallel_loop3A_778 {strides = array<i32>} : memref<80x144xf32, #tpu.memory_space<vmem>>, vector<1x16xf32>,
        %parallel_loop3A_779 = arith.index_cast %parallel_loop3A_682 : i32 to index
        %parallel_loop3A_780 = arith.constant 80 : index
        %parallel_loop3A_781 = tpu.vector_load %arg18[%parallel_loop3A_779, %parallel_loop3A_780] {strides = array<i32>} : memref<80x144xf32, #tpu.memory_space<vmem>>, vector<1x16xf32>,
        %parallel_loop3A_782 = vector.shape_cast %parallel_loop3A_781 : vector<1x16xf32> to vector<16xf32>
        %parallel_loop3A_783 = vector.broadcast %parallel_loop3A_719 : f32 to vector<16xf32>
        %parallel_loop3A_784 = arith.mulf %parallel_loop3A_782, %parallel_loop3A_783 : vector<16xf32>
        %parallel_loop3A_785 = arith.index_cast %parallel_loop3A_682 : i32 to index
        %parallel_loop3A_786 = arith.constant 80 : index
        %parallel_loop3A_787 = tpu.vector_load %arg18[%parallel_loop3A_785, %parallel_loop3A_786] {strides = array<i32>} : memref<80x144xf32, #tpu.memory_space<vmem>>, vector<1x16xf32>,
        %parallel_loop3A_788 = vector.shape_cast %parallel_loop3A_787 : vector<1x16xf32> to vector<16xf32>
        %parallel_loop3A_789 = vector.shape_cast %parallel_loop3A_784 : vector<16xf32> to vector<1x16xf32>
        tpu.vector_store %arg18[%parallel_loop3A_785, %parallel_loop3A_786], %parallel_loop3A_789 {strides = array<i32>} : memref<80x144xf32, #tpu.memory_space<vmem>>, vector<1x16xf32>,
        %parallel_loop3A_790 = arith.index_cast %parallel_loop3A_682 : i32 to index
        %parallel_loop3A_791 = arith.constant 96 : index
        %parallel_loop3A_792 = tpu.vector_load %arg18[%parallel_loop3A_790, %parallel_loop3A_791] {strides = array<i32>} : memref<80x144xf32, #tpu.memory_space<vmem>>, vector<1x16xf32>,
        %parallel_loop3A_793 = vector.shape_cast %parallel_loop3A_792 : vector<1x16xf32> to vector<16xf32>
        %parallel_loop3A_794 = vector.broadcast %parallel_loop3A_721 : f32 to vector<16xf32>
        %parallel_loop3A_795 = arith.mulf %parallel_loop3A_793, %parallel_loop3A_794 : vector<16xf32>
        %parallel_loop3A_796 = arith.index_cast %parallel_loop3A_682 : i32 to index
        %parallel_loop3A_797 = arith.constant 96 : index
        %parallel_loop3A_798 = tpu.vector_load %arg18[%parallel_loop3A_796, %parallel_loop3A_797] {strides = array<i32>} : memref<80x144xf32, #tpu.memory_space<vmem>>, vector<1x16xf32>,
        %parallel_loop3A_799 = vector.shape_cast %parallel_loop3A_798 : vector<1x16xf32> to vector<16xf32>
        %parallel_loop3A_800 = vector.shape_cast %parallel_loop3A_795 : vector<16xf32> to vector<1x16xf32>
        tpu.vector_store %arg18[%parallel_loop3A_796, %parallel_loop3A_797], %parallel_loop3A_800 {strides = array<i32>} : memref<80x144xf32, #tpu.memory_space<vmem>>, vector<1x16xf32>,
        %parallel_loop3A_801 = arith.index_cast %parallel_loop3A_682 : i32 to index
        %parallel_loop3A_802 = arith.constant 112 : index
        %parallel_loop3A_803 = tpu.vector_load %arg18[%parallel_loop3A_801, %parallel_loop3A_802] {strides = array<i32>} : memref<80x144xf32, #tpu.memory_space<vmem>>, vector<1x16xf32>,
        %parallel_loop3A_804 = vector.shape_cast %parallel_loop3A_803 : vector<1x16xf32> to vector<16xf32>
        %parallel_loop3A_805 = vector.broadcast %parallel_loop3A_723 : f32 to vector<16xf32>
        %parallel_loop3A_806 = arith.mulf %parallel_loop3A_804, %parallel_loop3A_805 : vector<16xf32>
        %parallel_loop3A_807 = arith.index_cast %parallel_loop3A_682 : i32 to index
        %parallel_loop3A_808 = arith.constant 112 : index
        %parallel_loop3A_809 = tpu.vector_load %arg18[%parallel_loop3A_807, %parallel_loop3A_808] {strides = array<i32>} : memref<80x144xf32, #tpu.memory_space<vmem>>, vector<1x16xf32>,
        %parallel_loop3A_810 = vector.shape_cast %parallel_loop3A_809 : vector<1x16xf32> to vector<16xf32>
        %parallel_loop3A_811 = vector.shape_cast %parallel_loop3A_806 : vector<16xf32> to vector<1x16xf32>
        tpu.vector_store %arg18[%parallel_loop3A_807, %parallel_loop3A_808], %parallel_loop3A_811 {strides = array<i32>} : memref<80x144xf32, #tpu.memory_space<vmem>>, vector<1x16xf32>,
      } {sc.loop_unroll_factor = 4 : i64, sc.parallel_access}
      "tpu.region"() ({
        %run_scoped3A = tpu.sem_alloc : memref<!tpu.dma_semaphore, #tpu.memory_space<semaphore_mem>>
        %dma_start3A_682 = arith.constant 0 : i32
        %dma_start3A_683 = arith.constant 0 : i32
        %dma_start3A_684 = tpu.memref_slice %arg20[%dma_start3A_682, %dma_start3A_683] : memref<10240x144xf32, #tpu.memory_space<vmem_shared>> -> memref<10240x144xf32, #tpu.memory_space<vmem_shared>>
        tpu.enqueue_indirect_dma source(%arg18 : memref<80x144xf32, #tpu.memory_space<vmem>>) target(%dma_start3A_684 : memref<10240x144xf32, #tpu.memory_space<vmem_shared>>) offsets(%arg15 : memref<80xi32, #tpu.memory_space<vmem>>) semaphore(%run_scoped3A : memref<!tpu.dma_semaphore, #tpu.memory_space<semaphore_mem>>) {add = true}
        %dma_wait3A_685 = arith.constant 0 : i32
        %dma_wait3A_686 = arith.constant 0 : i32
        %dma_wait3A_687 = tpu.memref_slice %arg20[%dma_wait3A_685, %dma_wait3A_686] : memref<10240x144xf32, #tpu.memory_space<vmem_shared>> -> memref<10240x144xf32, #tpu.memory_space<vmem_shared>>
        tpu.wait_indirect_dma semaphore(%run_scoped3A : memref<!tpu.dma_semaphore, #tpu.memory_space<semaphore_mem>>) src(%arg18 : memref<80x144xf32, #tpu.memory_space<vmem>>) dst(%dma_wait3A_687 : memref<10240x144xf32, #tpu.memory_space<vmem_shared>>)
        tpu.yield
      }) : () -> ()
    }
    %scan3A_107 = arith.constant 62 : i32
    %dma_wait3A = arith.constant 0 : i32
    %dma_wait3A_108 = arith.constant 0 : i32
    %dma_wait3A_109 = tpu.memref_slice %arg2[%dma_wait3A, %dma_wait3A_108] : memref<10000x144xf32, #tpu.memory_space<hbm>> -> memref<10000x144xf32, #tpu.memory_space<hbm>>
    tpu.wait_indirect_dma semaphore(%arg21 : memref<!tpu.dma_semaphore, #tpu.memory_space<semaphore_mem>>) src(%dma_wait3A_109 : memref<10000x144xf32, #tpu.memory_space<hbm>>) dst(%arg16 : memref<80x144xf32, #tpu.memory_space<vmem>>)
    %dma_wait3A_110 = arith.constant 0 : i32
    %dma_wait3A_111 = arith.constant 0 : i32
    %dma_wait3A_112 = tpu.memref_slice %arg3[%dma_wait3A_110, %dma_wait3A_111] : memref<10000x16xf32, #tpu.memory_space<hbm>> -> memref<10000x16xf32, #tpu.memory_space<hbm>>
    tpu.wait_indirect_dma semaphore(%arg22 : memref<!tpu.dma_semaphore, #tpu.memory_space<semaphore_mem>>) src(%dma_wait3A_112 : memref<10000x16xf32, #tpu.memory_space<hbm>>) dst(%arg17 : memref<80x16xf32, #tpu.memory_space<vmem>>)
    %min3A = arith.constant 125 : i32
    %min3A_113 = arith.constant 124 : i32
    %min3A_114 = arith.minsi %min3A, %min3A_113 : i32
    %get3A_115 = arith.index_cast %min3A_114 : i32 to index
    %get3A_116 = arith.constant 0 : index
    %get3A_117 = tpu.vector_load %arg11[%get3A_115, %get3A_116] {strides = array<i32>} : memref<125x80xi32, #tpu.memory_space<vmem>>, vector<1x16xi32>,
    %get3A_118 = vector.shape_cast %get3A_117 : vector<1x16xi32> to vector<16xi32>
    %shift_right_logical3A_119 = arith.constant 14 : i32
    %shift_right_logical3A_120 = vector.broadcast %shift_right_logical3A_119 : i32 to vector<16xi32>
    %shift_right_logical3A_121 = arith.shrui %get3A_118, %shift_right_logical3A_120 : vector<16xi32>
    %swap3A_122 = arith.constant 0 : index
    %swap3A_123 = tpu.vector_load %arg14[%swap3A_122] {strides = array<i32>} : memref<80xi32, #tpu.memory_space<vmem>>, vector<16xi32>,
    %swap3A_124 = vector.shape_cast %swap3A_123 : vector<16xi32> to vector<16xi32>
    %swap3A_125 = vector.shape_cast %shift_right_logical3A_121 : vector<16xi32> to vector<16xi32>
    tpu.vector_store %arg14[%swap3A_122], %swap3A_125 {strides = array<i32>} : memref<80xi32, #tpu.memory_space<vmem>>, vector<16xi32>,
    %and3A_126 = arith.constant 16383 : i32
    %and3A_127 = vector.broadcast %and3A_126 : i32 to vector<16xi32>
    %and3A_128 = arith.andi %get3A_118, %and3A_127 : vector<16xi32>
    %swap3A_129 = arith.constant 0 : index
    %swap3A_130 = tpu.vector_load %arg15[%swap3A_129] {strides = array<i32>} : memref<80xi32, #tpu.memory_space<vmem>>, vector<16xi32>,
    %swap3A_131 = vector.shape_cast %swap3A_130 : vector<16xi32> to vector<16xi32>
    %swap3A_132 = vector.shape_cast %and3A_128 : vector<16xi32> to vector<16xi32>
    tpu.vector_store %arg15[%swap3A_129], %swap3A_132 {strides = array<i32>} : memref<80xi32, #tpu.memory_space<vmem>>, vector<16xi32>,
    %get3A_133 = arith.index_cast %min3A_114 : i32 to index
    %get3A_134 = arith.constant 16 : index
    %get3A_135 = tpu.vector_load %arg11[%get3A_133, %get3A_134] {strides = array<i32>} : memref<125x80xi32, #tpu.memory_space<vmem>>, vector<1x16xi32>,
    %get3A_136 = vector.shape_cast %get3A_135 : vector<1x16xi32> to vector<16xi32>
    %shift_right_logical3A_137 = arith.constant 14 : i32
    %shift_right_logical3A_138 = vector.broadcast %shift_right_logical3A_137 : i32 to vector<16xi32>
    %shift_right_logical3A_139 = arith.shrui %get3A_136, %shift_right_logical3A_138 : vector<16xi32>
    %swap3A_140 = arith.constant 16 : index
    %swap3A_141 = tpu.vector_load %arg14[%swap3A_140] {strides = array<i32>} : memref<80xi32, #tpu.memory_space<vmem>>, vector<16xi32>,
    %swap3A_142 = vector.shape_cast %swap3A_141 : vector<16xi32> to vector<16xi32>
    %swap3A_143 = vector.shape_cast %shift_right_logical3A_139 : vector<16xi32> to vector<16xi32>
    tpu.vector_store %arg14[%swap3A_140], %swap3A_143 {strides = array<i32>} : memref<80xi32, #tpu.memory_space<vmem>>, vector<16xi32>,
    %and3A_144 = arith.constant 16383 : i32
    %and3A_145 = vector.broadcast %and3A_144 : i32 to vector<16xi32>
    %and3A_146 = arith.andi %get3A_136, %and3A_145 : vector<16xi32>
    %swap3A_147 = arith.constant 16 : index
    %swap3A_148 = tpu.vector_load %arg15[%swap3A_147] {strides = array<i32>} : memref<80xi32, #tpu.memory_space<vmem>>, vector<16xi32>,
    %swap3A_149 = vector.shape_cast %swap3A_148 : vector<16xi32> to vector<16xi32>
    %swap3A_150 = vector.shape_cast %and3A_146 : vector<16xi32> to vector<16xi32>
    tpu.vector_store %arg15[%swap3A_147], %swap3A_150 {strides = array<i32>} : memref<80xi32, #tpu.memory_space<vmem>>, vector<16xi32>,
    %get3A_151 = arith.index_cast %min3A_114 : i32 to index
    %get3A_152 = arith.constant 32 : index
    %get3A_153 = tpu.vector_load %arg11[%get3A_151, %get3A_152] {strides = array<i32>} : memref<125x80xi32, #tpu.memory_space<vmem>>, vector<1x16xi32>,
    %get3A_154 = vector.shape_cast %get3A_153 : vector<1x16xi32> to vector<16xi32>
    %shift_right_logical3A_155 = arith.constant 14 : i32
    %shift_right_logical3A_156 = vector.broadcast %shift_right_logical3A_155 : i32 to vector<16xi32>
    %shift_right_logical3A_157 = arith.shrui %get3A_154, %shift_right_logical3A_156 : vector<16xi32>
    %swap3A_158 = arith.constant 32 : index
    %swap3A_159 = tpu.vector_load %arg14[%swap3A_158] {strides = array<i32>} : memref<80xi32, #tpu.memory_space<vmem>>, vector<16xi32>,
    %swap3A_160 = vector.shape_cast %swap3A_159 : vector<16xi32> to vector<16xi32>
    %swap3A_161 = vector.shape_cast %shift_right_logical3A_157 : vector<16xi32> to vector<16xi32>
    tpu.vector_store %arg14[%swap3A_158], %swap3A_161 {strides = array<i32>} : memref<80xi32, #tpu.memory_space<vmem>>, vector<16xi32>,
    %and3A_162 = arith.constant 16383 : i32
    %and3A_163 = vector.broadcast %and3A_162 : i32 to vector<16xi32>
    %and3A_164 = arith.andi %get3A_154, %and3A_163 : vector<16xi32>
    %swap3A_165 = arith.constant 32 : index
    %swap3A_166 = tpu.vector_load %arg15[%swap3A_165] {strides = array<i32>} : memref<80xi32, #tpu.memory_space<vmem>>, vector<16xi32>,
    %swap3A_167 = vector.shape_cast %swap3A_166 : vector<16xi32> to vector<16xi32>
    %swap3A_168 = vector.shape_cast %and3A_164 : vector<16xi32> to vector<16xi32>
    tpu.vector_store %arg15[%swap3A_165], %swap3A_168 {strides = array<i32>} : memref<80xi32, #tpu.memory_space<vmem>>, vector<16xi32>,
    %get3A_169 = arith.index_cast %min3A_114 : i32 to index
    %get3A_170 = arith.constant 48 : index
    %get3A_171 = tpu.vector_load %arg11[%get3A_169, %get3A_170] {strides = array<i32>} : memref<125x80xi32, #tpu.memory_space<vmem>>, vector<1x16xi32>,
    %get3A_172 = vector.shape_cast %get3A_171 : vector<1x16xi32> to vector<16xi32>
    %shift_right_logical3A_173 = arith.constant 14 : i32
    %shift_right_logical3A_174 = vector.broadcast %shift_right_logical3A_173 : i32 to vector<16xi32>
    %shift_right_logical3A_175 = arith.shrui %get3A_172, %shift_right_logical3A_174 : vector<16xi32>
    %swap3A_176 = arith.constant 48 : index
    %swap3A_177 = tpu.vector_load %arg14[%swap3A_176] {strides = array<i32>} : memref<80xi32, #tpu.memory_space<vmem>>, vector<16xi32>,
    %swap3A_178 = vector.shape_cast %swap3A_177 : vector<16xi32> to vector<16xi32>
    %swap3A_179 = vector.shape_cast %shift_right_logical3A_175 : vector<16xi32> to vector<16xi32>
    tpu.vector_store %arg14[%swap3A_176], %swap3A_179 {strides = array<i32>} : memref<80xi32, #tpu.memory_space<vmem>>, vector<16xi32>,
    %and3A_180 = arith.constant 16383 : i32
    %and3A_181 = vector.broadcast %and3A_180 : i32 to vector<16xi32>
    %and3A_182 = arith.andi %get3A_172, %and3A_181 : vector<16xi32>
    %swap3A_183 = arith.constant 48 : index
    %swap3A_184 = tpu.vector_load %arg15[%swap3A_183] {strides = array<i32>} : memref<80xi32, #tpu.memory_space<vmem>>, vector<16xi32>,
    %swap3A_185 = vector.shape_cast %swap3A_184 : vector<16xi32> to vector<16xi32>
    %swap3A_186 = vector.shape_cast %and3A_182 : vector<16xi32> to vector<16xi32>
    tpu.vector_store %arg15[%swap3A_183], %swap3A_186 {strides = array<i32>} : memref<80xi32, #tpu.memory_space<vmem>>, vector<16xi32>,
    %get3A_187 = arith.index_cast %min3A_114 : i32 to index
    %get3A_188 = arith.constant 64 : index
    %get3A_189 = tpu.vector_load %arg11[%get3A_187, %get3A_188] {strides = array<i32>} : memref<125x80xi32, #tpu.memory_space<vmem>>, vector<1x16xi32>,
    %get3A_190 = vector.shape_cast %get3A_189 : vector<1x16xi32> to vector<16xi32>
    %shift_right_logical3A_191 = arith.constant 14 : i32
    %shift_right_logical3A_192 = vector.broadcast %shift_right_logical3A_191 : i32 to vector<16xi32>
    %shift_right_logical3A_193 = arith.shrui %get3A_190, %shift_right_logical3A_192 : vector<16xi32>
    %swap3A_194 = arith.constant 64 : index
    %swap3A_195 = tpu.vector_load %arg14[%swap3A_194] {strides = array<i32>} : memref<80xi32, #tpu.memory_space<vmem>>, vector<16xi32>,
    %swap3A_196 = vector.shape_cast %swap3A_195 : vector<16xi32> to vector<16xi32>
    %swap3A_197 = vector.shape_cast %shift_right_logical3A_193 : vector<16xi32> to vector<16xi32>
    tpu.vector_store %arg14[%swap3A_194], %swap3A_197 {strides = array<i32>} : memref<80xi32, #tpu.memory_space<vmem>>, vector<16xi32>,
    %and3A_198 = arith.constant 16383 : i32
    %and3A_199 = vector.broadcast %and3A_198 : i32 to vector<16xi32>
    %and3A_200 = arith.andi %get3A_190, %and3A_199 : vector<16xi32>
    %swap3A_201 = arith.constant 64 : index
    %swap3A_202 = tpu.vector_load %arg15[%swap3A_201] {strides = array<i32>} : memref<80xi32, #tpu.memory_space<vmem>>, vector<16xi32>,
    %swap3A_203 = vector.shape_cast %swap3A_202 : vector<16xi32> to vector<16xi32>
    %swap3A_204 = vector.shape_cast %and3A_200 : vector<16xi32> to vector<16xi32>
    tpu.vector_store %arg15[%swap3A_201], %swap3A_204 {strides = array<i32>} : memref<80xi32, #tpu.memory_space<vmem>>, vector<16xi32>,
    %dma_start3A_205 = arith.constant 0 : i32
    %dma_start3A_206 = arith.constant 0 : i32
    %dma_start3A_207 = tpu.memref_slice %arg2[%dma_start3A_205, %dma_start3A_206] : memref<10000x144xf32, #tpu.memory_space<hbm>> -> memref<10000x144xf32, #tpu.memory_space<hbm>>
    tpu.enqueue_indirect_dma source(%dma_start3A_207 : memref<10000x144xf32, #tpu.memory_space<hbm>>) target(%arg18 : memref<80x144xf32, #tpu.memory_space<vmem>>) offsets(%arg14 : memref<80xi32, #tpu.memory_space<vmem>>) semaphore(%arg23 : memref<!tpu.dma_semaphore, #tpu.memory_space<semaphore_mem>>)
    %dma_start3A_208 = arith.constant 0 : i32
    %dma_start3A_209 = arith.constant 0 : i32
    %dma_start3A_210 = tpu.memref_slice %arg3[%dma_start3A_208, %dma_start3A_209] : memref<10000x16xf32, #tpu.memory_space<hbm>> -> memref<10000x16xf32, #tpu.memory_space<hbm>>
    tpu.enqueue_indirect_dma source(%dma_start3A_210 : memref<10000x16xf32, #tpu.memory_space<hbm>>) target(%arg19 : memref<80x16xf32, #tpu.memory_space<vmem>>) offsets(%arg15 : memref<80xi32, #tpu.memory_space<vmem>>) semaphore(%arg24 : memref<!tpu.dma_semaphore, #tpu.memory_space<semaphore_mem>>)
    %parallel_loop3A = arith.constant 0 : i32
    %parallel_loop3A_211 = arith.constant 80 : i32
    %parallel_loop3A_212 = arith.constant 1 : i32
    scf.for %parallel_loop3A_459 = %parallel_loop3A to %parallel_loop3A_211 step %parallel_loop3A_212  : i32 {
      %parallel_loop3A_460 = arith.index_cast %parallel_loop3A_459 : i32 to index
      %parallel_loop3A_461 = arith.constant 128 : index
      %parallel_loop3A_462 = tpu.vector_load %arg16[%parallel_loop3A_460, %parallel_loop3A_461] {strides = array<i32>} : memref<80x144xf32, #tpu.memory_space<vmem>>, vector<1x16xf32>,
      %parallel_loop3A_463 = vector.shape_cast %parallel_loop3A_462 : vector<1x16xf32> to vector<16xf32>
      %parallel_loop3A_464 = arith.index_cast %parallel_loop3A_459 : i32 to index
      %parallel_loop3A_465 = arith.constant 0 : index
      %parallel_loop3A_466 = tpu.vector_load %arg17[%parallel_loop3A_464, %parallel_loop3A_465] {strides = array<i32>} : memref<80x16xf32, #tpu.memory_space<vmem>>, vector<1x16xf32>,
      %parallel_loop3A_467 = vector.shape_cast %parallel_loop3A_466 : vector<1x16xf32> to vector<16xf32>
      %parallel_loop3A_468 = arith.addf %parallel_loop3A_463, %parallel_loop3A_467 : vector<16xf32>
      %parallel_loop3A_469 = arith.constant 0.000000e+00 : f32
      %parallel_loop3A_470 = vector.broadcast %parallel_loop3A_469 : f32 to vector<16xf32>
      %parallel_loop3A_471 = arith.cmpf oge, %parallel_loop3A_468, %parallel_loop3A_470 : vector<16xf32>
      %parallel_loop3A_472 = arith.constant 2.000000e-01 : f32
      %parallel_loop3A_473 = vector.broadcast %parallel_loop3A_472 : f32 to vector<16xf32>
      %parallel_loop3A_474 = arith.mulf %parallel_loop3A_473, %parallel_loop3A_468 : vector<16xf32>
      %parallel_loop3A_475 = arith.select %parallel_loop3A_471, %parallel_loop3A_468, %parallel_loop3A_474 : vector<16xi1>, vector<16xf32>
      %parallel_loop3A_476 = math.exp %parallel_loop3A_475 : vector<16xf32>
      %parallel_loop3A_477 = arith.constant 0.000000e+00 : f32
      %parallel_loop3A_478 = vector.broadcast %parallel_loop3A_477 : f32 to vector<16xf32>
      %parallel_loop3A_479 = arith.select %lt3A_2, %parallel_loop3A_476, %parallel_loop3A_478 : vector<16xi1>, vector<16xf32>
      %parallel_loop3A_480 = arith.index_cast %parallel_loop3A_459 : i32 to index
      %parallel_loop3A_481 = arith.constant 128 : index
      %parallel_loop3A_482 = tpu.vector_load %arg16[%parallel_loop3A_480, %parallel_loop3A_481] {strides = array<i32>} : memref<80x144xf32, #tpu.memory_space<vmem>>, vector<1x16xf32>,
      %parallel_loop3A_483 = vector.shape_cast %parallel_loop3A_482 : vector<1x16xf32> to vector<16xf32>
      %parallel_loop3A_484 = vector.shape_cast %parallel_loop3A_479 : vector<16xf32> to vector<1x16xf32>
      tpu.vector_store %arg16[%parallel_loop3A_480, %parallel_loop3A_481], %parallel_loop3A_484 {strides = array<i32>} : memref<80x144xf32, #tpu.memory_space<vmem>>, vector<1x16xf32>,
      %parallel_loop3A_485 = vector.extract_strided_slice %parallel_loop3A_479 {offsets = [0], sizes = [1], strides = [1]} : vector<16xf32> to vector<1xf32>
      %parallel_loop3A_486 = vector.extract %parallel_loop3A_485[0] : f32 from vector<1xf32>
      %parallel_loop3A_487 = vector.extract_strided_slice %parallel_loop3A_479 {offsets = [0], sizes = [1], strides = [1]} : vector<16xf32> to vector<1xf32>
      %parallel_loop3A_488 = vector.extract %parallel_loop3A_487[0] : f32 from vector<1xf32>
      %parallel_loop3A_489 = vector.extract_strided_slice %parallel_loop3A_479 {offsets = [1], sizes = [1], strides = [1]} : vector<16xf32> to vector<1xf32>
      %parallel_loop3A_490 = vector.extract %parallel_loop3A_489[0] : f32 from vector<1xf32>
      %parallel_loop3A_491 = vector.extract_strided_slice %parallel_loop3A_479 {offsets = [1], sizes = [1], strides = [1]} : vector<16xf32> to vector<1xf32>
      %parallel_loop3A_492 = vector.extract %parallel_loop3A_491[0] : f32 from vector<1xf32>
      %parallel_loop3A_493 = vector.extract_strided_slice %parallel_loop3A_479 {offsets = [2], sizes = [1], strides = [1]} : vector<16xf32> to vector<1xf32>
      %parallel_loop3A_494 = vector.extract %parallel_loop3A_493[0] : f32 from vector<1xf32>
      %parallel_loop3A_495 = vector.extract_strided_slice %parallel_loop3A_479 {offsets = [2], sizes = [1], strides = [1]} : vector<16xf32> to vector<1xf32>
      %parallel_loop3A_496 = vector.extract %parallel_loop3A_495[0] : f32 from vector<1xf32>
      %parallel_loop3A_497 = vector.extract_strided_slice %parallel_loop3A_479 {offsets = [3], sizes = [1], strides = [1]} : vector<16xf32> to vector<1xf32>
      %parallel_loop3A_498 = vector.extract %parallel_loop3A_497[0] : f32 from vector<1xf32>
      %parallel_loop3A_499 = vector.extract_strided_slice %parallel_loop3A_479 {offsets = [3], sizes = [1], strides = [1]} : vector<16xf32> to vector<1xf32>
      %parallel_loop3A_500 = vector.extract %parallel_loop3A_499[0] : f32 from vector<1xf32>
      %parallel_loop3A_501 = arith.index_cast %parallel_loop3A_459 : i32 to index
      %parallel_loop3A_502 = arith.constant 0 : index
      %parallel_loop3A_503 = tpu.vector_load %arg16[%parallel_loop3A_501, %parallel_loop3A_502] {strides = array<i32>} : memref<80x144xf32, #tpu.memory_space<vmem>>, vector<1x16xf32>,
      %parallel_loop3A_504 = vector.shape_cast %parallel_loop3A_503 : vector<1x16xf32> to vector<16xf32>
      %parallel_loop3A_505 = vector.broadcast %parallel_loop3A_486 : f32 to vector<16xf32>
      %parallel_loop3A_506 = arith.mulf %parallel_loop3A_504, %parallel_loop3A_505 : vector<16xf32>
      %parallel_loop3A_507 = arith.index_cast %parallel_loop3A_459 : i32 to index
      %parallel_loop3A_508 = arith.constant 0 : index
      %parallel_loop3A_509 = tpu.vector_load %arg16[%parallel_loop3A_507, %parallel_loop3A_508] {strides = array<i32>} : memref<80x144xf32, #tpu.memory_space<vmem>>, vector<1x16xf32>,
      %parallel_loop3A_510 = vector.shape_cast %parallel_loop3A_509 : vector<1x16xf32> to vector<16xf32>
      %parallel_loop3A_511 = vector.shape_cast %parallel_loop3A_506 : vector<16xf32> to vector<1x16xf32>
      tpu.vector_store %arg16[%parallel_loop3A_507, %parallel_loop3A_508], %parallel_loop3A_511 {strides = array<i32>} : memref<80x144xf32, #tpu.memory_space<vmem>>, vector<1x16xf32>,
      %parallel_loop3A_512 = arith.index_cast %parallel_loop3A_459 : i32 to index
      %parallel_loop3A_513 = arith.constant 16 : index
      %parallel_loop3A_514 = tpu.vector_load %arg16[%parallel_loop3A_512, %parallel_loop3A_513] {strides = array<i32>} : memref<80x144xf32, #tpu.memory_space<vmem>>, vector<1x16xf32>,
      %parallel_loop3A_515 = vector.shape_cast %parallel_loop3A_514 : vector<1x16xf32> to vector<16xf32>
      %parallel_loop3A_516 = vector.broadcast %parallel_loop3A_488 : f32 to vector<16xf32>
      %parallel_loop3A_517 = arith.mulf %parallel_loop3A_515, %parallel_loop3A_516 : vector<16xf32>
      %parallel_loop3A_518 = arith.index_cast %parallel_loop3A_459 : i32 to index
      %parallel_loop3A_519 = arith.constant 16 : index
      %parallel_loop3A_520 = tpu.vector_load %arg16[%parallel_loop3A_518, %parallel_loop3A_519] {strides = array<i32>} : memref<80x144xf32, #tpu.memory_space<vmem>>, vector<1x16xf32>,
      %parallel_loop3A_521 = vector.shape_cast %parallel_loop3A_520 : vector<1x16xf32> to vector<16xf32>
      %parallel_loop3A_522 = vector.shape_cast %parallel_loop3A_517 : vector<16xf32> to vector<1x16xf32>
      tpu.vector_store %arg16[%parallel_loop3A_518, %parallel_loop3A_519], %parallel_loop3A_522 {strides = array<i32>} : memref<80x144xf32, #tpu.memory_space<vmem>>, vector<1x16xf32>,
      %parallel_loop3A_523 = arith.index_cast %parallel_loop3A_459 : i32 to index
      %parallel_loop3A_524 = arith.constant 32 : index
      %parallel_loop3A_525 = tpu.vector_load %arg16[%parallel_loop3A_523, %parallel_loop3A_524] {strides = array<i32>} : memref<80x144xf32, #tpu.memory_space<vmem>>, vector<1x16xf32>,
      %parallel_loop3A_526 = vector.shape_cast %parallel_loop3A_525 : vector<1x16xf32> to vector<16xf32>
      %parallel_loop3A_527 = vector.broadcast %parallel_loop3A_490 : f32 to vector<16xf32>
      %parallel_loop3A_528 = arith.mulf %parallel_loop3A_526, %parallel_loop3A_527 : vector<16xf32>
      %parallel_loop3A_529 = arith.index_cast %parallel_loop3A_459 : i32 to index
      %parallel_loop3A_530 = arith.constant 32 : index
      %parallel_loop3A_531 = tpu.vector_load %arg16[%parallel_loop3A_529, %parallel_loop3A_530] {strides = array<i32>} : memref<80x144xf32, #tpu.memory_space<vmem>>, vector<1x16xf32>,
      %parallel_loop3A_532 = vector.shape_cast %parallel_loop3A_531 : vector<1x16xf32> to vector<16xf32>
      %parallel_loop3A_533 = vector.shape_cast %parallel_loop3A_528 : vector<16xf32> to vector<1x16xf32>
      tpu.vector_store %arg16[%parallel_loop3A_529, %parallel_loop3A_530], %parallel_loop3A_533 {strides = array<i32>} : memref<80x144xf32, #tpu.memory_space<vmem>>, vector<1x16xf32>,
      %parallel_loop3A_534 = arith.index_cast %parallel_loop3A_459 : i32 to index
      %parallel_loop3A_535 = arith.constant 48 : index
      %parallel_loop3A_536 = tpu.vector_load %arg16[%parallel_loop3A_534, %parallel_loop3A_535] {strides = array<i32>} : memref<80x144xf32, #tpu.memory_space<vmem>>, vector<1x16xf32>,
      %parallel_loop3A_537 = vector.shape_cast %parallel_loop3A_536 : vector<1x16xf32> to vector<16xf32>
      %parallel_loop3A_538 = vector.broadcast %parallel_loop3A_492 : f32 to vector<16xf32>
      %parallel_loop3A_539 = arith.mulf %parallel_loop3A_537, %parallel_loop3A_538 : vector<16xf32>
      %parallel_loop3A_540 = arith.index_cast %parallel_loop3A_459 : i32 to index
      %parallel_loop3A_541 = arith.constant 48 : index
      %parallel_loop3A_542 = tpu.vector_load %arg16[%parallel_loop3A_540, %parallel_loop3A_541] {strides = array<i32>} : memref<80x144xf32, #tpu.memory_space<vmem>>, vector<1x16xf32>,
      %parallel_loop3A_543 = vector.shape_cast %parallel_loop3A_542 : vector<1x16xf32> to vector<16xf32>
      %parallel_loop3A_544 = vector.shape_cast %parallel_loop3A_539 : vector<16xf32> to vector<1x16xf32>
      tpu.vector_store %arg16[%parallel_loop3A_540, %parallel_loop3A_541], %parallel_loop3A_544 {strides = array<i32>} : memref<80x144xf32, #tpu.memory_space<vmem>>, vector<1x16xf32>,
      %parallel_loop3A_545 = arith.index_cast %parallel_loop3A_459 : i32 to index
      %parallel_loop3A_546 = arith.constant 64 : index
      %parallel_loop3A_547 = tpu.vector_load %arg16[%parallel_loop3A_545, %parallel_loop3A_546] {strides = array<i32>} : memref<80x144xf32, #tpu.memory_space<vmem>>, vector<1x16xf32>,
      %parallel_loop3A_548 = vector.shape_cast %parallel_loop3A_547 : vector<1x16xf32> to vector<16xf32>
      %parallel_loop3A_549 = vector.broadcast %parallel_loop3A_494 : f32 to vector<16xf32>
      %parallel_loop3A_550 = arith.mulf %parallel_loop3A_548, %parallel_loop3A_549 : vector<16xf32>
      %parallel_loop3A_551 = arith.index_cast %parallel_loop3A_459 : i32 to index
      %parallel_loop3A_552 = arith.constant 64 : index
      %parallel_loop3A_553 = tpu.vector_load %arg16[%parallel_loop3A_551, %parallel_loop3A_552] {strides = array<i32>} : memref<80x144xf32, #tpu.memory_space<vmem>>, vector<1x16xf32>,
      %parallel_loop3A_554 = vector.shape_cast %parallel_loop3A_553 : vector<1x16xf32> to vector<16xf32>
      %parallel_loop3A_555 = vector.shape_cast %parallel_loop3A_550 : vector<16xf32> to vector<1x16xf32>
      tpu.vector_store %arg16[%parallel_loop3A_551, %parallel_loop3A_552], %parallel_loop3A_555 {strides = array<i32>} : memref<80x144xf32, #tpu.memory_space<vmem>>, vector<1x16xf32>,
      %parallel_loop3A_556 = arith.index_cast %parallel_loop3A_459 : i32 to index
      %parallel_loop3A_557 = arith.constant 80 : index
      %parallel_loop3A_558 = tpu.vector_load %arg16[%parallel_loop3A_556, %parallel_loop3A_557] {strides = array<i32>} : memref<80x144xf32, #tpu.memory_space<vmem>>, vector<1x16xf32>,
      %parallel_loop3A_559 = vector.shape_cast %parallel_loop3A_558 : vector<1x16xf32> to vector<16xf32>
      %parallel_loop3A_560 = vector.broadcast %parallel_loop3A_496 : f32 to vector<16xf32>
      %parallel_loop3A_561 = arith.mulf %parallel_loop3A_559, %parallel_loop3A_560 : vector<16xf32>
      %parallel_loop3A_562 = arith.index_cast %parallel_loop3A_459 : i32 to index
      %parallel_loop3A_563 = arith.constant 80 : index
      %parallel_loop3A_564 = tpu.vector_load %arg16[%parallel_loop3A_562, %parallel_loop3A_563] {strides = array<i32>} : memref<80x144xf32, #tpu.memory_space<vmem>>, vector<1x16xf32>,
      %parallel_loop3A_565 = vector.shape_cast %parallel_loop3A_564 : vector<1x16xf32> to vector<16xf32>
      %parallel_loop3A_566 = vector.shape_cast %parallel_loop3A_561 : vector<16xf32> to vector<1x16xf32>
      tpu.vector_store %arg16[%parallel_loop3A_562, %parallel_loop3A_563], %parallel_loop3A_566 {strides = array<i32>} : memref<80x144xf32, #tpu.memory_space<vmem>>, vector<1x16xf32>,
      %parallel_loop3A_567 = arith.index_cast %parallel_loop3A_459 : i32 to index
      %parallel_loop3A_568 = arith.constant 96 : index
      %parallel_loop3A_569 = tpu.vector_load %arg16[%parallel_loop3A_567, %parallel_loop3A_568] {strides = array<i32>} : memref<80x144xf32, #tpu.memory_space<vmem>>, vector<1x16xf32>,
      %parallel_loop3A_570 = vector.shape_cast %parallel_loop3A_569 : vector<1x16xf32> to vector<16xf32>
      %parallel_loop3A_571 = vector.broadcast %parallel_loop3A_498 : f32 to vector<16xf32>
      %parallel_loop3A_572 = arith.mulf %parallel_loop3A_570, %parallel_loop3A_571 : vector<16xf32>
      %parallel_loop3A_573 = arith.index_cast %parallel_loop3A_459 : i32 to index
      %parallel_loop3A_574 = arith.constant 96 : index
      %parallel_loop3A_575 = tpu.vector_load %arg16[%parallel_loop3A_573, %parallel_loop3A_574] {strides = array<i32>} : memref<80x144xf32, #tpu.memory_space<vmem>>, vector<1x16xf32>,
      %parallel_loop3A_576 = vector.shape_cast %parallel_loop3A_575 : vector<1x16xf32> to vector<16xf32>
      %parallel_loop3A_577 = vector.shape_cast %parallel_loop3A_572 : vector<16xf32> to vector<1x16xf32>
      tpu.vector_store %arg16[%parallel_loop3A_573, %parallel_loop3A_574], %parallel_loop3A_577 {strides = array<i32>} : memref<80x144xf32, #tpu.memory_space<vmem>>, vector<1x16xf32>,
      %parallel_loop3A_578 = arith.index_cast %parallel_loop3A_459 : i32 to index
      %parallel_loop3A_579 = arith.constant 112 : index
      %parallel_loop3A_580 = tpu.vector_load %arg16[%parallel_loop3A_578, %parallel_loop3A_579] {strides = array<i32>} : memref<80x144xf32, #tpu.memory_space<vmem>>, vector<1x16xf32>,
      %parallel_loop3A_581 = vector.shape_cast %parallel_loop3A_580 : vector<1x16xf32> to vector<16xf32>
      %parallel_loop3A_582 = vector.broadcast %parallel_loop3A_500 : f32 to vector<16xf32>
      %parallel_loop3A_583 = arith.mulf %parallel_loop3A_581, %parallel_loop3A_582 : vector<16xf32>
      %parallel_loop3A_584 = arith.index_cast %parallel_loop3A_459 : i32 to index
      %parallel_loop3A_585 = arith.constant 112 : index
      %parallel_loop3A_586 = tpu.vector_load %arg16[%parallel_loop3A_584, %parallel_loop3A_585] {strides = array<i32>} : memref<80x144xf32, #tpu.memory_space<vmem>>, vector<1x16xf32>,
      %parallel_loop3A_587 = vector.shape_cast %parallel_loop3A_586 : vector<1x16xf32> to vector<16xf32>
      %parallel_loop3A_588 = vector.shape_cast %parallel_loop3A_583 : vector<16xf32> to vector<1x16xf32>
      tpu.vector_store %arg16[%parallel_loop3A_584, %parallel_loop3A_585], %parallel_loop3A_588 {strides = array<i32>} : memref<80x144xf32, #tpu.memory_space<vmem>>, vector<1x16xf32>,
    } {sc.loop_unroll_factor = 4 : i64, sc.parallel_access}
    "tpu.region"() ({
      %run_scoped3A = tpu.sem_alloc : memref<!tpu.dma_semaphore, #tpu.memory_space<semaphore_mem>>
      %dma_start3A_459 = arith.constant 0 : i32
      %dma_start3A_460 = arith.constant 0 : i32
      %dma_start3A_461 = tpu.memref_slice %arg20[%dma_start3A_459, %dma_start3A_460] : memref<10240x144xf32, #tpu.memory_space<vmem_shared>> -> memref<10240x144xf32, #tpu.memory_space<vmem_shared>>
      tpu.enqueue_indirect_dma source(%arg16 : memref<80x144xf32, #tpu.memory_space<vmem>>) target(%dma_start3A_461 : memref<10240x144xf32, #tpu.memory_space<vmem_shared>>) offsets(%arg13 : memref<80xi32, #tpu.memory_space<vmem>>) semaphore(%run_scoped3A : memref<!tpu.dma_semaphore, #tpu.memory_space<semaphore_mem>>) {add = true}
      %dma_wait3A_462 = arith.constant 0 : i32
      %dma_wait3A_463 = arith.constant 0 : i32
      %dma_wait3A_464 = tpu.memref_slice %arg20[%dma_wait3A_462, %dma_wait3A_463] : memref<10240x144xf32, #tpu.memory_space<vmem_shared>> -> memref<10240x144xf32, #tpu.memory_space<vmem_shared>>
      tpu.wait_indirect_dma semaphore(%run_scoped3A : memref<!tpu.dma_semaphore, #tpu.memory_space<semaphore_mem>>) src(%arg16 : memref<80x144xf32, #tpu.memory_space<vmem>>) dst(%dma_wait3A_464 : memref<10240x144xf32, #tpu.memory_space<vmem_shared>>)
      tpu.yield
    }) : () -> ()
    %dma_wait3A_213 = arith.constant 0 : i32
    %dma_wait3A_214 = arith.constant 0 : i32
    %dma_wait3A_215 = tpu.memref_slice %arg2[%dma_wait3A_213, %dma_wait3A_214] : memref<10000x144xf32, #tpu.memory_space<hbm>> -> memref<10000x144xf32, #tpu.memory_space<hbm>>
    tpu.wait_indirect_dma semaphore(%arg23 : memref<!tpu.dma_semaphore, #tpu.memory_space<semaphore_mem>>) src(%dma_wait3A_215 : memref<10000x144xf32, #tpu.memory_space<hbm>>) dst(%arg18 : memref<80x144xf32, #tpu.memory_space<vmem>>)
    %dma_wait3A_216 = arith.constant 0 : i32
    %dma_wait3A_217 = arith.constant 0 : i32
    %dma_wait3A_218 = tpu.memref_slice %arg3[%dma_wait3A_216, %dma_wait3A_217] : memref<10000x16xf32, #tpu.memory_space<hbm>> -> memref<10000x16xf32, #tpu.memory_space<hbm>>
    tpu.wait_indirect_dma semaphore(%arg24 : memref<!tpu.dma_semaphore, #tpu.memory_space<semaphore_mem>>) src(%dma_wait3A_218 : memref<10000x16xf32, #tpu.memory_space<hbm>>) dst(%arg19 : memref<80x16xf32, #tpu.memory_space<vmem>>)
    %barrier3A_219 = arith.constant 0 : index
    tpu.barrier barrier_id(%barrier3A_219)
    %mul3A_220 = arith.constant 640 : i32
    %mul3A_221 = arith.muli %arg1, %mul3A_220 : i32
    %mul3A_222 = arith.constant 16 : i32
    %mul3A_223 = arith.muli %arg0, %mul3A_222 : i32
    %add3A_224 = arith.addi %mul3A_223, %arg1 : i32
    "tpu.region"() ({
      %run_scoped3A = tpu.sem_alloc : memref<!tpu.dma_semaphore, #tpu.memory_space<semaphore_mem>>
      %dma_start3A_459 = arith.constant 0 : i32
      %dma_start3A_460 = arith.constant 0 : i32
      %dma_start3A_461 = tpu.memref_slice %arg9[%add3A_224, %dma_start3A_459, %dma_start3A_460] : memref<32x640x144xf32, #tpu.memory_space<hbm>> -> memref<1x640x144xf32, #tpu.memory_space<hbm>>
      %dma_start3A_462 = tpu.memref_squeeze %dma_start3A_461 : memref<1x640x144xf32, #tpu.memory_space<hbm>> -> memref<640x144xf32, #tpu.memory_space<hbm>>
      %dma_start3A_463 = arith.constant 0 : i32
      %dma_start3A_464 = tpu.memref_slice %arg20[%mul3A_221, %dma_start3A_463] : memref<10240x144xf32, #tpu.memory_space<vmem_shared>> -> memref<640x144xf32, #tpu.memory_space<vmem_shared>>
      tpu.enqueue_dma source(%dma_start3A_464 : memref<640x144xf32, #tpu.memory_space<vmem_shared>>) target(%dma_start3A_462 : memref<640x144xf32, #tpu.memory_space<hbm>>) target_semaphore(%run_scoped3A : memref<!tpu.dma_semaphore, #tpu.memory_space<semaphore_mem>>)
      %dma_wait3A_465 = arith.constant 0 : i32
      %dma_wait3A_466 = arith.constant 0 : i32
      %dma_wait3A_467 = tpu.memref_slice %arg9[%add3A_224, %dma_wait3A_465, %dma_wait3A_466] : memref<32x640x144xf32, #tpu.memory_space<hbm>> -> memref<1x640x144xf32, #tpu.memory_space<hbm>>
      %dma_wait3A_468 = tpu.memref_squeeze %dma_wait3A_467 : memref<1x640x144xf32, #tpu.memory_space<hbm>> -> memref<640x144xf32, #tpu.memory_space<hbm>>
      %dma_wait3A_469 = arith.constant 0 : i32
      %dma_wait3A_470 = tpu.memref_slice %arg20[%mul3A_221, %dma_wait3A_469] : memref<10240x144xf32, #tpu.memory_space<vmem_shared>> -> memref<640x144xf32, #tpu.memory_space<vmem_shared>>
      tpu.wait_dma2 semaphore(%run_scoped3A : memref<!tpu.dma_semaphore, #tpu.memory_space<semaphore_mem>>) src(%dma_wait3A_470 : memref<640x144xf32, #tpu.memory_space<vmem_shared>>) dst(%dma_wait3A_468 : memref<640x144xf32, #tpu.memory_space<hbm>>)
      tpu.yield
    }) : () -> ()
    %barrier3A_225 = arith.constant 0 : index
    tpu.barrier barrier_id(%barrier3A_225)
    %mul3A_226 = arith.constant 640 : i32
    %mul3A_227 = arith.muli %arg1, %mul3A_226 : i32
    %mul3A_228 = arith.constant 640 : i32
    %mul3A_229 = arith.muli %arg1, %mul3A_228 : i32
    "tpu.region"() ({
      %run_scoped3A = tpu.sem_alloc : memref<!tpu.dma_semaphore, #tpu.memory_space<semaphore_mem>>
      %dma_start3A_459 = arith.constant 0 : i32
      %dma_start3A_460 = tpu.memref_slice %arg20[%mul3A_229, %dma_start3A_459] : memref<10240x144xf32, #tpu.memory_space<vmem_shared>> -> memref<640x144xf32, #tpu.memory_space<vmem_shared>>
      %dma_start3A_461 = arith.constant 0 : i32
      %dma_start3A_462 = tpu.memref_slice %arg8[%mul3A_227, %dma_start3A_461] : memref<10240x144xf32, #tpu.memory_space<hbm>> -> memref<640x144xf32, #tpu.memory_space<hbm>>
      tpu.enqueue_dma source(%dma_start3A_462 : memref<640x144xf32, #tpu.memory_space<hbm>>) target(%dma_start3A_460 : memref<640x144xf32, #tpu.memory_space<vmem_shared>>) target_semaphore(%run_scoped3A : memref<!tpu.dma_semaphore, #tpu.memory_space<semaphore_mem>>)
      %dma_wait3A_463 = arith.constant 0 : i32
      %dma_wait3A_464 = tpu.memref_slice %arg20[%mul3A_229, %dma_wait3A_463] : memref<10240x144xf32, #tpu.memory_space<vmem_shared>> -> memref<640x144xf32, #tpu.memory_space<vmem_shared>>
      %dma_wait3A_465 = arith.constant 0 : i32
      %dma_wait3A_466 = tpu.memref_slice %arg8[%mul3A_227, %dma_wait3A_465] : memref<10240x144xf32, #tpu.memory_space<hbm>> -> memref<640x144xf32, #tpu.memory_space<hbm>>
      tpu.wait_dma2 semaphore(%run_scoped3A : memref<!tpu.dma_semaphore, #tpu.memory_space<semaphore_mem>>) src(%dma_wait3A_466 : memref<640x144xf32, #tpu.memory_space<hbm>>) dst(%dma_wait3A_464 : memref<640x144xf32, #tpu.memory_space<vmem_shared>>)
      tpu.yield
    }) : () -> ()
    "tpu.region"() ({
      %run_scoped3A = tpu.sem_alloc : memref<!tpu.dma_semaphore, #tpu.memory_space<semaphore_mem>>
      %dma_start3A_459 = arith.constant 0 : i32
      %dma_start3A_460 = arith.constant 0 : i32
      %dma_start3A_461 = tpu.memref_slice %arg7[%add3A, %dma_start3A_459, %dma_start3A_460] : memref<32x125x80xi32, #tpu.memory_space<hbm>> -> memref<1x125x80xi32, #tpu.memory_space<hbm>>
      %dma_start3A_462 = tpu.memref_squeeze %dma_start3A_461 : memref<1x125x80xi32, #tpu.memory_space<hbm>> -> memref<125x80xi32, #tpu.memory_space<hbm>>
      %dma_start3A_463 = arith.constant 0 : i32
      %dma_start3A_464 = arith.constant 0 : i32
      %dma_start3A_465 = tpu.memref_slice %arg7[%add3A, %dma_start3A_463, %dma_start3A_464] : memref<32x125x80xi32, #tpu.memory_space<hbm>> -> memref<1x125x80xi32, #tpu.memory_space<hbm>>
      %dma_start3A_466 = tpu.memref_squeeze %dma_start3A_465 : memref<1x125x80xi32, #tpu.memory_space<hbm>> -> memref<125x80xi32, #tpu.memory_space<hbm>>
      tpu.enqueue_dma source(%dma_start3A_466 : memref<125x80xi32, #tpu.memory_space<hbm>>) target(%arg11 : memref<125x80xi32, #tpu.memory_space<vmem>>) target_semaphore(%run_scoped3A : memref<!tpu.dma_semaphore, #tpu.memory_space<semaphore_mem>>)
      %dma_wait3A_467 = arith.constant 0 : i32
      %dma_wait3A_468 = arith.constant 0 : i32
      %dma_wait3A_469 = tpu.memref_slice %arg7[%add3A, %dma_wait3A_467, %dma_wait3A_468] : memref<32x125x80xi32, #tpu.memory_space<hbm>> -> memref<1x125x80xi32, #tpu.memory_space<hbm>>
      %dma_wait3A_470 = tpu.memref_squeeze %dma_wait3A_469 : memref<1x125x80xi32, #tpu.memory_space<hbm>> -> memref<125x80xi32, #tpu.memory_space<hbm>>
      %dma_wait3A_471 = arith.constant 0 : i32
      %dma_wait3A_472 = arith.constant 0 : i32
      %dma_wait3A_473 = tpu.memref_slice %arg7[%add3A, %dma_wait3A_471, %dma_wait3A_472] : memref<32x125x80xi32, #tpu.memory_space<hbm>> -> memref<1x125x80xi32, #tpu.memory_space<hbm>>
      %dma_wait3A_474 = tpu.memref_squeeze %dma_wait3A_473 : memref<1x125x80xi32, #tpu.memory_space<hbm>> -> memref<125x80xi32, #tpu.memory_space<hbm>>
      tpu.wait_dma2 semaphore(%run_scoped3A : memref<!tpu.dma_semaphore, #tpu.memory_space<semaphore_mem>>) src(%dma_wait3A_474 : memref<125x80xi32, #tpu.memory_space<hbm>>) dst(%arg11 : memref<125x80xi32, #tpu.memory_space<vmem>>)
      tpu.yield
    }) : () -> ()
    %barrier3A_230 = arith.constant 0 : index
    tpu.barrier barrier_id(%barrier3A_230)
    %get3A_231 = arith.constant 0 : i32
    %get3A_232 = arith.index_cast %get3A_231 : i32 to index
    %get3A_233 = arith.constant 0 : index
    %get3A_234 = tpu.vector_load %arg11[%get3A_232, %get3A_233] {strides = array<i32>} : memref<125x80xi32, #tpu.memory_space<vmem>>, vector<1x16xi32>,
    %get3A_235 = vector.shape_cast %get3A_234 : vector<1x16xi32> to vector<16xi32>
    %shift_right_logical3A_236 = arith.constant 14 : i32
    %shift_right_logical3A_237 = vector.broadcast %shift_right_logical3A_236 : i32 to vector<16xi32>
    %shift_right_logical3A_238 = arith.shrui %get3A_235, %shift_right_logical3A_237 : vector<16xi32>
    %swap3A_239 = arith.constant 0 : index
    %swap3A_240 = tpu.vector_load %arg12[%swap3A_239] {strides = array<i32>} : memref<80xi32, #tpu.memory_space<vmem>>, vector<16xi32>,
    %swap3A_241 = vector.shape_cast %swap3A_240 : vector<16xi32> to vector<16xi32>
    %swap3A_242 = vector.shape_cast %shift_right_logical3A_238 : vector<16xi32> to vector<16xi32>
    tpu.vector_store %arg12[%swap3A_239], %swap3A_242 {strides = array<i32>} : memref<80xi32, #tpu.memory_space<vmem>>, vector<16xi32>,
    %and3A_243 = arith.constant 16383 : i32
    %and3A_244 = vector.broadcast %and3A_243 : i32 to vector<16xi32>
    %and3A_245 = arith.andi %get3A_235, %and3A_244 : vector<16xi32>
    %swap3A_246 = arith.constant 0 : index
    %swap3A_247 = tpu.vector_load %arg13[%swap3A_246] {strides = array<i32>} : memref<80xi32, #tpu.memory_space<vmem>>, vector<16xi32>,
    %swap3A_248 = vector.shape_cast %swap3A_247 : vector<16xi32> to vector<16xi32>
    %swap3A_249 = vector.shape_cast %and3A_245 : vector<16xi32> to vector<16xi32>
    tpu.vector_store %arg13[%swap3A_246], %swap3A_249 {strides = array<i32>} : memref<80xi32, #tpu.memory_space<vmem>>, vector<16xi32>,
    %get3A_250 = arith.constant 0 : i32
    %get3A_251 = arith.index_cast %get3A_250 : i32 to index
    %get3A_252 = arith.constant 16 : index
    %get3A_253 = tpu.vector_load %arg11[%get3A_251, %get3A_252] {strides = array<i32>} : memref<125x80xi32, #tpu.memory_space<vmem>>, vector<1x16xi32>,
    %get3A_254 = vector.shape_cast %get3A_253 : vector<1x16xi32> to vector<16xi32>
    %shift_right_logical3A_255 = arith.constant 14 : i32
    %shift_right_logical3A_256 = vector.broadcast %shift_right_logical3A_255 : i32 to vector<16xi32>
    %shift_right_logical3A_257 = arith.shrui %get3A_254, %shift_right_logical3A_256 : vector<16xi32>
    %swap3A_258 = arith.constant 16 : index
    %swap3A_259 = tpu.vector_load %arg12[%swap3A_258] {strides = array<i32>} : memref<80xi32, #tpu.memory_space<vmem>>, vector<16xi32>,
    %swap3A_260 = vector.shape_cast %swap3A_259 : vector<16xi32> to vector<16xi32>
    %swap3A_261 = vector.shape_cast %shift_right_logical3A_257 : vector<16xi32> to vector<16xi32>
    tpu.vector_store %arg12[%swap3A_258], %swap3A_261 {strides = array<i32>} : memref<80xi32, #tpu.memory_space<vmem>>, vector<16xi32>,
    %and3A_262 = arith.constant 16383 : i32
    %and3A_263 = vector.broadcast %and3A_262 : i32 to vector<16xi32>
    %and3A_264 = arith.andi %get3A_254, %and3A_263 : vector<16xi32>
    %swap3A_265 = arith.constant 16 : index
    %swap3A_266 = tpu.vector_load %arg13[%swap3A_265] {strides = array<i32>} : memref<80xi32, #tpu.memory_space<vmem>>, vector<16xi32>,
    %swap3A_267 = vector.shape_cast %swap3A_266 : vector<16xi32> to vector<16xi32>
    %swap3A_268 = vector.shape_cast %and3A_264 : vector<16xi32> to vector<16xi32>
    tpu.vector_store %arg13[%swap3A_265], %swap3A_268 {strides = array<i32>} : memref<80xi32, #tpu.memory_space<vmem>>, vector<16xi32>,
    %get3A_269 = arith.constant 0 : i32
    %get3A_270 = arith.index_cast %get3A_269 : i32 to index
    %get3A_271 = arith.constant 32 : index
    %get3A_272 = tpu.vector_load %arg11[%get3A_270, %get3A_271] {strides = array<i32>} : memref<125x80xi32, #tpu.memory_space<vmem>>, vector<1x16xi32>,
    %get3A_273 = vector.shape_cast %get3A_272 : vector<1x16xi32> to vector<16xi32>
    %shift_right_logical3A_274 = arith.constant 14 : i32
    %shift_right_logical3A_275 = vector.broadcast %shift_right_logical3A_274 : i32 to vector<16xi32>
    %shift_right_logical3A_276 = arith.shrui %get3A_273, %shift_right_logical3A_275 : vector<16xi32>
    %swap3A_277 = arith.constant 32 : index
    %swap3A_278 = tpu.vector_load %arg12[%swap3A_277] {strides = array<i32>} : memref<80xi32, #tpu.memory_space<vmem>>, vector<16xi32>,
    %swap3A_279 = vector.shape_cast %swap3A_278 : vector<16xi32> to vector<16xi32>
    %swap3A_280 = vector.shape_cast %shift_right_logical3A_276 : vector<16xi32> to vector<16xi32>
    tpu.vector_store %arg12[%swap3A_277], %swap3A_280 {strides = array<i32>} : memref<80xi32, #tpu.memory_space<vmem>>, vector<16xi32>,
    %and3A_281 = arith.constant 16383 : i32
    %and3A_282 = vector.broadcast %and3A_281 : i32 to vector<16xi32>
    %and3A_283 = arith.andi %get3A_273, %and3A_282 : vector<16xi32>
    %swap3A_284 = arith.constant 32 : index
    %swap3A_285 = tpu.vector_load %arg13[%swap3A_284] {strides = array<i32>} : memref<80xi32, #tpu.memory_space<vmem>>, vector<16xi32>,
    %swap3A_286 = vector.shape_cast %swap3A_285 : vector<16xi32> to vector<16xi32>
    %swap3A_287 = vector.shape_cast %and3A_283 : vector<16xi32> to vector<16xi32>
    tpu.vector_store %arg13[%swap3A_284], %swap3A_287 {strides = array<i32>} : memref<80xi32, #tpu.memory_space<vmem>>, vector<16xi32>,
    %get3A_288 = arith.constant 0 : i32
    %get3A_289 = arith.index_cast %get3A_288 : i32 to index
    %get3A_290 = arith.constant 48 : index
    %get3A_291 = tpu.vector_load %arg11[%get3A_289, %get3A_290] {strides = array<i32>} : memref<125x80xi32, #tpu.memory_space<vmem>>, vector<1x16xi32>,
    %get3A_292 = vector.shape_cast %get3A_291 : vector<1x16xi32> to vector<16xi32>
    %shift_right_logical3A_293 = arith.constant 14 : i32
    %shift_right_logical3A_294 = vector.broadcast %shift_right_logical3A_293 : i32 to vector<16xi32>
    %shift_right_logical3A_295 = arith.shrui %get3A_292, %shift_right_logical3A_294 : vector<16xi32>
    %swap3A_296 = arith.constant 48 : index
    %swap3A_297 = tpu.vector_load %arg12[%swap3A_296] {strides = array<i32>} : memref<80xi32, #tpu.memory_space<vmem>>, vector<16xi32>,
    %swap3A_298 = vector.shape_cast %swap3A_297 : vector<16xi32> to vector<16xi32>
    %swap3A_299 = vector.shape_cast %shift_right_logical3A_295 : vector<16xi32> to vector<16xi32>
    tpu.vector_store %arg12[%swap3A_296], %swap3A_299 {strides = array<i32>} : memref<80xi32, #tpu.memory_space<vmem>>, vector<16xi32>,
    %and3A_300 = arith.constant 16383 : i32
    %and3A_301 = vector.broadcast %and3A_300 : i32 to vector<16xi32>
    %and3A_302 = arith.andi %get3A_292, %and3A_301 : vector<16xi32>
    %swap3A_303 = arith.constant 48 : index
    %swap3A_304 = tpu.vector_load %arg13[%swap3A_303] {strides = array<i32>} : memref<80xi32, #tpu.memory_space<vmem>>, vector<16xi32>,
    %swap3A_305 = vector.shape_cast %swap3A_304 : vector<16xi32> to vector<16xi32>
    %swap3A_306 = vector.shape_cast %and3A_302 : vector<16xi32> to vector<16xi32>
    tpu.vector_store %arg13[%swap3A_303], %swap3A_306 {strides = array<i32>} : memref<80xi32, #tpu.memory_space<vmem>>, vector<16xi32>,
    %get3A_307 = arith.constant 0 : i32
    %get3A_308 = arith.index_cast %get3A_307 : i32 to index
    %get3A_309 = arith.constant 64 : index
    %get3A_310 = tpu.vector_load %arg11[%get3A_308, %get3A_309] {strides = array<i32>} : memref<125x80xi32, #tpu.memory_space<vmem>>, vector<1x16xi32>,
    %get3A_311 = vector.shape_cast %get3A_310 : vector<1x16xi32> to vector<16xi32>
    %shift_right_logical3A_312 = arith.constant 14 : i32
    %shift_right_logical3A_313 = vector.broadcast %shift_right_logical3A_312 : i32 to vector<16xi32>
    %shift_right_logical3A_314 = arith.shrui %get3A_311, %shift_right_logical3A_313 : vector<16xi32>
    %swap3A_315 = arith.constant 64 : index
    %swap3A_316 = tpu.vector_load %arg12[%swap3A_315] {strides = array<i32>} : memref<80xi32, #tpu.memory_space<vmem>>, vector<16xi32>,
    %swap3A_317 = vector.shape_cast %swap3A_316 : vector<16xi32> to vector<16xi32>
    %swap3A_318 = vector.shape_cast %shift_right_logical3A_314 : vector<16xi32> to vector<16xi32>
    tpu.vector_store %arg12[%swap3A_315], %swap3A_318 {strides = array<i32>} : memref<80xi32, #tpu.memory_space<vmem>>, vector<16xi32>,
    %and3A_319 = arith.constant 16383 : i32
    %and3A_320 = vector.broadcast %and3A_319 : i32 to vector<16xi32>
    %and3A_321 = arith.andi %get3A_311, %and3A_320 : vector<16xi32>
    %swap3A_322 = arith.constant 64 : index
    %swap3A_323 = tpu.vector_load %arg13[%swap3A_322] {strides = array<i32>} : memref<80xi32, #tpu.memory_space<vmem>>, vector<16xi32>,
    %swap3A_324 = vector.shape_cast %swap3A_323 : vector<16xi32> to vector<16xi32>
    %swap3A_325 = vector.shape_cast %and3A_321 : vector<16xi32> to vector<16xi32>
    tpu.vector_store %arg13[%swap3A_322], %swap3A_325 {strides = array<i32>} : memref<80xi32, #tpu.memory_space<vmem>>, vector<16xi32>,
    %dma_start3A_326 = arith.constant 0 : i32
    %dma_start3A_327 = arith.constant 0 : i32
    %dma_start3A_328 = tpu.memref_slice %arg4[%dma_start3A_326, %dma_start3A_327] : memref<10000x144xf32, #tpu.memory_space<hbm>> -> memref<10000x144xf32, #tpu.memory_space<hbm>>
    tpu.enqueue_indirect_dma source(%dma_start3A_328 : memref<10000x144xf32, #tpu.memory_space<hbm>>) target(%arg16 : memref<80x144xf32, #tpu.memory_space<vmem>>) offsets(%arg12 : memref<80xi32, #tpu.memory_space<vmem>>) semaphore(%arg21 : memref<!tpu.dma_semaphore, #tpu.memory_space<semaphore_mem>>)
    %dma_start3A_329 = arith.constant 0 : i32
    %dma_start3A_330 = arith.constant 0 : i32
    %dma_start3A_331 = tpu.memref_slice %arg5[%dma_start3A_329, %dma_start3A_330] : memref<10000x16xf32, #tpu.memory_space<hbm>> -> memref<10000x16xf32, #tpu.memory_space<hbm>>
    tpu.enqueue_indirect_dma source(%dma_start3A_331 : memref<10000x16xf32, #tpu.memory_space<hbm>>) target(%arg17 : memref<80x16xf32, #tpu.memory_space<vmem>>) offsets(%arg13 : memref<80xi32, #tpu.memory_space<vmem>>) semaphore(%arg22 : memref<!tpu.dma_semaphore, #tpu.memory_space<semaphore_mem>>)
    %scan3A_332 = arith.constant 0 : i32
    %scan3A_333 = arith.constant 0 : i32
    %scan3A_334 = arith.constant 62 : i32
    %scan3A_335 = arith.addi %scan3A_333, %scan3A_334 : i32
    %scan3A_336 = arith.constant 1 : i32
    scf.for %scan3A_459 = %scan3A_333 to %scan3A_335 step %scan3A_336  : i32 {
      %mul3A_460 = arith.constant 2 : i32
      %mul3A_461 = arith.muli %scan3A_459, %mul3A_460 : i32
      %dma_wait3A_462 = arith.constant 0 : i32
      %dma_wait3A_463 = arith.constant 0 : i32
      %dma_wait3A_464 = tpu.memref_slice %arg4[%dma_wait3A_462, %dma_wait3A_463] : memref<10000x144xf32, #tpu.memory_space<hbm>> -> memref<10000x144xf32, #tpu.memory_space<hbm>>
      tpu.wait_indirect_dma semaphore(%arg21 : memref<!tpu.dma_semaphore, #tpu.memory_space<semaphore_mem>>) src(%dma_wait3A_464 : memref<10000x144xf32, #tpu.memory_space<hbm>>) dst(%arg16 : memref<80x144xf32, #tpu.memory_space<vmem>>)
      %dma_wait3A_465 = arith.constant 0 : i32
      %dma_wait3A_466 = arith.constant 0 : i32
      %dma_wait3A_467 = tpu.memref_slice %arg5[%dma_wait3A_465, %dma_wait3A_466] : memref<10000x16xf32, #tpu.memory_space<hbm>> -> memref<10000x16xf32, #tpu.memory_space<hbm>>
      tpu.wait_indirect_dma semaphore(%arg22 : memref<!tpu.dma_semaphore, #tpu.memory_space<semaphore_mem>>) src(%dma_wait3A_467 : memref<10000x16xf32, #tpu.memory_space<hbm>>) dst(%arg17 : memref<80x16xf32, #tpu.memory_space<vmem>>)
      %add3A_468 = arith.constant 1 : i32
      %add3A_469 = arith.addi %mul3A_461, %add3A_468 : i32
      %min3A_470 = arith.constant 124 : i32
      %min3A_471 = arith.minsi %add3A_469, %min3A_470 : i32
      %get3A_472 = arith.index_cast %min3A_471 : i32 to index
      %get3A_473 = arith.constant 0 : index
      %get3A_474 = tpu.vector_load %arg11[%get3A_472, %get3A_473] {strides = array<i32>} : memref<125x80xi32, #tpu.memory_space<vmem>>, vector<1x16xi32>,
      %get3A_475 = vector.shape_cast %get3A_474 : vector<1x16xi32> to vector<16xi32>
      %shift_right_logical3A_476 = arith.constant 14 : i32
      %shift_right_logical3A_477 = vector.broadcast %shift_right_logical3A_476 : i32 to vector<16xi32>
      %shift_right_logical3A_478 = arith.shrui %get3A_475, %shift_right_logical3A_477 : vector<16xi32>
      %swap3A_479 = arith.constant 0 : index
      %swap3A_480 = tpu.vector_load %arg14[%swap3A_479] {strides = array<i32>} : memref<80xi32, #tpu.memory_space<vmem>>, vector<16xi32>,
      %swap3A_481 = vector.shape_cast %swap3A_480 : vector<16xi32> to vector<16xi32>
      %swap3A_482 = vector.shape_cast %shift_right_logical3A_478 : vector<16xi32> to vector<16xi32>
      tpu.vector_store %arg14[%swap3A_479], %swap3A_482 {strides = array<i32>} : memref<80xi32, #tpu.memory_space<vmem>>, vector<16xi32>,
      %and3A_483 = arith.constant 16383 : i32
      %and3A_484 = vector.broadcast %and3A_483 : i32 to vector<16xi32>
      %and3A_485 = arith.andi %get3A_475, %and3A_484 : vector<16xi32>
      %swap3A_486 = arith.constant 0 : index
      %swap3A_487 = tpu.vector_load %arg15[%swap3A_486] {strides = array<i32>} : memref<80xi32, #tpu.memory_space<vmem>>, vector<16xi32>,
      %swap3A_488 = vector.shape_cast %swap3A_487 : vector<16xi32> to vector<16xi32>
      %swap3A_489 = vector.shape_cast %and3A_485 : vector<16xi32> to vector<16xi32>
      tpu.vector_store %arg15[%swap3A_486], %swap3A_489 {strides = array<i32>} : memref<80xi32, #tpu.memory_space<vmem>>, vector<16xi32>,
      %get3A_490 = arith.index_cast %min3A_471 : i32 to index
      %get3A_491 = arith.constant 16 : index
      %get3A_492 = tpu.vector_load %arg11[%get3A_490, %get3A_491] {strides = array<i32>} : memref<125x80xi32, #tpu.memory_space<vmem>>, vector<1x16xi32>,
      %get3A_493 = vector.shape_cast %get3A_492 : vector<1x16xi32> to vector<16xi32>
      %shift_right_logical3A_494 = arith.constant 14 : i32
      %shift_right_logical3A_495 = vector.broadcast %shift_right_logical3A_494 : i32 to vector<16xi32>
      %shift_right_logical3A_496 = arith.shrui %get3A_493, %shift_right_logical3A_495 : vector<16xi32>
      %swap3A_497 = arith.constant 16 : index
      %swap3A_498 = tpu.vector_load %arg14[%swap3A_497] {strides = array<i32>} : memref<80xi32, #tpu.memory_space<vmem>>, vector<16xi32>,
      %swap3A_499 = vector.shape_cast %swap3A_498 : vector<16xi32> to vector<16xi32>
      %swap3A_500 = vector.shape_cast %shift_right_logical3A_496 : vector<16xi32> to vector<16xi32>
      tpu.vector_store %arg14[%swap3A_497], %swap3A_500 {strides = array<i32>} : memref<80xi32, #tpu.memory_space<vmem>>, vector<16xi32>,
      %and3A_501 = arith.constant 16383 : i32
      %and3A_502 = vector.broadcast %and3A_501 : i32 to vector<16xi32>
      %and3A_503 = arith.andi %get3A_493, %and3A_502 : vector<16xi32>
      %swap3A_504 = arith.constant 16 : index
      %swap3A_505 = tpu.vector_load %arg15[%swap3A_504] {strides = array<i32>} : memref<80xi32, #tpu.memory_space<vmem>>, vector<16xi32>,
      %swap3A_506 = vector.shape_cast %swap3A_505 : vector<16xi32> to vector<16xi32>
      %swap3A_507 = vector.shape_cast %and3A_503 : vector<16xi32> to vector<16xi32>
      tpu.vector_store %arg15[%swap3A_504], %swap3A_507 {strides = array<i32>} : memref<80xi32, #tpu.memory_space<vmem>>, vector<16xi32>,
      %get3A_508 = arith.index_cast %min3A_471 : i32 to index
      %get3A_509 = arith.constant 32 : index
      %get3A_510 = tpu.vector_load %arg11[%get3A_508, %get3A_509] {strides = array<i32>} : memref<125x80xi32, #tpu.memory_space<vmem>>, vector<1x16xi32>,
      %get3A_511 = vector.shape_cast %get3A_510 : vector<1x16xi32> to vector<16xi32>
      %shift_right_logical3A_512 = arith.constant 14 : i32
      %shift_right_logical3A_513 = vector.broadcast %shift_right_logical3A_512 : i32 to vector<16xi32>
      %shift_right_logical3A_514 = arith.shrui %get3A_511, %shift_right_logical3A_513 : vector<16xi32>
      %swap3A_515 = arith.constant 32 : index
      %swap3A_516 = tpu.vector_load %arg14[%swap3A_515] {strides = array<i32>} : memref<80xi32, #tpu.memory_space<vmem>>, vector<16xi32>,
      %swap3A_517 = vector.shape_cast %swap3A_516 : vector<16xi32> to vector<16xi32>
      %swap3A_518 = vector.shape_cast %shift_right_logical3A_514 : vector<16xi32> to vector<16xi32>
      tpu.vector_store %arg14[%swap3A_515], %swap3A_518 {strides = array<i32>} : memref<80xi32, #tpu.memory_space<vmem>>, vector<16xi32>,
      %and3A_519 = arith.constant 16383 : i32
      %and3A_520 = vector.broadcast %and3A_519 : i32 to vector<16xi32>
      %and3A_521 = arith.andi %get3A_511, %and3A_520 : vector<16xi32>
      %swap3A_522 = arith.constant 32 : index
      %swap3A_523 = tpu.vector_load %arg15[%swap3A_522] {strides = array<i32>} : memref<80xi32, #tpu.memory_space<vmem>>, vector<16xi32>,
      %swap3A_524 = vector.shape_cast %swap3A_523 : vector<16xi32> to vector<16xi32>
      %swap3A_525 = vector.shape_cast %and3A_521 : vector<16xi32> to vector<16xi32>
      tpu.vector_store %arg15[%swap3A_522], %swap3A_525 {strides = array<i32>} : memref<80xi32, #tpu.memory_space<vmem>>, vector<16xi32>,
      %get3A_526 = arith.index_cast %min3A_471 : i32 to index
      %get3A_527 = arith.constant 48 : index
      %get3A_528 = tpu.vector_load %arg11[%get3A_526, %get3A_527] {strides = array<i32>} : memref<125x80xi32, #tpu.memory_space<vmem>>, vector<1x16xi32>,
      %get3A_529 = vector.shape_cast %get3A_528 : vector<1x16xi32> to vector<16xi32>
      %shift_right_logical3A_530 = arith.constant 14 : i32
      %shift_right_logical3A_531 = vector.broadcast %shift_right_logical3A_530 : i32 to vector<16xi32>
      %shift_right_logical3A_532 = arith.shrui %get3A_529, %shift_right_logical3A_531 : vector<16xi32>
      %swap3A_533 = arith.constant 48 : index
      %swap3A_534 = tpu.vector_load %arg14[%swap3A_533] {strides = array<i32>} : memref<80xi32, #tpu.memory_space<vmem>>, vector<16xi32>,
      %swap3A_535 = vector.shape_cast %swap3A_534 : vector<16xi32> to vector<16xi32>
      %swap3A_536 = vector.shape_cast %shift_right_logical3A_532 : vector<16xi32> to vector<16xi32>
      tpu.vector_store %arg14[%swap3A_533], %swap3A_536 {strides = array<i32>} : memref<80xi32, #tpu.memory_space<vmem>>, vector<16xi32>,
      %and3A_537 = arith.constant 16383 : i32
      %and3A_538 = vector.broadcast %and3A_537 : i32 to vector<16xi32>
      %and3A_539 = arith.andi %get3A_529, %and3A_538 : vector<16xi32>
      %swap3A_540 = arith.constant 48 : index
      %swap3A_541 = tpu.vector_load %arg15[%swap3A_540] {strides = array<i32>} : memref<80xi32, #tpu.memory_space<vmem>>, vector<16xi32>,
      %swap3A_542 = vector.shape_cast %swap3A_541 : vector<16xi32> to vector<16xi32>
      %swap3A_543 = vector.shape_cast %and3A_539 : vector<16xi32> to vector<16xi32>
      tpu.vector_store %arg15[%swap3A_540], %swap3A_543 {strides = array<i32>} : memref<80xi32, #tpu.memory_space<vmem>>, vector<16xi32>,
      %get3A_544 = arith.index_cast %min3A_471 : i32 to index
      %get3A_545 = arith.constant 64 : index
      %get3A_546 = tpu.vector_load %arg11[%get3A_544, %get3A_545] {strides = array<i32>} : memref<125x80xi32, #tpu.memory_space<vmem>>, vector<1x16xi32>,
      %get3A_547 = vector.shape_cast %get3A_546 : vector<1x16xi32> to vector<16xi32>
      %shift_right_logical3A_548 = arith.constant 14 : i32
      %shift_right_logical3A_549 = vector.broadcast %shift_right_logical3A_548 : i32 to vector<16xi32>
      %shift_right_logical3A_550 = arith.shrui %get3A_547, %shift_right_logical3A_549 : vector<16xi32>
      %swap3A_551 = arith.constant 64 : index
      %swap3A_552 = tpu.vector_load %arg14[%swap3A_551] {strides = array<i32>} : memref<80xi32, #tpu.memory_space<vmem>>, vector<16xi32>,
      %swap3A_553 = vector.shape_cast %swap3A_552 : vector<16xi32> to vector<16xi32>
      %swap3A_554 = vector.shape_cast %shift_right_logical3A_550 : vector<16xi32> to vector<16xi32>
      tpu.vector_store %arg14[%swap3A_551], %swap3A_554 {strides = array<i32>} : memref<80xi32, #tpu.memory_space<vmem>>, vector<16xi32>,
      %and3A_555 = arith.constant 16383 : i32
      %and3A_556 = vector.broadcast %and3A_555 : i32 to vector<16xi32>
      %and3A_557 = arith.andi %get3A_547, %and3A_556 : vector<16xi32>
      %swap3A_558 = arith.constant 64 : index
      %swap3A_559 = tpu.vector_load %arg15[%swap3A_558] {strides = array<i32>} : memref<80xi32, #tpu.memory_space<vmem>>, vector<16xi32>,
      %swap3A_560 = vector.shape_cast %swap3A_559 : vector<16xi32> to vector<16xi32>
      %swap3A_561 = vector.shape_cast %and3A_557 : vector<16xi32> to vector<16xi32>
      tpu.vector_store %arg15[%swap3A_558], %swap3A_561 {strides = array<i32>} : memref<80xi32, #tpu.memory_space<vmem>>, vector<16xi32>,
      %dma_start3A_562 = arith.constant 0 : i32
      %dma_start3A_563 = arith.constant 0 : i32
      %dma_start3A_564 = tpu.memref_slice %arg4[%dma_start3A_562, %dma_start3A_563] : memref<10000x144xf32, #tpu.memory_space<hbm>> -> memref<10000x144xf32, #tpu.memory_space<hbm>>
      tpu.enqueue_indirect_dma source(%dma_start3A_564 : memref<10000x144xf32, #tpu.memory_space<hbm>>) target(%arg18 : memref<80x144xf32, #tpu.memory_space<vmem>>) offsets(%arg14 : memref<80xi32, #tpu.memory_space<vmem>>) semaphore(%arg23 : memref<!tpu.dma_semaphore, #tpu.memory_space<semaphore_mem>>)
      %dma_start3A_565 = arith.constant 0 : i32
      %dma_start3A_566 = arith.constant 0 : i32
      %dma_start3A_567 = tpu.memref_slice %arg5[%dma_start3A_565, %dma_start3A_566] : memref<10000x16xf32, #tpu.memory_space<hbm>> -> memref<10000x16xf32, #tpu.memory_space<hbm>>
      tpu.enqueue_indirect_dma source(%dma_start3A_567 : memref<10000x16xf32, #tpu.memory_space<hbm>>) target(%arg19 : memref<80x16xf32, #tpu.memory_space<vmem>>) offsets(%arg15 : memref<80xi32, #tpu.memory_space<vmem>>) semaphore(%arg24 : memref<!tpu.dma_semaphore, #tpu.memory_space<semaphore_mem>>)
      %parallel_loop3A_568 = arith.constant 0 : i32
      %parallel_loop3A_569 = arith.constant 80 : i32
      %parallel_loop3A_570 = arith.constant 1 : i32
      scf.for %parallel_loop3A_682 = %parallel_loop3A_568 to %parallel_loop3A_569 step %parallel_loop3A_570  : i32 {
        %parallel_loop3A_683 = arith.index_cast %parallel_loop3A_682 : i32 to index
        %parallel_loop3A_684 = arith.constant 128 : index
        %parallel_loop3A_685 = tpu.vector_load %arg16[%parallel_loop3A_683, %parallel_loop3A_684] {strides = array<i32>} : memref<80x144xf32, #tpu.memory_space<vmem>>, vector<1x16xf32>,
        %parallel_loop3A_686 = vector.shape_cast %parallel_loop3A_685 : vector<1x16xf32> to vector<16xf32>
        %parallel_loop3A_687 = arith.index_cast %parallel_loop3A_682 : i32 to index
        %parallel_loop3A_688 = arith.constant 0 : index
        %parallel_loop3A_689 = tpu.vector_load %arg17[%parallel_loop3A_687, %parallel_loop3A_688] {strides = array<i32>} : memref<80x16xf32, #tpu.memory_space<vmem>>, vector<1x16xf32>,
        %parallel_loop3A_690 = vector.shape_cast %parallel_loop3A_689 : vector<1x16xf32> to vector<16xf32>
        %parallel_loop3A_691 = arith.addf %parallel_loop3A_686, %parallel_loop3A_690 : vector<16xf32>
        %parallel_loop3A_692 = arith.constant 0.000000e+00 : f32
        %parallel_loop3A_693 = vector.broadcast %parallel_loop3A_692 : f32 to vector<16xf32>
        %parallel_loop3A_694 = arith.cmpf oge, %parallel_loop3A_691, %parallel_loop3A_693 : vector<16xf32>
        %parallel_loop3A_695 = arith.constant 2.000000e-01 : f32
        %parallel_loop3A_696 = vector.broadcast %parallel_loop3A_695 : f32 to vector<16xf32>
        %parallel_loop3A_697 = arith.mulf %parallel_loop3A_696, %parallel_loop3A_691 : vector<16xf32>
        %parallel_loop3A_698 = arith.select %parallel_loop3A_694, %parallel_loop3A_691, %parallel_loop3A_697 : vector<16xi1>, vector<16xf32>
        %parallel_loop3A_699 = math.exp %parallel_loop3A_698 : vector<16xf32>
        %parallel_loop3A_700 = arith.constant 0.000000e+00 : f32
        %parallel_loop3A_701 = vector.broadcast %parallel_loop3A_700 : f32 to vector<16xf32>
        %parallel_loop3A_702 = arith.select %lt3A_2, %parallel_loop3A_699, %parallel_loop3A_701 : vector<16xi1>, vector<16xf32>
        %parallel_loop3A_703 = arith.index_cast %parallel_loop3A_682 : i32 to index
        %parallel_loop3A_704 = arith.constant 128 : index
        %parallel_loop3A_705 = tpu.vector_load %arg16[%parallel_loop3A_703, %parallel_loop3A_704] {strides = array<i32>} : memref<80x144xf32, #tpu.memory_space<vmem>>, vector<1x16xf32>,
        %parallel_loop3A_706 = vector.shape_cast %parallel_loop3A_705 : vector<1x16xf32> to vector<16xf32>
        %parallel_loop3A_707 = vector.shape_cast %parallel_loop3A_702 : vector<16xf32> to vector<1x16xf32>
        tpu.vector_store %arg16[%parallel_loop3A_703, %parallel_loop3A_704], %parallel_loop3A_707 {strides = array<i32>} : memref<80x144xf32, #tpu.memory_space<vmem>>, vector<1x16xf32>,
        %parallel_loop3A_708 = vector.extract_strided_slice %parallel_loop3A_702 {offsets = [0], sizes = [1], strides = [1]} : vector<16xf32> to vector<1xf32>
        %parallel_loop3A_709 = vector.extract %parallel_loop3A_708[0] : f32 from vector<1xf32>
        %parallel_loop3A_710 = vector.extract_strided_slice %parallel_loop3A_702 {offsets = [0], sizes = [1], strides = [1]} : vector<16xf32> to vector<1xf32>
        %parallel_loop3A_711 = vector.extract %parallel_loop3A_710[0] : f32 from vector<1xf32>
        %parallel_loop3A_712 = vector.extract_strided_slice %parallel_loop3A_702 {offsets = [1], sizes = [1], strides = [1]} : vector<16xf32> to vector<1xf32>
        %parallel_loop3A_713 = vector.extract %parallel_loop3A_712[0] : f32 from vector<1xf32>
        %parallel_loop3A_714 = vector.extract_strided_slice %parallel_loop3A_702 {offsets = [1], sizes = [1], strides = [1]} : vector<16xf32> to vector<1xf32>
        %parallel_loop3A_715 = vector.extract %parallel_loop3A_714[0] : f32 from vector<1xf32>
        %parallel_loop3A_716 = vector.extract_strided_slice %parallel_loop3A_702 {offsets = [2], sizes = [1], strides = [1]} : vector<16xf32> to vector<1xf32>
        %parallel_loop3A_717 = vector.extract %parallel_loop3A_716[0] : f32 from vector<1xf32>
        %parallel_loop3A_718 = vector.extract_strided_slice %parallel_loop3A_702 {offsets = [2], sizes = [1], strides = [1]} : vector<16xf32> to vector<1xf32>
        %parallel_loop3A_719 = vector.extract %parallel_loop3A_718[0] : f32 from vector<1xf32>
        %parallel_loop3A_720 = vector.extract_strided_slice %parallel_loop3A_702 {offsets = [3], sizes = [1], strides = [1]} : vector<16xf32> to vector<1xf32>
        %parallel_loop3A_721 = vector.extract %parallel_loop3A_720[0] : f32 from vector<1xf32>
        %parallel_loop3A_722 = vector.extract_strided_slice %parallel_loop3A_702 {offsets = [3], sizes = [1], strides = [1]} : vector<16xf32> to vector<1xf32>
        %parallel_loop3A_723 = vector.extract %parallel_loop3A_722[0] : f32 from vector<1xf32>
        %parallel_loop3A_724 = arith.index_cast %parallel_loop3A_682 : i32 to index
        %parallel_loop3A_725 = arith.constant 0 : index
        %parallel_loop3A_726 = tpu.vector_load %arg16[%parallel_loop3A_724, %parallel_loop3A_725] {strides = array<i32>} : memref<80x144xf32, #tpu.memory_space<vmem>>, vector<1x16xf32>,
        %parallel_loop3A_727 = vector.shape_cast %parallel_loop3A_726 : vector<1x16xf32> to vector<16xf32>
        %parallel_loop3A_728 = vector.broadcast %parallel_loop3A_709 : f32 to vector<16xf32>
        %parallel_loop3A_729 = arith.mulf %parallel_loop3A_727, %parallel_loop3A_728 : vector<16xf32>
        %parallel_loop3A_730 = arith.index_cast %parallel_loop3A_682 : i32 to index
        %parallel_loop3A_731 = arith.constant 0 : index
        %parallel_loop3A_732 = tpu.vector_load %arg16[%parallel_loop3A_730, %parallel_loop3A_731] {strides = array<i32>} : memref<80x144xf32, #tpu.memory_space<vmem>>, vector<1x16xf32>,
        %parallel_loop3A_733 = vector.shape_cast %parallel_loop3A_732 : vector<1x16xf32> to vector<16xf32>
        %parallel_loop3A_734 = vector.shape_cast %parallel_loop3A_729 : vector<16xf32> to vector<1x16xf32>
        tpu.vector_store %arg16[%parallel_loop3A_730, %parallel_loop3A_731], %parallel_loop3A_734 {strides = array<i32>} : memref<80x144xf32, #tpu.memory_space<vmem>>, vector<1x16xf32>,
        %parallel_loop3A_735 = arith.index_cast %parallel_loop3A_682 : i32 to index
        %parallel_loop3A_736 = arith.constant 16 : index
        %parallel_loop3A_737 = tpu.vector_load %arg16[%parallel_loop3A_735, %parallel_loop3A_736] {strides = array<i32>} : memref<80x144xf32, #tpu.memory_space<vmem>>, vector<1x16xf32>,
        %parallel_loop3A_738 = vector.shape_cast %parallel_loop3A_737 : vector<1x16xf32> to vector<16xf32>
        %parallel_loop3A_739 = vector.broadcast %parallel_loop3A_711 : f32 to vector<16xf32>
        %parallel_loop3A_740 = arith.mulf %parallel_loop3A_738, %parallel_loop3A_739 : vector<16xf32>
        %parallel_loop3A_741 = arith.index_cast %parallel_loop3A_682 : i32 to index
        %parallel_loop3A_742 = arith.constant 16 : index
        %parallel_loop3A_743 = tpu.vector_load %arg16[%parallel_loop3A_741, %parallel_loop3A_742] {strides = array<i32>} : memref<80x144xf32, #tpu.memory_space<vmem>>, vector<1x16xf32>,
        %parallel_loop3A_744 = vector.shape_cast %parallel_loop3A_743 : vector<1x16xf32> to vector<16xf32>
        %parallel_loop3A_745 = vector.shape_cast %parallel_loop3A_740 : vector<16xf32> to vector<1x16xf32>
        tpu.vector_store %arg16[%parallel_loop3A_741, %parallel_loop3A_742], %parallel_loop3A_745 {strides = array<i32>} : memref<80x144xf32, #tpu.memory_space<vmem>>, vector<1x16xf32>,
        %parallel_loop3A_746 = arith.index_cast %parallel_loop3A_682 : i32 to index
        %parallel_loop3A_747 = arith.constant 32 : index
        %parallel_loop3A_748 = tpu.vector_load %arg16[%parallel_loop3A_746, %parallel_loop3A_747] {strides = array<i32>} : memref<80x144xf32, #tpu.memory_space<vmem>>, vector<1x16xf32>,
        %parallel_loop3A_749 = vector.shape_cast %parallel_loop3A_748 : vector<1x16xf32> to vector<16xf32>
        %parallel_loop3A_750 = vector.broadcast %parallel_loop3A_713 : f32 to vector<16xf32>
        %parallel_loop3A_751 = arith.mulf %parallel_loop3A_749, %parallel_loop3A_750 : vector<16xf32>
        %parallel_loop3A_752 = arith.index_cast %parallel_loop3A_682 : i32 to index
        %parallel_loop3A_753 = arith.constant 32 : index
        %parallel_loop3A_754 = tpu.vector_load %arg16[%parallel_loop3A_752, %parallel_loop3A_753] {strides = array<i32>} : memref<80x144xf32, #tpu.memory_space<vmem>>, vector<1x16xf32>,
        %parallel_loop3A_755 = vector.shape_cast %parallel_loop3A_754 : vector<1x16xf32> to vector<16xf32>
        %parallel_loop3A_756 = vector.shape_cast %parallel_loop3A_751 : vector<16xf32> to vector<1x16xf32>
        tpu.vector_store %arg16[%parallel_loop3A_752, %parallel_loop3A_753], %parallel_loop3A_756 {strides = array<i32>} : memref<80x144xf32, #tpu.memory_space<vmem>>, vector<1x16xf32>,
        %parallel_loop3A_757 = arith.index_cast %parallel_loop3A_682 : i32 to index
        %parallel_loop3A_758 = arith.constant 48 : index
        %parallel_loop3A_759 = tpu.vector_load %arg16[%parallel_loop3A_757, %parallel_loop3A_758] {strides = array<i32>} : memref<80x144xf32, #tpu.memory_space<vmem>>, vector<1x16xf32>,
        %parallel_loop3A_760 = vector.shape_cast %parallel_loop3A_759 : vector<1x16xf32> to vector<16xf32>
        %parallel_loop3A_761 = vector.broadcast %parallel_loop3A_715 : f32 to vector<16xf32>
        %parallel_loop3A_762 = arith.mulf %parallel_loop3A_760, %parallel_loop3A_761 : vector<16xf32>
        %parallel_loop3A_763 = arith.index_cast %parallel_loop3A_682 : i32 to index
        %parallel_loop3A_764 = arith.constant 48 : index
        %parallel_loop3A_765 = tpu.vector_load %arg16[%parallel_loop3A_763, %parallel_loop3A_764] {strides = array<i32>} : memref<80x144xf32, #tpu.memory_space<vmem>>, vector<1x16xf32>,
        %parallel_loop3A_766 = vector.shape_cast %parallel_loop3A_765 : vector<1x16xf32> to vector<16xf32>
        %parallel_loop3A_767 = vector.shape_cast %parallel_loop3A_762 : vector<16xf32> to vector<1x16xf32>
        tpu.vector_store %arg16[%parallel_loop3A_763, %parallel_loop3A_764], %parallel_loop3A_767 {strides = array<i32>} : memref<80x144xf32, #tpu.memory_space<vmem>>, vector<1x16xf32>,
        %parallel_loop3A_768 = arith.index_cast %parallel_loop3A_682 : i32 to index
        %parallel_loop3A_769 = arith.constant 64 : index
        %parallel_loop3A_770 = tpu.vector_load %arg16[%parallel_loop3A_768, %parallel_loop3A_769] {strides = array<i32>} : memref<80x144xf32, #tpu.memory_space<vmem>>, vector<1x16xf32>,
        %parallel_loop3A_771 = vector.shape_cast %parallel_loop3A_770 : vector<1x16xf32> to vector<16xf32>
        %parallel_loop3A_772 = vector.broadcast %parallel_loop3A_717 : f32 to vector<16xf32>
        %parallel_loop3A_773 = arith.mulf %parallel_loop3A_771, %parallel_loop3A_772 : vector<16xf32>
        %parallel_loop3A_774 = arith.index_cast %parallel_loop3A_682 : i32 to index
        %parallel_loop3A_775 = arith.constant 64 : index
        %parallel_loop3A_776 = tpu.vector_load %arg16[%parallel_loop3A_774, %parallel_loop3A_775] {strides = array<i32>} : memref<80x144xf32, #tpu.memory_space<vmem>>, vector<1x16xf32>,
        %parallel_loop3A_777 = vector.shape_cast %parallel_loop3A_776 : vector<1x16xf32> to vector<16xf32>
        %parallel_loop3A_778 = vector.shape_cast %parallel_loop3A_773 : vector<16xf32> to vector<1x16xf32>
        tpu.vector_store %arg16[%parallel_loop3A_774, %parallel_loop3A_775], %parallel_loop3A_778 {strides = array<i32>} : memref<80x144xf32, #tpu.memory_space<vmem>>, vector<1x16xf32>,
        %parallel_loop3A_779 = arith.index_cast %parallel_loop3A_682 : i32 to index
        %parallel_loop3A_780 = arith.constant 80 : index
        %parallel_loop3A_781 = tpu.vector_load %arg16[%parallel_loop3A_779, %parallel_loop3A_780] {strides = array<i32>} : memref<80x144xf32, #tpu.memory_space<vmem>>, vector<1x16xf32>,
        %parallel_loop3A_782 = vector.shape_cast %parallel_loop3A_781 : vector<1x16xf32> to vector<16xf32>
        %parallel_loop3A_783 = vector.broadcast %parallel_loop3A_719 : f32 to vector<16xf32>
        %parallel_loop3A_784 = arith.mulf %parallel_loop3A_782, %parallel_loop3A_783 : vector<16xf32>
        %parallel_loop3A_785 = arith.index_cast %parallel_loop3A_682 : i32 to index
        %parallel_loop3A_786 = arith.constant 80 : index
        %parallel_loop3A_787 = tpu.vector_load %arg16[%parallel_loop3A_785, %parallel_loop3A_786] {strides = array<i32>} : memref<80x144xf32, #tpu.memory_space<vmem>>, vector<1x16xf32>,
        %parallel_loop3A_788 = vector.shape_cast %parallel_loop3A_787 : vector<1x16xf32> to vector<16xf32>
        %parallel_loop3A_789 = vector.shape_cast %parallel_loop3A_784 : vector<16xf32> to vector<1x16xf32>
        tpu.vector_store %arg16[%parallel_loop3A_785, %parallel_loop3A_786], %parallel_loop3A_789 {strides = array<i32>} : memref<80x144xf32, #tpu.memory_space<vmem>>, vector<1x16xf32>,
        %parallel_loop3A_790 = arith.index_cast %parallel_loop3A_682 : i32 to index
        %parallel_loop3A_791 = arith.constant 96 : index
        %parallel_loop3A_792 = tpu.vector_load %arg16[%parallel_loop3A_790, %parallel_loop3A_791] {strides = array<i32>} : memref<80x144xf32, #tpu.memory_space<vmem>>, vector<1x16xf32>,
        %parallel_loop3A_793 = vector.shape_cast %parallel_loop3A_792 : vector<1x16xf32> to vector<16xf32>
        %parallel_loop3A_794 = vector.broadcast %parallel_loop3A_721 : f32 to vector<16xf32>
        %parallel_loop3A_795 = arith.mulf %parallel_loop3A_793, %parallel_loop3A_794 : vector<16xf32>
        %parallel_loop3A_796 = arith.index_cast %parallel_loop3A_682 : i32 to index
        %parallel_loop3A_797 = arith.constant 96 : index
        %parallel_loop3A_798 = tpu.vector_load %arg16[%parallel_loop3A_796, %parallel_loop3A_797] {strides = array<i32>} : memref<80x144xf32, #tpu.memory_space<vmem>>, vector<1x16xf32>,
        %parallel_loop3A_799 = vector.shape_cast %parallel_loop3A_798 : vector<1x16xf32> to vector<16xf32>
        %parallel_loop3A_800 = vector.shape_cast %parallel_loop3A_795 : vector<16xf32> to vector<1x16xf32>
        tpu.vector_store %arg16[%parallel_loop3A_796, %parallel_loop3A_797], %parallel_loop3A_800 {strides = array<i32>} : memref<80x144xf32, #tpu.memory_space<vmem>>, vector<1x16xf32>,
        %parallel_loop3A_801 = arith.index_cast %parallel_loop3A_682 : i32 to index
        %parallel_loop3A_802 = arith.constant 112 : index
        %parallel_loop3A_803 = tpu.vector_load %arg16[%parallel_loop3A_801, %parallel_loop3A_802] {strides = array<i32>} : memref<80x144xf32, #tpu.memory_space<vmem>>, vector<1x16xf32>,
        %parallel_loop3A_804 = vector.shape_cast %parallel_loop3A_803 : vector<1x16xf32> to vector<16xf32>
        %parallel_loop3A_805 = vector.broadcast %parallel_loop3A_723 : f32 to vector<16xf32>
        %parallel_loop3A_806 = arith.mulf %parallel_loop3A_804, %parallel_loop3A_805 : vector<16xf32>
        %parallel_loop3A_807 = arith.index_cast %parallel_loop3A_682 : i32 to index
        %parallel_loop3A_808 = arith.constant 112 : index
        %parallel_loop3A_809 = tpu.vector_load %arg16[%parallel_loop3A_807, %parallel_loop3A_808] {strides = array<i32>} : memref<80x144xf32, #tpu.memory_space<vmem>>, vector<1x16xf32>,
        %parallel_loop3A_810 = vector.shape_cast %parallel_loop3A_809 : vector<1x16xf32> to vector<16xf32>
        %parallel_loop3A_811 = vector.shape_cast %parallel_loop3A_806 : vector<16xf32> to vector<1x16xf32>
        tpu.vector_store %arg16[%parallel_loop3A_807, %parallel_loop3A_808], %parallel_loop3A_811 {strides = array<i32>} : memref<80x144xf32, #tpu.memory_space<vmem>>, vector<1x16xf32>,
      } {sc.loop_unroll_factor = 4 : i64, sc.parallel_access}
      "tpu.region"() ({
        %run_scoped3A = tpu.sem_alloc : memref<!tpu.dma_semaphore, #tpu.memory_space<semaphore_mem>>
        %dma_start3A_682 = arith.constant 0 : i32
        %dma_start3A_683 = arith.constant 0 : i32
        %dma_start3A_684 = tpu.memref_slice %arg20[%dma_start3A_682, %dma_start3A_683] : memref<10240x144xf32, #tpu.memory_space<vmem_shared>> -> memref<10240x144xf32, #tpu.memory_space<vmem_shared>>
        tpu.enqueue_indirect_dma source(%arg16 : memref<80x144xf32, #tpu.memory_space<vmem>>) target(%dma_start3A_684 : memref<10240x144xf32, #tpu.memory_space<vmem_shared>>) offsets(%arg13 : memref<80xi32, #tpu.memory_space<vmem>>) semaphore(%run_scoped3A : memref<!tpu.dma_semaphore, #tpu.memory_space<semaphore_mem>>) {add = true}
        %dma_wait3A_685 = arith.constant 0 : i32
        %dma_wait3A_686 = arith.constant 0 : i32
        %dma_wait3A_687 = tpu.memref_slice %arg20[%dma_wait3A_685, %dma_wait3A_686] : memref<10240x144xf32, #tpu.memory_space<vmem_shared>> -> memref<10240x144xf32, #tpu.memory_space<vmem_shared>>
        tpu.wait_indirect_dma semaphore(%run_scoped3A : memref<!tpu.dma_semaphore, #tpu.memory_space<semaphore_mem>>) src(%arg16 : memref<80x144xf32, #tpu.memory_space<vmem>>) dst(%dma_wait3A_687 : memref<10240x144xf32, #tpu.memory_space<vmem_shared>>)
        tpu.yield
      }) : () -> ()
      %add3A_571 = arith.constant 1 : i32
      %add3A_572 = arith.addi %mul3A_461, %add3A_571 : i32
      %dma_wait3A_573 = arith.constant 0 : i32
      %dma_wait3A_574 = arith.constant 0 : i32
      %dma_wait3A_575 = tpu.memref_slice %arg4[%dma_wait3A_573, %dma_wait3A_574] : memref<10000x144xf32, #tpu.memory_space<hbm>> -> memref<10000x144xf32, #tpu.memory_space<hbm>>
      tpu.wait_indirect_dma semaphore(%arg23 : memref<!tpu.dma_semaphore, #tpu.memory_space<semaphore_mem>>) src(%dma_wait3A_575 : memref<10000x144xf32, #tpu.memory_space<hbm>>) dst(%arg18 : memref<80x144xf32, #tpu.memory_space<vmem>>)
      %dma_wait3A_576 = arith.constant 0 : i32
      %dma_wait3A_577 = arith.constant 0 : i32
      %dma_wait3A_578 = tpu.memref_slice %arg5[%dma_wait3A_576, %dma_wait3A_577] : memref<10000x16xf32, #tpu.memory_space<hbm>> -> memref<10000x16xf32, #tpu.memory_space<hbm>>
      tpu.wait_indirect_dma semaphore(%arg24 : memref<!tpu.dma_semaphore, #tpu.memory_space<semaphore_mem>>) src(%dma_wait3A_578 : memref<10000x16xf32, #tpu.memory_space<hbm>>) dst(%arg19 : memref<80x16xf32, #tpu.memory_space<vmem>>)
      %add3A_579 = arith.constant 1 : i32
      %add3A_580 = arith.addi %add3A_572, %add3A_579 : i32
      %min3A_581 = arith.constant 124 : i32
      %min3A_582 = arith.minsi %add3A_580, %min3A_581 : i32
      %get3A_583 = arith.index_cast %min3A_582 : i32 to index
      %get3A_584 = arith.constant 0 : index
      %get3A_585 = tpu.vector_load %arg11[%get3A_583, %get3A_584] {strides = array<i32>} : memref<125x80xi32, #tpu.memory_space<vmem>>, vector<1x16xi32>,
      %get3A_586 = vector.shape_cast %get3A_585 : vector<1x16xi32> to vector<16xi32>
      %shift_right_logical3A_587 = arith.constant 14 : i32
      %shift_right_logical3A_588 = vector.broadcast %shift_right_logical3A_587 : i32 to vector<16xi32>
      %shift_right_logical3A_589 = arith.shrui %get3A_586, %shift_right_logical3A_588 : vector<16xi32>
      %swap3A_590 = arith.constant 0 : index
      %swap3A_591 = tpu.vector_load %arg12[%swap3A_590] {strides = array<i32>} : memref<80xi32, #tpu.memory_space<vmem>>, vector<16xi32>,
      %swap3A_592 = vector.shape_cast %swap3A_591 : vector<16xi32> to vector<16xi32>
      %swap3A_593 = vector.shape_cast %shift_right_logical3A_589 : vector<16xi32> to vector<16xi32>
      tpu.vector_store %arg12[%swap3A_590], %swap3A_593 {strides = array<i32>} : memref<80xi32, #tpu.memory_space<vmem>>, vector<16xi32>,
      %and3A_594 = arith.constant 16383 : i32
      %and3A_595 = vector.broadcast %and3A_594 : i32 to vector<16xi32>
      %and3A_596 = arith.andi %get3A_586, %and3A_595 : vector<16xi32>
      %swap3A_597 = arith.constant 0 : index
      %swap3A_598 = tpu.vector_load %arg13[%swap3A_597] {strides = array<i32>} : memref<80xi32, #tpu.memory_space<vmem>>, vector<16xi32>,
      %swap3A_599 = vector.shape_cast %swap3A_598 : vector<16xi32> to vector<16xi32>
      %swap3A_600 = vector.shape_cast %and3A_596 : vector<16xi32> to vector<16xi32>
      tpu.vector_store %arg13[%swap3A_597], %swap3A_600 {strides = array<i32>} : memref<80xi32, #tpu.memory_space<vmem>>, vector<16xi32>,
      %get3A_601 = arith.index_cast %min3A_582 : i32 to index
      %get3A_602 = arith.constant 16 : index
      %get3A_603 = tpu.vector_load %arg11[%get3A_601, %get3A_602] {strides = array<i32>} : memref<125x80xi32, #tpu.memory_space<vmem>>, vector<1x16xi32>,
      %get3A_604 = vector.shape_cast %get3A_603 : vector<1x16xi32> to vector<16xi32>
      %shift_right_logical3A_605 = arith.constant 14 : i32
      %shift_right_logical3A_606 = vector.broadcast %shift_right_logical3A_605 : i32 to vector<16xi32>
      %shift_right_logical3A_607 = arith.shrui %get3A_604, %shift_right_logical3A_606 : vector<16xi32>
      %swap3A_608 = arith.constant 16 : index
      %swap3A_609 = tpu.vector_load %arg12[%swap3A_608] {strides = array<i32>} : memref<80xi32, #tpu.memory_space<vmem>>, vector<16xi32>,
      %swap3A_610 = vector.shape_cast %swap3A_609 : vector<16xi32> to vector<16xi32>
      %swap3A_611 = vector.shape_cast %shift_right_logical3A_607 : vector<16xi32> to vector<16xi32>
      tpu.vector_store %arg12[%swap3A_608], %swap3A_611 {strides = array<i32>} : memref<80xi32, #tpu.memory_space<vmem>>, vector<16xi32>,
      %and3A_612 = arith.constant 16383 : i32
      %and3A_613 = vector.broadcast %and3A_612 : i32 to vector<16xi32>
      %and3A_614 = arith.andi %get3A_604, %and3A_613 : vector<16xi32>
      %swap3A_615 = arith.constant 16 : index
      %swap3A_616 = tpu.vector_load %arg13[%swap3A_615] {strides = array<i32>} : memref<80xi32, #tpu.memory_space<vmem>>, vector<16xi32>,
      %swap3A_617 = vector.shape_cast %swap3A_616 : vector<16xi32> to vector<16xi32>
      %swap3A_618 = vector.shape_cast %and3A_614 : vector<16xi32> to vector<16xi32>
      tpu.vector_store %arg13[%swap3A_615], %swap3A_618 {strides = array<i32>} : memref<80xi32, #tpu.memory_space<vmem>>, vector<16xi32>,
      %get3A_619 = arith.index_cast %min3A_582 : i32 to index
      %get3A_620 = arith.constant 32 : index
      %get3A_621 = tpu.vector_load %arg11[%get3A_619, %get3A_620] {strides = array<i32>} : memref<125x80xi32, #tpu.memory_space<vmem>>, vector<1x16xi32>,
      %get3A_622 = vector.shape_cast %get3A_621 : vector<1x16xi32> to vector<16xi32>
      %shift_right_logical3A_623 = arith.constant 14 : i32
      %shift_right_logical3A_624 = vector.broadcast %shift_right_logical3A_623 : i32 to vector<16xi32>
      %shift_right_logical3A_625 = arith.shrui %get3A_622, %shift_right_logical3A_624 : vector<16xi32>
      %swap3A_626 = arith.constant 32 : index
      %swap3A_627 = tpu.vector_load %arg12[%swap3A_626] {strides = array<i32>} : memref<80xi32, #tpu.memory_space<vmem>>, vector<16xi32>,
      %swap3A_628 = vector.shape_cast %swap3A_627 : vector<16xi32> to vector<16xi32>
      %swap3A_629 = vector.shape_cast %shift_right_logical3A_625 : vector<16xi32> to vector<16xi32>
      tpu.vector_store %arg12[%swap3A_626], %swap3A_629 {strides = array<i32>} : memref<80xi32, #tpu.memory_space<vmem>>, vector<16xi32>,
      %and3A_630 = arith.constant 16383 : i32
      %and3A_631 = vector.broadcast %and3A_630 : i32 to vector<16xi32>
      %and3A_632 = arith.andi %get3A_622, %and3A_631 : vector<16xi32>
      %swap3A_633 = arith.constant 32 : index
      %swap3A_634 = tpu.vector_load %arg13[%swap3A_633] {strides = array<i32>} : memref<80xi32, #tpu.memory_space<vmem>>, vector<16xi32>,
      %swap3A_635 = vector.shape_cast %swap3A_634 : vector<16xi32> to vector<16xi32>
      %swap3A_636 = vector.shape_cast %and3A_632 : vector<16xi32> to vector<16xi32>
      tpu.vector_store %arg13[%swap3A_633], %swap3A_636 {strides = array<i32>} : memref<80xi32, #tpu.memory_space<vmem>>, vector<16xi32>,
      %get3A_637 = arith.index_cast %min3A_582 : i32 to index
      %get3A_638 = arith.constant 48 : index
      %get3A_639 = tpu.vector_load %arg11[%get3A_637, %get3A_638] {strides = array<i32>} : memref<125x80xi32, #tpu.memory_space<vmem>>, vector<1x16xi32>,
      %get3A_640 = vector.shape_cast %get3A_639 : vector<1x16xi32> to vector<16xi32>
      %shift_right_logical3A_641 = arith.constant 14 : i32
      %shift_right_logical3A_642 = vector.broadcast %shift_right_logical3A_641 : i32 to vector<16xi32>
      %shift_right_logical3A_643 = arith.shrui %get3A_640, %shift_right_logical3A_642 : vector<16xi32>
      %swap3A_644 = arith.constant 48 : index
      %swap3A_645 = tpu.vector_load %arg12[%swap3A_644] {strides = array<i32>} : memref<80xi32, #tpu.memory_space<vmem>>, vector<16xi32>,
      %swap3A_646 = vector.shape_cast %swap3A_645 : vector<16xi32> to vector<16xi32>
      %swap3A_647 = vector.shape_cast %shift_right_logical3A_643 : vector<16xi32> to vector<16xi32>
      tpu.vector_store %arg12[%swap3A_644], %swap3A_647 {strides = array<i32>} : memref<80xi32, #tpu.memory_space<vmem>>, vector<16xi32>,
      %and3A_648 = arith.constant 16383 : i32
      %and3A_649 = vector.broadcast %and3A_648 : i32 to vector<16xi32>
      %and3A_650 = arith.andi %get3A_640, %and3A_649 : vector<16xi32>
      %swap3A_651 = arith.constant 48 : index
      %swap3A_652 = tpu.vector_load %arg13[%swap3A_651] {strides = array<i32>} : memref<80xi32, #tpu.memory_space<vmem>>, vector<16xi32>,
      %swap3A_653 = vector.shape_cast %swap3A_652 : vector<16xi32> to vector<16xi32>
      %swap3A_654 = vector.shape_cast %and3A_650 : vector<16xi32> to vector<16xi32>
      tpu.vector_store %arg13[%swap3A_651], %swap3A_654 {strides = array<i32>} : memref<80xi32, #tpu.memory_space<vmem>>, vector<16xi32>,
      %get3A_655 = arith.index_cast %min3A_582 : i32 to index
      %get3A_656 = arith.constant 64 : index
      %get3A_657 = tpu.vector_load %arg11[%get3A_655, %get3A_656] {strides = array<i32>} : memref<125x80xi32, #tpu.memory_space<vmem>>, vector<1x16xi32>,
      %get3A_658 = vector.shape_cast %get3A_657 : vector<1x16xi32> to vector<16xi32>
      %shift_right_logical3A_659 = arith.constant 14 : i32
      %shift_right_logical3A_660 = vector.broadcast %shift_right_logical3A_659 : i32 to vector<16xi32>
      %shift_right_logical3A_661 = arith.shrui %get3A_658, %shift_right_logical3A_660 : vector<16xi32>
      %swap3A_662 = arith.constant 64 : index
      %swap3A_663 = tpu.vector_load %arg12[%swap3A_662] {strides = array<i32>} : memref<80xi32, #tpu.memory_space<vmem>>, vector<16xi32>,
      %swap3A_664 = vector.shape_cast %swap3A_663 : vector<16xi32> to vector<16xi32>
      %swap3A_665 = vector.shape_cast %shift_right_logical3A_661 : vector<16xi32> to vector<16xi32>
      tpu.vector_store %arg12[%swap3A_662], %swap3A_665 {strides = array<i32>} : memref<80xi32, #tpu.memory_space<vmem>>, vector<16xi32>,
      %and3A_666 = arith.constant 16383 : i32
      %and3A_667 = vector.broadcast %and3A_666 : i32 to vector<16xi32>
      %and3A_668 = arith.andi %get3A_658, %and3A_667 : vector<16xi32>
      %swap3A_669 = arith.constant 64 : index
      %swap3A_670 = tpu.vector_load %arg13[%swap3A_669] {strides = array<i32>} : memref<80xi32, #tpu.memory_space<vmem>>, vector<16xi32>,
      %swap3A_671 = vector.shape_cast %swap3A_670 : vector<16xi32> to vector<16xi32>
      %swap3A_672 = vector.shape_cast %and3A_668 : vector<16xi32> to vector<16xi32>
      tpu.vector_store %arg13[%swap3A_669], %swap3A_672 {strides = array<i32>} : memref<80xi32, #tpu.memory_space<vmem>>, vector<16xi32>,
      %dma_start3A_673 = arith.constant 0 : i32
      %dma_start3A_674 = arith.constant 0 : i32
      %dma_start3A_675 = tpu.memref_slice %arg4[%dma_start3A_673, %dma_start3A_674] : memref<10000x144xf32, #tpu.memory_space<hbm>> -> memref<10000x144xf32, #tpu.memory_space<hbm>>
      tpu.enqueue_indirect_dma source(%dma_start3A_675 : memref<10000x144xf32, #tpu.memory_space<hbm>>) target(%arg16 : memref<80x144xf32, #tpu.memory_space<vmem>>) offsets(%arg12 : memref<80xi32, #tpu.memory_space<vmem>>) semaphore(%arg21 : memref<!tpu.dma_semaphore, #tpu.memory_space<semaphore_mem>>)
      %dma_start3A_676 = arith.constant 0 : i32
      %dma_start3A_677 = arith.constant 0 : i32
      %dma_start3A_678 = tpu.memref_slice %arg5[%dma_start3A_676, %dma_start3A_677] : memref<10000x16xf32, #tpu.memory_space<hbm>> -> memref<10000x16xf32, #tpu.memory_space<hbm>>
      tpu.enqueue_indirect_dma source(%dma_start3A_678 : memref<10000x16xf32, #tpu.memory_space<hbm>>) target(%arg17 : memref<80x16xf32, #tpu.memory_space<vmem>>) offsets(%arg13 : memref<80xi32, #tpu.memory_space<vmem>>) semaphore(%arg22 : memref<!tpu.dma_semaphore, #tpu.memory_space<semaphore_mem>>)
      %parallel_loop3A_679 = arith.constant 0 : i32
      %parallel_loop3A_680 = arith.constant 80 : i32
      %parallel_loop3A_681 = arith.constant 1 : i32
      scf.for %parallel_loop3A_682 = %parallel_loop3A_679 to %parallel_loop3A_680 step %parallel_loop3A_681  : i32 {
        %parallel_loop3A_683 = arith.index_cast %parallel_loop3A_682 : i32 to index
        %parallel_loop3A_684 = arith.constant 128 : index
        %parallel_loop3A_685 = tpu.vector_load %arg18[%parallel_loop3A_683, %parallel_loop3A_684] {strides = array<i32>} : memref<80x144xf32, #tpu.memory_space<vmem>>, vector<1x16xf32>,
        %parallel_loop3A_686 = vector.shape_cast %parallel_loop3A_685 : vector<1x16xf32> to vector<16xf32>
        %parallel_loop3A_687 = arith.index_cast %parallel_loop3A_682 : i32 to index
        %parallel_loop3A_688 = arith.constant 0 : index
        %parallel_loop3A_689 = tpu.vector_load %arg19[%parallel_loop3A_687, %parallel_loop3A_688] {strides = array<i32>} : memref<80x16xf32, #tpu.memory_space<vmem>>, vector<1x16xf32>,
        %parallel_loop3A_690 = vector.shape_cast %parallel_loop3A_689 : vector<1x16xf32> to vector<16xf32>
        %parallel_loop3A_691 = arith.addf %parallel_loop3A_686, %parallel_loop3A_690 : vector<16xf32>
        %parallel_loop3A_692 = arith.constant 0.000000e+00 : f32
        %parallel_loop3A_693 = vector.broadcast %parallel_loop3A_692 : f32 to vector<16xf32>
        %parallel_loop3A_694 = arith.cmpf oge, %parallel_loop3A_691, %parallel_loop3A_693 : vector<16xf32>
        %parallel_loop3A_695 = arith.constant 2.000000e-01 : f32
        %parallel_loop3A_696 = vector.broadcast %parallel_loop3A_695 : f32 to vector<16xf32>
        %parallel_loop3A_697 = arith.mulf %parallel_loop3A_696, %parallel_loop3A_691 : vector<16xf32>
        %parallel_loop3A_698 = arith.select %parallel_loop3A_694, %parallel_loop3A_691, %parallel_loop3A_697 : vector<16xi1>, vector<16xf32>
        %parallel_loop3A_699 = math.exp %parallel_loop3A_698 : vector<16xf32>
        %parallel_loop3A_700 = arith.constant 0.000000e+00 : f32
        %parallel_loop3A_701 = vector.broadcast %parallel_loop3A_700 : f32 to vector<16xf32>
        %parallel_loop3A_702 = arith.select %lt3A_2, %parallel_loop3A_699, %parallel_loop3A_701 : vector<16xi1>, vector<16xf32>
        %parallel_loop3A_703 = arith.index_cast %parallel_loop3A_682 : i32 to index
        %parallel_loop3A_704 = arith.constant 128 : index
        %parallel_loop3A_705 = tpu.vector_load %arg18[%parallel_loop3A_703, %parallel_loop3A_704] {strides = array<i32>} : memref<80x144xf32, #tpu.memory_space<vmem>>, vector<1x16xf32>,
        %parallel_loop3A_706 = vector.shape_cast %parallel_loop3A_705 : vector<1x16xf32> to vector<16xf32>
        %parallel_loop3A_707 = vector.shape_cast %parallel_loop3A_702 : vector<16xf32> to vector<1x16xf32>
        tpu.vector_store %arg18[%parallel_loop3A_703, %parallel_loop3A_704], %parallel_loop3A_707 {strides = array<i32>} : memref<80x144xf32, #tpu.memory_space<vmem>>, vector<1x16xf32>,
        %parallel_loop3A_708 = vector.extract_strided_slice %parallel_loop3A_702 {offsets = [0], sizes = [1], strides = [1]} : vector<16xf32> to vector<1xf32>
        %parallel_loop3A_709 = vector.extract %parallel_loop3A_708[0] : f32 from vector<1xf32>
        %parallel_loop3A_710 = vector.extract_strided_slice %parallel_loop3A_702 {offsets = [0], sizes = [1], strides = [1]} : vector<16xf32> to vector<1xf32>
        %parallel_loop3A_711 = vector.extract %parallel_loop3A_710[0] : f32 from vector<1xf32>
        %parallel_loop3A_712 = vector.extract_strided_slice %parallel_loop3A_702 {offsets = [1], sizes = [1], strides = [1]} : vector<16xf32> to vector<1xf32>
        %parallel_loop3A_713 = vector.extract %parallel_loop3A_712[0] : f32 from vector<1xf32>
        %parallel_loop3A_714 = vector.extract_strided_slice %parallel_loop3A_702 {offsets = [1], sizes = [1], strides = [1]} : vector<16xf32> to vector<1xf32>
        %parallel_loop3A_715 = vector.extract %parallel_loop3A_714[0] : f32 from vector<1xf32>
        %parallel_loop3A_716 = vector.extract_strided_slice %parallel_loop3A_702 {offsets = [2], sizes = [1], strides = [1]} : vector<16xf32> to vector<1xf32>
        %parallel_loop3A_717 = vector.extract %parallel_loop3A_716[0] : f32 from vector<1xf32>
        %parallel_loop3A_718 = vector.extract_strided_slice %parallel_loop3A_702 {offsets = [2], sizes = [1], strides = [1]} : vector<16xf32> to vector<1xf32>
        %parallel_loop3A_719 = vector.extract %parallel_loop3A_718[0] : f32 from vector<1xf32>
        %parallel_loop3A_720 = vector.extract_strided_slice %parallel_loop3A_702 {offsets = [3], sizes = [1], strides = [1]} : vector<16xf32> to vector<1xf32>
        %parallel_loop3A_721 = vector.extract %parallel_loop3A_720[0] : f32 from vector<1xf32>
        %parallel_loop3A_722 = vector.extract_strided_slice %parallel_loop3A_702 {offsets = [3], sizes = [1], strides = [1]} : vector<16xf32> to vector<1xf32>
        %parallel_loop3A_723 = vector.extract %parallel_loop3A_722[0] : f32 from vector<1xf32>
        %parallel_loop3A_724 = arith.index_cast %parallel_loop3A_682 : i32 to index
        %parallel_loop3A_725 = arith.constant 0 : index
        %parallel_loop3A_726 = tpu.vector_load %arg18[%parallel_loop3A_724, %parallel_loop3A_725] {strides = array<i32>} : memref<80x144xf32, #tpu.memory_space<vmem>>, vector<1x16xf32>,
        %parallel_loop3A_727 = vector.shape_cast %parallel_loop3A_726 : vector<1x16xf32> to vector<16xf32>
        %parallel_loop3A_728 = vector.broadcast %parallel_loop3A_709 : f32 to vector<16xf32>
        %parallel_loop3A_729 = arith.mulf %parallel_loop3A_727, %parallel_loop3A_728 : vector<16xf32>
        %parallel_loop3A_730 = arith.index_cast %parallel_loop3A_682 : i32 to index
        %parallel_loop3A_731 = arith.constant 0 : index
        %parallel_loop3A_732 = tpu.vector_load %arg18[%parallel_loop3A_730, %parallel_loop3A_731] {strides = array<i32>} : memref<80x144xf32, #tpu.memory_space<vmem>>, vector<1x16xf32>,
        %parallel_loop3A_733 = vector.shape_cast %parallel_loop3A_732 : vector<1x16xf32> to vector<16xf32>
        %parallel_loop3A_734 = vector.shape_cast %parallel_loop3A_729 : vector<16xf32> to vector<1x16xf32>
        tpu.vector_store %arg18[%parallel_loop3A_730, %parallel_loop3A_731], %parallel_loop3A_734 {strides = array<i32>} : memref<80x144xf32, #tpu.memory_space<vmem>>, vector<1x16xf32>,
        %parallel_loop3A_735 = arith.index_cast %parallel_loop3A_682 : i32 to index
        %parallel_loop3A_736 = arith.constant 16 : index
        %parallel_loop3A_737 = tpu.vector_load %arg18[%parallel_loop3A_735, %parallel_loop3A_736] {strides = array<i32>} : memref<80x144xf32, #tpu.memory_space<vmem>>, vector<1x16xf32>,
        %parallel_loop3A_738 = vector.shape_cast %parallel_loop3A_737 : vector<1x16xf32> to vector<16xf32>
        %parallel_loop3A_739 = vector.broadcast %parallel_loop3A_711 : f32 to vector<16xf32>
        %parallel_loop3A_740 = arith.mulf %parallel_loop3A_738, %parallel_loop3A_739 : vector<16xf32>
        %parallel_loop3A_741 = arith.index_cast %parallel_loop3A_682 : i32 to index
        %parallel_loop3A_742 = arith.constant 16 : index
        %parallel_loop3A_743 = tpu.vector_load %arg18[%parallel_loop3A_741, %parallel_loop3A_742] {strides = array<i32>} : memref<80x144xf32, #tpu.memory_space<vmem>>, vector<1x16xf32>,
        %parallel_loop3A_744 = vector.shape_cast %parallel_loop3A_743 : vector<1x16xf32> to vector<16xf32>
        %parallel_loop3A_745 = vector.shape_cast %parallel_loop3A_740 : vector<16xf32> to vector<1x16xf32>
        tpu.vector_store %arg18[%parallel_loop3A_741, %parallel_loop3A_742], %parallel_loop3A_745 {strides = array<i32>} : memref<80x144xf32, #tpu.memory_space<vmem>>, vector<1x16xf32>,
        %parallel_loop3A_746 = arith.index_cast %parallel_loop3A_682 : i32 to index
        %parallel_loop3A_747 = arith.constant 32 : index
        %parallel_loop3A_748 = tpu.vector_load %arg18[%parallel_loop3A_746, %parallel_loop3A_747] {strides = array<i32>} : memref<80x144xf32, #tpu.memory_space<vmem>>, vector<1x16xf32>,
        %parallel_loop3A_749 = vector.shape_cast %parallel_loop3A_748 : vector<1x16xf32> to vector<16xf32>
        %parallel_loop3A_750 = vector.broadcast %parallel_loop3A_713 : f32 to vector<16xf32>
        %parallel_loop3A_751 = arith.mulf %parallel_loop3A_749, %parallel_loop3A_750 : vector<16xf32>
        %parallel_loop3A_752 = arith.index_cast %parallel_loop3A_682 : i32 to index
        %parallel_loop3A_753 = arith.constant 32 : index
        %parallel_loop3A_754 = tpu.vector_load %arg18[%parallel_loop3A_752, %parallel_loop3A_753] {strides = array<i32>} : memref<80x144xf32, #tpu.memory_space<vmem>>, vector<1x16xf32>,
        %parallel_loop3A_755 = vector.shape_cast %parallel_loop3A_754 : vector<1x16xf32> to vector<16xf32>
        %parallel_loop3A_756 = vector.shape_cast %parallel_loop3A_751 : vector<16xf32> to vector<1x16xf32>
        tpu.vector_store %arg18[%parallel_loop3A_752, %parallel_loop3A_753], %parallel_loop3A_756 {strides = array<i32>} : memref<80x144xf32, #tpu.memory_space<vmem>>, vector<1x16xf32>,
        %parallel_loop3A_757 = arith.index_cast %parallel_loop3A_682 : i32 to index
        %parallel_loop3A_758 = arith.constant 48 : index
        %parallel_loop3A_759 = tpu.vector_load %arg18[%parallel_loop3A_757, %parallel_loop3A_758] {strides = array<i32>} : memref<80x144xf32, #tpu.memory_space<vmem>>, vector<1x16xf32>,
        %parallel_loop3A_760 = vector.shape_cast %parallel_loop3A_759 : vector<1x16xf32> to vector<16xf32>
        %parallel_loop3A_761 = vector.broadcast %parallel_loop3A_715 : f32 to vector<16xf32>
        %parallel_loop3A_762 = arith.mulf %parallel_loop3A_760, %parallel_loop3A_761 : vector<16xf32>
        %parallel_loop3A_763 = arith.index_cast %parallel_loop3A_682 : i32 to index
        %parallel_loop3A_764 = arith.constant 48 : index
        %parallel_loop3A_765 = tpu.vector_load %arg18[%parallel_loop3A_763, %parallel_loop3A_764] {strides = array<i32>} : memref<80x144xf32, #tpu.memory_space<vmem>>, vector<1x16xf32>,
        %parallel_loop3A_766 = vector.shape_cast %parallel_loop3A_765 : vector<1x16xf32> to vector<16xf32>
        %parallel_loop3A_767 = vector.shape_cast %parallel_loop3A_762 : vector<16xf32> to vector<1x16xf32>
        tpu.vector_store %arg18[%parallel_loop3A_763, %parallel_loop3A_764], %parallel_loop3A_767 {strides = array<i32>} : memref<80x144xf32, #tpu.memory_space<vmem>>, vector<1x16xf32>,
        %parallel_loop3A_768 = arith.index_cast %parallel_loop3A_682 : i32 to index
        %parallel_loop3A_769 = arith.constant 64 : index
        %parallel_loop3A_770 = tpu.vector_load %arg18[%parallel_loop3A_768, %parallel_loop3A_769] {strides = array<i32>} : memref<80x144xf32, #tpu.memory_space<vmem>>, vector<1x16xf32>,
        %parallel_loop3A_771 = vector.shape_cast %parallel_loop3A_770 : vector<1x16xf32> to vector<16xf32>
        %parallel_loop3A_772 = vector.broadcast %parallel_loop3A_717 : f32 to vector<16xf32>
        %parallel_loop3A_773 = arith.mulf %parallel_loop3A_771, %parallel_loop3A_772 : vector<16xf32>
        %parallel_loop3A_774 = arith.index_cast %parallel_loop3A_682 : i32 to index
        %parallel_loop3A_775 = arith.constant 64 : index
        %parallel_loop3A_776 = tpu.vector_load %arg18[%parallel_loop3A_774, %parallel_loop3A_775] {strides = array<i32>} : memref<80x144xf32, #tpu.memory_space<vmem>>, vector<1x16xf32>,
        %parallel_loop3A_777 = vector.shape_cast %parallel_loop3A_776 : vector<1x16xf32> to vector<16xf32>
        %parallel_loop3A_778 = vector.shape_cast %parallel_loop3A_773 : vector<16xf32> to vector<1x16xf32>
        tpu.vector_store %arg18[%parallel_loop3A_774, %parallel_loop3A_775], %parallel_loop3A_778 {strides = array<i32>} : memref<80x144xf32, #tpu.memory_space<vmem>>, vector<1x16xf32>,
        %parallel_loop3A_779 = arith.index_cast %parallel_loop3A_682 : i32 to index
        %parallel_loop3A_780 = arith.constant 80 : index
        %parallel_loop3A_781 = tpu.vector_load %arg18[%parallel_loop3A_779, %parallel_loop3A_780] {strides = array<i32>} : memref<80x144xf32, #tpu.memory_space<vmem>>, vector<1x16xf32>,
        %parallel_loop3A_782 = vector.shape_cast %parallel_loop3A_781 : vector<1x16xf32> to vector<16xf32>
        %parallel_loop3A_783 = vector.broadcast %parallel_loop3A_719 : f32 to vector<16xf32>
        %parallel_loop3A_784 = arith.mulf %parallel_loop3A_782, %parallel_loop3A_783 : vector<16xf32>
        %parallel_loop3A_785 = arith.index_cast %parallel_loop3A_682 : i32 to index
        %parallel_loop3A_786 = arith.constant 80 : index
        %parallel_loop3A_787 = tpu.vector_load %arg18[%parallel_loop3A_785, %parallel_loop3A_786] {strides = array<i32>} : memref<80x144xf32, #tpu.memory_space<vmem>>, vector<1x16xf32>,
        %parallel_loop3A_788 = vector.shape_cast %parallel_loop3A_787 : vector<1x16xf32> to vector<16xf32>
        %parallel_loop3A_789 = vector.shape_cast %parallel_loop3A_784 : vector<16xf32> to vector<1x16xf32>
        tpu.vector_store %arg18[%parallel_loop3A_785, %parallel_loop3A_786], %parallel_loop3A_789 {strides = array<i32>} : memref<80x144xf32, #tpu.memory_space<vmem>>, vector<1x16xf32>,
        %parallel_loop3A_790 = arith.index_cast %parallel_loop3A_682 : i32 to index
        %parallel_loop3A_791 = arith.constant 96 : index
        %parallel_loop3A_792 = tpu.vector_load %arg18[%parallel_loop3A_790, %parallel_loop3A_791] {strides = array<i32>} : memref<80x144xf32, #tpu.memory_space<vmem>>, vector<1x16xf32>,
        %parallel_loop3A_793 = vector.shape_cast %parallel_loop3A_792 : vector<1x16xf32> to vector<16xf32>
        %parallel_loop3A_794 = vector.broadcast %parallel_loop3A_721 : f32 to vector<16xf32>
        %parallel_loop3A_795 = arith.mulf %parallel_loop3A_793, %parallel_loop3A_794 : vector<16xf32>
        %parallel_loop3A_796 = arith.index_cast %parallel_loop3A_682 : i32 to index
        %parallel_loop3A_797 = arith.constant 96 : index
        %parallel_loop3A_798 = tpu.vector_load %arg18[%parallel_loop3A_796, %parallel_loop3A_797] {strides = array<i32>} : memref<80x144xf32, #tpu.memory_space<vmem>>, vector<1x16xf32>,
        %parallel_loop3A_799 = vector.shape_cast %parallel_loop3A_798 : vector<1x16xf32> to vector<16xf32>
        %parallel_loop3A_800 = vector.shape_cast %parallel_loop3A_795 : vector<16xf32> to vector<1x16xf32>
        tpu.vector_store %arg18[%parallel_loop3A_796, %parallel_loop3A_797], %parallel_loop3A_800 {strides = array<i32>} : memref<80x144xf32, #tpu.memory_space<vmem>>, vector<1x16xf32>,
        %parallel_loop3A_801 = arith.index_cast %parallel_loop3A_682 : i32 to index
        %parallel_loop3A_802 = arith.constant 112 : index
        %parallel_loop3A_803 = tpu.vector_load %arg18[%parallel_loop3A_801, %parallel_loop3A_802] {strides = array<i32>} : memref<80x144xf32, #tpu.memory_space<vmem>>, vector<1x16xf32>,
        %parallel_loop3A_804 = vector.shape_cast %parallel_loop3A_803 : vector<1x16xf32> to vector<16xf32>
        %parallel_loop3A_805 = vector.broadcast %parallel_loop3A_723 : f32 to vector<16xf32>
        %parallel_loop3A_806 = arith.mulf %parallel_loop3A_804, %parallel_loop3A_805 : vector<16xf32>
        %parallel_loop3A_807 = arith.index_cast %parallel_loop3A_682 : i32 to index
        %parallel_loop3A_808 = arith.constant 112 : index
        %parallel_loop3A_809 = tpu.vector_load %arg18[%parallel_loop3A_807, %parallel_loop3A_808] {strides = array<i32>} : memref<80x144xf32, #tpu.memory_space<vmem>>, vector<1x16xf32>,
        %parallel_loop3A_810 = vector.shape_cast %parallel_loop3A_809 : vector<1x16xf32> to vector<16xf32>
        %parallel_loop3A_811 = vector.shape_cast %parallel_loop3A_806 : vector<16xf32> to vector<1x16xf32>
        tpu.vector_store %arg18[%parallel_loop3A_807, %parallel_loop3A_808], %parallel_loop3A_811 {strides = array<i32>} : memref<80x144xf32, #tpu.memory_space<vmem>>, vector<1x16xf32>,
      } {sc.loop_unroll_factor = 4 : i64, sc.parallel_access}
      "tpu.region"() ({
        %run_scoped3A = tpu.sem_alloc : memref<!tpu.dma_semaphore, #tpu.memory_space<semaphore_mem>>
        %dma_start3A_682 = arith.constant 0 : i32
        %dma_start3A_683 = arith.constant 0 : i32
        %dma_start3A_684 = tpu.memref_slice %arg20[%dma_start3A_682, %dma_start3A_683] : memref<10240x144xf32, #tpu.memory_space<vmem_shared>> -> memref<10240x144xf32, #tpu.memory_space<vmem_shared>>
        tpu.enqueue_indirect_dma source(%arg18 : memref<80x144xf32, #tpu.memory_space<vmem>>) target(%dma_start3A_684 : memref<10240x144xf32, #tpu.memory_space<vmem_shared>>) offsets(%arg15 : memref<80xi32, #tpu.memory_space<vmem>>) semaphore(%run_scoped3A : memref<!tpu.dma_semaphore, #tpu.memory_space<semaphore_mem>>) {add = true}
        %dma_wait3A_685 = arith.constant 0 : i32
        %dma_wait3A_686 = arith.constant 0 : i32
        %dma_wait3A_687 = tpu.memref_slice %arg20[%dma_wait3A_685, %dma_wait3A_686] : memref<10240x144xf32, #tpu.memory_space<vmem_shared>> -> memref<10240x144xf32, #tpu.memory_space<vmem_shared>>
        tpu.wait_indirect_dma semaphore(%run_scoped3A : memref<!tpu.dma_semaphore, #tpu.memory_space<semaphore_mem>>) src(%arg18 : memref<80x144xf32, #tpu.memory_space<vmem>>) dst(%dma_wait3A_687 : memref<10240x144xf32, #tpu.memory_space<vmem_shared>>)
        tpu.yield
      }) : () -> ()
    }
    %scan3A_337 = arith.constant 62 : i32
    %dma_wait3A_338 = arith.constant 0 : i32
    %dma_wait3A_339 = arith.constant 0 : i32
    %dma_wait3A_340 = tpu.memref_slice %arg4[%dma_wait3A_338, %dma_wait3A_339] : memref<10000x144xf32, #tpu.memory_space<hbm>> -> memref<10000x144xf32, #tpu.memory_space<hbm>>
    tpu.wait_indirect_dma semaphore(%arg21 : memref<!tpu.dma_semaphore, #tpu.memory_space<semaphore_mem>>) src(%dma_wait3A_340 : memref<10000x144xf32, #tpu.memory_space<hbm>>) dst(%arg16 : memref<80x144xf32, #tpu.memory_space<vmem>>)
    %dma_wait3A_341 = arith.constant 0 : i32
    %dma_wait3A_342 = arith.constant 0 : i32
    %dma_wait3A_343 = tpu.memref_slice %arg5[%dma_wait3A_341, %dma_wait3A_342] : memref<10000x16xf32, #tpu.memory_space<hbm>> -> memref<10000x16xf32, #tpu.memory_space<hbm>>
    tpu.wait_indirect_dma semaphore(%arg22 : memref<!tpu.dma_semaphore, #tpu.memory_space<semaphore_mem>>) src(%dma_wait3A_343 : memref<10000x16xf32, #tpu.memory_space<hbm>>) dst(%arg17 : memref<80x16xf32, #tpu.memory_space<vmem>>)
    %min3A_344 = arith.constant 125 : i32
    %min3A_345 = arith.constant 124 : i32
    %min3A_346 = arith.minsi %min3A_344, %min3A_345 : i32
    %get3A_347 = arith.index_cast %min3A_346 : i32 to index
    %get3A_348 = arith.constant 0 : index
    %get3A_349 = tpu.vector_load %arg11[%get3A_347, %get3A_348] {strides = array<i32>} : memref<125x80xi32, #tpu.memory_space<vmem>>, vector<1x16xi32>,
    %get3A_350 = vector.shape_cast %get3A_349 : vector<1x16xi32> to vector<16xi32>
    %shift_right_logical3A_351 = arith.constant 14 : i32
    %shift_right_logical3A_352 = vector.broadcast %shift_right_logical3A_351 : i32 to vector<16xi32>
    %shift_right_logical3A_353 = arith.shrui %get3A_350, %shift_right_logical3A_352 : vector<16xi32>
    %swap3A_354 = arith.constant 0 : index
    %swap3A_355 = tpu.vector_load %arg14[%swap3A_354] {strides = array<i32>} : memref<80xi32, #tpu.memory_space<vmem>>, vector<16xi32>,
    %swap3A_356 = vector.shape_cast %swap3A_355 : vector<16xi32> to vector<16xi32>
    %swap3A_357 = vector.shape_cast %shift_right_logical3A_353 : vector<16xi32> to vector<16xi32>
    tpu.vector_store %arg14[%swap3A_354], %swap3A_357 {strides = array<i32>} : memref<80xi32, #tpu.memory_space<vmem>>, vector<16xi32>,
    %and3A_358 = arith.constant 16383 : i32
    %and3A_359 = vector.broadcast %and3A_358 : i32 to vector<16xi32>
    %and3A_360 = arith.andi %get3A_350, %and3A_359 : vector<16xi32>
    %swap3A_361 = arith.constant 0 : index
    %swap3A_362 = tpu.vector_load %arg15[%swap3A_361] {strides = array<i32>} : memref<80xi32, #tpu.memory_space<vmem>>, vector<16xi32>,
    %swap3A_363 = vector.shape_cast %swap3A_362 : vector<16xi32> to vector<16xi32>
    %swap3A_364 = vector.shape_cast %and3A_360 : vector<16xi32> to vector<16xi32>
    tpu.vector_store %arg15[%swap3A_361], %swap3A_364 {strides = array<i32>} : memref<80xi32, #tpu.memory_space<vmem>>, vector<16xi32>,
    %get3A_365 = arith.index_cast %min3A_346 : i32 to index
    %get3A_366 = arith.constant 16 : index
    %get3A_367 = tpu.vector_load %arg11[%get3A_365, %get3A_366] {strides = array<i32>} : memref<125x80xi32, #tpu.memory_space<vmem>>, vector<1x16xi32>,
    %get3A_368 = vector.shape_cast %get3A_367 : vector<1x16xi32> to vector<16xi32>
    %shift_right_logical3A_369 = arith.constant 14 : i32
    %shift_right_logical3A_370 = vector.broadcast %shift_right_logical3A_369 : i32 to vector<16xi32>
    %shift_right_logical3A_371 = arith.shrui %get3A_368, %shift_right_logical3A_370 : vector<16xi32>
    %swap3A_372 = arith.constant 16 : index
    %swap3A_373 = tpu.vector_load %arg14[%swap3A_372] {strides = array<i32>} : memref<80xi32, #tpu.memory_space<vmem>>, vector<16xi32>,
    %swap3A_374 = vector.shape_cast %swap3A_373 : vector<16xi32> to vector<16xi32>
    %swap3A_375 = vector.shape_cast %shift_right_logical3A_371 : vector<16xi32> to vector<16xi32>
    tpu.vector_store %arg14[%swap3A_372], %swap3A_375 {strides = array<i32>} : memref<80xi32, #tpu.memory_space<vmem>>, vector<16xi32>,
    %and3A_376 = arith.constant 16383 : i32
    %and3A_377 = vector.broadcast %and3A_376 : i32 to vector<16xi32>
    %and3A_378 = arith.andi %get3A_368, %and3A_377 : vector<16xi32>
    %swap3A_379 = arith.constant 16 : index
    %swap3A_380 = tpu.vector_load %arg15[%swap3A_379] {strides = array<i32>} : memref<80xi32, #tpu.memory_space<vmem>>, vector<16xi32>,
    %swap3A_381 = vector.shape_cast %swap3A_380 : vector<16xi32> to vector<16xi32>
    %swap3A_382 = vector.shape_cast %and3A_378 : vector<16xi32> to vector<16xi32>
    tpu.vector_store %arg15[%swap3A_379], %swap3A_382 {strides = array<i32>} : memref<80xi32, #tpu.memory_space<vmem>>, vector<16xi32>,
    %get3A_383 = arith.index_cast %min3A_346 : i32 to index
    %get3A_384 = arith.constant 32 : index
    %get3A_385 = tpu.vector_load %arg11[%get3A_383, %get3A_384] {strides = array<i32>} : memref<125x80xi32, #tpu.memory_space<vmem>>, vector<1x16xi32>,
    %get3A_386 = vector.shape_cast %get3A_385 : vector<1x16xi32> to vector<16xi32>
    %shift_right_logical3A_387 = arith.constant 14 : i32
    %shift_right_logical3A_388 = vector.broadcast %shift_right_logical3A_387 : i32 to vector<16xi32>
    %shift_right_logical3A_389 = arith.shrui %get3A_386, %shift_right_logical3A_388 : vector<16xi32>
    %swap3A_390 = arith.constant 32 : index
    %swap3A_391 = tpu.vector_load %arg14[%swap3A_390] {strides = array<i32>} : memref<80xi32, #tpu.memory_space<vmem>>, vector<16xi32>,
    %swap3A_392 = vector.shape_cast %swap3A_391 : vector<16xi32> to vector<16xi32>
    %swap3A_393 = vector.shape_cast %shift_right_logical3A_389 : vector<16xi32> to vector<16xi32>
    tpu.vector_store %arg14[%swap3A_390], %swap3A_393 {strides = array<i32>} : memref<80xi32, #tpu.memory_space<vmem>>, vector<16xi32>,
    %and3A_394 = arith.constant 16383 : i32
    %and3A_395 = vector.broadcast %and3A_394 : i32 to vector<16xi32>
    %and3A_396 = arith.andi %get3A_386, %and3A_395 : vector<16xi32>
    %swap3A_397 = arith.constant 32 : index
    %swap3A_398 = tpu.vector_load %arg15[%swap3A_397] {strides = array<i32>} : memref<80xi32, #tpu.memory_space<vmem>>, vector<16xi32>,
    %swap3A_399 = vector.shape_cast %swap3A_398 : vector<16xi32> to vector<16xi32>
    %swap3A_400 = vector.shape_cast %and3A_396 : vector<16xi32> to vector<16xi32>
    tpu.vector_store %arg15[%swap3A_397], %swap3A_400 {strides = array<i32>} : memref<80xi32, #tpu.memory_space<vmem>>, vector<16xi32>,
    %get3A_401 = arith.index_cast %min3A_346 : i32 to index
    %get3A_402 = arith.constant 48 : index
    %get3A_403 = tpu.vector_load %arg11[%get3A_401, %get3A_402] {strides = array<i32>} : memref<125x80xi32, #tpu.memory_space<vmem>>, vector<1x16xi32>,
    %get3A_404 = vector.shape_cast %get3A_403 : vector<1x16xi32> to vector<16xi32>
    %shift_right_logical3A_405 = arith.constant 14 : i32
    %shift_right_logical3A_406 = vector.broadcast %shift_right_logical3A_405 : i32 to vector<16xi32>
    %shift_right_logical3A_407 = arith.shrui %get3A_404, %shift_right_logical3A_406 : vector<16xi32>
    %swap3A_408 = arith.constant 48 : index
    %swap3A_409 = tpu.vector_load %arg14[%swap3A_408] {strides = array<i32>} : memref<80xi32, #tpu.memory_space<vmem>>, vector<16xi32>,
    %swap3A_410 = vector.shape_cast %swap3A_409 : vector<16xi32> to vector<16xi32>
    %swap3A_411 = vector.shape_cast %shift_right_logical3A_407 : vector<16xi32> to vector<16xi32>
    tpu.vector_store %arg14[%swap3A_408], %swap3A_411 {strides = array<i32>} : memref<80xi32, #tpu.memory_space<vmem>>, vector<16xi32>,
    %and3A_412 = arith.constant 16383 : i32
    %and3A_413 = vector.broadcast %and3A_412 : i32 to vector<16xi32>
    %and3A_414 = arith.andi %get3A_404, %and3A_413 : vector<16xi32>
    %swap3A_415 = arith.constant 48 : index
    %swap3A_416 = tpu.vector_load %arg15[%swap3A_415] {strides = array<i32>} : memref<80xi32, #tpu.memory_space<vmem>>, vector<16xi32>,
    %swap3A_417 = vector.shape_cast %swap3A_416 : vector<16xi32> to vector<16xi32>
    %swap3A_418 = vector.shape_cast %and3A_414 : vector<16xi32> to vector<16xi32>
    tpu.vector_store %arg15[%swap3A_415], %swap3A_418 {strides = array<i32>} : memref<80xi32, #tpu.memory_space<vmem>>, vector<16xi32>,
    %get3A_419 = arith.index_cast %min3A_346 : i32 to index
    %get3A_420 = arith.constant 64 : index
    %get3A_421 = tpu.vector_load %arg11[%get3A_419, %get3A_420] {strides = array<i32>} : memref<125x80xi32, #tpu.memory_space<vmem>>, vector<1x16xi32>,
    %get3A_422 = vector.shape_cast %get3A_421 : vector<1x16xi32> to vector<16xi32>
    %shift_right_logical3A_423 = arith.constant 14 : i32
    %shift_right_logical3A_424 = vector.broadcast %shift_right_logical3A_423 : i32 to vector<16xi32>
    %shift_right_logical3A_425 = arith.shrui %get3A_422, %shift_right_logical3A_424 : vector<16xi32>
    %swap3A_426 = arith.constant 64 : index
    %swap3A_427 = tpu.vector_load %arg14[%swap3A_426] {strides = array<i32>} : memref<80xi32, #tpu.memory_space<vmem>>, vector<16xi32>,
    %swap3A_428 = vector.shape_cast %swap3A_427 : vector<16xi32> to vector<16xi32>
    %swap3A_429 = vector.shape_cast %shift_right_logical3A_425 : vector<16xi32> to vector<16xi32>
    tpu.vector_store %arg14[%swap3A_426], %swap3A_429 {strides = array<i32>} : memref<80xi32, #tpu.memory_space<vmem>>, vector<16xi32>,
    %and3A_430 = arith.constant 16383 : i32
    %and3A_431 = vector.broadcast %and3A_430 : i32 to vector<16xi32>
    %and3A_432 = arith.andi %get3A_422, %and3A_431 : vector<16xi32>
    %swap3A_433 = arith.constant 64 : index
    %swap3A_434 = tpu.vector_load %arg15[%swap3A_433] {strides = array<i32>} : memref<80xi32, #tpu.memory_space<vmem>>, vector<16xi32>,
    %swap3A_435 = vector.shape_cast %swap3A_434 : vector<16xi32> to vector<16xi32>
    %swap3A_436 = vector.shape_cast %and3A_432 : vector<16xi32> to vector<16xi32>
    tpu.vector_store %arg15[%swap3A_433], %swap3A_436 {strides = array<i32>} : memref<80xi32, #tpu.memory_space<vmem>>, vector<16xi32>,
    %dma_start3A_437 = arith.constant 0 : i32
    %dma_start3A_438 = arith.constant 0 : i32
    %dma_start3A_439 = tpu.memref_slice %arg4[%dma_start3A_437, %dma_start3A_438] : memref<10000x144xf32, #tpu.memory_space<hbm>> -> memref<10000x144xf32, #tpu.memory_space<hbm>>
    tpu.enqueue_indirect_dma source(%dma_start3A_439 : memref<10000x144xf32, #tpu.memory_space<hbm>>) target(%arg18 : memref<80x144xf32, #tpu.memory_space<vmem>>) offsets(%arg14 : memref<80xi32, #tpu.memory_space<vmem>>) semaphore(%arg23 : memref<!tpu.dma_semaphore, #tpu.memory_space<semaphore_mem>>)
    %dma_start3A_440 = arith.constant 0 : i32
    %dma_start3A_441 = arith.constant 0 : i32
    %dma_start3A_442 = tpu.memref_slice %arg5[%dma_start3A_440, %dma_start3A_441] : memref<10000x16xf32, #tpu.memory_space<hbm>> -> memref<10000x16xf32, #tpu.memory_space<hbm>>
    tpu.enqueue_indirect_dma source(%dma_start3A_442 : memref<10000x16xf32, #tpu.memory_space<hbm>>) target(%arg19 : memref<80x16xf32, #tpu.memory_space<vmem>>) offsets(%arg15 : memref<80xi32, #tpu.memory_space<vmem>>) semaphore(%arg24 : memref<!tpu.dma_semaphore, #tpu.memory_space<semaphore_mem>>)
    %parallel_loop3A_443 = arith.constant 0 : i32
    %parallel_loop3A_444 = arith.constant 80 : i32
    %parallel_loop3A_445 = arith.constant 1 : i32
    scf.for %parallel_loop3A_459 = %parallel_loop3A_443 to %parallel_loop3A_444 step %parallel_loop3A_445  : i32 {
      %parallel_loop3A_460 = arith.index_cast %parallel_loop3A_459 : i32 to index
      %parallel_loop3A_461 = arith.constant 128 : index
      %parallel_loop3A_462 = tpu.vector_load %arg16[%parallel_loop3A_460, %parallel_loop3A_461] {strides = array<i32>} : memref<80x144xf32, #tpu.memory_space<vmem>>, vector<1x16xf32>,
      %parallel_loop3A_463 = vector.shape_cast %parallel_loop3A_462 : vector<1x16xf32> to vector<16xf32>
      %parallel_loop3A_464 = arith.index_cast %parallel_loop3A_459 : i32 to index
      %parallel_loop3A_465 = arith.constant 0 : index
      %parallel_loop3A_466 = tpu.vector_load %arg17[%parallel_loop3A_464, %parallel_loop3A_465] {strides = array<i32>} : memref<80x16xf32, #tpu.memory_space<vmem>>, vector<1x16xf32>,
      %parallel_loop3A_467 = vector.shape_cast %parallel_loop3A_466 : vector<1x16xf32> to vector<16xf32>
      %parallel_loop3A_468 = arith.addf %parallel_loop3A_463, %parallel_loop3A_467 : vector<16xf32>
      %parallel_loop3A_469 = arith.constant 0.000000e+00 : f32
      %parallel_loop3A_470 = vector.broadcast %parallel_loop3A_469 : f32 to vector<16xf32>
      %parallel_loop3A_471 = arith.cmpf oge, %parallel_loop3A_468, %parallel_loop3A_470 : vector<16xf32>
      %parallel_loop3A_472 = arith.constant 2.000000e-01 : f32
      %parallel_loop3A_473 = vector.broadcast %parallel_loop3A_472 : f32 to vector<16xf32>
      %parallel_loop3A_474 = arith.mulf %parallel_loop3A_473, %parallel_loop3A_468 : vector<16xf32>
      %parallel_loop3A_475 = arith.select %parallel_loop3A_471, %parallel_loop3A_468, %parallel_loop3A_474 : vector<16xi1>, vector<16xf32>
      %parallel_loop3A_476 = math.exp %parallel_loop3A_475 : vector<16xf32>
      %parallel_loop3A_477 = arith.constant 0.000000e+00 : f32
      %parallel_loop3A_478 = vector.broadcast %parallel_loop3A_477 : f32 to vector<16xf32>
      %parallel_loop3A_479 = arith.select %lt3A_2, %parallel_loop3A_476, %parallel_loop3A_478 : vector<16xi1>, vector<16xf32>
      %parallel_loop3A_480 = arith.index_cast %parallel_loop3A_459 : i32 to index
      %parallel_loop3A_481 = arith.constant 128 : index
      %parallel_loop3A_482 = tpu.vector_load %arg16[%parallel_loop3A_480, %parallel_loop3A_481] {strides = array<i32>} : memref<80x144xf32, #tpu.memory_space<vmem>>, vector<1x16xf32>,
      %parallel_loop3A_483 = vector.shape_cast %parallel_loop3A_482 : vector<1x16xf32> to vector<16xf32>
      %parallel_loop3A_484 = vector.shape_cast %parallel_loop3A_479 : vector<16xf32> to vector<1x16xf32>
      tpu.vector_store %arg16[%parallel_loop3A_480, %parallel_loop3A_481], %parallel_loop3A_484 {strides = array<i32>} : memref<80x144xf32, #tpu.memory_space<vmem>>, vector<1x16xf32>,
      %parallel_loop3A_485 = vector.extract_strided_slice %parallel_loop3A_479 {offsets = [0], sizes = [1], strides = [1]} : vector<16xf32> to vector<1xf32>
      %parallel_loop3A_486 = vector.extract %parallel_loop3A_485[0] : f32 from vector<1xf32>
      %parallel_loop3A_487 = vector.extract_strided_slice %parallel_loop3A_479 {offsets = [0], sizes = [1], strides = [1]} : vector<16xf32> to vector<1xf32>
      %parallel_loop3A_488 = vector.extract %parallel_loop3A_487[0] : f32 from vector<1xf32>
      %parallel_loop3A_489 = vector.extract_strided_slice %parallel_loop3A_479 {offsets = [1], sizes = [1], strides = [1]} : vector<16xf32> to vector<1xf32>
      %parallel_loop3A_490 = vector.extract %parallel_loop3A_489[0] : f32 from vector<1xf32>
      %parallel_loop3A_491 = vector.extract_strided_slice %parallel_loop3A_479 {offsets = [1], sizes = [1], strides = [1]} : vector<16xf32> to vector<1xf32>
      %parallel_loop3A_492 = vector.extract %parallel_loop3A_491[0] : f32 from vector<1xf32>
      %parallel_loop3A_493 = vector.extract_strided_slice %parallel_loop3A_479 {offsets = [2], sizes = [1], strides = [1]} : vector<16xf32> to vector<1xf32>
      %parallel_loop3A_494 = vector.extract %parallel_loop3A_493[0] : f32 from vector<1xf32>
      %parallel_loop3A_495 = vector.extract_strided_slice %parallel_loop3A_479 {offsets = [2], sizes = [1], strides = [1]} : vector<16xf32> to vector<1xf32>
      %parallel_loop3A_496 = vector.extract %parallel_loop3A_495[0] : f32 from vector<1xf32>
      %parallel_loop3A_497 = vector.extract_strided_slice %parallel_loop3A_479 {offsets = [3], sizes = [1], strides = [1]} : vector<16xf32> to vector<1xf32>
      %parallel_loop3A_498 = vector.extract %parallel_loop3A_497[0] : f32 from vector<1xf32>
      %parallel_loop3A_499 = vector.extract_strided_slice %parallel_loop3A_479 {offsets = [3], sizes = [1], strides = [1]} : vector<16xf32> to vector<1xf32>
      %parallel_loop3A_500 = vector.extract %parallel_loop3A_499[0] : f32 from vector<1xf32>
      %parallel_loop3A_501 = arith.index_cast %parallel_loop3A_459 : i32 to index
      %parallel_loop3A_502 = arith.constant 0 : index
      %parallel_loop3A_503 = tpu.vector_load %arg16[%parallel_loop3A_501, %parallel_loop3A_502] {strides = array<i32>} : memref<80x144xf32, #tpu.memory_space<vmem>>, vector<1x16xf32>,
      %parallel_loop3A_504 = vector.shape_cast %parallel_loop3A_503 : vector<1x16xf32> to vector<16xf32>
      %parallel_loop3A_505 = vector.broadcast %parallel_loop3A_486 : f32 to vector<16xf32>
      %parallel_loop3A_506 = arith.mulf %parallel_loop3A_504, %parallel_loop3A_505 : vector<16xf32>
      %parallel_loop3A_507 = arith.index_cast %parallel_loop3A_459 : i32 to index
      %parallel_loop3A_508 = arith.constant 0 : index
      %parallel_loop3A_509 = tpu.vector_load %arg16[%parallel_loop3A_507, %parallel_loop3A_508] {strides = array<i32>} : memref<80x144xf32, #tpu.memory_space<vmem>>, vector<1x16xf32>,
      %parallel_loop3A_510 = vector.shape_cast %parallel_loop3A_509 : vector<1x16xf32> to vector<16xf32>
      %parallel_loop3A_511 = vector.shape_cast %parallel_loop3A_506 : vector<16xf32> to vector<1x16xf32>
      tpu.vector_store %arg16[%parallel_loop3A_507, %parallel_loop3A_508], %parallel_loop3A_511 {strides = array<i32>} : memref<80x144xf32, #tpu.memory_space<vmem>>, vector<1x16xf32>,
      %parallel_loop3A_512 = arith.index_cast %parallel_loop3A_459 : i32 to index
      %parallel_loop3A_513 = arith.constant 16 : index
      %parallel_loop3A_514 = tpu.vector_load %arg16[%parallel_loop3A_512, %parallel_loop3A_513] {strides = array<i32>} : memref<80x144xf32, #tpu.memory_space<vmem>>, vector<1x16xf32>,
      %parallel_loop3A_515 = vector.shape_cast %parallel_loop3A_514 : vector<1x16xf32> to vector<16xf32>
      %parallel_loop3A_516 = vector.broadcast %parallel_loop3A_488 : f32 to vector<16xf32>
      %parallel_loop3A_517 = arith.mulf %parallel_loop3A_515, %parallel_loop3A_516 : vector<16xf32>
      %parallel_loop3A_518 = arith.index_cast %parallel_loop3A_459 : i32 to index
      %parallel_loop3A_519 = arith.constant 16 : index
      %parallel_loop3A_520 = tpu.vector_load %arg16[%parallel_loop3A_518, %parallel_loop3A_519] {strides = array<i32>} : memref<80x144xf32, #tpu.memory_space<vmem>>, vector<1x16xf32>,
      %parallel_loop3A_521 = vector.shape_cast %parallel_loop3A_520 : vector<1x16xf32> to vector<16xf32>
      %parallel_loop3A_522 = vector.shape_cast %parallel_loop3A_517 : vector<16xf32> to vector<1x16xf32>
      tpu.vector_store %arg16[%parallel_loop3A_518, %parallel_loop3A_519], %parallel_loop3A_522 {strides = array<i32>} : memref<80x144xf32, #tpu.memory_space<vmem>>, vector<1x16xf32>,
      %parallel_loop3A_523 = arith.index_cast %parallel_loop3A_459 : i32 to index
      %parallel_loop3A_524 = arith.constant 32 : index
      %parallel_loop3A_525 = tpu.vector_load %arg16[%parallel_loop3A_523, %parallel_loop3A_524] {strides = array<i32>} : memref<80x144xf32, #tpu.memory_space<vmem>>, vector<1x16xf32>,
      %parallel_loop3A_526 = vector.shape_cast %parallel_loop3A_525 : vector<1x16xf32> to vector<16xf32>
      %parallel_loop3A_527 = vector.broadcast %parallel_loop3A_490 : f32 to vector<16xf32>
      %parallel_loop3A_528 = arith.mulf %parallel_loop3A_526, %parallel_loop3A_527 : vector<16xf32>
      %parallel_loop3A_529 = arith.index_cast %parallel_loop3A_459 : i32 to index
      %parallel_loop3A_530 = arith.constant 32 : index
      %parallel_loop3A_531 = tpu.vector_load %arg16[%parallel_loop3A_529, %parallel_loop3A_530] {strides = array<i32>} : memref<80x144xf32, #tpu.memory_space<vmem>>, vector<1x16xf32>,
      %parallel_loop3A_532 = vector.shape_cast %parallel_loop3A_531 : vector<1x16xf32> to vector<16xf32>
      %parallel_loop3A_533 = vector.shape_cast %parallel_loop3A_528 : vector<16xf32> to vector<1x16xf32>
      tpu.vector_store %arg16[%parallel_loop3A_529, %parallel_loop3A_530], %parallel_loop3A_533 {strides = array<i32>} : memref<80x144xf32, #tpu.memory_space<vmem>>, vector<1x16xf32>,
      %parallel_loop3A_534 = arith.index_cast %parallel_loop3A_459 : i32 to index
      %parallel_loop3A_535 = arith.constant 48 : index
      %parallel_loop3A_536 = tpu.vector_load %arg16[%parallel_loop3A_534, %parallel_loop3A_535] {strides = array<i32>} : memref<80x144xf32, #tpu.memory_space<vmem>>, vector<1x16xf32>,
      %parallel_loop3A_537 = vector.shape_cast %parallel_loop3A_536 : vector<1x16xf32> to vector<16xf32>
      %parallel_loop3A_538 = vector.broadcast %parallel_loop3A_492 : f32 to vector<16xf32>
      %parallel_loop3A_539 = arith.mulf %parallel_loop3A_537, %parallel_loop3A_538 : vector<16xf32>
      %parallel_loop3A_540 = arith.index_cast %parallel_loop3A_459 : i32 to index
      %parallel_loop3A_541 = arith.constant 48 : index
      %parallel_loop3A_542 = tpu.vector_load %arg16[%parallel_loop3A_540, %parallel_loop3A_541] {strides = array<i32>} : memref<80x144xf32, #tpu.memory_space<vmem>>, vector<1x16xf32>,
      %parallel_loop3A_543 = vector.shape_cast %parallel_loop3A_542 : vector<1x16xf32> to vector<16xf32>
      %parallel_loop3A_544 = vector.shape_cast %parallel_loop3A_539 : vector<16xf32> to vector<1x16xf32>
      tpu.vector_store %arg16[%parallel_loop3A_540, %parallel_loop3A_541], %parallel_loop3A_544 {strides = array<i32>} : memref<80x144xf32, #tpu.memory_space<vmem>>, vector<1x16xf32>,
      %parallel_loop3A_545 = arith.index_cast %parallel_loop3A_459 : i32 to index
      %parallel_loop3A_546 = arith.constant 64 : index
      %parallel_loop3A_547 = tpu.vector_load %arg16[%parallel_loop3A_545, %parallel_loop3A_546] {strides = array<i32>} : memref<80x144xf32, #tpu.memory_space<vmem>>, vector<1x16xf32>,
      %parallel_loop3A_548 = vector.shape_cast %parallel_loop3A_547 : vector<1x16xf32> to vector<16xf32>
      %parallel_loop3A_549 = vector.broadcast %parallel_loop3A_494 : f32 to vector<16xf32>
      %parallel_loop3A_550 = arith.mulf %parallel_loop3A_548, %parallel_loop3A_549 : vector<16xf32>
      %parallel_loop3A_551 = arith.index_cast %parallel_loop3A_459 : i32 to index
      %parallel_loop3A_552 = arith.constant 64 : index
      %parallel_loop3A_553 = tpu.vector_load %arg16[%parallel_loop3A_551, %parallel_loop3A_552] {strides = array<i32>} : memref<80x144xf32, #tpu.memory_space<vmem>>, vector<1x16xf32>,
      %parallel_loop3A_554 = vector.shape_cast %parallel_loop3A_553 : vector<1x16xf32> to vector<16xf32>
      %parallel_loop3A_555 = vector.shape_cast %parallel_loop3A_550 : vector<16xf32> to vector<1x16xf32>
      tpu.vector_store %arg16[%parallel_loop3A_551, %parallel_loop3A_552], %parallel_loop3A_555 {strides = array<i32>} : memref<80x144xf32, #tpu.memory_space<vmem>>, vector<1x16xf32>,
      %parallel_loop3A_556 = arith.index_cast %parallel_loop3A_459 : i32 to index
      %parallel_loop3A_557 = arith.constant 80 : index
      %parallel_loop3A_558 = tpu.vector_load %arg16[%parallel_loop3A_556, %parallel_loop3A_557] {strides = array<i32>} : memref<80x144xf32, #tpu.memory_space<vmem>>, vector<1x16xf32>,
      %parallel_loop3A_559 = vector.shape_cast %parallel_loop3A_558 : vector<1x16xf32> to vector<16xf32>
      %parallel_loop3A_560 = vector.broadcast %parallel_loop3A_496 : f32 to vector<16xf32>
      %parallel_loop3A_561 = arith.mulf %parallel_loop3A_559, %parallel_loop3A_560 : vector<16xf32>
      %parallel_loop3A_562 = arith.index_cast %parallel_loop3A_459 : i32 to index
      %parallel_loop3A_563 = arith.constant 80 : index
      %parallel_loop3A_564 = tpu.vector_load %arg16[%parallel_loop3A_562, %parallel_loop3A_563] {strides = array<i32>} : memref<80x144xf32, #tpu.memory_space<vmem>>, vector<1x16xf32>,
      %parallel_loop3A_565 = vector.shape_cast %parallel_loop3A_564 : vector<1x16xf32> to vector<16xf32>
      %parallel_loop3A_566 = vector.shape_cast %parallel_loop3A_561 : vector<16xf32> to vector<1x16xf32>
      tpu.vector_store %arg16[%parallel_loop3A_562, %parallel_loop3A_563], %parallel_loop3A_566 {strides = array<i32>} : memref<80x144xf32, #tpu.memory_space<vmem>>, vector<1x16xf32>,
      %parallel_loop3A_567 = arith.index_cast %parallel_loop3A_459 : i32 to index
      %parallel_loop3A_568 = arith.constant 96 : index
      %parallel_loop3A_569 = tpu.vector_load %arg16[%parallel_loop3A_567, %parallel_loop3A_568] {strides = array<i32>} : memref<80x144xf32, #tpu.memory_space<vmem>>, vector<1x16xf32>,
      %parallel_loop3A_570 = vector.shape_cast %parallel_loop3A_569 : vector<1x16xf32> to vector<16xf32>
      %parallel_loop3A_571 = vector.broadcast %parallel_loop3A_498 : f32 to vector<16xf32>
      %parallel_loop3A_572 = arith.mulf %parallel_loop3A_570, %parallel_loop3A_571 : vector<16xf32>
      %parallel_loop3A_573 = arith.index_cast %parallel_loop3A_459 : i32 to index
      %parallel_loop3A_574 = arith.constant 96 : index
      %parallel_loop3A_575 = tpu.vector_load %arg16[%parallel_loop3A_573, %parallel_loop3A_574] {strides = array<i32>} : memref<80x144xf32, #tpu.memory_space<vmem>>, vector<1x16xf32>,
      %parallel_loop3A_576 = vector.shape_cast %parallel_loop3A_575 : vector<1x16xf32> to vector<16xf32>
      %parallel_loop3A_577 = vector.shape_cast %parallel_loop3A_572 : vector<16xf32> to vector<1x16xf32>
      tpu.vector_store %arg16[%parallel_loop3A_573, %parallel_loop3A_574], %parallel_loop3A_577 {strides = array<i32>} : memref<80x144xf32, #tpu.memory_space<vmem>>, vector<1x16xf32>,
      %parallel_loop3A_578 = arith.index_cast %parallel_loop3A_459 : i32 to index
      %parallel_loop3A_579 = arith.constant 112 : index
      %parallel_loop3A_580 = tpu.vector_load %arg16[%parallel_loop3A_578, %parallel_loop3A_579] {strides = array<i32>} : memref<80x144xf32, #tpu.memory_space<vmem>>, vector<1x16xf32>,
      %parallel_loop3A_581 = vector.shape_cast %parallel_loop3A_580 : vector<1x16xf32> to vector<16xf32>
      %parallel_loop3A_582 = vector.broadcast %parallel_loop3A_500 : f32 to vector<16xf32>
      %parallel_loop3A_583 = arith.mulf %parallel_loop3A_581, %parallel_loop3A_582 : vector<16xf32>
      %parallel_loop3A_584 = arith.index_cast %parallel_loop3A_459 : i32 to index
      %parallel_loop3A_585 = arith.constant 112 : index
      %parallel_loop3A_586 = tpu.vector_load %arg16[%parallel_loop3A_584, %parallel_loop3A_585] {strides = array<i32>} : memref<80x144xf32, #tpu.memory_space<vmem>>, vector<1x16xf32>,
      %parallel_loop3A_587 = vector.shape_cast %parallel_loop3A_586 : vector<1x16xf32> to vector<16xf32>
      %parallel_loop3A_588 = vector.shape_cast %parallel_loop3A_583 : vector<16xf32> to vector<1x16xf32>
      tpu.vector_store %arg16[%parallel_loop3A_584, %parallel_loop3A_585], %parallel_loop3A_588 {strides = array<i32>} : memref<80x144xf32, #tpu.memory_space<vmem>>, vector<1x16xf32>,
    } {sc.loop_unroll_factor = 4 : i64, sc.parallel_access}
    "tpu.region"() ({
      %run_scoped3A = tpu.sem_alloc : memref<!tpu.dma_semaphore, #tpu.memory_space<semaphore_mem>>
      %dma_start3A_459 = arith.constant 0 : i32
      %dma_start3A_460 = arith.constant 0 : i32
      %dma_start3A_461 = tpu.memref_slice %arg20[%dma_start3A_459, %dma_start3A_460] : memref<10240x144xf32, #tpu.memory_space<vmem_shared>> -> memref<10240x144xf32, #tpu.memory_space<vmem_shared>>
      tpu.enqueue_indirect_dma source(%arg16 : memref<80x144xf32, #tpu.memory_space<vmem>>) target(%dma_start3A_461 : memref<10240x144xf32, #tpu.memory_space<vmem_shared>>) offsets(%arg13 : memref<80xi32, #tpu.memory_space<vmem>>) semaphore(%run_scoped3A : memref<!tpu.dma_semaphore, #tpu.memory_space<semaphore_mem>>) {add = true}
      %dma_wait3A_462 = arith.constant 0 : i32
      %dma_wait3A_463 = arith.constant 0 : i32
      %dma_wait3A_464 = tpu.memref_slice %arg20[%dma_wait3A_462, %dma_wait3A_463] : memref<10240x144xf32, #tpu.memory_space<vmem_shared>> -> memref<10240x144xf32, #tpu.memory_space<vmem_shared>>
      tpu.wait_indirect_dma semaphore(%run_scoped3A : memref<!tpu.dma_semaphore, #tpu.memory_space<semaphore_mem>>) src(%arg16 : memref<80x144xf32, #tpu.memory_space<vmem>>) dst(%dma_wait3A_464 : memref<10240x144xf32, #tpu.memory_space<vmem_shared>>)
      tpu.yield
    }) : () -> ()
    %dma_wait3A_446 = arith.constant 0 : i32
    %dma_wait3A_447 = arith.constant 0 : i32
    %dma_wait3A_448 = tpu.memref_slice %arg4[%dma_wait3A_446, %dma_wait3A_447] : memref<10000x144xf32, #tpu.memory_space<hbm>> -> memref<10000x144xf32, #tpu.memory_space<hbm>>
    tpu.wait_indirect_dma semaphore(%arg23 : memref<!tpu.dma_semaphore, #tpu.memory_space<semaphore_mem>>) src(%dma_wait3A_448 : memref<10000x144xf32, #tpu.memory_space<hbm>>) dst(%arg18 : memref<80x144xf32, #tpu.memory_space<vmem>>)
    %dma_wait3A_449 = arith.constant 0 : i32
    %dma_wait3A_450 = arith.constant 0 : i32
    %dma_wait3A_451 = tpu.memref_slice %arg5[%dma_wait3A_449, %dma_wait3A_450] : memref<10000x16xf32, #tpu.memory_space<hbm>> -> memref<10000x16xf32, #tpu.memory_space<hbm>>
    tpu.wait_indirect_dma semaphore(%arg24 : memref<!tpu.dma_semaphore, #tpu.memory_space<semaphore_mem>>) src(%dma_wait3A_451 : memref<10000x16xf32, #tpu.memory_space<hbm>>) dst(%arg19 : memref<80x16xf32, #tpu.memory_space<vmem>>)
    %barrier3A_452 = arith.constant 0 : index
    tpu.barrier barrier_id(%barrier3A_452)
    %mul3A_453 = arith.constant 640 : i32
    %mul3A_454 = arith.muli %arg1, %mul3A_453 : i32
    %mul3A_455 = arith.constant 16 : i32
    %mul3A_456 = arith.muli %arg0, %mul3A_455 : i32
    %add3A_457 = arith.addi %mul3A_456, %arg1 : i32
    "tpu.region"() ({
      %run_scoped3A = tpu.sem_alloc : memref<!tpu.dma_semaphore, #tpu.memory_space<semaphore_mem>>
      %dma_start3A_459 = arith.constant 0 : i32
      %dma_start3A_460 = arith.constant 0 : i32
      %dma_start3A_461 = tpu.memref_slice %arg10[%add3A_457, %dma_start3A_459, %dma_start3A_460] : memref<32x640x144xf32, #tpu.memory_space<hbm>> -> memref<1x640x144xf32, #tpu.memory_space<hbm>>
      %dma_start3A_462 = tpu.memref_squeeze %dma_start3A_461 : memref<1x640x144xf32, #tpu.memory_space<hbm>> -> memref<640x144xf32, #tpu.memory_space<hbm>>
      %dma_start3A_463 = arith.constant 0 : i32
      %dma_start3A_464 = tpu.memref_slice %arg20[%mul3A_454, %dma_start3A_463] : memref<10240x144xf32, #tpu.memory_space<vmem_shared>> -> memref<640x144xf32, #tpu.memory_space<vmem_shared>>
      tpu.enqueue_dma source(%dma_start3A_464 : memref<640x144xf32, #tpu.memory_space<vmem_shared>>) target(%dma_start3A_462 : memref<640x144xf32, #tpu.memory_space<hbm>>) target_semaphore(%run_scoped3A : memref<!tpu.dma_semaphore, #tpu.memory_space<semaphore_mem>>)
      %dma_wait3A_465 = arith.constant 0 : i32
      %dma_wait3A_466 = arith.constant 0 : i32
      %dma_wait3A_467 = tpu.memref_slice %arg10[%add3A_457, %dma_wait3A_465, %dma_wait3A_466] : memref<32x640x144xf32, #tpu.memory_space<hbm>> -> memref<1x640x144xf32, #tpu.memory_space<hbm>>
      %dma_wait3A_468 = tpu.memref_squeeze %dma_wait3A_467 : memref<1x640x144xf32, #tpu.memory_space<hbm>> -> memref<640x144xf32, #tpu.memory_space<hbm>>
      %dma_wait3A_469 = arith.constant 0 : i32
      %dma_wait3A_470 = tpu.memref_slice %arg20[%mul3A_454, %dma_wait3A_469] : memref<10240x144xf32, #tpu.memory_space<vmem_shared>> -> memref<640x144xf32, #tpu.memory_space<vmem_shared>>
      tpu.wait_dma2 semaphore(%run_scoped3A : memref<!tpu.dma_semaphore, #tpu.memory_space<semaphore_mem>>) src(%dma_wait3A_470 : memref<640x144xf32, #tpu.memory_space<vmem_shared>>) dst(%dma_wait3A_468 : memref<640x144xf32, #tpu.memory_space<hbm>>)
      tpu.yield
    }) : () -> ()
    %barrier3A_458 = arith.constant 0 : index
    tpu.barrier barrier_id(%barrier3A_458)
    return
  }
}

module attributes {stable_mosaic.version = 14 : i64} {
  func.func @_proj_body(%arg0: i32, %arg1: memref<1000x128xf32, #tpu.memory_space<vmem>>, %arg2: memref<128x128xf32, #tpu.memory_space<vmem>>, %arg3: memref<128xf32, #tpu.memory_space<vmem>>, %arg4: memref<128x32xf32, #tpu.memory_space<vmem>>, %arg5: memref<1000x128xf32, #tpu.memory_space<vmem>>, %arg6: memref<1000x32xf32, #tpu.memory_space<vmem>>) attributes {dimension_semantics = [#tpu.dimension_semantics<arbitrary>], iteration_bounds = array<i64: 10>, scalar_prefetch = 0 : i64, scratch_operands = 0 : i64, tpu.core_type = #tpu.core_type<tc>, window_params = [{transform_indices = @transform_0, window_bounds = array<i64: 1000, 128>}, {pipeline_mode = #tpu.pipeline_mode<synchronous>, transform_indices = @transform_1, window_bounds = array<i64: 128, 128>}, {pipeline_mode = #tpu.pipeline_mode<synchronous>, transform_indices = @transform_2, window_bounds = array<i64: 128>}, {pipeline_mode = #tpu.pipeline_mode<synchronous>, transform_indices = @transform_3, window_bounds = array<i64: 128, 32>}, {transform_indices = @transform_4, window_bounds = array<i64: 1000, 128>}, {transform_indices = @transform_5, window_bounds = array<i64: 1000, 32>}]} {
    %get3A = arith.constant 0 : index
    %get3A_0 = arith.constant 0 : index
    %get3A_1 = vector.load %arg1[%get3A, %get3A_0] : memref<1000x128xf32, #tpu.memory_space<vmem>>, vector<1000x128xf32>
    %get3A_2 = arith.constant 0 : index
    %get3A_3 = arith.constant 0 : index
    %get3A_4 = vector.load %arg2[%get3A_2, %get3A_3] : memref<128x128xf32, #tpu.memory_space<vmem>>, vector<128x128xf32>
    %dot_general3A = arith.constant dense<0.000000e+00> : vector<1000x128xf32>
    %dot_general3A_5 = tpu.matmul %get3A_1, %get3A_4, %dot_general3A {dimension_numbers = #tpu.dot_dimension_numbers<[1], [0], [0], [1], [0, 0, 1, 1], [], []>, transpose_lhs_hint = false} : vector<1000x128xf32>, vector<128x128xf32>, vector<1000x128xf32> -> vector<1000x128xf32>
    %get3A_6 = arith.constant 0 : index
    %get3A_7 = vector.load %arg3[%get3A_6] : memref<128xf32, #tpu.memory_space<vmem>>, vector<128xf32>
    %broadcast_in_dim3A = vector.shape_cast %get3A_7 : vector<128xf32> to vector<1x128xf32>
    %add3A = vector.broadcast %broadcast_in_dim3A : vector<1x128xf32> to vector<1000x128xf32>
    %add3A_8 = arith.addf %dot_general3A_5, %add3A : vector<1000x128xf32>
    %swap3A = arith.constant 0 : index
    %swap3A_9 = arith.constant 0 : index
    %swap3A_10 = vector.load %arg5[%swap3A, %swap3A_9] : memref<1000x128xf32, #tpu.memory_space<vmem>>, vector<1000x128xf32>
    tpu.vector_store %arg5[%swap3A, %swap3A_9], %add3A_8 {strides = array<i32>} : memref<1000x128xf32, #tpu.memory_space<vmem>>, vector<1000x128xf32>,
    %get3A_11 = arith.constant 0 : index
    %get3A_12 = arith.constant 0 : index
    %get3A_13 = vector.load %arg4[%get3A_11, %get3A_12] : memref<128x32xf32, #tpu.memory_space<vmem>>, vector<128x32xf32>
    %dot_general3A_14 = arith.constant dense<0.000000e+00> : vector<1000x32xf32>
    %dot_general3A_15 = tpu.matmul %add3A_8, %get3A_13, %dot_general3A_14 {dimension_numbers = #tpu.dot_dimension_numbers<[1], [0], [0], [1], [0, 0, 1, 1], [], []>, transpose_lhs_hint = false} : vector<1000x128xf32>, vector<128x32xf32>, vector<1000x32xf32> -> vector<1000x32xf32>
    %swap3A_16 = arith.constant 0 : index
    %swap3A_17 = arith.constant 0 : index
    %swap3A_18 = vector.load %arg6[%swap3A_16, %swap3A_17] : memref<1000x32xf32, #tpu.memory_space<vmem>>, vector<1000x32xf32>
    tpu.vector_store %arg6[%swap3A_16, %swap3A_17], %dot_general3A_15 {strides = array<i32>} : memref<1000x32xf32, #tpu.memory_space<vmem>>, vector<1000x32xf32>,
    return
  }
  func.func @transform_0(%arg0: i32) -> (i32, i32) {
    %c0_i32 = arith.constant 0 : i32
    %c0_i32_0 = arith.constant 0 : i32
    return %arg0, %c0_i32 : i32, i32
  }
  func.func @transform_1(%arg0: i32) -> (i32, i32) {
    %c0_i32 = arith.constant 0 : i32
    %c0_i32_0 = arith.constant 0 : i32
    %c0_i32_1 = arith.constant 0 : i32
    return %c0_i32, %c0_i32_0 : i32, i32
  }
  func.func @transform_2(%arg0: i32) -> i32 {
    %c0_i32 = arith.constant 0 : i32
    %c0_i32_0 = arith.constant 0 : i32
    return %c0_i32 : i32
  }
  func.func @transform_3(%arg0: i32) -> (i32, i32) {
    %c0_i32 = arith.constant 0 : i32
    %c0_i32_0 = arith.constant 0 : i32
    %c0_i32_1 = arith.constant 0 : i32
    return %c0_i32, %c0_i32_0 : i32, i32
  }
  func.func @transform_4(%arg0: i32) -> (i32, i32) {
    %c0_i32 = arith.constant 0 : i32
    %c0_i32_0 = arith.constant 0 : i32
    return %arg0, %c0_i32 : i32, i32
  }
  func.func @transform_5(%arg0: i32) -> (i32, i32) {
    %c0_i32 = arith.constant 0 : i32
    %c0_i32_0 = arith.constant 0 : i32
    return %arg0, %c0_i32 : i32, i32
  }
}

module attributes {stable_mosaic.version = 14 : i64} {
  func.func @_final_body(%arg0: i32, %arg1: memref<1000x144xf32, #tpu.memory_space<vmem>>, %arg2: memref<1000x144xf32, #tpu.memory_space<vmem>>, %arg3: memref<128x64xf32, #tpu.memory_space<vmem>>, %arg4: memref<64xf32, #tpu.memory_space<vmem>>, %arg5: memref<1000x64xf32, #tpu.memory_space<vmem>>) attributes {dimension_semantics = [#tpu.dimension_semantics<arbitrary>], iteration_bounds = array<i64: 10>, scalar_prefetch = 0 : i64, scratch_operands = 0 : i64, tpu.core_type = #tpu.core_type<tc>, window_params = [{transform_indices = @transform_0, window_bounds = array<i64: 1000, 144>}, {transform_indices = @transform_1, window_bounds = array<i64: 1000, 144>}, {pipeline_mode = #tpu.pipeline_mode<synchronous>, transform_indices = @transform_2, window_bounds = array<i64: 128, 64>}, {pipeline_mode = #tpu.pipeline_mode<synchronous>, transform_indices = @transform_3, window_bounds = array<i64: 64>}, {transform_indices = @transform_4, window_bounds = array<i64: 1000, 64>}]} {
    %get3A = arith.constant 0 : index
    %get3A_0 = arith.constant 0 : index
    %get3A_1 = vector.load %arg1[%get3A, %get3A_0] : memref<1000x144xf32, #tpu.memory_space<vmem>>, vector<1000x144xf32>
    %get3A_2 = arith.constant 0 : index
    %get3A_3 = arith.constant 0 : index
    %get3A_4 = vector.load %arg2[%get3A_2, %get3A_3] : memref<1000x144xf32, #tpu.memory_space<vmem>>, vector<1000x144xf32>
    %add3A = arith.addf %get3A_1, %get3A_4 : vector<1000x144xf32>
    %slice3A = vector.extract_strided_slice %add3A {offsets = [0, 0], sizes = [1000, 128], strides = [1, 1]} : vector<1000x144xf32> to vector<1000x128xf32>
    %reshape3A = vector.shape_cast %slice3A : vector<1000x128xf32> to vector<1000x4x32xf32>
    %slice3A_5 = vector.extract_strided_slice %add3A {offsets = [0, 128], sizes = [1000, 4], strides = [1, 1]} : vector<1000x144xf32> to vector<1000x4xf32>
    %add3A_6 = arith.constant 1.000000e-16 : f32
    %add3A_7 = vector.broadcast %add3A_6 : f32 to vector<1000x4xf32>
    %add3A_8 = arith.addf %slice3A_5, %add3A_7 : vector<1000x4xf32>
    %div3A = arith.constant 1.000000e+00 : f32
    %div3A_9 = vector.broadcast %div3A : f32 to vector<1000x4xf32>
    %div3A_10 = arith.divf %div3A_9, %add3A_8 : vector<1000x4xf32>
    %broadcast_in_dim3A = vector.shape_cast %div3A_10 : vector<1000x4xf32> to vector<1000x4x1xf32>
    %mul3A = vector.broadcast %broadcast_in_dim3A : vector<1000x4x1xf32> to vector<1000x4x32xf32>
    %mul3A_11 = arith.mulf %reshape3A, %mul3A : vector<1000x4x32xf32>
    %reshape3A_12 = vector.shape_cast %mul3A_11 : vector<1000x4x32xf32> to vector<1000x128xf32>
    %max3A = arith.constant 0.000000e+00 : f32
    %max3A_13 = vector.broadcast %max3A : f32 to vector<1000x128xf32>
    %max3A_14 = arith.maximumf %reshape3A_12, %max3A_13 : vector<1000x128xf32>
    %get3A_15 = arith.constant 0 : index
    %get3A_16 = arith.constant 0 : index
    %get3A_17 = vector.load %arg3[%get3A_15, %get3A_16] : memref<128x64xf32, #tpu.memory_space<vmem>>, vector<128x64xf32>
    %dot_general3A = arith.constant dense<0.000000e+00> : vector<1000x64xf32>
    %dot_general3A_18 = tpu.matmul %max3A_14, %get3A_17, %dot_general3A {dimension_numbers = #tpu.dot_dimension_numbers<[1], [0], [0], [1], [0, 0, 1, 1], [], []>, transpose_lhs_hint = false} : vector<1000x128xf32>, vector<128x64xf32>, vector<1000x64xf32> -> vector<1000x64xf32>
    %get3A_19 = arith.constant 0 : index
    %get3A_20 = vector.load %arg4[%get3A_19] : memref<64xf32, #tpu.memory_space<vmem>>, vector<64xf32>
    %broadcast_in_dim3A_21 = vector.shape_cast %get3A_20 : vector<64xf32> to vector<1x64xf32>
    %add3A_22 = vector.broadcast %broadcast_in_dim3A_21 : vector<1x64xf32> to vector<1000x64xf32>
    %add3A_23 = arith.addf %dot_general3A_18, %add3A_22 : vector<1000x64xf32>
    %swap3A = arith.constant 0 : index
    %swap3A_24 = arith.constant 0 : index
    %swap3A_25 = vector.load %arg5[%swap3A, %swap3A_24] : memref<1000x64xf32, #tpu.memory_space<vmem>>, vector<1000x64xf32>
    tpu.vector_store %arg5[%swap3A, %swap3A_24], %add3A_23 {strides = array<i32>} : memref<1000x64xf32, #tpu.memory_space<vmem>>, vector<1000x64xf32>,
    return
  }
  func.func @transform_0(%arg0: i32) -> (i32, i32) {
    %c0_i32 = arith.constant 0 : i32
    %c0_i32_0 = arith.constant 0 : i32
    return %arg0, %c0_i32 : i32, i32
  }
  func.func @transform_1(%arg0: i32) -> (i32, i32) {
    %c0_i32 = arith.constant 0 : i32
    %c0_i32_0 = arith.constant 0 : i32
    return %arg0, %c0_i32 : i32, i32
  }
  func.func @transform_2(%arg0: i32) -> (i32, i32) {
    %c0_i32 = arith.constant 0 : i32
    %c0_i32_0 = arith.constant 0 : i32
    %c0_i32_1 = arith.constant 0 : i32
    return %c0_i32, %c0_i32_0 : i32, i32
  }
  func.func @transform_3(%arg0: i32) -> i32 {
    %c0_i32 = arith.constant 0 : i32
    %c0_i32_0 = arith.constant 0 : i32
    return %c0_i32 : i32
  }
  func.func @transform_4(%arg0: i32) -> (i32, i32) {
    %c0_i32 = arith.constant 0 : i32
    %c0_i32_0 = arith.constant 0 : i32
    return %arg0, %c0_i32 : i32, i32
  }
}

</mosaic_0001>

<sc_bundles>
// kernel: kernel.7.cloned.1.call-start
scs
__scs_entry_jumppad:
0x0: {  	(pc) =	sbr.rel $0x88, $3  }
0x1: {  	(tag) =	ssettag $0x0;
	lr =	simm.s32 $0x1  }
0x2: {  	[smem:$0x3F93] =	sst lr;
	_ =	strace $0xD0000000  }
0x3: {  	_ = 	snop  }
0x4: {  	_ = 	snop  }
0x5: {  	_ = 	snop  }
0x6: {  	_ = 	snop  }
0x7: {  	_ = 	snop  }
__scs_overlays_trampoline_lowered:
0x8: {  	[smem:$0x3FA2] =	sst s0  }
0x9: {  	[smem:$0x3FA3] =	sst s1  }
0xa: {  	[smem:$0x3FA4] =	sst s2  }
0xb: {  	[smem:$0x3FA5] =	sst s3  }
0xc: {  	[smem:$0x3FA6] =	sst s4  }
0xd: {  	[smem:$0x3FA7] =	sst s5  }
0xe: {  	[smem:$0x3FA8] =	sst s6  }
0xf: {  	[smem:$0x3FA9] =	sst s7  }
0x10: {  	[smem:$0x3FAA] =	sst s8  }
0x11: {  	[smem:$0x3FAB] =	sst s9;
	s0 =	simm.s32 @!p0 $0x0  }
0x12: {  	s1 =	sld [smem:$0x3F91];
	s0 =	simm.s32 @p0 $0x1  }
0x13: {  	[smem:$0x3FAC] =	sst s0;
	s0 =	simm.s32 @!p1 $0x0  }
0x14: {  	s2 =	sld [smem:$0x3F90];
	s0 =	simm.s32 @p1 $0x1  }
0x15: {  	[smem:$0x3FAD] =	sst s0;
	s0 =	simm.s32 @!p2 $0x0  }
0x16: {  	s3 =	sld [smem:$0x3FDB];
	s0 =	simm.s32 @p2 $0x1  }
0x17: {  	s4 =	simm.s32 $0x1BF5;
	[smem:$0x3FAF] =	sst s0  }
0x18: {  	s0 =	sld [smem:$0x3F92];
	_ =	swait.ge [sflag:s4], $0x0  }
0x19: {  	s7 =	sld [smem:$0x3F93]  }
0x1a: {  	s8 =	sadd.s32 $0xFFFFE003, lr  }
0x1b: {  	s9 =	sadd.s32 $0xFFFFFEF7, lr;
	s5 =	simm.s32 $0xFFFFFFFF;
	p2 =	slt.u32 s8, $0xFFFFF086  }
0x1c: {  	p1 =	slt.u32 s9, $0xF7A;
	s5 =	simm.s32 @!p2 $0x0  }
0x1d: {  	s5 =	simm.s32 @p1 $0x1;
	p0 =	seq.s32 s7, s2  }
0x1e: {  	s7 =	smul.u32 @!p0 $0xF7A, s2;
	p2 =	seq.s32 @!p0 s5, $0x0  }
0x1f: {  	s9 =	smul.u32 $0xF7A, s1;
	s8 =	simm.s32 @!p0 $0x1BF5;
	p2 =	por !p2, p0  }
0x20: {  	[sflag:s8] =	ssyncset.s32 @!p0 $0xFFFFF086;
	s6 =	sadd.s32 @!p0 s3, s7;
	s7 =	simm.s32 @!p0 $0x108  }
0x21: {  	s3 =	sadd.s32 s3, s9;
	s6 =	sadd.s32 @!p0 $0x88, s6;
	s7 =	simm.s32 @p2 $0x1082  }
0x22: {  	[simem:s7], [sflag:s8] =	dma.local @!p0 [hbm:s6], $0xF7A  }
0x23: {  	s9 =	sor.u32 $0xD0000000, s2;
	s6 =	simm.s32 $0x108;
	_ =	swait.ge @!p0 [sflag:s8], $0x0  }
0x24: {  	s3 =	sadd.s32 $0x88, s3;
	s6 =	simm.s32 @!p1 $0x1082;
	[sflag:s4] =	ssyncset.s32 $0xFFFFF086  }
0x25: {  	[simem:s6], [sflag:s4] =	dma.local [hbm:s3], $0xF7A  }
0x26: {  	[smem:$0x3F93] =	sst s1;
	(tag) =	ssettag s2;
	_ =	strace s9  }
0x27: {  	s1 =	sld [smem:$0x3FA3]  }
0x28: {  	s2 =	sld [smem:$0x3FA4]  }
0x29: {  	s4 =	sld [smem:$0x3FA6]  }
0x2a: {  	p0 =	seq.s32 s5, $0x0;
	s5 =	sld [smem:$0x3FA7]  }
0x2b: {  	s6 =	sld [smem:$0x3FA8]  }
0x2c: {  	s7 =	sld [smem:$0x3FA9]  }
0x2d: {  	s3 =	simm.s32 $0x108;
	s8 =	sld [smem:$0x3FAA]  }
0x2e: {  	s3 =	simm.s32 @!p0 $0x1082;
	s9 =	sld [smem:$0x3FAB]  }
0x2f: {  	lr =	sadd.s32 s0, s3;
	s0 =	sld [smem:$0x3FA2]  }
0x30: {  	s3 =	sld [smem:$0x3FA5]  }
0x31: {  	[smem:$0x3FAE] =	sst s10  }
0x32: {  	s10 =	sld [smem:$0x3FAC];
	_ =	sdelay $0x3  }
0x33: {  	p0 =	seq.s32 s10, $0x1;
	s10 =	sld [smem:$0x3FAE];
	_ =	sdelay $0x3  }
0x34: {  	[smem:$0x3FAE] =	sst s10  }
0x35: {  	s10 =	sld [smem:$0x3FAD];
	_ =	sdelay $0x3  }
0x36: {  	p1 =	seq.s32 s10, $0x1;
	s10 =	sld [smem:$0x3FAE];
	_ =	sdelay $0x3  }
0x37: {  	[smem:$0x3FAE] =	sst s10  }
0x38: {  	s10 =	sld [smem:$0x3FAF]  }
0x39: {  	_ = 	snop;
	(pc) =	sbr.ind lr, $3  }
0x3a: {  	_ = 	snop  }
0x3b: {  	_ = 	snop  }
0x3c: {  	p2 =	seq.s32 s10, $0x1;
	s10 =	sld [smem:$0x3FAE]  }
0x3d: {  	_ =	shalt  }
0x3e: {  	_ =	shalt  }
0x3f: {  	_ =	shalt  }
0x40: {  	_ =	shalt  }
0x41: {  	_ =	shalt  }
0x42: {  	_ =	shalt  }
0x43: {  	_ =	shalt  }
0x44: {  	_ =	shalt  }
0x45: {  	_ =	shalt  }
0x46: {  	_ =	shalt  }
0x47: {  	_ =	shalt  }
0x48: {  	_ =	shalt  }
0x49: {  	_ =	shalt  }
0x4a: {  	_ =	shalt  }
0x4b: {  	_ =	shalt  }
0x4c: {  	_ =	shalt  }
0x4d: {  	_ =	shalt  }
0x4e: {  	_ =	shalt  }
0x4f: {  	_ =	shalt  }
0x50: {  	_ =	shalt  }
0x51: {  	_ =	shalt  }
0x52: {  	_ =	shalt  }
0x53: {  	_ =	shalt  }
0x54: {  	_ =	shalt  }
0x55: {  	_ =	shalt  }
0x56: {  	_ =	shalt  }
0x57: {  	_ =	shalt  }
0x58: {  	_ =	shalt  }
0x59: {  	_ =	shalt  }
0x5a: {  	_ =	shalt  }
0x5b: {  	_ =	shalt  }
0x5c: {  	_ =	shalt  }
0x5d: {  	_ =	shalt  }
0x5e: {  	_ =	shalt  }
0x5f: {  	_ =	shalt  }
0x60: {  	_ =	shalt  }
0x61: {  	_ =	shalt  }
0x62: {  	_ =	shalt  }
0x63: {  	_ =	shalt  }
0x64: {  	_ =	shalt  }
0x65: {  	_ =	shalt  }
0x66: {  	_ =	shalt  }
0x67: {  	_ =	shalt  }
0x68: {  	_ =	shalt  }
0x69: {  	_ =	shalt  }
0x6a: {  	_ =	shalt  }
0x6b: {  	_ =	shalt  }
0x6c: {  	_ =	shalt  }
0x6d: {  	_ =	shalt  }
0x6e: {  	_ =	shalt  }
0x6f: {  	_ =	shalt  }
0x70: {  	_ =	shalt  }
0x71: {  	_ =	shalt  }
0x72: {  	_ =	shalt  }
0x73: {  	_ =	shalt  }
0x74: {  	_ =	shalt  }
0x75: {  	_ =	shalt  }
0x76: {  	_ =	shalt  }
0x77: {  	_ =	shalt  }
0x78: {  	_ =	shalt  }
0x79: {  	_ =	shalt  }
0x7a: {  	_ =	shalt  }
0x7b: {  	_ =	shalt  }
0x7c: {  	_ =	shalt  }
0x7d: {  	_ =	shalt  }
0x7e: {  	_ =	shalt  }
0x7f: {  	_ =	shalt  }
0x80: {  	_ =	shalt  }
0x81: {  	_ =	shalt  }
0x82: {  	_ =	shalt  }
0x83: {  	_ =	shalt  }
0x84: {  	_ =	shalt  }
0x85: {  	_ =	shalt  }
0x86: {  	_ =	shalt  }
0x87: {  	_ =	shalt  }
.Lfunc_end0:
.L_simem_size_0:
called_computation_lowered:
.L_overlay_start_0:
0x88: {  	s2 =	sld [smem:$0x3FD9]  }
0x89: {  	s3 =	sld [smem:$0x3FFE];
	_ =	sdelay $0x1  }
0x8a: {  	s1 =	srdreg.scid  }
0x8b: {  	s0 =	sand.u32 $0x1, s1  }
0x8c: {  	s14 =	sshll.u32 s0, $0xA;
	s2 =	sadd.s32 s3, s2  }
0x8d: {  	s2 =	sadd.s32 s2, s14  }
0x8e: {  	[smem:$0x3FBA] =	sst s2  }
0x8f: {  	_ = 	snop  }
0x90: {  	s2 =	sld [smem:$0x3FD0];
	_ =	sdelay $0x2  }
0x91: {  	s15 =	simm.s32 $0xA;
	s4 =	simm.s32 $0x10  }
0x92: {  	[smem:s4], [sflag:s15] =	dma.local [hbm:s2], $0x1  }
0x93: {  	_ =	swait.eq [sflag:s15], $0x1  }
0x94: {  	[sflag:s15] =	ssyncset.done $0x0  }
0x95: {  	s16 =	sld [smem:$0x10];
	[sflag:s15] =	ssyncadd.s32 $0xFFFFFFFF  }
0x96: {  	s17 =	sld [smem:$0x11];
	(tm) =	ssettm $0x1  }
0x97: {  	s18 =	sld [smem:$0x3FFB];
	_ =	sdelay $0x3  }
0x98: {  	_ =	strace s18  }
0x99: {  	s4 =	sld [smem:$0x3FFC];
	_ =	sdelay $0x3  }
0x9a: {  	_ =	strace s4  }
0x9b: {  	s4 =	sld [smem:$0x3FFD];
	_ =	sdelay $0x3  }
0x9c: {  	_ =	strace s4  }
0x9d: {  	_ =	strace $0x8FFFFFFF  }
0x9e: {  	s19 =	sld [smem:$0x3FDB];
	_ =	sdelay $0x1  }
0x9f: {  	s5 =	simm.s32 $_scs_section_size  }
0xa0: {  	s6 =	simm.s32 $_size__tile_overlayer_lowered;
	s7 =	simm.s32 $_tile_overlayer_lowered  }
0xa1: {  	s22 =	simm.s32 $0x1BFF;
	s21 =	sshll.u32 s7, $0x1;
	s4 =	sadd.s32 s5, s19  }
0xa2: {  	s8 =	simm.s32 $0x0;
	s20 =	sshll.u32 s6, $0x1;
	s6 =	sadd.s32 s21, s4  }
0xa3: {  	[timem:s8], [sflag:s22] =	dma.local [hbm:s6], s20  }
0xa4: {  	_ =	swait.ge [sflag:s22], s20  }
0xa5: {  	s5 =	ssub.s32 $0x0, s20;
	[sflag:s22] =	ssyncset.done $0x0  }
0xa6: {  	[sflag:s22] =	ssyncadd.s32 s5;
	_ =	sdelay $0x1  }
0xa7: {  	s23 =	simm.s32 $0x1B8B  }
0xa8: {  	_ =	swait.ge [sflag:s23], $0x1  }
0xa9: {  	[sflag:s23] =	ssyncset.done $0x0  }
0xaa: {  	s25 =	simm.s32 $0x1B8E;
	s24 =	sld [smem:$0x3FFE];
	[sflag:s23] =	ssyncadd.s32 $0xFFFFFFFF  }
0xab: {  	s26 =	simm.s32 $execute0_lowered;
	[smem:$0x3FD2] =	sst s25  }
0xac: {  	s6 =	sshll.u32 s26, $0x1;
	_ =	strace $0x80000046;
	[dreg:$0x1] =	wrdreg $0xFFFFFFFF  }
0xad: {  	s28 =	simm.s32 $_size_execute0_lowered;
	s4 =	sadd.s32 s4, s6;
	[dreg:$0x0] =	wrdreg $0x0  }
0xae: {  	s6 =	sshll.u32 s28, $0x1;
	[dreg:$0x2] =	wrdreg s4  }
0xaf: {  	[dreg:$0x3] =	wrdreg s6  }
0xb0: {  	[dreg:$0x4] =	wrdreg $0xC0  }
0xb1: {  	_ =	task [dreg:s8], $0x5FFFF  }
0xb2: {  	[dreg:$0x1] =	wrdreg $0xFFFFFFFF  }
0xb3: {  	[dreg:$0x0] =	wrdreg $0x60  }
0xb4: {  	[dreg:$0x2] =	wrdreg s24  }
0xb5: {  	[dreg:$0x3] =	wrdreg s17  }
0xb6: {  	[dreg:$0x4] =	wrdreg s16  }
0xb7: {  	[dreg:$0x5] =	wrdreg $0x8C500  }
0xb8: {  	[dreg:$0x6] =	wrdreg $0x9  }
0xb9: {  	_ =	task.clear_ibuf [dreg:s8], $0x7FFFF;
	_ =	strace $0x90000046  }
0xba: {  	s29 =	simm.s32 $0x9;
	_ =	strace $0x80000048  }
0xbb: {  	_ =	swait.ge [sflag:s29], $0x1  }
0xbc: {  	[sflag:s29] =	ssyncadd.s32 $0xFFFFFFFF  }
0xbd: {  	_ =	strace $0x90000048  }
0xbe: {  	_ =	sfence  }
0xbf: {  	s30 =	sld [smem:$0x0];
	_ =	sdelay $0x2  }
0xc0: {  	s31 =	sshll.u32 s1, $0xD;
	s1 =	sshrl.u32 s1, $0x2  }
0xc1: {  	s3 =	sand.u32 $0x4000, s31;
	s1 =	sadd.s32 s1, s30  }
0xc2: {  	s0 =	sor.u32 s3, s0;
	s1 =	sshll.u32 s1, $0x11  }
0xc3: {  	s0 =	sor.u32 s1, s0  }
0xc4: {  	s0 =	sadd.s32 $0x8F2B, s0  }
0xc5: {  	[sflag:s0] =	ssyncadd.remote.s32 $0x1  }
0xc6: {  	_ =	sfence.sel $0xFFFF  }
0xc7: {  	[dreg:$0x0] =	wrdreg $0xFFFFFFFF;
	(pc) =	sbr.abs _section_cstart, $3  }
0xc8: {  	[dreg:$0x1] =	wrdreg $0xFFFFFFFF  }
0xc9: {  	_ =	task.clear_ibuf [dreg:s8], $0x2FFFF;
	_ =	strace $0x9FFFFFFF  }
0xca: {  	(tm) =	ssettm $0x7FFFFFFF  }
0xcb: {  	_ =	shalt  }
tec
execute0_lowered:
.L_overlay_start_1:
0x0: {  	(tag) =	ssettag $0x1  }
0x1: {  	s0 =	rddreg [dreg:$0x0]  }
0x2: {  	s2 =	rddreg [dreg:$0x1]  }
0x3: {  	s3 =	rddreg [dreg:$0x2]  }
0x4: {  	s1 =	rddreg [dreg:$0x3]  }
0x5: {  	s4 =	simm.s32 $0x0;
	s22 =	srdreg.scid;
	s14 =	stileid.u32  }
0x6: {  	s16 =	simm.s32 $0x5;
	s17 =	simm.s32 $0x50;
	s18 =	simm.s32 $0x2710  }
0x7: {  	s19 =	simm.s32 $0x2850;
	s20 =	simm.s32 $0x2760;
	s21 =	simm.s32 $0x5550  }
0x8: {  	s28 =	simm.s32 $0x8750;
	s29 =	simm.s32 $0x3;
	s30 =	simm.s32 $0x4  }
0x9: {  	s31 =	simm.s32 $0x0;
	[smem:$0x7FF] =	sst s4;
	s8 =	sand.u32 $0x1, s22  }
0xa: {  	s4 =	sadd.s32 $0x2E800, s0;
	s9 =	smul.u32 $0x16800, s14;
	s5 =	sadd.s32 $0x5F800, s0  }
0xb: {  	s6 =	sadd.s32 $0x2800, s0;
	s13 =	sshll.u32 s14, $0x1;
	s24 =	sshll.u32 s14, $0x6  }
0xc: {  	s22 =	simm.s32 $0x1;
	_ =	strace $0x80000047;
	s7 =	sshll.u32 s8, $0x4  }
0xd: {  	s12 =	ssub.s32 $0x2, s8;
	s8 =	sor.u32 s8, s13;
	s10 =	sor.u32 s14, s7  }
0xe: {  	s7 =	sadd.s32 $0x5A800, s0;
	s11 =	sshrl.u32 s9, $0x3;
	s23 =	sshrl.u32 s12, $0x1  }
0xf: {  	s13 =	smul.u32 $0x4E2, s8;
	s15 =	sadd.s32 s9, s1;
	s9 =	sor.u32 $0x1C05, s24  }
0x10: {  	s24 =	simm.s32 $0x27B0;
	s10 =	smul.u32 $0x2D00, s10;
	s11 =	sadd.s32 s11, s0  }
0x11: {  	s15 =	sshrl.u32 s15, $0x3;
	s8 =	sadd.s32 $0x64800, s11;
	s2 =	sadd.s32 s2, s13  }
0x12: {  	s26 =	sadd.s32 s3, s13;
	s0 =	sadd.s32 s10, s0;
	[dreg:$0x5] =	wrdreg s2  }
0x13: {  	s10 =	ssub.s32 s12, s23;
	[dreg:$0x7] =	wrdreg s26;
	s23 =	simm.s32 $0x2  }
0x14: {  	s26 =	simm.s32 $0x2800;
	s25 =	sadd.s32 $0x91800, s0;
	s13 =	sadd.s32 $0xEB800, s0  }
0x15: {  	vm0 =	vmmov $0xf;
	s14 =	smax.u32 s10, $0x1;
	[dreg:$0x6] =	wrdreg s25;
	s25 =	simm.s32 $0x5A50  }
.LBB2_1:
0x16: {  	[spmem:s15], [sflag:s9] =	dma.local [hbm:s8], $0x2D00  }
0x17: {  	_ =	swait.ge [sflag:s16], $0x2D00  }
0x18: {  	[sflag:s16] =	ssyncset.done $0x0  }
0x19: {  	s0 =	simm.s32 $0x0;
	s2 =	rddreg [dreg:$0x5];
	[sflag:s16] =	ssyncadd.s32 $0xFFFFD300  }
0x1a: {  	[tilespmem:s0], [sflag:$0x5] =	stream.linear.gather [hbm4b:s2+s0], $0x2710, $0x38;
	[tilespmem:$0x1F450] =	vst v63  }
0x1b: {  	_ =	swait.ge [sflag:s16], $0x2710  }
0x1c: {  	[sflag:s16] =	ssyncset.done $0x0  }
0x1d: {  	[sflag:s16] =	ssyncadd.s32 $0xFFFFD8F0  }
0x1e: {  	[bflag:$0x0] =	sbarrier.arrive $0xFFFF  }
0x1f: {  	v0 =	vld [tilespmem:$0x0];
	_ =	sdelay $0x1  }
0x20: {  	v1 =	vld [tilespmem:$0x10];
	_ =	sdelay $0x1  }
0x21: {  	v2 =	vld [tilespmem:$0x20]  }
0x22: {  	v3 =	vshrl.u32 v0, $0xE  }
0x23: {  	v54 =	vld [tilespmem:$0x30];
	v0 =	vand.u32 $0x3FFF, v0;
	[tilespmem:$0x2710] =	vst v3  }
0x24: {  	v55 =	vshrl.u32 v1, $0xE;
	[tilespmem:$0x2760] =	vst v0  }
0x25: {  	v57 =	vld [tilespmem:$0x40];
	v56 =	vand.u32 $0x3FFF, v1;
	[tilespmem:$0x2720] =	vst v55  }
0x26: {  	v58 =	vshrl.u32 v2, $0xE;
	[tilespmem:$0x2770] =	vst v56  }
0x27: {  	v59 =	vand.u32 $0x3FFF, v2;
	[tilespmem:$0x2730] =	vst v58  }
0x28: {  	v60 =	vshrl.u32 v54, $0xE;
	[tilespmem:$0x2780] =	vst v59  }
0x29: {  	v61 =	vand.u32 $0x3FFF, v54;
	[tilespmem:$0x2740] =	vst v60  }
0x2a: {  	v62 =	vshrl.u32 v57, $0xE;
	[tilespmem:$0x2790] =	vst v61  }
0x2b: {  	v63 =	vand.u32 $0x3FFF, v57;
	[tilespmem:$0x2750] =	vst v62  }
0x2c: {  	[tilespmem:$0x27A0] =	vst v63  }
0x2d: {  	[tilespmem:s19], [sflag:$0x1] =	stream.indirect.gather [hbm4b:s4+s17], $0x90, s18, s17, $0xb8;
	[tilespmem:$0x1F450] =	vst v63  }
0x2e: {  	s0 =	simm.s32 $0x0  }
0x2f: {  	[tilespmem:s21], [sflag:$0x2] =	stream.indirect.gather [hbm4b:s5+s17], $0x10, s20, s17, $0xb8;
	[tilespmem:$0x1F450] =	vst v63  }
.LBB2_2:
0x30: {  	_ =	swait.ge [sflag:s22], $0x2D00  }
0x31: {  	[sflag:s22] =	ssyncset.done $0x0  }
0x32: {  	[sflag:s22] =	ssyncadd.s32 $0xFFFFD300  }
0x33: {  	s2 =	smul.u32 $0x280, s0;
	_ =	swait.ge [sflag:s23], $0x500  }
0x34: {  	[sflag:s23] =	ssyncset.done $0x0  }
0x35: {  	s2 =	sshra.s32 s2, $0x2;
	[sflag:s23] =	ssyncadd.s32 $0xFFFFFB00  }
0x36: {  	v0 =	vld [tilespmem:s2+$0x50];
	_ =	sdelay $0x4  }
0x37: {  	v1 =	vshrl.u32 v0, $0xE  }
0x38: {  	v0 =	vand.u32 $0x3FFF, v0;
	[tilespmem:$0x27B0] =	vst v1  }
0x39: {  	[tilespmem:$0x2800] =	vst v0  }
0x3a: {  	v0 =	vld [tilespmem:s2+$0x60];
	_ =	sdelay $0x4  }
0x3b: {  	v1 =	vshrl.u32 v0, $0xE  }
0x3c: {  	v0 =	vand.u32 $0x3FFF, v0;
	[tilespmem:$0x27C0] =	vst v1  }
0x3d: {  	[tilespmem:$0x2810] =	vst v0  }
0x3e: {  	v0 =	vld [tilespmem:s2+$0x70];
	_ =	sdelay $0x4  }
0x3f: {  	v1 =	vshrl.u32 v0, $0xE  }
0x40: {  	v0 =	vand.u32 $0x3FFF, v0;
	[tilespmem:$0x27D0] =	vst v1  }
0x41: {  	[tilespmem:$0x2820] =	vst v0  }
0x42: {  	v0 =	vld [tilespmem:s2+$0x80];
	_ =	sdelay $0x4  }
0x43: {  	v1 =	vshrl.u32 v0, $0xE  }
0x44: {  	v0 =	vand.u32 $0x3FFF, v0;
	[tilespmem:$0x27E0] =	vst v1  }
0x45: {  	[tilespmem:$0x2830] =	vst v0  }
0x46: {  	v0 =	vld [tilespmem:s2+$0x90];
	_ =	sdelay $0x4  }
0x47: {  	v1 =	vshrl.u32 v0, $0xE  }
0x48: {  	v0 =	vand.u32 $0x3FFF, v0;
	[tilespmem:$0x27F0] =	vst v1  }
0x49: {  	[tilespmem:$0x2840] =	vst v0  }
0x4a: {  	[tilespmem:s25], [sflag:$0x3] =	stream.indirect.gather [hbm4b:s4+s17], $0x90, s24, s17, $0xb8;
	[tilespmem:$0x1F450] =	vst v63  }
0x4b: {  	s3 =	simm.s32 $0x2970  }
0x4c: {  	[tilespmem:s28], [sflag:$0x4] =	stream.indirect.gather [hbm4b:s5+s17], $0x10, s26, s17, $0xb8;
	[tilespmem:$0x1F450] =	vst v63  }
0x4d: {  	s10 =	simm.s32 $0x5570;
	v0 =	vld [tilespmem:s3+$0x110]  }
0x4e: {  	v1 =	vld [tilespmem:s10+$0x10]  }
0x4f: {  	v2 =	vld [tilespmem:s3+$0xFFFFFFF0]  }
0x50: {  	v3 =	vld [tilespmem:s10+$0xFFFFFFF0]  }
0x51: {  	v4 =	vld [tilespmem:s3+$0x80]  }
0x52: {  	v5 =	vld [tilespmem:s10+$0x0]  }
0x53: {  	v6 =	vld [tilespmem:s10+$0xFFFFFFE0]  }
0x54: {  	v16 =	vld [tilespmem:s3+$0xFFFFFEE0];
	v0 =	vadd.f32 v1, v0  }
0x55: {  	v19 =	vld [tilespmem:s3+$0xFFFFFEF0]  }
0x56: {  	v1 =	vld [tilespmem:s3+$0xFFFFFF60];
	v7 =	vmul.f32 $2.000000030e-01, v0  }
0x57: {  	v20 =	vld [tilespmem:s3+$0xFFFFFF00];
	v2 =	vadd.f32 v3, v2;
	vm1 =	vge.f32 v0, $0.0e+00  }
0x58: {  	v22 =	vld [tilespmem:s3+$0xFFFFFF10];
	v3 =	vadd.f32 v5, v4;
	v0 =	vsel vm1, v0, v7  }
0x59: {  	v23 =	vld [tilespmem:s3+$0xFFFFFF20];
	v4 =	vmul.f32 $2.000000030e-01, v2;
	v0 =	vmul.f32 $1.442695020e+00, v0  }
0x5a: {  	v24 =	vld [tilespmem:s3+$0xFFFFFF30];
	v5 =	vmul.f32 $2.000000030e-01, v3;
	vm1 =	vge.f32 v2, $0.0e+00  }
0x5b: {  	v25 =	vld [tilespmem:s3+$0xFFFFFF40];
	v1 =	vadd.f32 v6, v1;
	(erf) = vpow2.f32 v0;
	v0 =	vsel vm1, v2, v4  }
0x5c: {  	v26 =	vld [tilespmem:s3+$0xFFFFFF50];
	vm2 =	vge.f32 v3, $0.0e+00;
	v0 =	vmul.f32 $1.442695020e+00, v0  }
0x5d: {  	v27 =	vld [tilespmem:s3+$0xFFFFFF70];
	v3 =	vsel vm2, v3, v5;
	v2 =	vmul.f32 $2.000000030e-01, v1  }
0x5e: {  	v28 =	vld [tilespmem:s3+$0xFFFFFF80];
	v3 =	vmul.f32 $1.442695020e+00, v3;
	vm1 =	vge.f32 v1, $0.0e+00;
	(erf) = vpow2.f32 v0  }
0x5f: {  	v30 =	vld [tilespmem:s3+$0xFFFFFF90];
	v1 =	vsel vm1, v1, v2  }
0x60: {  	v35 =	vld [tilespmem:s3+$0xFFFFFFA0];
	v0 =	vmul.f32 $1.442695020e+00, v1;
	(erf) = vpow2.f32 v3  }
0x61: {  	v36 =	vld [tilespmem:s3+$0xFFFFFFB0]  }
0x62: {  	v7 =	vld [tilespmem:s3+$0x100];
	(erf) = vpow2.f32 v0  }
0x63: {  	v37 =	vld [tilespmem:s3+$0xFFFFFFC0]  }
0x64: {  	v9 =	vld [tilespmem:s3+$0x30];
	v11 =	vpop (erf)  }
0x65: {  	v8 =	vld [tilespmem:s3+$0xFFFFFFE0];
	v0 =	vbroadcast v11, $0x3  }
0x66: {  	v5 =	vld [tilespmem:s3+$0x0];
	v3 =	vbroadcast v11, $0x0;
	v2 =	vbroadcast v11, $0x1  }
0x67: {  	v6 =	vld [tilespmem:s3+$0x10];
	v1 =	vbroadcast v11, $0x2;
	v13 =	vpop (erf);
	v15 =	vmul.f32 v7, v0  }
0x68: {  	v4 =	vld [tilespmem:s3+$0xFFFFFFD0];
	v38 =	vbroadcast v13, $0x0;
	v39 =	vbroadcast v13, $0x1  }
0x69: {  	v12 =	vnsel vm0, $0x0, v11;
	v11 =	vld [tilespmem:s3+$0x50];
	v29 =	vpop (erf);
	v40 =	vbroadcast v13, $0x2;
	v14 =	vbroadcast v13, $0x3  }
0x6a: {  	[tilespmem:s3+$0x110] =	vst v12;
	v12 =	vld [tilespmem:s3+$0x60];
	v21 =	vbroadcast v29, $0x0;
	v18 =	vbroadcast v29, $0x1  }
0x6b: {  	v7 =	vld [tilespmem:s3+$0x20];
	v42 =	vnsel vm0, $0x0, v13;
	v31 =	vpop (erf);
	v17 =	vbroadcast v29, $0x2;
	v13 =	vbroadcast v29, $0x3  }
0x6c: {  	v10 =	vnsel vm0, $0x0, v29;
	[tilespmem:s3+$0x100] =	vst v15;
	v15 =	vld [tilespmem:s3+$0x70];
	v32 =	vbroadcast v31, $0x0;
	v33 =	vbroadcast v31, $0x1  }
0x6d: {  	[tilespmem:s3+$0x80] =	vst v10;
	v10 =	vld [tilespmem:s3+$0x40];
	v34 =	vbroadcast v31, $0x2;
	v41 =	vbroadcast v31, $0x3  }
0x6e: {  	[tilespmem:s3+$0xFFFFFFF0] =	vst v42;
	v29 =	vnsel vm0, $0x0, v31;
	v30 =	vmul.f32 v39, v30;
	v31 =	vmul.f32 v32, v16;
	v16 =	vld [tilespmem:s3+$0x90]  }
0x6f: {  	[tilespmem:s3+$0xFFFFFF60] =	vst v29;
	v32 =	vmul.f32 v32, v19;
	v29 =	vmul.f32 v33, v20;
	v19 =	vld [tilespmem:s3+$0xA0]  }
0x70: {  	v63 =	vmul.f32 v22, v33;
	v43 =	vmul.f32 v23, v34;
	v20 =	vld [tilespmem:s3+$0xB0];
	[tilespmem:s3+$0xFFFFFEE0] =	vst v31  }
0x71: {  	v34 =	vmul.f32 v24, v34;
	v33 =	vmul.f32 v25, v41;
	v22 =	vld [tilespmem:s3+$0xC0];
	[tilespmem:s3+$0xFFFFFEF0] =	vst v32  }
0x72: {  	v23 =	vld [tilespmem:s3+$0xD0];
	v31 =	vmul.f32 v26, v41;
	[tilespmem:s3+$0xFFFFFF00] =	vst v29;
	v32 =	vmul.f32 v38, v27  }
0x73: {  	v24 =	vld [tilespmem:s3+$0xE0];
	v29 =	vmul.f32 v38, v28;
	[tilespmem:s3+$0xFFFFFF10] =	vst v63;
	v27 =	vmul.f32 v35, v39  }
0x74: {  	s11 =	simm.s32 $0x0;
	s12 =	simm.s32 $0x2BB0;
	v25 =	vld [tilespmem:s3+$0xF0];
	[tilespmem:s3+$0xFFFFFF20] =	vst v43;
	v28 =	vmul.f32 v36, v40;
	v26 =	vmul.f32 v37, v40  }
.LBB2_3:
0x75: {  	v35 =	vld [tilespmem:s12+$0x110];
	[tilespmem:s3+$0xFFFFFF30] =	vst v34;
	v4 =	vmul.f32 v4, v14;
	v8 =	vmul.f32 v8, v14;
	s10 =	sadd.s32 $0x40, s10  }
0x76: {  	s11 =	sadd.s32 $0x4, s11;
	v5 =	vmul.f32 v21, v5;
	v6 =	vmul.f32 v21, v6;
	v14 =	vld [tilespmem:s10+$0x10];
	[tilespmem:s3+$0xFFFFFF40] =	vst v33  }
0x77: {  	v7 =	vmul.f32 v18, v7;
	v9 =	vmul.f32 v9, v18;
	p0 =	slt.u32 s11, $0x4C;
	v21 =	vld [tilespmem:s10+$0xFFFFFFE0];
	[tilespmem:s3+$0xFFFFFF50] =	vst v31  }
0x78: {  	v10 =	vmul.f32 v10, v17;
	v11 =	vmul.f32 v11, v17;
	v18 =	vld [tilespmem:s12+$0xFFFFFFF0];
	[tilespmem:s3+$0xFFFFFF70] =	vst v32  }
0x79: {  	v12 =	vmul.f32 v12, v13;
	v13 =	vmul.f32 v15, v13;
	v17 =	vld [tilespmem:s10+$0xFFFFFFF0];
	[tilespmem:s3+$0xFFFFFF80] =	vst v29  }
0x7a: {  	v16 =	vmul.f32 v3, v16;
	v3 =	vmul.f32 v3, v19;
	v15 =	vld [tilespmem:s12+$0x80];
	[tilespmem:s3+$0xFFFFFF90] =	vst v30  }
0x7b: {  	v20 =	vmul.f32 v2, v20;
	v2 =	vmul.f32 v22, v2;
	v19 =	vld [tilespmem:s10+$0x0];
	v14 =	vadd.f32 v14, v35;
	[tilespmem:s3+$0xFFFFFFA0] =	vst v27  }
0x7c: {  	v23 =	vmul.f32 v23, v1;
	v24 =	vmul.f32 v24, v1;
	v22 =	vld [tilespmem:s12+$0xFFFFFF60];
	[tilespmem:s3+$0xFFFFFFB0] =	vst v28  }
0x7d: {  	v25 =	vmul.f32 v25, v0;
	v27 =	vld [tilespmem:s12+$0xFFFFFEE0];
	v1 =	vmul.f32 $2.000000030e-01, v14;
	[tilespmem:s3+$0xFFFFFFC0] =	vst v26  }
0x7e: {  	vm1 =	vge.f32 v14, $0.0e+00;
	v26 =	vld [tilespmem:s12+$0xFFFFFEF0];
	v0 =	vadd.f32 v17, v18;
	[tilespmem:s3+$0xFFFFFFD0] =	vst v4  }
0x7f: {  	v28 =	vld [tilespmem:s12+$0xFFFFFF00];
	v1 =	vsel vm1, v14, v1;
	[tilespmem:s3+$0xFFFFFFE0] =	vst v8  }
0x80: {  	v29 =	vld [tilespmem:s12+$0xFFFFFF10];
	v4 =	vmul.f32 $2.000000030e-01, v0;
	v8 =	vadd.f32 v19, v15;
	v1 =	vmul.f32 $1.442695020e+00, v1;
	[tilespmem:s3+$0x0] =	vst v5  }
0x81: {  	vm1 =	vge.f32 v0, $0.0e+00;
	v5 =	vadd.f32 v21, v22;
	v22 =	vld [tilespmem:s12+$0xFFFFFF20];
	[tilespmem:s3+$0x10] =	vst v6  }
0x82: {  	v30 =	vld [tilespmem:s12+$0xFFFFFF30];
	vm2 =	vge.f32 v8, $0.0e+00;
	v6 =	vmul.f32 $2.000000030e-01, v8;
	(erf) = vpow2.f32 v1;
	[tilespmem:s3+$0x20] =	vst v7  }
0x83: {  	v0 =	vsel vm1, v0, v4;
	vm3 =	vge.f32 v5, $0.0e+00;
	v1 =	vmul.f32 $2.000000030e-01, v5;
	v31 =	vld [tilespmem:s12+$0xFFFFFF40];
	[tilespmem:s3+$0x30] =	vst v9  }
0x84: {  	v0 =	vmul.f32 $1.442695020e+00, v0;
	v32 =	vld [tilespmem:s12+$0xFFFFFF50];
	v4 =	vsel vm2, v8, v6;
	[tilespmem:s3+$0x40] =	vst v10  }
0x85: {  	v1 =	vsel vm3, v5, v1;
	v35 =	vld [tilespmem:s12+$0xFFFFFF70];
	v4 =	vmul.f32 $1.442695020e+00, v4;
	[tilespmem:s3+$0x50] =	vst v11  }
0x86: {  	v1 =	vmul.f32 $1.442695020e+00, v1;
	v36 =	vld [tilespmem:s12+$0xFFFFFF80];
	(erf) = vpow2.f32 v0;
	[tilespmem:s3+$0x60] =	vst v12  }
0x87: {  	v37 =	vld [tilespmem:s12+$0xFFFFFF90];
	(erf) = vpow2.f32 v4;
	[tilespmem:s3+$0x70] =	vst v13  }
0x88: {  	v38 =	vld [tilespmem:s12+$0xFFFFFFA0];
	(erf) = vpow2.f32 v1;
	[tilespmem:s3+$0x90] =	vst v16  }
0x89: {  	v6 =	vld [tilespmem:s12+$0x100];
	[tilespmem:s3+$0xA0] =	vst v3  }
0x8a: {  	v39 =	vld [tilespmem:s12+$0xFFFFFFB0];
	[tilespmem:s3+$0xB0] =	vst v20  }
0x8b: {  	v40 =	vld [tilespmem:s12+$0xFFFFFFC0];
	v1 =	vpop (erf);
	[tilespmem:s3+$0xC0] =	vst v2  }
0x8c: {  	v4 =	vld [tilespmem:s12+$0xFFFFFFD0];
	v7 =	vnsel vm0, $0x0, v1;
	v3 =	vbroadcast v1, $0x0;
	v0 =	vbroadcast v1, $0x3;
	[tilespmem:s3+$0xD0] =	vst v23  }
0x8d: {  	v2 =	vbroadcast v1, $0x1;
	v1 =	vbroadcast v1, $0x2;
	v8 =	vld [tilespmem:s12+$0xFFFFFFE0];
	[tilespmem:s3+$0xE0] =	vst v24  }
0x8e: {  	v5 =	vld [tilespmem:s12+$0x0];
	v9 =	vmul.f32 v6, v0;
	[tilespmem:s3+$0xF0] =	vst v25;
	s3 =	smov.u32 s12  }
0x8f: {  	v6 =	vld [tilespmem:s12+$0x10];
	[tilespmem:s12+$0x110] =	vst v7;
	v10 =	vpop (erf)  }
0x90: {  	v12 =	vnsel vm0, $0x0, v10;
	v23 =	vbroadcast v10, $0x0;
	v24 =	vbroadcast v10, $0x1;
	v7 =	vld [tilespmem:s12+$0x20];
	[tilespmem:s12+$0x100] =	vst v9;
	v13 =	vpop (erf)  }
0x91: {  	v25 =	vbroadcast v10, $0x2;
	v14 =	vbroadcast v10, $0x3;
	[tilespmem:s12+$0xFFFFFFF0] =	vst v12;
	v10 =	vnsel vm0, $0x0, v13;
	v9 =	vld [tilespmem:s12+$0x30];
	v11 =	vpop (erf)  }
0x92: {  	v12 =	vnsel vm0, $0x0, v11;
	v16 =	vbroadcast v11, $0x0;
	v19 =	vbroadcast v11, $0x1;
	[tilespmem:s12+$0x80] =	vst v10;
	v10 =	vld [tilespmem:s12+$0x40]  }
0x93: {  	v20 =	vbroadcast v11, $0x2;
	v41 =	vbroadcast v11, $0x3;
	[tilespmem:s12+$0xFFFFFF60] =	vst v12;
	v11 =	vld [tilespmem:s12+$0x50]  }
0x94: {  	v21 =	vbroadcast v13, $0x0;
	v18 =	vbroadcast v13, $0x1;
	v12 =	vld [tilespmem:s12+$0x60]  }
0x95: {  	v17 =	vbroadcast v13, $0x2;
	v13 =	vbroadcast v13, $0x3;
	v15 =	vld [tilespmem:s12+$0x70]  }
0x96: {  	v27 =	vmul.f32 v16, v27;
	v26 =	vmul.f32 v16, v26;
	v16 =	vld [tilespmem:s12+$0x90]  }
0x97: {  	v28 =	vmul.f32 v19, v28;
	v42 =	vmul.f32 v29, v19;
	v19 =	vld [tilespmem:s12+$0xA0]  }
.Ltmp0:
0x98: {  	v43 =	vmul.f32 v22, v20;
	v34 =	vmul.f32 v30, v20;
	[tilespmem:s12+$0xFFFFFEE0] =	vst v27;
	v20 =	vld [tilespmem:s12+$0xB0];
	(pc) =	sbr.rel @p0 .LBB2_3-.Ltmp0, $4  }
0x99: {  	v33 =	vmul.f32 v31, v41;
	v31 =	vmul.f32 v32, v41;
	[tilespmem:s12+$0xFFFFFEF0] =	vst v26;
	v22 =	vld [tilespmem:s12+$0xC0]  }
0x9a: {  	v32 =	vmul.f32 v23, v35;
	v29 =	vmul.f32 v23, v36;
	[tilespmem:s12+$0xFFFFFF00] =	vst v28;
	v23 =	vld [tilespmem:s12+$0xD0]  }
0x9b: {  	v30 =	vmul.f32 v24, v37;
	v27 =	vmul.f32 v38, v24;
	[tilespmem:s12+$0xFFFFFF10] =	vst v42;
	v24 =	vld [tilespmem:s12+$0xE0]  }
0x9c: {  	v26 =	vmul.f32 v40, v25;
	v28 =	vmul.f32 v39, v25;
	s12 =	sadd.s32 $0x240, s12;
	[tilespmem:s3+$0xFFFFFF20] =	vst v43;
	v25 =	vld [tilespmem:s3+$0xF0]  }
0x9d: {  	[tilespmem:s3+$0xFFFFFF30] =	vst v34  }
0x9e: {  	[tilespmem:s3+$0xFFFFFF40] =	vst v33  }
0x9f: {  	[tilespmem:s3+$0xFFFFFF50] =	vst v31  }
0xa0: {  	[tilespmem:s3+$0xFFFFFF70] =	vst v32  }
0xa1: {  	[tilespmem:s3+$0xFFFFFF80] =	vst v29  }
0xa2: {  	[tilespmem:s3+$0xFFFFFF90] =	vst v30  }
0xa3: {  	[tilespmem:s3+$0xFFFFFFA0] =	vst v27  }
0xa4: {  	v4 =	vmul.f32 v4, v14;
	[tilespmem:s3+$0xFFFFFFB0] =	vst v28  }
0xa5: {  	v8 =	vmul.f32 v8, v14;
	[tilespmem:s3+$0xFFFFFFC0] =	vst v26  }
0xa6: {  	v5 =	vmul.f32 v21, v5;
	[tilespmem:s3+$0xFFFFFFD0] =	vst v4  }
0xa7: {  	v4 =	vmul.f32 v21, v6;
	[tilespmem:s3+$0xFFFFFFE0] =	vst v8  }
0xa8: {  	v6 =	vmul.f32 v18, v7;
	[tilespmem:s3+$0x0] =	vst v5  }
0xa9: {  	v5 =	vmul.f32 v9, v18;
	[tilespmem:s3+$0x10] =	vst v4  }
0xaa: {  	v4 =	vmul.f32 v10, v17;
	[tilespmem:s3+$0x20] =	vst v6  }
0xab: {  	v6 =	vmul.f32 v11, v17;
	[tilespmem:s3+$0x30] =	vst v5  }
0xac: {  	v5 =	vmul.f32 v12, v13;
	[tilespmem:s3+$0x40] =	vst v4  }
0xad: {  	v0 =	vmul.f32 v25, v0;
	[tilespmem:s3+$0x50] =	vst v6  }
0xae: {  	v4 =	vmul.f32 v15, v13;
	[tilespmem:s3+$0x60] =	vst v5  }
0xaf: {  	v6 =	vmul.f32 v3, v16;
	[tilespmem:s3+$0xF0] =	vst v0  }
0xb0: {  	v3 =	vmul.f32 v3, v19;
	[tilespmem:s3+$0x70] =	vst v4  }
0xb1: {  	v4 =	vmul.f32 v2, v20;
	[tilespmem:s3+$0x90] =	vst v6  }
0xb2: {  	v2 =	vmul.f32 v22, v2;
	[tilespmem:s3+$0xA0] =	vst v3  }
0xb3: {  	v3 =	vmul.f32 v23, v1;
	[tilespmem:s3+$0xB0] =	vst v4  }
0xb4: {  	v1 =	vmul.f32 v24, v1;
	[tilespmem:s3+$0xC0] =	vst v2  }
0xb5: {  	[tilespmem:s3+$0xD0] =	vst v3  }
0xb6: {  	[tilespmem:s3+$0xE0] =	vst v1  }
0xb7: {  	[spmem:s1] =	stream.indirect.scatter.add.f32 [tilespmem:s19], [sflag:$0x5], $0x90, s20, s17, $0xb8;
	[tilespmem:$0x1F450] =	vst v63  }
0xb8: {  	_ =	swait.ge [sflag:s16], $0x2D00  }
0xb9: {  	[sflag:s16] =	ssyncset.done $0x0  }
0xba: {  	[sflag:s16] =	ssyncadd.s32 $0xFFFFD300  }
0xbb: {  	_ =	swait.ge [sflag:s29], $0x2D00  }
0xbc: {  	[sflag:s29] =	ssyncset.done $0x0  }
0xbd: {  	[sflag:s29] =	ssyncadd.s32 $0xFFFFD300  }
0xbe: {  	_ =	swait.ge [sflag:s30], $0x500  }
0xbf: {  	[sflag:s30] =	ssyncset.done $0x0  }
0xc0: {  	[sflag:s30] =	ssyncadd.s32 $0xFFFFFB00  }
0xc1: {  	v0 =	vld [tilespmem:s2+$0xA0];
	_ =	sdelay $0x4  }
0xc2: {  	v1 =	vshrl.u32 v0, $0xE  }
0xc3: {  	v0 =	vand.u32 $0x3FFF, v0;
	[tilespmem:$0x2710] =	vst v1  }
0xc4: {  	[tilespmem:$0x2760] =	vst v0  }
0xc5: {  	v0 =	vld [tilespmem:s2+$0xB0];
	_ =	sdelay $0x4  }
0xc6: {  	v1 =	vshrl.u32 v0, $0xE  }
0xc7: {  	v0 =	vand.u32 $0x3FFF, v0;
	[tilespmem:$0x2720] =	vst v1  }
0xc8: {  	[tilespmem:$0x2770] =	vst v0  }
0xc9: {  	v0 =	vld [tilespmem:s2+$0xC0];
	_ =	sdelay $0x4  }
0xca: {  	v1 =	vshrl.u32 v0, $0xE  }
0xcb: {  	v0 =	vand.u32 $0x3FFF, v0;
	[tilespmem:$0x2730] =	vst v1  }
0xcc: {  	[tilespmem:$0x2780] =	vst v0  }
0xcd: {  	v0 =	vld [tilespmem:s2+$0xD0];
	_ =	sdelay $0x4  }
0xce: {  	v1 =	vshrl.u32 v0, $0xE  }
0xcf: {  	v0 =	vand.u32 $0x3FFF, v0;
	[tilespmem:$0x2740] =	vst v1  }
0xd0: {  	[tilespmem:$0x2790] =	vst v0  }
0xd1: {  	v0 =	vld [tilespmem:s2+$0xE0];
	_ =	sdelay $0x4  }
0xd2: {  	v1 =	vshrl.u32 v0, $0xE  }
0xd3: {  	v0 =	vand.u32 $0x3FFF, v0;
	[tilespmem:$0x2750] =	vst v1  }
0xd4: {  	[tilespmem:$0x27A0] =	vst v0  }
0xd5: {  	[tilespmem:s19], [sflag:$0x1] =	stream.indirect.gather [hbm4b:s4+s17], $0x90, s18, s17, $0xb8;
	[tilespmem:$0x1F450] =	vst v63  }
0xd6: {  	s2 =	simm.s32 $0x5B70  }
0xd7: {  	[tilespmem:s21], [sflag:$0x2] =	stream.indirect.gather [hbm4b:s5+s17], $0x10, s20, s17, $0xb8;
	[tilespmem:$0x1F450] =	vst v63  }
0xd8: {  	s3 =	simm.s32 $0x8770;
	v0 =	vld [tilespmem:s2+$0x110]  }
0xd9: {  	v1 =	vld [tilespmem:s3+$0x10]  }
0xda: {  	v2 =	vld [tilespmem:s2+$0xFFFFFFF0]  }
0xdb: {  	v3 =	vld [tilespmem:s3+$0xFFFFFFF0]  }
0xdc: {  	v4 =	vld [tilespmem:s2+$0x80]  }
0xdd: {  	v5 =	vld [tilespmem:s3+$0x0]  }
0xde: {  	v6 =	vld [tilespmem:s3+$0xFFFFFFE0]  }
0xdf: {  	v16 =	vld [tilespmem:s2+$0xFFFFFEE0];
	v0 =	vadd.f32 v1, v0  }
0xe0: {  	v19 =	vld [tilespmem:s2+$0xFFFFFEF0]  }
0xe1: {  	v1 =	vld [tilespmem:s2+$0xFFFFFF60];
	v7 =	vmul.f32 $2.000000030e-01, v0  }
0xe2: {  	v20 =	vld [tilespmem:s2+$0xFFFFFF00];
	v2 =	vadd.f32 v3, v2;
	vm1 =	vge.f32 v0, $0.0e+00  }
0xe3: {  	v22 =	vld [tilespmem:s2+$0xFFFFFF10];
	v3 =	vadd.f32 v5, v4;
	v0 =	vsel vm1, v0, v7  }
0xe4: {  	v23 =	vld [tilespmem:s2+$0xFFFFFF20];
	v4 =	vmul.f32 $2.000000030e-01, v2;
	v0 =	vmul.f32 $1.442695020e+00, v0  }
0xe5: {  	v24 =	vld [tilespmem:s2+$0xFFFFFF30];
	v5 =	vmul.f32 $2.000000030e-01, v3;
	vm1 =	vge.f32 v2, $0.0e+00  }
0xe6: {  	v25 =	vld [tilespmem:s2+$0xFFFFFF40];
	v1 =	vadd.f32 v6, v1;
	(erf) = vpow2.f32 v0;
	v0 =	vsel vm1, v2, v4  }
0xe7: {  	v26 =	vld [tilespmem:s2+$0xFFFFFF50];
	vm2 =	vge.f32 v3, $0.0e+00;
	v0 =	vmul.f32 $1.442695020e+00, v0  }
0xe8: {  	v27 =	vld [tilespmem:s2+$0xFFFFFF70];
	v3 =	vsel vm2, v3, v5;
	v2 =	vmul.f32 $2.000000030e-01, v1  }
0xe9: {  	v28 =	vld [tilespmem:s2+$0xFFFFFF80];
	v3 =	vmul.f32 $1.442695020e+00, v3;
	vm1 =	vge.f32 v1, $0.0e+00;
	(erf) = vpow2.f32 v0  }
0xea: {  	v30 =	vld [tilespmem:s2+$0xFFFFFF90];
	v1 =	vsel vm1, v1, v2  }
0xeb: {  	v35 =	vld [tilespmem:s2+$0xFFFFFFA0];
	v0 =	vmul.f32 $1.442695020e+00, v1;
	(erf) = vpow2.f32 v3  }
0xec: {  	v36 =	vld [tilespmem:s2+$0xFFFFFFB0]  }
0xed: {  	v7 =	vld [tilespmem:s2+$0x100];
	(erf) = vpow2.f32 v0  }
0xee: {  	v37 =	vld [tilespmem:s2+$0xFFFFFFC0]  }
0xef: {  	v9 =	vld [tilespmem:s2+$0x30];
	v11 =	vpop (erf)  }
0xf0: {  	v8 =	vld [tilespmem:s2+$0xFFFFFFE0];
	v0 =	vbroadcast v11, $0x3  }
0xf1: {  	v5 =	vld [tilespmem:s2+$0x0];
	v3 =	vbroadcast v11, $0x0;
	v2 =	vbroadcast v11, $0x1  }
0xf2: {  	v6 =	vld [tilespmem:s2+$0x10];
	v1 =	vbroadcast v11, $0x2;
	v13 =	vpop (erf);
	v15 =	vmul.f32 v7, v0  }
0xf3: {  	v4 =	vld [tilespmem:s2+$0xFFFFFFD0];
	v38 =	vbroadcast v13, $0x0;
	v39 =	vbroadcast v13, $0x1  }
0xf4: {  	v12 =	vnsel vm0, $0x0, v11;
	v11 =	vld [tilespmem:s2+$0x50];
	v29 =	vpop (erf);
	v40 =	vbroadcast v13, $0x2;
	v14 =	vbroadcast v13, $0x3  }
0xf5: {  	[tilespmem:s2+$0x110] =	vst v12;
	v12 =	vld [tilespmem:s2+$0x60];
	v21 =	vbroadcast v29, $0x0;
	v18 =	vbroadcast v29, $0x1  }
0xf6: {  	v7 =	vld [tilespmem:s2+$0x20];
	v42 =	vnsel vm0, $0x0, v13;
	v31 =	vpop (erf);
	v17 =	vbroadcast v29, $0x2;
	v13 =	vbroadcast v29, $0x3  }
0xf7: {  	v10 =	vnsel vm0, $0x0, v29;
	[tilespmem:s2+$0x100] =	vst v15;
	v15 =	vld [tilespmem:s2+$0x70];
	v60 =	vbroadcast v31, $0x0;
	v61 =	vbroadcast v31, $0x1  }
0xf8: {  	[tilespmem:s2+$0x80] =	vst v10;
	v10 =	vld [tilespmem:s2+$0x40];
	v62 =	vbroadcast v31, $0x2;
	v41 =	vbroadcast v31, $0x3  }
0xf9: {  	[tilespmem:s2+$0xFFFFFFF0] =	vst v42;
	v29 =	vnsel vm0, $0x0, v31;
	v30 =	vmul.f32 v39, v30;
	v31 =	vmul.f32 v60, v16;
	v16 =	vld [tilespmem:s2+$0x90]  }
0xfa: {  	[tilespmem:s2+$0xFFFFFF60] =	vst v29;
	v32 =	vmul.f32 v60, v19;
	v29 =	vmul.f32 v61, v20;
	v19 =	vld [tilespmem:s2+$0xA0]  }
0xfb: {  	v63 =	vmul.f32 v22, v61;
	v43 =	vmul.f32 v23, v62;
	v20 =	vld [tilespmem:s2+$0xB0];
	[tilespmem:s2+$0xFFFFFEE0] =	vst v31  }
0xfc: {  	v34 =	vmul.f32 v24, v62;
	v33 =	vmul.f32 v25, v41;
	v22 =	vld [tilespmem:s2+$0xC0];
	[tilespmem:s2+$0xFFFFFEF0] =	vst v32  }
0xfd: {  	v23 =	vld [tilespmem:s2+$0xD0];
	v31 =	vmul.f32 v26, v41;
	[tilespmem:s2+$0xFFFFFF00] =	vst v29;
	v32 =	vmul.f32 v38, v27  }
0xfe: {  	v24 =	vld [tilespmem:s2+$0xE0];
	v29 =	vmul.f32 v38, v28;
	[tilespmem:s2+$0xFFFFFF10] =	vst v63;
	v27 =	vmul.f32 v35, v39  }
0xff: {  	s10 =	simm.s32 $0x0;
	s11 =	simm.s32 $0x5DB0;
	v25 =	vld [tilespmem:s2+$0xF0];
	[tilespmem:s2+$0xFFFFFF20] =	vst v43;
	v28 =	vmul.f32 v36, v40;
	v26 =	vmul.f32 v37, v40  }
.LBB2_5:
0x100: {  	v35 =	vld [tilespmem:s11+$0x110];
	[tilespmem:s2+$0xFFFFFF30] =	vst v34;
	v4 =	vmul.f32 v4, v14;
	v8 =	vmul.f32 v8, v14;
	s3 =	sadd.s32 $0x40, s3  }
0x101: {  	s10 =	sadd.s32 $0x4, s10;
	v5 =	vmul.f32 v21, v5;
	v6 =	vmul.f32 v21, v6;
	v14 =	vld [tilespmem:s3+$0x10];
	[tilespmem:s2+$0xFFFFFF40] =	vst v33  }
0x102: {  	v7 =	vmul.f32 v18, v7;
	v9 =	vmul.f32 v9, v18;
	p0 =	slt.u32 s10, $0x4C;
	v21 =	vld [tilespmem:s3+$0xFFFFFFE0];
	[tilespmem:s2+$0xFFFFFF50] =	vst v31  }
0x103: {  	v10 =	vmul.f32 v10, v17;
	v11 =	vmul.f32 v11, v17;
	v18 =	vld [tilespmem:s11+$0xFFFFFFF0];
	[tilespmem:s2+$0xFFFFFF70] =	vst v32  }
0x104: {  	v12 =	vmul.f32 v12, v13;
	v13 =	vmul.f32 v15, v13;
	v17 =	vld [tilespmem:s3+$0xFFFFFFF0];
	[tilespmem:s2+$0xFFFFFF80] =	vst v29  }
0x105: {  	v16 =	vmul.f32 v3, v16;
	v3 =	vmul.f32 v3, v19;
	v15 =	vld [tilespmem:s11+$0x80];
	[tilespmem:s2+$0xFFFFFF90] =	vst v30  }
0x106: {  	v20 =	vmul.f32 v2, v20;
	v2 =	vmul.f32 v22, v2;
	v19 =	vld [tilespmem:s3+$0x0];
	v14 =	vadd.f32 v14, v35;
	[tilespmem:s2+$0xFFFFFFA0] =	vst v27  }
0x107: {  	v23 =	vmul.f32 v23, v1;
	v24 =	vmul.f32 v24, v1;
	v22 =	vld [tilespmem:s11+$0xFFFFFF60];
	[tilespmem:s2+$0xFFFFFFB0] =	vst v28  }
0x108: {  	v25 =	vmul.f32 v25, v0;
	v27 =	vld [tilespmem:s11+$0xFFFFFEE0];
	v1 =	vmul.f32 $2.000000030e-01, v14;
	[tilespmem:s2+$0xFFFFFFC0] =	vst v26  }
0x109: {  	vm1 =	vge.f32 v14, $0.0e+00;
	v26 =	vld [tilespmem:s11+$0xFFFFFEF0];
	v0 =	vadd.f32 v17, v18;
	[tilespmem:s2+$0xFFFFFFD0] =	vst v4  }
0x10a: {  	v28 =	vld [tilespmem:s11+$0xFFFFFF00];
	v1 =	vsel vm1, v14, v1;
	[tilespmem:s2+$0xFFFFFFE0] =	vst v8  }
0x10b: {  	v29 =	vld [tilespmem:s11+$0xFFFFFF10];
	v4 =	vmul.f32 $2.000000030e-01, v0;
	v8 =	vadd.f32 v19, v15;
	v1 =	vmul.f32 $1.442695020e+00, v1;
	[tilespmem:s2+$0x0] =	vst v5  }
0x10c: {  	vm1 =	vge.f32 v0, $0.0e+00;
	v5 =	vadd.f32 v21, v22;
	v22 =	vld [tilespmem:s11+$0xFFFFFF20];
	[tilespmem:s2+$0x10] =	vst v6  }
0x10d: {  	v30 =	vld [tilespmem:s11+$0xFFFFFF30];
	vm2 =	vge.f32 v8, $0.0e+00;
	v6 =	vmul.f32 $2.000000030e-01, v8;
	(erf) = vpow2.f32 v1;
	[tilespmem:s2+$0x20] =	vst v7  }
0x10e: {  	v0 =	vsel vm1, v0, v4;
	vm3 =	vge.f32 v5, $0.0e+00;
	v1 =	vmul.f32 $2.000000030e-01, v5;
	v31 =	vld [tilespmem:s11+$0xFFFFFF40];
	[tilespmem:s2+$0x30] =	vst v9  }
0x10f: {  	v0 =	vmul.f32 $1.442695020e+00, v0;
	v32 =	vld [tilespmem:s11+$0xFFFFFF50];
	v4 =	vsel vm2, v8, v6;
	[tilespmem:s2+$0x40] =	vst v10  }
0x110: {  	v1 =	vsel vm3, v5, v1;
	v35 =	vld [tilespmem:s11+$0xFFFFFF70];
	v4 =	vmul.f32 $1.442695020e+00, v4;
	[tilespmem:s2+$0x50] =	vst v11  }
0x111: {  	v1 =	vmul.f32 $1.442695020e+00, v1;
	v36 =	vld [tilespmem:s11+$0xFFFFFF80];
	(erf) = vpow2.f32 v0;
	[tilespmem:s2+$0x60] =	vst v12  }
0x112: {  	v37 =	vld [tilespmem:s11+$0xFFFFFF90];
	(erf) = vpow2.f32 v4;
	[tilespmem:s2+$0x70] =	vst v13  }
0x113: {  	v38 =	vld [tilespmem:s11+$0xFFFFFFA0];
	(erf) = vpow2.f32 v1;
	[tilespmem:s2+$0x90] =	vst v16  }
0x114: {  	v6 =	vld [tilespmem:s11+$0x100];
	[tilespmem:s2+$0xA0] =	vst v3  }
0x115: {  	v39 =	vld [tilespmem:s11+$0xFFFFFFB0];
	[tilespmem:s2+$0xB0] =	vst v20  }
0x116: {  	v40 =	vld [tilespmem:s11+$0xFFFFFFC0];
	v1 =	vpop (erf);
	[tilespmem:s2+$0xC0] =	vst v2  }
0x117: {  	v4 =	vld [tilespmem:s11+$0xFFFFFFD0];
	v7 =	vnsel vm0, $0x0, v1;
	v3 =	vbroadcast v1, $0x0;
	v0 =	vbroadcast v1, $0x3;
	[tilespmem:s2+$0xD0] =	vst v23  }
0x118: {  	v2 =	vbroadcast v1, $0x1;
	v1 =	vbroadcast v1, $0x2;
	v8 =	vld [tilespmem:s11+$0xFFFFFFE0];
	[tilespmem:s2+$0xE0] =	vst v24  }
0x119: {  	v5 =	vld [tilespmem:s11+$0x0];
	v9 =	vmul.f32 v6, v0;
	[tilespmem:s2+$0xF0] =	vst v25;
	s2 =	smov.u32 s11  }
0x11a: {  	v6 =	vld [tilespmem:s11+$0x10];
	[tilespmem:s11+$0x110] =	vst v7;
	v10 =	vpop (erf)  }
0x11b: {  	v12 =	vnsel vm0, $0x0, v10;
	v23 =	vbroadcast v10, $0x0;
	v24 =	vbroadcast v10, $0x1;
	v7 =	vld [tilespmem:s11+$0x20];
	[tilespmem:s11+$0x100] =	vst v9;
	v13 =	vpop (erf)  }
0x11c: {  	v25 =	vbroadcast v10, $0x2;
	v14 =	vbroadcast v10, $0x3;
	[tilespmem:s11+$0xFFFFFFF0] =	vst v12;
	v10 =	vnsel vm0, $0x0, v13;
	v9 =	vld [tilespmem:s11+$0x30];
	v11 =	vpop (erf)  }
0x11d: {  	v12 =	vnsel vm0, $0x0, v11;
	v16 =	vbroadcast v11, $0x0;
	v19 =	vbroadcast v11, $0x1;
	[tilespmem:s11+$0x80] =	vst v10;
	v10 =	vld [tilespmem:s11+$0x40]  }
0x11e: {  	v20 =	vbroadcast v11, $0x2;
	v41 =	vbroadcast v11, $0x3;
	[tilespmem:s11+$0xFFFFFF60] =	vst v12;
	v11 =	vld [tilespmem:s11+$0x50]  }
0x11f: {  	v21 =	vbroadcast v13, $0x0;
	v18 =	vbroadcast v13, $0x1;
	v12 =	vld [tilespmem:s11+$0x60]  }
0x120: {  	v17 =	vbroadcast v13, $0x2;
	v13 =	vbroadcast v13, $0x3;
	v15 =	vld [tilespmem:s11+$0x70]  }
0x121: {  	v27 =	vmul.f32 v16, v27;
	v26 =	vmul.f32 v16, v26;
	v16 =	vld [tilespmem:s11+$0x90]  }
0x122: {  	v28 =	vmul.f32 v19, v28;
	v42 =	vmul.f32 v29, v19;
	v19 =	vld [tilespmem:s11+$0xA0]  }
.Ltmp1:
0x123: {  	v43 =	vmul.f32 v22, v20;
	v34 =	vmul.f32 v30, v20;
	[tilespmem:s11+$0xFFFFFEE0] =	vst v27;
	v20 =	vld [tilespmem:s11+$0xB0];
	(pc) =	sbr.rel @p0 .LBB2_5-.Ltmp1, $4  }
0x124: {  	v33 =	vmul.f32 v31, v41;
	v31 =	vmul.f32 v32, v41;
	[tilespmem:s11+$0xFFFFFEF0] =	vst v26;
	v22 =	vld [tilespmem:s11+$0xC0]  }
0x125: {  	v32 =	vmul.f32 v23, v35;
	v29 =	vmul.f32 v23, v36;
	[tilespmem:s11+$0xFFFFFF00] =	vst v28;
	v23 =	vld [tilespmem:s11+$0xD0]  }
0x126: {  	v30 =	vmul.f32 v24, v37;
	v27 =	vmul.f32 v38, v24;
	[tilespmem:s11+$0xFFFFFF10] =	vst v42;
	v24 =	vld [tilespmem:s11+$0xE0]  }
0x127: {  	v26 =	vmul.f32 v40, v25;
	v28 =	vmul.f32 v39, v25;
	s11 =	sadd.s32 $0x240, s11;
	[tilespmem:s2+$0xFFFFFF20] =	vst v43;
	v25 =	vld [tilespmem:s2+$0xF0]  }
0x128: {  	[tilespmem:s2+$0xFFFFFF30] =	vst v34  }
0x129: {  	[tilespmem:s2+$0xFFFFFF40] =	vst v33  }
0x12a: {  	[tilespmem:s2+$0xFFFFFF50] =	vst v31  }
0x12b: {  	[tilespmem:s2+$0xFFFFFF70] =	vst v32  }
0x12c: {  	[tilespmem:s2+$0xFFFFFF80] =	vst v29  }
0x12d: {  	[tilespmem:s2+$0xFFFFFF90] =	vst v30  }
0x12e: {  	[tilespmem:s2+$0xFFFFFFA0] =	vst v27  }
0x12f: {  	v4 =	vmul.f32 v4, v14;
	[tilespmem:s2+$0xFFFFFFB0] =	vst v28  }
0x130: {  	v8 =	vmul.f32 v8, v14;
	[tilespmem:s2+$0xFFFFFFC0] =	vst v26  }
0x131: {  	v5 =	vmul.f32 v21, v5;
	[tilespmem:s2+$0xFFFFFFD0] =	vst v4  }
0x132: {  	v51 =	vmul.f32 v21, v6;
	[tilespmem:s2+$0xFFFFFFE0] =	vst v8  }
0x133: {  	v52 =	vmul.f32 v18, v7;
	[tilespmem:s2+$0x0] =	vst v5  }
0x134: {  	v53 =	vmul.f32 v9, v18;
	[tilespmem:s2+$0x10] =	vst v51  }
0x135: {  	v54 =	vmul.f32 v10, v17;
	[tilespmem:s2+$0x20] =	vst v52  }
0x136: {  	v55 =	vmul.f32 v11, v17;
	[tilespmem:s2+$0x30] =	vst v53  }
0x137: {  	v56 =	vmul.f32 v12, v13;
	[tilespmem:s2+$0x40] =	vst v54  }
0x138: {  	v57 =	vmul.f32 v15, v13;
	[tilespmem:s2+$0x50] =	vst v55  }
0x139: {  	v58 =	vmul.f32 v3, v16;
	[tilespmem:s2+$0x60] =	vst v56  }
0x13a: {  	v59 =	vmul.f32 v3, v19;
	[tilespmem:s2+$0x70] =	vst v57  }
0x13b: {  	v60 =	vmul.f32 v2, v20;
	[tilespmem:s2+$0x90] =	vst v58  }
0x13c: {  	v61 =	vmul.f32 v22, v2;
	[tilespmem:s2+$0xA0] =	vst v59  }
0x13d: {  	v62 =	vmul.f32 v23, v1;
	[tilespmem:s2+$0xB0] =	vst v60  }
0x13e: {  	v63 =	vmul.f32 v24, v1;
	[tilespmem:s2+$0xC0] =	vst v61  }
0x13f: {  	s0 =	sadd.s32 $0x1, s0;
	v0 =	vmul.f32 v25, v0;
	[tilespmem:s2+$0xD0] =	vst v62  }
0x140: {  	p0 =	sne.s32 s0, $0x3E;
	[tilespmem:s2+$0xE0] =	vst v63  }
.Ltmp2:
0x141: {  	[tilespmem:s2+$0xF0] =	vst v0;
	(pc) =	sbr.rel @p0 .LBB2_2-.Ltmp2, $4  }
0x142: {  	[spmem:s1] =	stream.indirect.scatter.add.f32 [tilespmem:s25], [sflag:$0x5], $0x90, s26, s17, $0xb8;
	[tilespmem:$0x1F450] =	vst v63  }
0x143: {  	_ =	swait.ge [sflag:s16], $0x2D00  }
0x144: {  	[sflag:s16] =	ssyncset.done $0x0  }
0x145: {  	[sflag:s16] =	ssyncadd.s32 $0xFFFFD300  }
0x146: {  	_ =	swait.ge [sflag:s22], $0x2D00  }
0x147: {  	[sflag:s22] =	ssyncset.done $0x0  }
0x148: {  	[sflag:s22] =	ssyncadd.s32 $0xFFFFD300  }
0x149: {  	_ =	swait.ge [sflag:s23], $0x500  }
0x14a: {  	[sflag:s23] =	ssyncset.done $0x0  }
0x14b: {  	[sflag:s23] =	ssyncadd.s32 $0xFFFFFB00  }
0x14c: {  	v0 =	vld [tilespmem:$0x26C0];
	_ =	sdelay $0x1  }
0x14d: {  	v1 =	vld [tilespmem:$0x26D0];
	_ =	sdelay $0x1  }
0x14e: {  	v2 =	vld [tilespmem:$0x26E0]  }
0x14f: {  	v3 =	vshrl.u32 v0, $0xE  }
0x150: {  	v0 =	vand.u32 $0x3FFF, v0;
	[tilespmem:$0x27B0] =	vst v3;
	v3 =	vld [tilespmem:$0x26F0]  }
0x151: {  	[tilespmem:$0x2800] =	vst v0;
	v0 =	vshrl.u32 v1, $0xE  }
0x152: {  	[tilespmem:$0x27C0] =	vst v0;
	v0 =	vand.u32 $0x3FFF, v1;
	v1 =	vld [tilespmem:$0x2700]  }
0x153: {  	[tilespmem:$0x2810] =	vst v0;
	v0 =	vshrl.u32 v2, $0xE  }
0x154: {  	[tilespmem:$0x27D0] =	vst v0;
	v0 =	vand.u32 $0x3FFF, v2  }
0x155: {  	[tilespmem:$0x2820] =	vst v0;
	v0 =	vshrl.u32 v3, $0xE  }
0x156: {  	[tilespmem:$0x27E0] =	vst v0;
	v0 =	vand.u32 $0x3FFF, v3  }
0x157: {  	[tilespmem:$0x2830] =	vst v0;
	v0 =	vshrl.u32 v1, $0xE  }
0x158: {  	[tilespmem:$0x27F0] =	vst v0;
	v0 =	vand.u32 $0x3FFF, v1  }
0x159: {  	[tilespmem:$0x2840] =	vst v0  }
0x15a: {  	[tilespmem:s25], [sflag:$0x3] =	stream.indirect.gather [hbm4b:s4+s17], $0x90, s24, s17, $0xb8;
	[tilespmem:$0x1F450] =	vst v63  }
0x15b: {  	s0 =	simm.s32 $0x2970  }
0x15c: {  	[tilespmem:s28], [sflag:$0x4] =	stream.indirect.gather [hbm4b:s5+s17], $0x10, s26, s17, $0xb8;
	[tilespmem:$0x1F450] =	vst v63  }
0x15d: {  	s2 =	simm.s32 $0x5570;
	v0 =	vld [tilespmem:s0+$0x110]  }
0x15e: {  	v1 =	vld [tilespmem:s2+$0x10]  }
0x15f: {  	v2 =	vld [tilespmem:s0+$0xFFFFFFF0]  }
0x160: {  	v3 =	vld [tilespmem:s2+$0xFFFFFFF0]  }
0x161: {  	v4 =	vld [tilespmem:s0+$0x80]  }
0x162: {  	v5 =	vld [tilespmem:s2+$0x0]  }
0x163: {  	v6 =	vld [tilespmem:s2+$0xFFFFFFE0]  }
0x164: {  	v16 =	vld [tilespmem:s0+$0xFFFFFEE0];
	v0 =	vadd.f32 v1, v0  }
0x165: {  	v19 =	vld [tilespmem:s0+$0xFFFFFEF0]  }
0x166: {  	v1 =	vld [tilespmem:s0+$0xFFFFFF60];
	v7 =	vmul.f32 $2.000000030e-01, v0  }
0x167: {  	v20 =	vld [tilespmem:s0+$0xFFFFFF00];
	v2 =	vadd.f32 v3, v2;
	vm1 =	vge.f32 v0, $0.0e+00  }
0x168: {  	v22 =	vld [tilespmem:s0+$0xFFFFFF10];
	v3 =	vadd.f32 v5, v4;
	v0 =	vsel vm1, v0, v7  }
0x169: {  	v23 =	vld [tilespmem:s0+$0xFFFFFF20];
	v4 =	vmul.f32 $2.000000030e-01, v2;
	v0 =	vmul.f32 $1.442695020e+00, v0  }
0x16a: {  	v24 =	vld [tilespmem:s0+$0xFFFFFF30];
	v5 =	vmul.f32 $2.000000030e-01, v3;
	vm1 =	vge.f32 v2, $0.0e+00  }
0x16b: {  	v25 =	vld [tilespmem:s0+$0xFFFFFF40];
	v1 =	vadd.f32 v6, v1;
	(erf) = vpow2.f32 v0;
	v0 =	vsel vm1, v2, v4  }
0x16c: {  	v26 =	vld [tilespmem:s0+$0xFFFFFF50];
	vm2 =	vge.f32 v3, $0.0e+00;
	v0 =	vmul.f32 $1.442695020e+00, v0  }
0x16d: {  	v27 =	vld [tilespmem:s0+$0xFFFFFF70];
	v3 =	vsel vm2, v3, v5;
	v2 =	vmul.f32 $2.000000030e-01, v1  }
0x16e: {  	v28 =	vld [tilespmem:s0+$0xFFFFFF80];
	v3 =	vmul.f32 $1.442695020e+00, v3;
	vm1 =	vge.f32 v1, $0.0e+00;
	(erf) = vpow2.f32 v0  }
0x16f: {  	v30 =	vld [tilespmem:s0+$0xFFFFFF90];
	v1 =	vsel vm1, v1, v2  }
0x170: {  	v35 =	vld [tilespmem:s0+$0xFFFFFFA0];
	v0 =	vmul.f32 $1.442695020e+00, v1;
	(erf) = vpow2.f32 v3  }
0x171: {  	v36 =	vld [tilespmem:s0+$0xFFFFFFB0]  }
0x172: {  	v7 =	vld [tilespmem:s0+$0x100];
	(erf) = vpow2.f32 v0  }
0x173: {  	v37 =	vld [tilespmem:s0+$0xFFFFFFC0]  }
0x174: {  	v9 =	vld [tilespmem:s0+$0x30];
	v11 =	vpop (erf)  }
0x175: {  	v8 =	vld [tilespmem:s0+$0xFFFFFFE0];
	v0 =	vbroadcast v11, $0x3  }
0x176: {  	v5 =	vld [tilespmem:s0+$0x0];
	v3 =	vbroadcast v11, $0x0;
	v2 =	vbroadcast v11, $0x1  }
0x177: {  	v6 =	vld [tilespmem:s0+$0x10];
	v1 =	vbroadcast v11, $0x2;
	v13 =	vpop (erf);
	v15 =	vmul.f32 v7, v0  }
0x178: {  	v4 =	vld [tilespmem:s0+$0xFFFFFFD0];
	v38 =	vbroadcast v13, $0x0;
	v39 =	vbroadcast v13, $0x1  }
0x179: {  	v12 =	vnsel vm0, $0x0, v11;
	v11 =	vld [tilespmem:s0+$0x50];
	v29 =	vpop (erf);
	v40 =	vbroadcast v13, $0x2;
	v14 =	vbroadcast v13, $0x3  }
0x17a: {  	[tilespmem:s0+$0x110] =	vst v12;
	v12 =	vld [tilespmem:s0+$0x60];
	v21 =	vbroadcast v29, $0x0;
	v18 =	vbroadcast v29, $0x1  }
0x17b: {  	v7 =	vld [tilespmem:s0+$0x20];
	v42 =	vnsel vm0, $0x0, v13;
	v31 =	vpop (erf);
	v17 =	vbroadcast v29, $0x2;
	v13 =	vbroadcast v29, $0x3  }
0x17c: {  	v10 =	vnsel vm0, $0x0, v29;
	[tilespmem:s0+$0x100] =	vst v15;
	v15 =	vld [tilespmem:s0+$0x70];
	v32 =	vbroadcast v31, $0x0;
	v33 =	vbroadcast v31, $0x1  }
0x17d: {  	[tilespmem:s0+$0x80] =	vst v10;
	v10 =	vld [tilespmem:s0+$0x40];
	v34 =	vbroadcast v31, $0x2;
	v41 =	vbroadcast v31, $0x3  }
0x17e: {  	[tilespmem:s0+$0xFFFFFFF0] =	vst v42;
	v29 =	vnsel vm0, $0x0, v31;
	v30 =	vmul.f32 v39, v30;
	v31 =	vmul.f32 v32, v16;
	v16 =	vld [tilespmem:s0+$0x90]  }
0x17f: {  	[tilespmem:s0+$0xFFFFFF60] =	vst v29;
	v32 =	vmul.f32 v32, v19;
	v29 =	vmul.f32 v33, v20;
	v19 =	vld [tilespmem:s0+$0xA0]  }
0x180: {  	v63 =	vmul.f32 v22, v33;
	v43 =	vmul.f32 v23, v34;
	v20 =	vld [tilespmem:s0+$0xB0];
	[tilespmem:s0+$0xFFFFFEE0] =	vst v31  }
0x181: {  	v34 =	vmul.f32 v24, v34;
	v33 =	vmul.f32 v25, v41;
	v22 =	vld [tilespmem:s0+$0xC0];
	[tilespmem:s0+$0xFFFFFEF0] =	vst v32  }
0x182: {  	v23 =	vld [tilespmem:s0+$0xD0];
	v31 =	vmul.f32 v26, v41;
	[tilespmem:s0+$0xFFFFFF00] =	vst v29;
	v32 =	vmul.f32 v38, v27  }
0x183: {  	v24 =	vld [tilespmem:s0+$0xE0];
	v29 =	vmul.f32 v38, v28;
	[tilespmem:s0+$0xFFFFFF10] =	vst v63;
	v27 =	vmul.f32 v35, v39  }
0x184: {  	s3 =	simm.s32 $0x0;
	s10 =	simm.s32 $0x2BB0;
	v25 =	vld [tilespmem:s0+$0xF0];
	[tilespmem:s0+$0xFFFFFF20] =	vst v43;
	v28 =	vmul.f32 v36, v40;
	v26 =	vmul.f32 v37, v40  }
.LBB2_8:
0x185: {  	v35 =	vld [tilespmem:s10+$0x110];
	[tilespmem:s0+$0xFFFFFF30] =	vst v34;
	v4 =	vmul.f32 v4, v14;
	v8 =	vmul.f32 v8, v14;
	s2 =	sadd.s32 $0x40, s2  }
0x186: {  	s3 =	sadd.s32 $0x4, s3;
	v5 =	vmul.f32 v21, v5;
	v6 =	vmul.f32 v21, v6;
	v14 =	vld [tilespmem:s2+$0x10];
	[tilespmem:s0+$0xFFFFFF40] =	vst v33  }
0x187: {  	v7 =	vmul.f32 v18, v7;
	v9 =	vmul.f32 v9, v18;
	p0 =	slt.u32 s3, $0x4C;
	v21 =	vld [tilespmem:s2+$0xFFFFFFE0];
	[tilespmem:s0+$0xFFFFFF50] =	vst v31  }
0x188: {  	v10 =	vmul.f32 v10, v17;
	v11 =	vmul.f32 v11, v17;
	v18 =	vld [tilespmem:s10+$0xFFFFFFF0];
	[tilespmem:s0+$0xFFFFFF70] =	vst v32  }
0x189: {  	v12 =	vmul.f32 v12, v13;
	v13 =	vmul.f32 v15, v13;
	v17 =	vld [tilespmem:s2+$0xFFFFFFF0];
	[tilespmem:s0+$0xFFFFFF80] =	vst v29  }
0x18a: {  	v16 =	vmul.f32 v3, v16;
	v3 =	vmul.f32 v3, v19;
	v15 =	vld [tilespmem:s10+$0x80];
	[tilespmem:s0+$0xFFFFFF90] =	vst v30  }
0x18b: {  	v20 =	vmul.f32 v2, v20;
	v2 =	vmul.f32 v22, v2;
	v19 =	vld [tilespmem:s2+$0x0];
	v14 =	vadd.f32 v14, v35;
	[tilespmem:s0+$0xFFFFFFA0] =	vst v27  }
0x18c: {  	v23 =	vmul.f32 v23, v1;
	v24 =	vmul.f32 v24, v1;
	v22 =	vld [tilespmem:s10+$0xFFFFFF60];
	[tilespmem:s0+$0xFFFFFFB0] =	vst v28  }
0x18d: {  	v25 =	vmul.f32 v25, v0;
	v27 =	vld [tilespmem:s10+$0xFFFFFEE0];
	v1 =	vmul.f32 $2.000000030e-01, v14;
	[tilespmem:s0+$0xFFFFFFC0] =	vst v26  }
0x18e: {  	vm1 =	vge.f32 v14, $0.0e+00;
	v26 =	vld [tilespmem:s10+$0xFFFFFEF0];
	v0 =	vadd.f32 v17, v18;
	[tilespmem:s0+$0xFFFFFFD0] =	vst v4  }
0x18f: {  	v28 =	vld [tilespmem:s10+$0xFFFFFF00];
	v1 =	vsel vm1, v14, v1;
	[tilespmem:s0+$0xFFFFFFE0] =	vst v8  }
0x190: {  	v29 =	vld [tilespmem:s10+$0xFFFFFF10];
	v4 =	vmul.f32 $2.000000030e-01, v0;
	v8 =	vadd.f32 v19, v15;
	v1 =	vmul.f32 $1.442695020e+00, v1;
	[tilespmem:s0+$0x0] =	vst v5  }
0x191: {  	vm1 =	vge.f32 v0, $0.0e+00;
	v5 =	vadd.f32 v21, v22;
	v22 =	vld [tilespmem:s10+$0xFFFFFF20];
	[tilespmem:s0+$0x10] =	vst v6  }
0x192: {  	v30 =	vld [tilespmem:s10+$0xFFFFFF30];
	vm2 =	vge.f32 v8, $0.0e+00;
	v6 =	vmul.f32 $2.000000030e-01, v8;
	(erf) = vpow2.f32 v1;
	[tilespmem:s0+$0x20] =	vst v7  }
0x193: {  	v0 =	vsel vm1, v0, v4;
	vm3 =	vge.f32 v5, $0.0e+00;
	v1 =	vmul.f32 $2.000000030e-01, v5;
	v31 =	vld [tilespmem:s10+$0xFFFFFF40];
	[tilespmem:s0+$0x30] =	vst v9  }
0x194: {  	v0 =	vmul.f32 $1.442695020e+00, v0;
	v32 =	vld [tilespmem:s10+$0xFFFFFF50];
	v4 =	vsel vm2, v8, v6;
	[tilespmem:s0+$0x40] =	vst v10  }
0x195: {  	v1 =	vsel vm3, v5, v1;
	v35 =	vld [tilespmem:s10+$0xFFFFFF70];
	v4 =	vmul.f32 $1.442695020e+00, v4;
	[tilespmem:s0+$0x50] =	vst v11  }
0x196: {  	v1 =	vmul.f32 $1.442695020e+00, v1;
	v36 =	vld [tilespmem:s10+$0xFFFFFF80];
	(erf) = vpow2.f32 v0;
	[tilespmem:s0+$0x60] =	vst v12  }
0x197: {  	v37 =	vld [tilespmem:s10+$0xFFFFFF90];
	(erf) = vpow2.f32 v4;
	[tilespmem:s0+$0x70] =	vst v13  }
0x198: {  	v38 =	vld [tilespmem:s10+$0xFFFFFFA0];
	(erf) = vpow2.f32 v1;
	[tilespmem:s0+$0x90] =	vst v16  }
0x199: {  	v6 =	vld [tilespmem:s10+$0x100];
	[tilespmem:s0+$0xA0] =	vst v3  }
0x19a: {  	v39 =	vld [tilespmem:s10+$0xFFFFFFB0];
	[tilespmem:s0+$0xB0] =	vst v20  }
0x19b: {  	v40 =	vld [tilespmem:s10+$0xFFFFFFC0];
	v1 =	vpop (erf);
	[tilespmem:s0+$0xC0] =	vst v2  }
0x19c: {  	v4 =	vld [tilespmem:s10+$0xFFFFFFD0];
	v7 =	vnsel vm0, $0x0, v1;
	v3 =	vbroadcast v1, $0x0;
	v0 =	vbroadcast v1, $0x3;
	[tilespmem:s0+$0xD0] =	vst v23  }
0x19d: {  	v2 =	vbroadcast v1, $0x1;
	v1 =	vbroadcast v1, $0x2;
	v8 =	vld [tilespmem:s10+$0xFFFFFFE0];
	[tilespmem:s0+$0xE0] =	vst v24  }
0x19e: {  	v5 =	vld [tilespmem:s10+$0x0];
	v9 =	vmul.f32 v6, v0;
	[tilespmem:s0+$0xF0] =	vst v25;
	s0 =	smov.u32 s10  }
0x19f: {  	v6 =	vld [tilespmem:s10+$0x10];
	[tilespmem:s10+$0x110] =	vst v7;
	v10 =	vpop (erf)  }
0x1a0: {  	v12 =	vnsel vm0, $0x0, v10;
	v23 =	vbroadcast v10, $0x0;
	v24 =	vbroadcast v10, $0x1;
	v7 =	vld [tilespmem:s10+$0x20];
	[tilespmem:s10+$0x100] =	vst v9;
	v13 =	vpop (erf)  }
0x1a1: {  	v25 =	vbroadcast v10, $0x2;
	v14 =	vbroadcast v10, $0x3;
	[tilespmem:s10+$0xFFFFFFF0] =	vst v12;
	v10 =	vnsel vm0, $0x0, v13;
	v9 =	vld [tilespmem:s10+$0x30];
	v11 =	vpop (erf)  }
0x1a2: {  	v12 =	vnsel vm0, $0x0, v11;
	v16 =	vbroadcast v11, $0x0;
	v19 =	vbroadcast v11, $0x1;
	[tilespmem:s10+$0x80] =	vst v10;
	v10 =	vld [tilespmem:s10+$0x40]  }
0x1a3: {  	v20 =	vbroadcast v11, $0x2;
	v41 =	vbroadcast v11, $0x3;
	[tilespmem:s10+$0xFFFFFF60] =	vst v12;
	v11 =	vld [tilespmem:s10+$0x50]  }
0x1a4: {  	v21 =	vbroadcast v13, $0x0;
	v18 =	vbroadcast v13, $0x1;
	v12 =	vld [tilespmem:s10+$0x60]  }
0x1a5: {  	v17 =	vbroadcast v13, $0x2;
	v13 =	vbroadcast v13, $0x3;
	v15 =	vld [tilespmem:s10+$0x70]  }
0x1a6: {  	v27 =	vmul.f32 v16, v27;
	v26 =	vmul.f32 v16, v26;
	v16 =	vld [tilespmem:s10+$0x90]  }
0x1a7: {  	v28 =	vmul.f32 v19, v28;
	v42 =	vmul.f32 v29, v19;
	v19 =	vld [tilespmem:s10+$0xA0]  }
.Ltmp3:
0x1a8: {  	v43 =	vmul.f32 v22, v20;
	v34 =	vmul.f32 v30, v20;
	[tilespmem:s10+$0xFFFFFEE0] =	vst v27;
	v20 =	vld [tilespmem:s10+$0xB0];
	(pc) =	sbr.rel @p0 .LBB2_8-.Ltmp3, $4  }
0x1a9: {  	v33 =	vmul.f32 v31, v41;
	v31 =	vmul.f32 v32, v41;
	[tilespmem:s10+$0xFFFFFEF0] =	vst v26;
	v22 =	vld [tilespmem:s10+$0xC0]  }
0x1aa: {  	v32 =	vmul.f32 v23, v35;
	v29 =	vmul.f32 v23, v36;
	[tilespmem:s10+$0xFFFFFF00] =	vst v28;
	v23 =	vld [tilespmem:s10+$0xD0]  }
0x1ab: {  	v30 =	vmul.f32 v24, v37;
	v27 =	vmul.f32 v38, v24;
	[tilespmem:s10+$0xFFFFFF10] =	vst v42;
	v24 =	vld [tilespmem:s10+$0xE0]  }
0x1ac: {  	v26 =	vmul.f32 v40, v25;
	v28 =	vmul.f32 v39, v25;
	s10 =	sadd.s32 $0x240, s10;
	[tilespmem:s0+$0xFFFFFF20] =	vst v43;
	v25 =	vld [tilespmem:s0+$0xF0]  }
0x1ad: {  	[tilespmem:s0+$0xFFFFFF30] =	vst v34  }
0x1ae: {  	[tilespmem:s0+$0xFFFFFF40] =	vst v33  }
0x1af: {  	[tilespmem:s0+$0xFFFFFF50] =	vst v31  }
0x1b0: {  	[tilespmem:s0+$0xFFFFFF70] =	vst v32  }
0x1b1: {  	[tilespmem:s0+$0xFFFFFF80] =	vst v29  }
0x1b2: {  	[tilespmem:s0+$0xFFFFFF90] =	vst v30  }
0x1b3: {  	[tilespmem:s0+$0xFFFFFFA0] =	vst v27  }
0x1b4: {  	v4 =	vmul.f32 v4, v14;
	[tilespmem:s0+$0xFFFFFFB0] =	vst v28  }
0x1b5: {  	v8 =	vmul.f32 v8, v14;
	[tilespmem:s0+$0xFFFFFFC0] =	vst v26  }
0x1b6: {  	v5 =	vmul.f32 v21, v5;
	[tilespmem:s0+$0xFFFFFFD0] =	vst v4  }
0x1b7: {  	v37 =	vmul.f32 v21, v6;
	[tilespmem:s0+$0xFFFFFFE0] =	vst v8  }
0x1b8: {  	v38 =	vmul.f32 v18, v7;
	[tilespmem:s0+$0x0] =	vst v5  }
0x1b9: {  	v39 =	vmul.f32 v9, v18;
	[tilespmem:s0+$0x10] =	vst v37  }
0x1ba: {  	v40 =	vmul.f32 v10, v17;
	[tilespmem:s0+$0x20] =	vst v38  }
0x1bb: {  	v41 =	vmul.f32 v11, v17;
	[tilespmem:s0+$0x30] =	vst v39  }
0x1bc: {  	v42 =	vmul.f32 v12, v13;
	[tilespmem:s0+$0x40] =	vst v40  }
0x1bd: {  	v43 =	vmul.f32 v15, v13;
	[tilespmem:s0+$0x50] =	vst v41  }
0x1be: {  	v44 =	vmul.f32 v3, v16;
	[tilespmem:s0+$0x60] =	vst v42  }
0x1bf: {  	v45 =	vmul.f32 v3, v19;
	[tilespmem:s0+$0x70] =	vst v43  }
0x1c0: {  	v46 =	vmul.f32 v2, v20;
	[tilespmem:s0+$0x90] =	vst v44  }
0x1c1: {  	v47 =	vmul.f32 v22, v2;
	[tilespmem:s0+$0xA0] =	vst v45  }
0x1c2: {  	v48 =	vmul.f32 v23, v1;
	[tilespmem:s0+$0xB0] =	vst v46  }
0x1c3: {  	v49 =	vmul.f32 v24, v1;
	[tilespmem:s0+$0xC0] =	vst v47  }
0x1c4: {  	v0 =	vmul.f32 v25, v0;
	[tilespmem:s0+$0xD0] =	vst v48  }
0x1c5: {  	[tilespmem:s0+$0xE0] =	vst v49  }
0x1c6: {  	[tilespmem:s0+$0xF0] =	vst v0  }
0x1c7: {  	[spmem:s1] =	stream.indirect.scatter.add.f32 [tilespmem:s19], [sflag:$0x5], $0x90, s20, s17, $0xb8;
	[tilespmem:$0x1F450] =	vst v63  }
0x1c8: {  	_ =	swait.ge [sflag:s16], $0x2D00  }
0x1c9: {  	[sflag:s16] =	ssyncset.done $0x0  }
0x1ca: {  	[sflag:s16] =	ssyncadd.s32 $0xFFFFD300  }
0x1cb: {  	_ =	swait.ge [sflag:s29], $0x2D00  }
0x1cc: {  	[sflag:s29] =	ssyncset.done $0x0  }
0x1cd: {  	[sflag:s29] =	ssyncadd.s32 $0xFFFFD300  }
0x1ce: {  	_ =	swait.ge [sflag:s30], $0x500  }
0x1cf: {  	[sflag:s30] =	ssyncset.done $0x0  }
0x1d0: {  	[sflag:s30] =	ssyncadd.s32 $0xFFFFFB00  }
0x1d1: {  	[bflag:$0x0] =	sbarrier.arrive $0xFFFF  }
0x1d2: {  	s12 =	rddreg [dreg:$0x6]  }
0x1d3: {  	[hbm:s12], [sflag:s9] =	dma.local [spmem:s15], $0x2D00  }
0x1d4: {  	_ =	swait.ge [sflag:s16], $0x2D00  }
0x1d5: {  	[sflag:s16] =	ssyncset.done $0x0  }
0x1d6: {  	[sflag:s16] =	ssyncadd.s32 $0xFFFFD300  }
0x1d7: {  	[bflag:$0x0] =	sbarrier.arrive $0xFFFF  }
0x1d8: {  	[spmem:s15], [sflag:s9] =	dma.local [hbm:s8], $0x2D00  }
0x1d9: {  	_ =	swait.ge [sflag:s16], $0x2D00  }
0x1da: {  	[sflag:s16] =	ssyncset.done $0x0  }
0x1db: {  	s0 =	simm.s32 $0x0;
	s2 =	rddreg [dreg:$0x7];
	[sflag:s16] =	ssyncadd.s32 $0xFFFFD300  }
0x1dc: {  	[tilespmem:s0], [sflag:$0x5] =	stream.linear.gather [hbm4b:s2+s0], $0x2710, $0x38;
	[tilespmem:$0x1F450] =	vst v63  }
0x1dd: {  	_ =	swait.ge [sflag:s16], $0x2710  }
0x1de: {  	[sflag:s16] =	ssyncset.done $0x0  }
0x1df: {  	[sflag:s16] =	ssyncadd.s32 $0xFFFFD8F0  }
0x1e0: {  	[bflag:$0x0] =	sbarrier.arrive $0xFFFF  }
0x1e1: {  	v50 =	vld [tilespmem:$0x0];
	_ =	sdelay $0x1  }
0x1e2: {  	v51 =	vld [tilespmem:$0x10];
	_ =	sdelay $0x1  }
0x1e3: {  	v52 =	vld [tilespmem:$0x20]  }
0x1e4: {  	v53 =	vshrl.u32 v50, $0xE  }
0x1e5: {  	v54 =	vld [tilespmem:$0x30];
	v0 =	vand.u32 $0x3FFF, v50;
	[tilespmem:$0x2710] =	vst v53  }
0x1e6: {  	v55 =	vshrl.u32 v51, $0xE;
	[tilespmem:$0x2760] =	vst v0  }
0x1e7: {  	v57 =	vld [tilespmem:$0x40];
	v56 =	vand.u32 $0x3FFF, v51;
	[tilespmem:$0x2720] =	vst v55  }
0x1e8: {  	v58 =	vshrl.u32 v52, $0xE;
	[tilespmem:$0x2770] =	vst v56  }
0x1e9: {  	v59 =	vand.u32 $0x3FFF, v52;
	[tilespmem:$0x2730] =	vst v58  }
0x1ea: {  	v60 =	vshrl.u32 v54, $0xE;
	[tilespmem:$0x2780] =	vst v59  }
0x1eb: {  	v61 =	vand.u32 $0x3FFF, v54;
	[tilespmem:$0x2740] =	vst v60  }
0x1ec: {  	v62 =	vshrl.u32 v57, $0xE;
	[tilespmem:$0x2790] =	vst v61  }
0x1ed: {  	v63 =	vand.u32 $0x3FFF, v57;
	[tilespmem:$0x2750] =	vst v62  }
0x1ee: {  	[tilespmem:$0x27A0] =	vst v63  }
0x1ef: {  	[tilespmem:s19], [sflag:$0x1] =	stream.indirect.gather [hbm4b:s6+s17], $0x90, s18, s17, $0xb8;
	[tilespmem:$0x1F450] =	vst v63  }
0x1f0: {  	_ = 	snop  }
0x1f1: {  	[tilespmem:s21], [sflag:$0x2] =	stream.indirect.gather [hbm4b:s7+s17], $0x10, s20, s17, $0xb8;
	[tilespmem:$0x1F450] =	vst v63  }
.LBB2_10:
0x1f2: {  	_ =	swait.ge [sflag:s22], $0x2D00  }
0x1f3: {  	[sflag:s22] =	ssyncset.done $0x0  }
0x1f4: {  	[sflag:s22] =	ssyncadd.s32 $0xFFFFD300  }
0x1f5: {  	s2 =	smul.u32 $0x280, s0;
	_ =	swait.ge [sflag:s23], $0x500  }
0x1f6: {  	[sflag:s23] =	ssyncset.done $0x0  }
0x1f7: {  	s2 =	sshra.s32 s2, $0x2;
	[sflag:s23] =	ssyncadd.s32 $0xFFFFFB00  }
0x1f8: {  	v0 =	vld [tilespmem:s2+$0x50];
	_ =	sdelay $0x4  }
0x1f9: {  	v1 =	vshrl.u32 v0, $0xE  }
0x1fa: {  	v0 =	vand.u32 $0x3FFF, v0;
	[tilespmem:$0x27B0] =	vst v1  }
0x1fb: {  	[tilespmem:$0x2800] =	vst v0  }
0x1fc: {  	v0 =	vld [tilespmem:s2+$0x60];
	_ =	sdelay $0x4  }
0x1fd: {  	v1 =	vshrl.u32 v0, $0xE  }
0x1fe: {  	v0 =	vand.u32 $0x3FFF, v0;
	[tilespmem:$0x27C0] =	vst v1  }
0x1ff: {  	[tilespmem:$0x2810] =	vst v0  }
0x200: {  	v0 =	vld [tilespmem:s2+$0x70];
	_ =	sdelay $0x4  }
0x201: {  	v1 =	vshrl.u32 v0, $0xE  }
0x202: {  	v0 =	vand.u32 $0x3FFF, v0;
	[tilespmem:$0x27D0] =	vst v1  }
0x203: {  	[tilespmem:$0x2820] =	vst v0  }
0x204: {  	v0 =	vld [tilespmem:s2+$0x80];
	_ =	sdelay $0x4  }
0x205: {  	v1 =	vshrl.u32 v0, $0xE  }
0x206: {  	v0 =	vand.u32 $0x3FFF, v0;
	[tilespmem:$0x27E0] =	vst v1  }
0x207: {  	[tilespmem:$0x2830] =	vst v0  }
0x208: {  	v0 =	vld [tilespmem:s2+$0x90];
	_ =	sdelay $0x4  }
0x209: {  	v1 =	vshrl.u32 v0, $0xE  }
0x20a: {  	v0 =	vand.u32 $0x3FFF, v0;
	[tilespmem:$0x27F0] =	vst v1  }
0x20b: {  	[tilespmem:$0x2840] =	vst v0  }
0x20c: {  	[tilespmem:s25], [sflag:$0x3] =	stream.indirect.gather [hbm4b:s6+s17], $0x90, s24, s17, $0xb8;
	[tilespmem:$0x1F450] =	vst v63  }
0x20d: {  	s3 =	simm.s32 $0x2970  }
0x20e: {  	[tilespmem:s28], [sflag:$0x4] =	stream.indirect.gather [hbm4b:s7+s17], $0x10, s26, s17, $0xb8;
	[tilespmem:$0x1F450] =	vst v63  }
0x20f: {  	s10 =	simm.s32 $0x5570;
	v0 =	vld [tilespmem:s3+$0x110]  }
0x210: {  	v1 =	vld [tilespmem:s10+$0x10]  }
0x211: {  	v2 =	vld [tilespmem:s3+$0xFFFFFFF0]  }
0x212: {  	v3 =	vld [tilespmem:s10+$0xFFFFFFF0]  }
0x213: {  	v4 =	vld [tilespmem:s3+$0x80]  }
0x214: {  	v5 =	vld [tilespmem:s10+$0x0]  }
0x215: {  	v6 =	vld [tilespmem:s10+$0xFFFFFFE0]  }
0x216: {  	v16 =	vld [tilespmem:s3+$0xFFFFFEE0];
	v0 =	vadd.f32 v1, v0  }
0x217: {  	v19 =	vld [tilespmem:s3+$0xFFFFFEF0]  }
0x218: {  	v1 =	vld [tilespmem:s3+$0xFFFFFF60];
	v7 =	vmul.f32 $2.000000030e-01, v0  }
0x219: {  	v20 =	vld [tilespmem:s3+$0xFFFFFF00];
	v2 =	vadd.f32 v3, v2;
	vm1 =	vge.f32 v0, $0.0e+00  }
0x21a: {  	v22 =	vld [tilespmem:s3+$0xFFFFFF10];
	v3 =	vadd.f32 v5, v4;
	v0 =	vsel vm1, v0, v7  }
0x21b: {  	v23 =	vld [tilespmem:s3+$0xFFFFFF20];
	v4 =	vmul.f32 $2.000000030e-01, v2;
	v0 =	vmul.f32 $1.442695020e+00, v0  }
0x21c: {  	v24 =	vld [tilespmem:s3+$0xFFFFFF30];
	v5 =	vmul.f32 $2.000000030e-01, v3;
	vm1 =	vge.f32 v2, $0.0e+00  }
0x21d: {  	v25 =	vld [tilespmem:s3+$0xFFFFFF40];
	v1 =	vadd.f32 v6, v1;
	(erf) = vpow2.f32 v0;
	v0 =	vsel vm1, v2, v4  }
0x21e: {  	v26 =	vld [tilespmem:s3+$0xFFFFFF50];
	vm2 =	vge.f32 v3, $0.0e+00;
	v0 =	vmul.f32 $1.442695020e+00, v0  }
0x21f: {  	v27 =	vld [tilespmem:s3+$0xFFFFFF70];
	v3 =	vsel vm2, v3, v5;
	v2 =	vmul.f32 $2.000000030e-01, v1  }
0x220: {  	v28 =	vld [tilespmem:s3+$0xFFFFFF80];
	v3 =	vmul.f32 $1.442695020e+00, v3;
	vm1 =	vge.f32 v1, $0.0e+00;
	(erf) = vpow2.f32 v0  }
0x221: {  	v30 =	vld [tilespmem:s3+$0xFFFFFF90];
	v1 =	vsel vm1, v1, v2  }
0x222: {  	v35 =	vld [tilespmem:s3+$0xFFFFFFA0];
	v0 =	vmul.f32 $1.442695020e+00, v1;
	(erf) = vpow2.f32 v3  }
0x223: {  	v36 =	vld [tilespmem:s3+$0xFFFFFFB0]  }
0x224: {  	v7 =	vld [tilespmem:s3+$0x100];
	(erf) = vpow2.f32 v0  }
0x225: {  	v37 =	vld [tilespmem:s3+$0xFFFFFFC0]  }
0x226: {  	v9 =	vld [tilespmem:s3+$0x30];
	v11 =	vpop (erf)  }
0x227: {  	v8 =	vld [tilespmem:s3+$0xFFFFFFE0];
	v0 =	vbroadcast v11, $0x3  }
0x228: {  	v5 =	vld [tilespmem:s3+$0x0];
	v3 =	vbroadcast v11, $0x0;
	v2 =	vbroadcast v11, $0x1  }
0x229: {  	v6 =	vld [tilespmem:s3+$0x10];
	v1 =	vbroadcast v11, $0x2;
	v13 =	vpop (erf);
	v15 =	vmul.f32 v7, v0  }
0x22a: {  	v4 =	vld [tilespmem:s3+$0xFFFFFFD0];
	v38 =	vbroadcast v13, $0x0;
	v39 =	vbroadcast v13, $0x1  }
0x22b: {  	v12 =	vnsel vm0, $0x0, v11;
	v11 =	vld [tilespmem:s3+$0x50];
	v29 =	vpop (erf);
	v40 =	vbroadcast v13, $0x2;
	v14 =	vbroadcast v13, $0x3  }
0x22c: {  	[tilespmem:s3+$0x110] =	vst v12;
	v12 =	vld [tilespmem:s3+$0x60];
	v21 =	vbroadcast v29, $0x0;
	v18 =	vbroadcast v29, $0x1  }
0x22d: {  	v7 =	vld [tilespmem:s3+$0x20];
	v42 =	vnsel vm0, $0x0, v13;
	v31 =	vpop (erf);
	v17 =	vbroadcast v29, $0x2;
	v13 =	vbroadcast v29, $0x3  }
0x22e: {  	v10 =	vnsel vm0, $0x0, v29;
	[tilespmem:s3+$0x100] =	vst v15;
	v15 =	vld [tilespmem:s3+$0x70];
	v32 =	vbroadcast v31, $0x0;
	v33 =	vbroadcast v31, $0x1  }
0x22f: {  	[tilespmem:s3+$0x80] =	vst v10;
	v10 =	vld [tilespmem:s3+$0x40];
	v34 =	vbroadcast v31, $0x2;
	v41 =	vbroadcast v31, $0x3  }
0x230: {  	[tilespmem:s3+$0xFFFFFFF0] =	vst v42;
	v29 =	vnsel vm0, $0x0, v31;
	v30 =	vmul.f32 v39, v30;
	v31 =	vmul.f32 v32, v16;
	v16 =	vld [tilespmem:s3+$0x90]  }
0x231: {  	[tilespmem:s3+$0xFFFFFF60] =	vst v29;
	v32 =	vmul.f32 v32, v19;
	v29 =	vmul.f32 v33, v20;
	v19 =	vld [tilespmem:s3+$0xA0]  }
0x232: {  	v63 =	vmul.f32 v22, v33;
	v43 =	vmul.f32 v23, v34;
	v20 =	vld [tilespmem:s3+$0xB0];
	[tilespmem:s3+$0xFFFFFEE0] =	vst v31  }
0x233: {  	v34 =	vmul.f32 v24, v34;
	v33 =	vmul.f32 v25, v41;
	v22 =	vld [tilespmem:s3+$0xC0];
	[tilespmem:s3+$0xFFFFFEF0] =	vst v32  }
0x234: {  	v23 =	vld [tilespmem:s3+$0xD0];
	v31 =	vmul.f32 v26, v41;
	[tilespmem:s3+$0xFFFFFF00] =	vst v29;
	v32 =	vmul.f32 v38, v27  }
0x235: {  	v24 =	vld [tilespmem:s3+$0xE0];
	v29 =	vmul.f32 v38, v28;
	[tilespmem:s3+$0xFFFFFF10] =	vst v63;
	v27 =	vmul.f32 v35, v39  }
0x236: {  	s11 =	simm.s32 $0x0;
	s12 =	simm.s32 $0x2BB0;
	v25 =	vld [tilespmem:s3+$0xF0];
	[tilespmem:s3+$0xFFFFFF20] =	vst v43;
	v28 =	vmul.f32 v36, v40;
	v26 =	vmul.f32 v37, v40  }
.LBB2_11:
0x237: {  	v35 =	vld [tilespmem:s12+$0x110];
	[tilespmem:s3+$0xFFFFFF30] =	vst v34;
	v4 =	vmul.f32 v4, v14;
	v8 =	vmul.f32 v8, v14;
	s10 =	sadd.s32 $0x40, s10  }
0x238: {  	s11 =	sadd.s32 $0x4, s11;
	v5 =	vmul.f32 v21, v5;
	v6 =	vmul.f32 v21, v6;
	v14 =	vld [tilespmem:s10+$0x10];
	[tilespmem:s3+$0xFFFFFF40] =	vst v33  }
0x239: {  	v7 =	vmul.f32 v18, v7;
	v9 =	vmul.f32 v9, v18;
	p0 =	slt.u32 s11, $0x4C;
	v21 =	vld [tilespmem:s10+$0xFFFFFFE0];
	[tilespmem:s3+$0xFFFFFF50] =	vst v31  }
0x23a: {  	v10 =	vmul.f32 v10, v17;
	v11 =	vmul.f32 v11, v17;
	v18 =	vld [tilespmem:s12+$0xFFFFFFF0];
	[tilespmem:s3+$0xFFFFFF70] =	vst v32  }
0x23b: {  	v12 =	vmul.f32 v12, v13;
	v13 =	vmul.f32 v15, v13;
	v17 =	vld [tilespmem:s10+$0xFFFFFFF0];
	[tilespmem:s3+$0xFFFFFF80] =	vst v29  }
0x23c: {  	v16 =	vmul.f32 v3, v16;
	v3 =	vmul.f32 v3, v19;
	v15 =	vld [tilespmem:s12+$0x80];
	[tilespmem:s3+$0xFFFFFF90] =	vst v30  }
0x23d: {  	v20 =	vmul.f32 v2, v20;
	v2 =	vmul.f32 v22, v2;
	v19 =	vld [tilespmem:s10+$0x0];
	v14 =	vadd.f32 v14, v35;
	[tilespmem:s3+$0xFFFFFFA0] =	vst v27  }
0x23e: {  	v23 =	vmul.f32 v23, v1;
	v24 =	vmul.f32 v24, v1;
	v22 =	vld [tilespmem:s12+$0xFFFFFF60];
	[tilespmem:s3+$0xFFFFFFB0] =	vst v28  }
0x23f: {  	v25 =	vmul.f32 v25, v0;
	v27 =	vld [tilespmem:s12+$0xFFFFFEE0];
	v1 =	vmul.f32 $2.000000030e-01, v14;
	[tilespmem:s3+$0xFFFFFFC0] =	vst v26  }
0x240: {  	vm1 =	vge.f32 v14, $0.0e+00;
	v26 =	vld [tilespmem:s12+$0xFFFFFEF0];
	v0 =	vadd.f32 v17, v18;
	[tilespmem:s3+$0xFFFFFFD0] =	vst v4  }
0x241: {  	v28 =	vld [tilespmem:s12+$0xFFFFFF00];
	v1 =	vsel vm1, v14, v1;
	[tilespmem:s3+$0xFFFFFFE0] =	vst v8  }
0x242: {  	v29 =	vld [tilespmem:s12+$0xFFFFFF10];
	v4 =	vmul.f32 $2.000000030e-01, v0;
	v8 =	vadd.f32 v19, v15;
	v1 =	vmul.f32 $1.442695020e+00, v1;
	[tilespmem:s3+$0x0] =	vst v5  }
0x243: {  	vm1 =	vge.f32 v0, $0.0e+00;
	v5 =	vadd.f32 v21, v22;
	v22 =	vld [tilespmem:s12+$0xFFFFFF20];
	[tilespmem:s3+$0x10] =	vst v6  }
0x244: {  	v30 =	vld [tilespmem:s12+$0xFFFFFF30];
	vm2 =	vge.f32 v8, $0.0e+00;
	v6 =	vmul.f32 $2.000000030e-01, v8;
	(erf) = vpow2.f32 v1;
	[tilespmem:s3+$0x20] =	vst v7  }
0x245: {  	v0 =	vsel vm1, v0, v4;
	vm3 =	vge.f32 v5, $0.0e+00;
	v1 =	vmul.f32 $2.000000030e-01, v5;
	v31 =	vld [tilespmem:s12+$0xFFFFFF40];
	[tilespmem:s3+$0x30] =	vst v9  }
0x246: {  	v0 =	vmul.f32 $1.442695020e+00, v0;
	v32 =	vld [tilespmem:s12+$0xFFFFFF50];
	v4 =	vsel vm2, v8, v6;
	[tilespmem:s3+$0x40] =	vst v10  }
0x247: {  	v1 =	vsel vm3, v5, v1;
	v35 =	vld [tilespmem:s12+$0xFFFFFF70];
	v4 =	vmul.f32 $1.442695020e+00, v4;
	[tilespmem:s3+$0x50] =	vst v11  }
0x248: {  	v1 =	vmul.f32 $1.442695020e+00, v1;
	v36 =	vld [tilespmem:s12+$0xFFFFFF80];
	(erf) = vpow2.f32 v0;
	[tilespmem:s3+$0x60] =	vst v12  }
0x249: {  	v37 =	vld [tilespmem:s12+$0xFFFFFF90];
	(erf) = vpow2.f32 v4;
	[tilespmem:s3+$0x70] =	vst v13  }
0x24a: {  	v38 =	vld [tilespmem:s12+$0xFFFFFFA0];
	(erf) = vpow2.f32 v1;
	[tilespmem:s3+$0x90] =	vst v16  }
0x24b: {  	v6 =	vld [tilespmem:s12+$0x100];
	[tilespmem:s3+$0xA0] =	vst v3  }
0x24c: {  	v39 =	vld [tilespmem:s12+$0xFFFFFFB0];
	[tilespmem:s3+$0xB0] =	vst v20  }
0x24d: {  	v40 =	vld [tilespmem:s12+$0xFFFFFFC0];
	v1 =	vpop (erf);
	[tilespmem:s3+$0xC0] =	vst v2  }
0x24e: {  	v4 =	vld [tilespmem:s12+$0xFFFFFFD0];
	v7 =	vnsel vm0, $0x0, v1;
	v3 =	vbroadcast v1, $0x0;
	v0 =	vbroadcast v1, $0x3;
	[tilespmem:s3+$0xD0] =	vst v23  }
0x24f: {  	v2 =	vbroadcast v1, $0x1;
	v1 =	vbroadcast v1, $0x2;
	v8 =	vld [tilespmem:s12+$0xFFFFFFE0];
	[tilespmem:s3+$0xE0] =	vst v24  }
0x250: {  	v5 =	vld [tilespmem:s12+$0x0];
	v9 =	vmul.f32 v6, v0;
	[tilespmem:s3+$0xF0] =	vst v25;
	s3 =	smov.u32 s12  }
0x251: {  	v6 =	vld [tilespmem:s12+$0x10];
	[tilespmem:s12+$0x110] =	vst v7;
	v10 =	vpop (erf)  }
0x252: {  	v12 =	vnsel vm0, $0x0, v10;
	v23 =	vbroadcast v10, $0x0;
	v24 =	vbroadcast v10, $0x1;
	v7 =	vld [tilespmem:s12+$0x20];
	[tilespmem:s12+$0x100] =	vst v9;
	v13 =	vpop (erf)  }
0x253: {  	v25 =	vbroadcast v10, $0x2;
	v14 =	vbroadcast v10, $0x3;
	[tilespmem:s12+$0xFFFFFFF0] =	vst v12;
	v10 =	vnsel vm0, $0x0, v13;
	v9 =	vld [tilespmem:s12+$0x30];
	v11 =	vpop (erf)  }
0x254: {  	v12 =	vnsel vm0, $0x0, v11;
	v16 =	vbroadcast v11, $0x0;
	v19 =	vbroadcast v11, $0x1;
	[tilespmem:s12+$0x80] =	vst v10;
	v10 =	vld [tilespmem:s12+$0x40]  }
0x255: {  	v20 =	vbroadcast v11, $0x2;
	v41 =	vbroadcast v11, $0x3;
	[tilespmem:s12+$0xFFFFFF60] =	vst v12;
	v11 =	vld [tilespmem:s12+$0x50]  }
0x256: {  	v21 =	vbroadcast v13, $0x0;
	v18 =	vbroadcast v13, $0x1;
	v12 =	vld [tilespmem:s12+$0x60]  }
0x257: {  	v17 =	vbroadcast v13, $0x2;
	v13 =	vbroadcast v13, $0x3;
	v15 =	vld [tilespmem:s12+$0x70]  }
0x258: {  	v27 =	vmul.f32 v16, v27;
	v26 =	vmul.f32 v16, v26;
	v16 =	vld [tilespmem:s12+$0x90]  }
0x259: {  	v28 =	vmul.f32 v19, v28;
	v42 =	vmul.f32 v29, v19;
	v19 =	vld [tilespmem:s12+$0xA0]  }
.Ltmp4:
0x25a: {  	v43 =	vmul.f32 v22, v20;
	v34 =	vmul.f32 v30, v20;
	[tilespmem:s12+$0xFFFFFEE0] =	vst v27;
	v20 =	vld [tilespmem:s12+$0xB0];
	(pc) =	sbr.rel @p0 .LBB2_11-.Ltmp4, $4  }
0x25b: {  	v33 =	vmul.f32 v31, v41;
	v31 =	vmul.f32 v32, v41;
	[tilespmem:s12+$0xFFFFFEF0] =	vst v26;
	v22 =	vld [tilespmem:s12+$0xC0]  }
0x25c: {  	v32 =	vmul.f32 v23, v35;
	v29 =	vmul.f32 v23, v36;
	[tilespmem:s12+$0xFFFFFF00] =	vst v28;
	v23 =	vld [tilespmem:s12+$0xD0]  }
0x25d: {  	v30 =	vmul.f32 v24, v37;
	v27 =	vmul.f32 v38, v24;
	[tilespmem:s12+$0xFFFFFF10] =	vst v42;
	v24 =	vld [tilespmem:s12+$0xE0]  }
0x25e: {  	v26 =	vmul.f32 v40, v25;
	v28 =	vmul.f32 v39, v25;
	s12 =	sadd.s32 $0x240, s12;
	[tilespmem:s3+$0xFFFFFF20] =	vst v43;
	v25 =	vld [tilespmem:s3+$0xF0]  }
0x25f: {  	[tilespmem:s3+$0xFFFFFF30] =	vst v34  }
0x260: {  	[tilespmem:s3+$0xFFFFFF40] =	vst v33  }
0x261: {  	[tilespmem:s3+$0xFFFFFF50] =	vst v31  }
0x262: {  	[tilespmem:s3+$0xFFFFFF70] =	vst v32  }
0x263: {  	[tilespmem:s3+$0xFFFFFF80] =	vst v29  }
0x264: {  	[tilespmem:s3+$0xFFFFFF90] =	vst v30  }
0x265: {  	[tilespmem:s3+$0xFFFFFFA0] =	vst v27  }
0x266: {  	v4 =	vmul.f32 v4, v14;
	[tilespmem:s3+$0xFFFFFFB0] =	vst v28  }
0x267: {  	v8 =	vmul.f32 v8, v14;
	[tilespmem:s3+$0xFFFFFFC0] =	vst v26  }
0x268: {  	v5 =	vmul.f32 v21, v5;
	[tilespmem:s3+$0xFFFFFFD0] =	vst v4  }
0x269: {  	v4 =	vmul.f32 v21, v6;
	[tilespmem:s3+$0xFFFFFFE0] =	vst v8  }
0x26a: {  	v6 =	vmul.f32 v18, v7;
	[tilespmem:s3+$0x0] =	vst v5  }
0x26b: {  	v5 =	vmul.f32 v9, v18;
	[tilespmem:s3+$0x10] =	vst v4  }
0x26c: {  	v4 =	vmul.f32 v10, v17;
	[tilespmem:s3+$0x20] =	vst v6  }
0x26d: {  	v6 =	vmul.f32 v11, v17;
	[tilespmem:s3+$0x30] =	vst v5  }
0x26e: {  	v5 =	vmul.f32 v12, v13;
	[tilespmem:s3+$0x40] =	vst v4  }
0x26f: {  	v0 =	vmul.f32 v25, v0;
	[tilespmem:s3+$0x50] =	vst v6  }
0x270: {  	v4 =	vmul.f32 v15, v13;
	[tilespmem:s3+$0x60] =	vst v5  }
0x271: {  	v6 =	vmul.f32 v3, v16;
	[tilespmem:s3+$0xF0] =	vst v0  }
0x272: {  	v3 =	vmul.f32 v3, v19;
	[tilespmem:s3+$0x70] =	vst v4  }
0x273: {  	v4 =	vmul.f32 v2, v20;
	[tilespmem:s3+$0x90] =	vst v6  }
0x274: {  	v2 =	vmul.f32 v22, v2;
	[tilespmem:s3+$0xA0] =	vst v3  }
0x275: {  	v3 =	vmul.f32 v23, v1;
	[tilespmem:s3+$0xB0] =	vst v4  }
0x276: {  	v1 =	vmul.f32 v24, v1;
	[tilespmem:s3+$0xC0] =	vst v2  }
0x277: {  	[tilespmem:s3+$0xD0] =	vst v3  }
0x278: {  	[tilespmem:s3+$0xE0] =	vst v1  }
0x279: {  	[spmem:s1] =	stream.indirect.scatter.add.f32 [tilespmem:s19], [sflag:$0x5], $0x90, s20, s17, $0xb8;
	[tilespmem:$0x1F450] =	vst v63  }
0x27a: {  	_ =	swait.ge [sflag:s16], $0x2D00  }
0x27b: {  	[sflag:s16] =	ssyncset.done $0x0  }
0x27c: {  	[sflag:s16] =	ssyncadd.s32 $0xFFFFD300  }
0x27d: {  	_ =	swait.ge [sflag:s29], $0x2D00  }
0x27e: {  	[sflag:s29] =	ssyncset.done $0x0  }
0x27f: {  	[sflag:s29] =	ssyncadd.s32 $0xFFFFD300  }
0x280: {  	_ =	swait.ge [sflag:s30], $0x500  }
0x281: {  	[sflag:s30] =	ssyncset.done $0x0  }
0x282: {  	[sflag:s30] =	ssyncadd.s32 $0xFFFFFB00  }
0x283: {  	v0 =	vld [tilespmem:s2+$0xA0];
	_ =	sdelay $0x4  }
0x284: {  	v1 =	vshrl.u32 v0, $0xE  }
0x285: {  	v0 =	vand.u32 $0x3FFF, v0;
	[tilespmem:$0x2710] =	vst v1  }
0x286: {  	[tilespmem:$0x2760] =	vst v0  }
0x287: {  	v0 =	vld [tilespmem:s2+$0xB0];
	_ =	sdelay $0x4  }
0x288: {  	v1 =	vshrl.u32 v0, $0xE  }
0x289: {  	v0 =	vand.u32 $0x3FFF, v0;
	[tilespmem:$0x2720] =	vst v1  }
0x28a: {  	[tilespmem:$0x2770] =	vst v0  }
0x28b: {  	v0 =	vld [tilespmem:s2+$0xC0];
	_ =	sdelay $0x4  }
0x28c: {  	v1 =	vshrl.u32 v0, $0xE  }
0x28d: {  	v0 =	vand.u32 $0x3FFF, v0;
	[tilespmem:$0x2730] =	vst v1  }
0x28e: {  	[tilespmem:$0x2780] =	vst v0  }
0x28f: {  	v0 =	vld [tilespmem:s2+$0xD0];
	_ =	sdelay $0x4  }
0x290: {  	v1 =	vshrl.u32 v0, $0xE  }
0x291: {  	v0 =	vand.u32 $0x3FFF, v0;
	[tilespmem:$0x2740] =	vst v1  }
0x292: {  	[tilespmem:$0x2790] =	vst v0  }
0x293: {  	v0 =	vld [tilespmem:s2+$0xE0];
	_ =	sdelay $0x4  }
0x294: {  	v1 =	vshrl.u32 v0, $0xE  }
0x295: {  	v0 =	vand.u32 $0x3FFF, v0;
	[tilespmem:$0x2750] =	vst v1  }
0x296: {  	[tilespmem:$0x27A0] =	vst v0  }
0x297: {  	[tilespmem:s19], [sflag:$0x1] =	stream.indirect.gather [hbm4b:s6+s17], $0x90, s18, s17, $0xb8;
	[tilespmem:$0x1F450] =	vst v63  }
0x298: {  	s2 =	simm.s32 $0x5B70  }
0x299: {  	[tilespmem:s21], [sflag:$0x2] =	stream.indirect.gather [hbm4b:s7+s17], $0x10, s20, s17, $0xb8;
	[tilespmem:$0x1F450] =	vst v63  }
0x29a: {  	s3 =	simm.s32 $0x8770;
	v0 =	vld [tilespmem:s2+$0x110]  }
0x29b: {  	v1 =	vld [tilespmem:s3+$0x10]  }
0x29c: {  	v2 =	vld [tilespmem:s2+$0xFFFFFFF0]  }
0x29d: {  	v3 =	vld [tilespmem:s3+$0xFFFFFFF0]  }
0x29e: {  	v4 =	vld [tilespmem:s2+$0x80]  }
0x29f: {  	v5 =	vld [tilespmem:s3+$0x0]  }
0x2a0: {  	v6 =	vld [tilespmem:s3+$0xFFFFFFE0]  }
0x2a1: {  	v16 =	vld [tilespmem:s2+$0xFFFFFEE0];
	v0 =	vadd.f32 v1, v0  }
0x2a2: {  	v19 =	vld [tilespmem:s2+$0xFFFFFEF0]  }
0x2a3: {  	v1 =	vld [tilespmem:s2+$0xFFFFFF60];
	v7 =	vmul.f32 $2.000000030e-01, v0  }
0x2a4: {  	v20 =	vld [tilespmem:s2+$0xFFFFFF00];
	v2 =	vadd.f32 v3, v2;
	vm1 =	vge.f32 v0, $0.0e+00  }
0x2a5: {  	v22 =	vld [tilespmem:s2+$0xFFFFFF10];
	v3 =	vadd.f32 v5, v4;
	v0 =	vsel vm1, v0, v7  }
0x2a6: {  	v23 =	vld [tilespmem:s2+$0xFFFFFF20];
	v4 =	vmul.f32 $2.000000030e-01, v2;
	v0 =	vmul.f32 $1.442695020e+00, v0  }
0x2a7: {  	v24 =	vld [tilespmem:s2+$0xFFFFFF30];
	v5 =	vmul.f32 $2.000000030e-01, v3;
	vm1 =	vge.f32 v2, $0.0e+00  }
0x2a8: {  	v25 =	vld [tilespmem:s2+$0xFFFFFF40];
	v1 =	vadd.f32 v6, v1;
	(erf) = vpow2.f32 v0;
	v0 =	vsel vm1, v2, v4  }
0x2a9: {  	v26 =	vld [tilespmem:s2+$0xFFFFFF50];
	vm2 =	vge.f32 v3, $0.0e+00;
	v0 =	vmul.f32 $1.442695020e+00, v0  }
0x2aa: {  	v27 =	vld [tilespmem:s2+$0xFFFFFF70];
	v3 =	vsel vm2, v3, v5;
	v2 =	vmul.f32 $2.000000030e-01, v1  }
0x2ab: {  	v28 =	vld [tilespmem:s2+$0xFFFFFF80];
	v3 =	vmul.f32 $1.442695020e+00, v3;
	vm1 =	vge.f32 v1, $0.0e+00;
	(erf) = vpow2.f32 v0  }
0x2ac: {  	v30 =	vld [tilespmem:s2+$0xFFFFFF90];
	v1 =	vsel vm1, v1, v2  }
0x2ad: {  	v35 =	vld [tilespmem:s2+$0xFFFFFFA0];
	v0 =	vmul.f32 $1.442695020e+00, v1;
	(erf) = vpow2.f32 v3  }
0x2ae: {  	v36 =	vld [tilespmem:s2+$0xFFFFFFB0]  }
0x2af: {  	v7 =	vld [tilespmem:s2+$0x100];
	(erf) = vpow2.f32 v0  }
0x2b0: {  	v37 =	vld [tilespmem:s2+$0xFFFFFFC0]  }
0x2b1: {  	v9 =	vld [tilespmem:s2+$0x30];
	v11 =	vpop (erf)  }
0x2b2: {  	v8 =	vld [tilespmem:s2+$0xFFFFFFE0];
	v0 =	vbroadcast v11, $0x3  }
0x2b3: {  	v5 =	vld [tilespmem:s2+$0x0];
	v3 =	vbroadcast v11, $0x0;
	v2 =	vbroadcast v11, $0x1  }
0x2b4: {  	v6 =	vld [tilespmem:s2+$0x10];
	v1 =	vbroadcast v11, $0x2;
	v13 =	vpop (erf);
	v15 =	vmul.f32 v7, v0  }
0x2b5: {  	v4 =	vld [tilespmem:s2+$0xFFFFFFD0];
	v38 =	vbroadcast v13, $0x0;
	v39 =	vbroadcast v13, $0x1  }
0x2b6: {  	v12 =	vnsel vm0, $0x0, v11;
	v11 =	vld [tilespmem:s2+$0x50];
	v29 =	vpop (erf);
	v40 =	vbroadcast v13, $0x2;
	v14 =	vbroadcast v13, $0x3  }
0x2b7: {  	[tilespmem:s2+$0x110] =	vst v12;
	v12 =	vld [tilespmem:s2+$0x60];
	v21 =	vbroadcast v29, $0x0;
	v18 =	vbroadcast v29, $0x1  }
0x2b8: {  	v7 =	vld [tilespmem:s2+$0x20];
	v42 =	vnsel vm0, $0x0, v13;
	v31 =	vpop (erf);
	v17 =	vbroadcast v29, $0x2;
	v13 =	vbroadcast v29, $0x3  }
0x2b9: {  	v10 =	vnsel vm0, $0x0, v29;
	[tilespmem:s2+$0x100] =	vst v15;
	v15 =	vld [tilespmem:s2+$0x70];
	v60 =	vbroadcast v31, $0x0;
	v61 =	vbroadcast v31, $0x1  }
0x2ba: {  	[tilespmem:s2+$0x80] =	vst v10;
	v10 =	vld [tilespmem:s2+$0x40];
	v62 =	vbroadcast v31, $0x2;
	v41 =	vbroadcast v31, $0x3  }
0x2bb: {  	[tilespmem:s2+$0xFFFFFFF0] =	vst v42;
	v29 =	vnsel vm0, $0x0, v31;
	v30 =	vmul.f32 v39, v30;
	v31 =	vmul.f32 v60, v16;
	v16 =	vld [tilespmem:s2+$0x90]  }
0x2bc: {  	[tilespmem:s2+$0xFFFFFF60] =	vst v29;
	v32 =	vmul.f32 v60, v19;
	v29 =	vmul.f32 v61, v20;
	v19 =	vld [tilespmem:s2+$0xA0]  }
0x2bd: {  	v63 =	vmul.f32 v22, v61;
	v43 =	vmul.f32 v23, v62;
	v20 =	vld [tilespmem:s2+$0xB0];
	[tilespmem:s2+$0xFFFFFEE0] =	vst v31  }
0x2be: {  	v34 =	vmul.f32 v24, v62;
	v33 =	vmul.f32 v25, v41;
	v22 =	vld [tilespmem:s2+$0xC0];
	[tilespmem:s2+$0xFFFFFEF0] =	vst v32  }
0x2bf: {  	v23 =	vld [tilespmem:s2+$0xD0];
	v31 =	vmul.f32 v26, v41;
	[tilespmem:s2+$0xFFFFFF00] =	vst v29;
	v32 =	vmul.f32 v38, v27  }
0x2c0: {  	v24 =	vld [tilespmem:s2+$0xE0];
	v29 =	vmul.f32 v38, v28;
	[tilespmem:s2+$0xFFFFFF10] =	vst v63;
	v27 =	vmul.f32 v35, v39  }
0x2c1: {  	s10 =	simm.s32 $0x0;
	s11 =	simm.s32 $0x5DB0;
	v25 =	vld [tilespmem:s2+$0xF0];
	[tilespmem:s2+$0xFFFFFF20] =	vst v43;
	v28 =	vmul.f32 v36, v40;
	v26 =	vmul.f32 v37, v40  }
.LBB2_13:
0x2c2: {  	v35 =	vld [tilespmem:s11+$0x110];
	[tilespmem:s2+$0xFFFFFF30] =	vst v34;
	v4 =	vmul.f32 v4, v14;
	v8 =	vmul.f32 v8, v14;
	s3 =	sadd.s32 $0x40, s3  }
0x2c3: {  	s10 =	sadd.s32 $0x4, s10;
	v5 =	vmul.f32 v21, v5;
	v6 =	vmul.f32 v21, v6;
	v14 =	vld [tilespmem:s3+$0x10];
	[tilespmem:s2+$0xFFFFFF40] =	vst v33  }
0x2c4: {  	v7 =	vmul.f32 v18, v7;
	v9 =	vmul.f32 v9, v18;
	p0 =	slt.u32 s10, $0x4C;
	v21 =	vld [tilespmem:s3+$0xFFFFFFE0];
	[tilespmem:s2+$0xFFFFFF50] =	vst v31  }
0x2c5: {  	v10 =	vmul.f32 v10, v17;
	v11 =	vmul.f32 v11, v17;
	v18 =	vld [tilespmem:s11+$0xFFFFFFF0];
	[tilespmem:s2+$0xFFFFFF70] =	vst v32  }
0x2c6: {  	v12 =	vmul.f32 v12, v13;
	v13 =	vmul.f32 v15, v13;
	v17 =	vld [tilespmem:s3+$0xFFFFFFF0];
	[tilespmem:s2+$0xFFFFFF80] =	vst v29  }
0x2c7: {  	v16 =	vmul.f32 v3, v16;
	v3 =	vmul.f32 v3, v19;
	v15 =	vld [tilespmem:s11+$0x80];
	[tilespmem:s2+$0xFFFFFF90] =	vst v30  }
0x2c8: {  	v20 =	vmul.f32 v2, v20;
	v2 =	vmul.f32 v22, v2;
	v19 =	vld [tilespmem:s3+$0x0];
	v14 =	vadd.f32 v14, v35;
	[tilespmem:s2+$0xFFFFFFA0] =	vst v27  }
0x2c9: {  	v23 =	vmul.f32 v23, v1;
	v24 =	vmul.f32 v24, v1;
	v22 =	vld [tilespmem:s11+$0xFFFFFF60];
	[tilespmem:s2+$0xFFFFFFB0] =	vst v28  }
0x2ca: {  	v25 =	vmul.f32 v25, v0;
	v27 =	vld [tilespmem:s11+$0xFFFFFEE0];
	v1 =	vmul.f32 $2.000000030e-01, v14;
	[tilespmem:s2+$0xFFFFFFC0] =	vst v26  }
0x2cb: {  	vm1 =	vge.f32 v14, $0.0e+00;
	v26 =	vld [tilespmem:s11+$0xFFFFFEF0];
	v0 =	vadd.f32 v17, v18;
	[tilespmem:s2+$0xFFFFFFD0] =	vst v4  }
0x2cc: {  	v28 =	vld [tilespmem:s11+$0xFFFFFF00];
	v1 =	vsel vm1, v14, v1;
	[tilespmem:s2+$0xFFFFFFE0] =	vst v8  }
0x2cd: {  	v29 =	vld [tilespmem:s11+$0xFFFFFF10];
	v4 =	vmul.f32 $2.000000030e-01, v0;
	v8 =	vadd.f32 v19, v15;
	v1 =	vmul.f32 $1.442695020e+00, v1;
	[tilespmem:s2+$0x0] =	vst v5  }
0x2ce: {  	vm1 =	vge.f32 v0, $0.0e+00;
	v5 =	vadd.f32 v21, v22;
	v22 =	vld [tilespmem:s11+$0xFFFFFF20];
	[tilespmem:s2+$0x10] =	vst v6  }
0x2cf: {  	v30 =	vld [tilespmem:s11+$0xFFFFFF30];
	vm2 =	vge.f32 v8, $0.0e+00;
	v6 =	vmul.f32 $2.000000030e-01, v8;
	(erf) = vpow2.f32 v1;
	[tilespmem:s2+$0x20] =	vst v7  }
0x2d0: {  	v0 =	vsel vm1, v0, v4;
	vm3 =	vge.f32 v5, $0.0e+00;
	v1 =	vmul.f32 $2.000000030e-01, v5;
	v31 =	vld [tilespmem:s11+$0xFFFFFF40];
	[tilespmem:s2+$0x30] =	vst v9  }
0x2d1: {  	v0 =	vmul.f32 $1.442695020e+00, v0;
	v32 =	vld [tilespmem:s11+$0xFFFFFF50];
	v4 =	vsel vm2, v8, v6;
	[tilespmem:s2+$0x40] =	vst v10  }
0x2d2: {  	v1 =	vsel vm3, v5, v1;
	v35 =	vld [tilespmem:s11+$0xFFFFFF70];
	v4 =	vmul.f32 $1.442695020e+00, v4;
	[tilespmem:s2+$0x50] =	vst v11  }
0x2d3: {  	v1 =	vmul.f32 $1.442695020e+00, v1;
	v36 =	vld [tilespmem:s11+$0xFFFFFF80];
	(erf) = vpow2.f32 v0;
	[tilespmem:s2+$0x60] =	vst v12  }
0x2d4: {  	v37 =	vld [tilespmem:s11+$0xFFFFFF90];
	(erf) = vpow2.f32 v4;
	[tilespmem:s2+$0x70] =	vst v13  }
0x2d5: {  	v38 =	vld [tilespmem:s11+$0xFFFFFFA0];
	(erf) = vpow2.f32 v1;
	[tilespmem:s2+$0x90] =	vst v16  }
0x2d6: {  	v6 =	vld [tilespmem:s11+$0x100];
	[tilespmem:s2+$0xA0] =	vst v3  }
0x2d7: {  	v39 =	vld [tilespmem:s11+$0xFFFFFFB0];
	[tilespmem:s2+$0xB0] =	vst v20  }
0x2d8: {  	v40 =	vld [tilespmem:s11+$0xFFFFFFC0];
	v1 =	vpop (erf);
	[tilespmem:s2+$0xC0] =	vst v2  }
0x2d9: {  	v4 =	vld [tilespmem:s11+$0xFFFFFFD0];
	v7 =	vnsel vm0, $0x0, v1;
	v3 =	vbroadcast v1, $0x0;
	v0 =	vbroadcast v1, $0x3;
	[tilespmem:s2+$0xD0] =	vst v23  }
0x2da: {  	v2 =	vbroadcast v1, $0x1;
	v1 =	vbroadcast v1, $0x2;
	v8 =	vld [tilespmem:s11+$0xFFFFFFE0];
	[tilespmem:s2+$0xE0] =	vst v24  }
0x2db: {  	v5 =	vld [tilespmem:s11+$0x0];
	v9 =	vmul.f32 v6, v0;
	[tilespmem:s2+$0xF0] =	vst v25;
	s2 =	smov.u32 s11  }
0x2dc: {  	v6 =	vld [tilespmem:s11+$0x10];
	[tilespmem:s11+$0x110] =	vst v7;
	v10 =	vpop (erf)  }
0x2dd: {  	v12 =	vnsel vm0, $0x0, v10;
	v23 =	vbroadcast v10, $0x0;
	v24 =	vbroadcast v10, $0x1;
	v7 =	vld [tilespmem:s11+$0x20];
	[tilespmem:s11+$0x100] =	vst v9;
	v13 =	vpop (erf)  }
0x2de: {  	v25 =	vbroadcast v10, $0x2;
	v14 =	vbroadcast v10, $0x3;
	[tilespmem:s11+$0xFFFFFFF0] =	vst v12;
	v10 =	vnsel vm0, $0x0, v13;
	v9 =	vld [tilespmem:s11+$0x30];
	v11 =	vpop (erf)  }
0x2df: {  	v12 =	vnsel vm0, $0x0, v11;
	v16 =	vbroadcast v11, $0x0;
	v19 =	vbroadcast v11, $0x1;
	[tilespmem:s11+$0x80] =	vst v10;
	v10 =	vld [tilespmem:s11+$0x40]  }
0x2e0: {  	v20 =	vbroadcast v11, $0x2;
	v41 =	vbroadcast v11, $0x3;
	[tilespmem:s11+$0xFFFFFF60] =	vst v12;
	v11 =	vld [tilespmem:s11+$0x50]  }
0x2e1: {  	v21 =	vbroadcast v13, $0x0;
	v18 =	vbroadcast v13, $0x1;
	v12 =	vld [tilespmem:s11+$0x60]  }
0x2e2: {  	v17 =	vbroadcast v13, $0x2;
	v13 =	vbroadcast v13, $0x3;
	v15 =	vld [tilespmem:s11+$0x70]  }
0x2e3: {  	v27 =	vmul.f32 v16, v27;
	v26 =	vmul.f32 v16, v26;
	v16 =	vld [tilespmem:s11+$0x90]  }
0x2e4: {  	v28 =	vmul.f32 v19, v28;
	v42 =	vmul.f32 v29, v19;
	v19 =	vld [tilespmem:s11+$0xA0]  }
.Ltmp5:
0x2e5: {  	v43 =	vmul.f32 v22, v20;
	v34 =	vmul.f32 v30, v20;
	[tilespmem:s11+$0xFFFFFEE0] =	vst v27;
	v20 =	vld [tilespmem:s11+$0xB0];
	(pc) =	sbr.rel @p0 .LBB2_13-.Ltmp5, $4  }
0x2e6: {  	v33 =	vmul.f32 v31, v41;
	v31 =	vmul.f32 v32, v41;
	[tilespmem:s11+$0xFFFFFEF0] =	vst v26;
	v22 =	vld [tilespmem:s11+$0xC0]  }
0x2e7: {  	v32 =	vmul.f32 v23, v35;
	v29 =	vmul.f32 v23, v36;
	[tilespmem:s11+$0xFFFFFF00] =	vst v28;
	v23 =	vld [tilespmem:s11+$0xD0]  }
0x2e8: {  	v30 =	vmul.f32 v24, v37;
	v27 =	vmul.f32 v38, v24;
	[tilespmem:s11+$0xFFFFFF10] =	vst v42;
	v24 =	vld [tilespmem:s11+$0xE0]  }
0x2e9: {  	v26 =	vmul.f32 v40, v25;
	v28 =	vmul.f32 v39, v25;
	s11 =	sadd.s32 $0x240, s11;
	[tilespmem:s2+$0xFFFFFF20] =	vst v43;
	v25 =	vld [tilespmem:s2+$0xF0]  }
0x2ea: {  	[tilespmem:s2+$0xFFFFFF30] =	vst v34  }
0x2eb: {  	[tilespmem:s2+$0xFFFFFF40] =	vst v33  }
0x2ec: {  	[tilespmem:s2+$0xFFFFFF50] =	vst v31  }
0x2ed: {  	[tilespmem:s2+$0xFFFFFF70] =	vst v32  }
0x2ee: {  	[tilespmem:s2+$0xFFFFFF80] =	vst v29  }
0x2ef: {  	[tilespmem:s2+$0xFFFFFF90] =	vst v30  }
0x2f0: {  	[tilespmem:s2+$0xFFFFFFA0] =	vst v27  }
0x2f1: {  	v4 =	vmul.f32 v4, v14;
	[tilespmem:s2+$0xFFFFFFB0] =	vst v28  }
0x2f2: {  	v8 =	vmul.f32 v8, v14;
	[tilespmem:s2+$0xFFFFFFC0] =	vst v26  }
0x2f3: {  	v5 =	vmul.f32 v21, v5;
	[tilespmem:s2+$0xFFFFFFD0] =	vst v4  }
0x2f4: {  	v51 =	vmul.f32 v21, v6;
	[tilespmem:s2+$0xFFFFFFE0] =	vst v8  }
0x2f5: {  	v52 =	vmul.f32 v18, v7;
	[tilespmem:s2+$0x0] =	vst v5  }
0x2f6: {  	v53 =	vmul.f32 v9, v18;
	[tilespmem:s2+$0x10] =	vst v51  }
0x2f7: {  	v54 =	vmul.f32 v10, v17;
	[tilespmem:s2+$0x20] =	vst v52  }
0x2f8: {  	v55 =	vmul.f32 v11, v17;
	[tilespmem:s2+$0x30] =	vst v53  }
0x2f9: {  	v56 =	vmul.f32 v12, v13;
	[tilespmem:s2+$0x40] =	vst v54  }
0x2fa: {  	v57 =	vmul.f32 v15, v13;
	[tilespmem:s2+$0x50] =	vst v55  }
0x2fb: {  	v58 =	vmul.f32 v3, v16;
	[tilespmem:s2+$0x60] =	vst v56  }
0x2fc: {  	v59 =	vmul.f32 v3, v19;
	[tilespmem:s2+$0x70] =	vst v57  }
0x2fd: {  	v60 =	vmul.f32 v2, v20;
	[tilespmem:s2+$0x90] =	vst v58  }
0x2fe: {  	v61 =	vmul.f32 v22, v2;
	[tilespmem:s2+$0xA0] =	vst v59  }
0x2ff: {  	v62 =	vmul.f32 v23, v1;
	[tilespmem:s2+$0xB0] =	vst v60  }
0x300: {  	v63 =	vmul.f32 v24, v1;
	[tilespmem:s2+$0xC0] =	vst v61  }
0x301: {  	s0 =	sadd.s32 $0x1, s0;
	v0 =	vmul.f32 v25, v0;
	[tilespmem:s2+$0xD0] =	vst v62  }
0x302: {  	p0 =	sne.s32 s0, $0x3E;
	[tilespmem:s2+$0xE0] =	vst v63  }
.Ltmp6:
0x303: {  	[tilespmem:s2+$0xF0] =	vst v0;
	(pc) =	sbr.rel @p0 .LBB2_10-.Ltmp6, $4  }
0x304: {  	[spmem:s1] =	stream.indirect.scatter.add.f32 [tilespmem:s25], [sflag:$0x5], $0x90, s26, s17, $0xb8;
	[tilespmem:$0x1F450] =	vst v63  }
0x305: {  	_ =	swait.ge [sflag:s16], $0x2D00  }
0x306: {  	[sflag:s16] =	ssyncset.done $0x0  }
0x307: {  	[sflag:s16] =	ssyncadd.s32 $0xFFFFD300  }
0x308: {  	_ =	swait.ge [sflag:s22], $0x2D00  }
0x309: {  	[sflag:s22] =	ssyncset.done $0x0  }
0x30a: {  	[sflag:s22] =	ssyncadd.s32 $0xFFFFD300  }
0x30b: {  	_ =	swait.ge [sflag:s23], $0x500  }
0x30c: {  	[sflag:s23] =	ssyncset.done $0x0  }
0x30d: {  	[sflag:s23] =	ssyncadd.s32 $0xFFFFFB00  }
0x30e: {  	v0 =	vld [tilespmem:$0x26C0];
	_ =	sdelay $0x1  }
0x30f: {  	v1 =	vld [tilespmem:$0x26D0];
	_ =	sdelay $0x1  }
0x310: {  	v2 =	vld [tilespmem:$0x26E0]  }
0x311: {  	v3 =	vshrl.u32 v0, $0xE  }
0x312: {  	v0 =	vand.u32 $0x3FFF, v0;
	[tilespmem:$0x27B0] =	vst v3;
	v3 =	vld [tilespmem:$0x26F0]  }
0x313: {  	[tilespmem:$0x2800] =	vst v0;
	v0 =	vshrl.u32 v1, $0xE  }
0x314: {  	[tilespmem:$0x27C0] =	vst v0;
	v0 =	vand.u32 $0x3FFF, v1;
	v1 =	vld [tilespmem:$0x2700]  }
0x315: {  	[tilespmem:$0x2810] =	vst v0;
	v0 =	vshrl.u32 v2, $0xE  }
0x316: {  	[tilespmem:$0x27D0] =	vst v0;
	v0 =	vand.u32 $0x3FFF, v2  }
0x317: {  	[tilespmem:$0x2820] =	vst v0;
	v0 =	vshrl.u32 v3, $0xE  }
0x318: {  	[tilespmem:$0x27E0] =	vst v0;
	v0 =	vand.u32 $0x3FFF, v3  }
0x319: {  	[tilespmem:$0x2830] =	vst v0;
	v0 =	vshrl.u32 v1, $0xE  }
0x31a: {  	[tilespmem:$0x27F0] =	vst v0;
	v0 =	vand.u32 $0x3FFF, v1  }
0x31b: {  	[tilespmem:$0x2840] =	vst v0  }
0x31c: {  	[tilespmem:s25], [sflag:$0x3] =	stream.indirect.gather [hbm4b:s6+s17], $0x90, s24, s17, $0xb8;
	[tilespmem:$0x1F450] =	vst v63  }
0x31d: {  	s0 =	simm.s32 $0x2970  }
0x31e: {  	[tilespmem:s28], [sflag:$0x4] =	stream.indirect.gather [hbm4b:s7+s17], $0x10, s26, s17, $0xb8;
	[tilespmem:$0x1F450] =	vst v63  }
0x31f: {  	s2 =	simm.s32 $0x5570;
	v0 =	vld [tilespmem:s0+$0x110]  }
0x320: {  	v1 =	vld [tilespmem:s2+$0x10]  }
0x321: {  	v2 =	vld [tilespmem:s0+$0xFFFFFFF0]  }
0x322: {  	v3 =	vld [tilespmem:s2+$0xFFFFFFF0]  }
0x323: {  	v4 =	vld [tilespmem:s0+$0x80]  }
0x324: {  	v5 =	vld [tilespmem:s2+$0x0]  }
0x325: {  	v6 =	vld [tilespmem:s2+$0xFFFFFFE0]  }
0x326: {  	v16 =	vld [tilespmem:s0+$0xFFFFFEE0];
	v0 =	vadd.f32 v1, v0  }
0x327: {  	v19 =	vld [tilespmem:s0+$0xFFFFFEF0]  }
0x328: {  	v1 =	vld [tilespmem:s0+$0xFFFFFF60];
	v7 =	vmul.f32 $2.000000030e-01, v0  }
0x329: {  	v20 =	vld [tilespmem:s0+$0xFFFFFF00];
	v2 =	vadd.f32 v3, v2;
	vm1 =	vge.f32 v0, $0.0e+00  }
0x32a: {  	v22 =	vld [tilespmem:s0+$0xFFFFFF10];
	v3 =	vadd.f32 v5, v4;
	v0 =	vsel vm1, v0, v7  }
0x32b: {  	v23 =	vld [tilespmem:s0+$0xFFFFFF20];
	v4 =	vmul.f32 $2.000000030e-01, v2;
	v0 =	vmul.f32 $1.442695020e+00, v0  }
0x32c: {  	v24 =	vld [tilespmem:s0+$0xFFFFFF30];
	v5 =	vmul.f32 $2.000000030e-01, v3;
	vm1 =	vge.f32 v2, $0.0e+00  }
0x32d: {  	v25 =	vld [tilespmem:s0+$0xFFFFFF40];
	v1 =	vadd.f32 v6, v1;
	(erf) = vpow2.f32 v0;
	v0 =	vsel vm1, v2, v4  }
0x32e: {  	v26 =	vld [tilespmem:s0+$0xFFFFFF50];
	vm2 =	vge.f32 v3, $0.0e+00;
	v0 =	vmul.f32 $1.442695020e+00, v0  }
0x32f: {  	v27 =	vld [tilespmem:s0+$0xFFFFFF70];
	v3 =	vsel vm2, v3, v5;
	v2 =	vmul.f32 $2.000000030e-01, v1  }
0x330: {  	v28 =	vld [tilespmem:s0+$0xFFFFFF80];
	v3 =	vmul.f32 $1.442695020e+00, v3;
	vm1 =	vge.f32 v1, $0.0e+00;
	(erf) = vpow2.f32 v0  }
0x331: {  	v30 =	vld [tilespmem:s0+$0xFFFFFF90];
	v1 =	vsel vm1, v1, v2  }
0x332: {  	v35 =	vld [tilespmem:s0+$0xFFFFFFA0];
	v0 =	vmul.f32 $1.442695020e+00, v1;
	(erf) = vpow2.f32 v3  }
0x333: {  	v36 =	vld [tilespmem:s0+$0xFFFFFFB0]  }
0x334: {  	v7 =	vld [tilespmem:s0+$0x100];
	(erf) = vpow2.f32 v0  }
0x335: {  	v37 =	vld [tilespmem:s0+$0xFFFFFFC0]  }
0x336: {  	v9 =	vld [tilespmem:s0+$0x30];
	v11 =	vpop (erf)  }
0x337: {  	v8 =	vld [tilespmem:s0+$0xFFFFFFE0];
	v0 =	vbroadcast v11, $0x3  }
0x338: {  	v5 =	vld [tilespmem:s0+$0x0];
	v3 =	vbroadcast v11, $0x0;
	v2 =	vbroadcast v11, $0x1  }
0x339: {  	v6 =	vld [tilespmem:s0+$0x10];
	v1 =	vbroadcast v11, $0x2;
	v13 =	vpop (erf);
	v15 =	vmul.f32 v7, v0  }
0x33a: {  	v4 =	vld [tilespmem:s0+$0xFFFFFFD0];
	v38 =	vbroadcast v13, $0x0;
	v39 =	vbroadcast v13, $0x1  }
0x33b: {  	v12 =	vnsel vm0, $0x0, v11;
	v11 =	vld [tilespmem:s0+$0x50];
	v29 =	vpop (erf);
	v40 =	vbroadcast v13, $0x2;
	v14 =	vbroadcast v13, $0x3  }
0x33c: {  	[tilespmem:s0+$0x110] =	vst v12;
	v12 =	vld [tilespmem:s0+$0x60];
	v21 =	vbroadcast v29, $0x0;
	v18 =	vbroadcast v29, $0x1  }
0x33d: {  	v7 =	vld [tilespmem:s0+$0x20];
	v42 =	vnsel vm0, $0x0, v13;
	v31 =	vpop (erf);
	v17 =	vbroadcast v29, $0x2;
	v13 =	vbroadcast v29, $0x3  }
0x33e: {  	v10 =	vnsel vm0, $0x0, v29;
	[tilespmem:s0+$0x100] =	vst v15;
	v15 =	vld [tilespmem:s0+$0x70];
	v32 =	vbroadcast v31, $0x0;
	v33 =	vbroadcast v31, $0x1  }
0x33f: {  	[tilespmem:s0+$0x80] =	vst v10;
	v10 =	vld [tilespmem:s0+$0x40];
	v34 =	vbroadcast v31, $0x2;
	v41 =	vbroadcast v31, $0x3  }
0x340: {  	[tilespmem:s0+$0xFFFFFFF0] =	vst v42;
	v29 =	vnsel vm0, $0x0, v31;
	v30 =	vmul.f32 v39, v30;
	v31 =	vmul.f32 v32, v16;
	v16 =	vld [tilespmem:s0+$0x90]  }
0x341: {  	[tilespmem:s0+$0xFFFFFF60] =	vst v29;
	v32 =	vmul.f32 v32, v19;
	v29 =	vmul.f32 v33, v20;
	v19 =	vld [tilespmem:s0+$0xA0]  }
0x342: {  	v63 =	vmul.f32 v22, v33;
	v43 =	vmul.f32 v23, v34;
	v20 =	vld [tilespmem:s0+$0xB0];
	[tilespmem:s0+$0xFFFFFEE0] =	vst v31  }
0x343: {  	v34 =	vmul.f32 v24, v34;
	v33 =	vmul.f32 v25, v41;
	v22 =	vld [tilespmem:s0+$0xC0];
	[tilespmem:s0+$0xFFFFFEF0] =	vst v32  }
0x344: {  	v23 =	vld [tilespmem:s0+$0xD0];
	v31 =	vmul.f32 v26, v41;
	[tilespmem:s0+$0xFFFFFF00] =	vst v29;
	v32 =	vmul.f32 v38, v27  }
0x345: {  	v24 =	vld [tilespmem:s0+$0xE0];
	v29 =	vmul.f32 v38, v28;
	[tilespmem:s0+$0xFFFFFF10] =	vst v63;
	v27 =	vmul.f32 v35, v39  }
0x346: {  	s3 =	simm.s32 $0x0;
	s10 =	simm.s32 $0x2BB0;
	v25 =	vld [tilespmem:s0+$0xF0];
	[tilespmem:s0+$0xFFFFFF20] =	vst v43;
	v28 =	vmul.f32 v36, v40;
	v26 =	vmul.f32 v37, v40  }
.LBB2_16:
0x347: {  	v35 =	vld [tilespmem:s10+$0x110];
	[tilespmem:s0+$0xFFFFFF30] =	vst v34;
	v4 =	vmul.f32 v4, v14;
	v8 =	vmul.f32 v8, v14;
	s2 =	sadd.s32 $0x40, s2  }
0x348: {  	s3 =	sadd.s32 $0x4, s3;
	v5 =	vmul.f32 v21, v5;
	v6 =	vmul.f32 v21, v6;
	v14 =	vld [tilespmem:s2+$0x10];
	[tilespmem:s0+$0xFFFFFF40] =	vst v33  }
0x349: {  	v7 =	vmul.f32 v18, v7;
	v9 =	vmul.f32 v9, v18;
	p0 =	slt.u32 s3, $0x4C;
	v21 =	vld [tilespmem:s2+$0xFFFFFFE0];
	[tilespmem:s0+$0xFFFFFF50] =	vst v31  }
0x34a: {  	v10 =	vmul.f32 v10, v17;
	v11 =	vmul.f32 v11, v17;
	v18 =	vld [tilespmem:s10+$0xFFFFFFF0];
	[tilespmem:s0+$0xFFFFFF70] =	vst v32  }
0x34b: {  	v12 =	vmul.f32 v12, v13;
	v13 =	vmul.f32 v15, v13;
	v17 =	vld [tilespmem:s2+$0xFFFFFFF0];
	[tilespmem:s0+$0xFFFFFF80] =	vst v29  }
0x34c: {  	v16 =	vmul.f32 v3, v16;
	v3 =	vmul.f32 v3, v19;
	v15 =	vld [tilespmem:s10+$0x80];
	[tilespmem:s0+$0xFFFFFF90] =	vst v30  }
0x34d: {  	v20 =	vmul.f32 v2, v20;
	v2 =	vmul.f32 v22, v2;
	v19 =	vld [tilespmem:s2+$0x0];
	v14 =	vadd.f32 v14, v35;
	[tilespmem:s0+$0xFFFFFFA0] =	vst v27  }
0x34e: {  	v23 =	vmul.f32 v23, v1;
	v24 =	vmul.f32 v24, v1;
	v22 =	vld [tilespmem:s10+$0xFFFFFF60];
	[tilespmem:s0+$0xFFFFFFB0] =	vst v28  }
0x34f: {  	v25 =	vmul.f32 v25, v0;
	v27 =	vld [tilespmem:s10+$0xFFFFFEE0];
	v1 =	vmul.f32 $2.000000030e-01, v14;
	[tilespmem:s0+$0xFFFFFFC0] =	vst v26  }
0x350: {  	vm1 =	vge.f32 v14, $0.0e+00;
	v26 =	vld [tilespmem:s10+$0xFFFFFEF0];
	v0 =	vadd.f32 v17, v18;
	[tilespmem:s0+$0xFFFFFFD0] =	vst v4  }
0x351: {  	v28 =	vld [tilespmem:s10+$0xFFFFFF00];
	v1 =	vsel vm1, v14, v1;
	[tilespmem:s0+$0xFFFFFFE0] =	vst v8  }
0x352: {  	v29 =	vld [tilespmem:s10+$0xFFFFFF10];
	v4 =	vmul.f32 $2.000000030e-01, v0;
	v8 =	vadd.f32 v19, v15;
	v1 =	vmul.f32 $1.442695020e+00, v1;
	[tilespmem:s0+$0x0] =	vst v5  }
0x353: {  	vm1 =	vge.f32 v0, $0.0e+00;
	v5 =	vadd.f32 v21, v22;
	v22 =	vld [tilespmem:s10+$0xFFFFFF20];
	[tilespmem:s0+$0x10] =	vst v6  }
0x354: {  	v30 =	vld [tilespmem:s10+$0xFFFFFF30];
	vm2 =	vge.f32 v8, $0.0e+00;
	v6 =	vmul.f32 $2.000000030e-01, v8;
	(erf) = vpow2.f32 v1;
	[tilespmem:s0+$0x20] =	vst v7  }
0x355: {  	v0 =	vsel vm1, v0, v4;
	vm3 =	vge.f32 v5, $0.0e+00;
	v1 =	vmul.f32 $2.000000030e-01, v5;
	v31 =	vld [tilespmem:s10+$0xFFFFFF40];
	[tilespmem:s0+$0x30] =	vst v9  }
0x356: {  	v0 =	vmul.f32 $1.442695020e+00, v0;
	v32 =	vld [tilespmem:s10+$0xFFFFFF50];
	v4 =	vsel vm2, v8, v6;
	[tilespmem:s0+$0x40] =	vst v10  }
0x357: {  	v1 =	vsel vm3, v5, v1;
	v35 =	vld [tilespmem:s10+$0xFFFFFF70];
	v4 =	vmul.f32 $1.442695020e+00, v4;
	[tilespmem:s0+$0x50] =	vst v11  }
0x358: {  	v1 =	vmul.f32 $1.442695020e+00, v1;
	v36 =	vld [tilespmem:s10+$0xFFFFFF80];
	(erf) = vpow2.f32 v0;
	[tilespmem:s0+$0x60] =	vst v12  }
0x359: {  	v37 =	vld [tilespmem:s10+$0xFFFFFF90];
	(erf) = vpow2.f32 v4;
	[tilespmem:s0+$0x70] =	vst v13  }
0x35a: {  	v38 =	vld [tilespmem:s10+$0xFFFFFFA0];
	(erf) = vpow2.f32 v1;
	[tilespmem:s0+$0x90] =	vst v16  }
0x35b: {  	v6 =	vld [tilespmem:s10+$0x100];
	[tilespmem:s0+$0xA0] =	vst v3  }
0x35c: {  	v39 =	vld [tilespmem:s10+$0xFFFFFFB0];
	[tilespmem:s0+$0xB0] =	vst v20  }
0x35d: {  	v40 =	vld [tilespmem:s10+$0xFFFFFFC0];
	v1 =	vpop (erf);
	[tilespmem:s0+$0xC0] =	vst v2  }
0x35e: {  	v4 =	vld [tilespmem:s10+$0xFFFFFFD0];
	v7 =	vnsel vm0, $0x0, v1;
	v3 =	vbroadcast v1, $0x0;
	v0 =	vbroadcast v1, $0x3;
	[tilespmem:s0+$0xD0] =	vst v23  }
0x35f: {  	v2 =	vbroadcast v1, $0x1;
	v1 =	vbroadcast v1, $0x2;
	v8 =	vld [tilespmem:s10+$0xFFFFFFE0];
	[tilespmem:s0+$0xE0] =	vst v24  }
0x360: {  	v5 =	vld [tilespmem:s10+$0x0];
	v9 =	vmul.f32 v6, v0;
	[tilespmem:s0+$0xF0] =	vst v25;
	s0 =	smov.u32 s10  }
0x361: {  	v6 =	vld [tilespmem:s10+$0x10];
	[tilespmem:s10+$0x110] =	vst v7;
	v10 =	vpop (erf)  }
0x362: {  	v12 =	vnsel vm0, $0x0, v10;
	v23 =	vbroadcast v10, $0x0;
	v24 =	vbroadcast v10, $0x1;
	v7 =	vld [tilespmem:s10+$0x20];
	[tilespmem:s10+$0x100] =	vst v9;
	v13 =	vpop (erf)  }
0x363: {  	v25 =	vbroadcast v10, $0x2;
	v14 =	vbroadcast v10, $0x3;
	[tilespmem:s10+$0xFFFFFFF0] =	vst v12;
	v10 =	vnsel vm0, $0x0, v13;
	v9 =	vld [tilespmem:s10+$0x30];
	v11 =	vpop (erf)  }
0x364: {  	v12 =	vnsel vm0, $0x0, v11;
	v16 =	vbroadcast v11, $0x0;
	v19 =	vbroadcast v11, $0x1;
	[tilespmem:s10+$0x80] =	vst v10;
	v10 =	vld [tilespmem:s10+$0x40]  }
0x365: {  	v20 =	vbroadcast v11, $0x2;
	v41 =	vbroadcast v11, $0x3;
	[tilespmem:s10+$0xFFFFFF60] =	vst v12;
	v11 =	vld [tilespmem:s10+$0x50]  }
0x366: {  	v21 =	vbroadcast v13, $0x0;
	v18 =	vbroadcast v13, $0x1;
	v12 =	vld [tilespmem:s10+$0x60]  }
0x367: {  	v17 =	vbroadcast v13, $0x2;
	v13 =	vbroadcast v13, $0x3;
	v15 =	vld [tilespmem:s10+$0x70]  }
0x368: {  	v27 =	vmul.f32 v16, v27;
	v26 =	vmul.f32 v16, v26;
	v16 =	vld [tilespmem:s10+$0x90]  }
0x369: {  	v28 =	vmul.f32 v19, v28;
	v42 =	vmul.f32 v29, v19;
	v19 =	vld [tilespmem:s10+$0xA0]  }
.Ltmp7:
0x36a: {  	v43 =	vmul.f32 v22, v20;
	v34 =	vmul.f32 v30, v20;
	[tilespmem:s10+$0xFFFFFEE0] =	vst v27;
	v20 =	vld [tilespmem:s10+$0xB0];
	(pc) =	sbr.rel @p0 .LBB2_16-.Ltmp7, $4  }
0x36b: {  	v33 =	vmul.f32 v31, v41;
	v31 =	vmul.f32 v32, v41;
	[tilespmem:s10+$0xFFFFFEF0] =	vst v26;
	v22 =	vld [tilespmem:s10+$0xC0]  }
0x36c: {  	v32 =	vmul.f32 v23, v35;
	v29 =	vmul.f32 v23, v36;
	[tilespmem:s10+$0xFFFFFF00] =	vst v28;
	v23 =	vld [tilespmem:s10+$0xD0]  }
0x36d: {  	v30 =	vmul.f32 v24, v37;
	v27 =	vmul.f32 v38, v24;
	[tilespmem:s10+$0xFFFFFF10] =	vst v42;
	v24 =	vld [tilespmem:s10+$0xE0]  }
0x36e: {  	v26 =	vmul.f32 v40, v25;
	v28 =	vmul.f32 v39, v25;
	s10 =	sadd.s32 $0x240, s10;
	[tilespmem:s0+$0xFFFFFF20] =	vst v43;
	v25 =	vld [tilespmem:s0+$0xF0]  }
0x36f: {  	[tilespmem:s0+$0xFFFFFF30] =	vst v34  }
0x370: {  	[tilespmem:s0+$0xFFFFFF40] =	vst v33  }
0x371: {  	[tilespmem:s0+$0xFFFFFF50] =	vst v31  }
0x372: {  	[tilespmem:s0+$0xFFFFFF70] =	vst v32  }
0x373: {  	[tilespmem:s0+$0xFFFFFF80] =	vst v29  }
0x374: {  	[tilespmem:s0+$0xFFFFFF90] =	vst v30  }
0x375: {  	[tilespmem:s0+$0xFFFFFFA0] =	vst v27  }
0x376: {  	v4 =	vmul.f32 v4, v14;
	[tilespmem:s0+$0xFFFFFFB0] =	vst v28  }
0x377: {  	v8 =	vmul.f32 v8, v14;
	[tilespmem:s0+$0xFFFFFFC0] =	vst v26  }
0x378: {  	v5 =	vmul.f32 v21, v5;
	[tilespmem:s0+$0xFFFFFFD0] =	vst v4  }
0x379: {  	v51 =	vmul.f32 v21, v6;
	[tilespmem:s0+$0xFFFFFFE0] =	vst v8  }
0x37a: {  	v52 =	vmul.f32 v18, v7;
	[tilespmem:s0+$0x0] =	vst v5  }
0x37b: {  	v53 =	vmul.f32 v9, v18;
	[tilespmem:s0+$0x10] =	vst v51  }
0x37c: {  	v54 =	vmul.f32 v10, v17;
	[tilespmem:s0+$0x20] =	vst v52  }
0x37d: {  	v55 =	vmul.f32 v11, v17;
	[tilespmem:s0+$0x30] =	vst v53  }
0x37e: {  	v56 =	vmul.f32 v12, v13;
	[tilespmem:s0+$0x40] =	vst v54  }
0x37f: {  	v57 =	vmul.f32 v15, v13;
	[tilespmem:s0+$0x50] =	vst v55  }
0x380: {  	v58 =	vmul.f32 v3, v16;
	[tilespmem:s0+$0x60] =	vst v56  }
0x381: {  	v59 =	vmul.f32 v3, v19;
	[tilespmem:s0+$0x70] =	vst v57  }
0x382: {  	v60 =	vmul.f32 v2, v20;
	[tilespmem:s0+$0x90] =	vst v58  }
0x383: {  	v61 =	vmul.f32 v22, v2;
	[tilespmem:s0+$0xA0] =	vst v59  }
0x384: {  	v62 =	vmul.f32 v23, v1;
	[tilespmem:s0+$0xB0] =	vst v60  }
0x385: {  	v63 =	vmul.f32 v24, v1;
	[tilespmem:s0+$0xC0] =	vst v61  }
0x386: {  	v0 =	vmul.f32 v25, v0;
	[tilespmem:s0+$0xD0] =	vst v62  }
0x387: {  	[tilespmem:s0+$0xE0] =	vst v63  }
0x388: {  	[tilespmem:s0+$0xF0] =	vst v0  }
0x389: {  	[spmem:s1] =	stream.indirect.scatter.add.f32 [tilespmem:s19], [sflag:$0x5], $0x90, s20, s17, $0xb8;
	[tilespmem:$0x1F450] =	vst v63  }
0x38a: {  	_ =	swait.ge [sflag:s16], $0x2D00  }
0x38b: {  	[sflag:s16] =	ssyncset.done $0x0  }
0x38c: {  	[sflag:s16] =	ssyncadd.s32 $0xFFFFD300  }
0x38d: {  	_ =	swait.ge [sflag:s29], $0x2D00  }
0x38e: {  	[sflag:s29] =	ssyncset.done $0x0  }
0x38f: {  	[sflag:s29] =	ssyncadd.s32 $0xFFFFD300  }
0x390: {  	_ =	swait.ge [sflag:s30], $0x500  }
0x391: {  	[sflag:s30] =	ssyncset.done $0x0  }
0x392: {  	s31 =	sadd.s32 $0x1, s31;
	[sflag:s30] =	ssyncadd.s32 $0xFFFFFB00  }
0x393: {  	p0 =	sne.s32 s31, s14;
	[bflag:$0x0] =	sbarrier.arrive $0xFFFF  }
0x394: {  	[hbm:s13], [sflag:s9] =	dma.local [spmem:s15], $0x2D00  }
.Ltmp8:
0x395: {  	_ =	swait.ge [sflag:s16], $0x2D00;
	(pc) =	sbr.rel @p0 .LBB2_1-.Ltmp8, $3  }
0x396: {  	[sflag:s16] =	ssyncset.done $0x0  }
0x397: {  	[sflag:s16] =	ssyncadd.s32 $0xFFFFD300  }
0x398: {  	[bflag:$0x0] =	sbarrier.arrive $0xFFFF;
	_ =	sdelay $0x1  }
0x399: {  	_ =	sfence.sel $0x180000  }
0x39a: {  	[bflag:$0x0] =	sbarrier.arrive $0xFFFF  }
0x39b: {  	_ =	strace $0x90000047  }
0x39c: {  	s0 =	stileid.u32;
	[bflag:$0x2] =	sbarrier.arrive $0xFFFF  }
0x39d: {  	p0 =	sne.s32 s0, $0x0;
	s0 =	rddreg [dreg:$0x4]  }
0x39e: {  	s0 =	sadd.s32 @!p0 $0x100000, s0  }
0x39f: {  	[sflag:s0] =	ssyncadd.tile.s32 @!p0 $0x1;
	_ =	shalt  }
.Lfunc_end2:
_tile_overlayer_lowered:
.L_overlay_start_2:
0x3a0: {  	(tag) =	ssettag $0x2  }
0x3a1: {  	s0 =	rddreg [dreg:$0x0];
	s2 =	stileid.u32  }
0x3a2: {  	s1 =	rddreg [dreg:$0x1];
	p0 =	sne.s32 s2, $0x0  }
0x3a3: {  	s3 =	rddreg [dreg:$0x2];
	[bflag:$0x3] =	sbarrier.arrive $0xFFFF;
	s2 =	simm.s32 @!p0 $0x1C05  }
0x3a4: {  	[timem:s3], [sflag:s2] =	dma.local @!p0 [hbm:s0], s1  }
0x3a5: {  	s0 =	simm.s32 @!p0 $0x5  }
0x3a6: {  	_ =	swait.ge @!p0 [sflag:s0], s1  }
0x3a7: {  	s1 =	ssub.s32 @!p0 $0x0, s1;
	[sflag:s0] =	ssyncset.done @!p0 $0x0  }
0x3a8: {  	[sflag:s0] =	ssyncadd.s32 @!p0 s1  }
0x3a9: {  	[bflag:$0x3] =	sbarrier.arrive $0xFFFF  }
0x3aa: {  	_ =	shalt  }

</sc_bundles>
